<compile_context>
chip_gen: v7x
topology: tpu7x:2x2x1
jax: 0.10.2.dev20260603
libtpu: 0.0.44.dev20260713+nightly
codegen_flags: <defaults>
</compile_context>

<pallas_src>
import functools
import math

import jax
import jax.numpy as jnp
from jax import lax
from jax.experimental import pallas as pl
from jax.experimental.pallas import tpu as pltpu
from jax.experimental.pallas import tpu_sc as plsc

N = 10000
NP = 10240
F = 128
E = 320000
RATIO = 0.5
NC, NS = 2, 16
NW = NC * NS
EPW = E // NW
RPT = NP // NS


def _make_segsum(width, eb):
    mesh = plsc.VectorSubcoreMesh(core_axis_name="c", subcore_axis_name="s")
    NB = EPW // eb

    def body(table, src3, dst3, zrows, out,
             src_v, dst_v, rows0, rows1, acc, sem0, sem1):
        c = lax.axis_index("c")
        s = lax.axis_index("s")
        w = c * NS + s
        pltpu.sync_copy(src3.at[w], src_v)
        pltpu.sync_copy(dst3.at[w], dst_v)
        pltpu.sync_copy(zrows, acc.at[pl.ds(s * RPT, RPT)])
        plsc.subcore_barrier()

        pltpu.async_copy(table.at[src_v.at[0]], rows0, sem0)

        def step(jj, _):
            j0 = jj * 2
            pltpu.async_copy(table.at[src_v.at[j0 + 1]], rows1, sem1)
            pltpu.make_async_copy(table.at[src_v.at[0]], rows0, sem0).wait()
            pltpu.sync_copy(rows0, acc.at[dst_v.at[j0]], add=True)

            @pl.when(j0 + 2 < NB)
            def _fire():
                pltpu.async_copy(table.at[src_v.at[j0 + 2]], rows0, sem0)

            pltpu.make_async_copy(table.at[src_v.at[0]], rows1, sem1).wait()
            pltpu.sync_copy(rows1, acc.at[dst_v.at[j0 + 1]], add=True)
            return _

        lax.fori_loop(0, NB // 2, step, 0, unroll=False)
        if NB % 2 == 1:
            pltpu.make_async_copy(table.at[src_v.at[0]], rows0, sem0).wait()
            pltpu.sync_copy(rows0, acc.at[dst_v.at[NB - 1]], add=True)
        plsc.subcore_barrier()
        pltpu.sync_copy(acc.at[pl.ds(s * RPT, RPT)],
                        out.at[c, pl.ds(s * RPT, RPT)])

    return pl.kernel(
        body,
        out_type=jax.ShapeDtypeStruct((NC, NP, width), jnp.float32),
        mesh=mesh,
        scratch_types=[
            pltpu.VMEM((NB, eb), jnp.int32),
            pltpu.VMEM((NB, eb), jnp.int32),
            pltpu.VMEM((eb, width), jnp.float32),
            pltpu.VMEM((eb, width), jnp.float32),
            pltpu.VMEM_SHARED((NP, width), jnp.float32),
            pltpu.SemaphoreType.DMA,
            pltpu.SemaphoreType.DMA,
        ],
        compiler_params=pltpu.CompilerParams(use_tc_tiling_on_sc=False),
    )


EB128 = 80
EB16 = 125
_segsum128 = _make_segsum(F, EB128)
_segsum16 = _make_segsum(16, EB16)


def _sc_segsum(table, src3, dst3, zrows):
    width = table.shape[1]
    fn = _segsum128 if width == F else _segsum16
    part = fn(table, src3, dst3, zrows)
    return part[0] + part[1]



G = NP // 128
BLK = 1280


def _mm_body(h_ref, w_ref, o_ref):
    o_ref[...] = jnp.dot(h_ref[...], w_ref[...],
                         preferred_element_type=jnp.float32)


def _matmul(h, W):
    return pl.pallas_call(
        _mm_body,
        grid=(NP // BLK,),
        in_specs=[
            pl.BlockSpec((BLK, F), lambda i: (i, 0)),
            pl.BlockSpec((F, W.shape[1]), lambda i: (0, 0)),
        ],
        out_specs=pl.BlockSpec((BLK, W.shape[1]), lambda i: (i, 0)),
        out_shape=jax.ShapeDtypeStruct((NP, W.shape[1]), jnp.float32),
    )(h, W)


def _prep_body(deg_ref, m_ref, hW_ref, g_ref, dis_ref):
    deg = deg_ref[...]
    m = m_ref[...]
    dis = jnp.where(deg > 0, lax.rsqrt(jnp.maximum(deg, 1e-12)), 0.0)
    dis_ref[...] = dis
    g_ref[...] = jnp.broadcast_to(dis * m, (BLK, F)) * hW_ref[...]


def _prep_g(deg1, m1, hW):
    return pl.pallas_call(
        _prep_body,
        grid=(NP // BLK,),
        in_specs=[pl.BlockSpec((BLK, 1), lambda i: (i, 0)),
                  pl.BlockSpec((BLK, 1), lambda i: (i, 0)),
                  pl.BlockSpec((BLK, F), lambda i: (i, 0))],
        out_specs=[pl.BlockSpec((BLK, F), lambda i: (i, 0)),
                   pl.BlockSpec((BLK, 1), lambda i: (i, 0))],
        out_shape=[jax.ShapeDtypeStruct((NP, F), jnp.float32),
                   jax.ShapeDtypeStruct((NP, 1), jnp.float32)],
    )(deg1, m1, hW)


def _h2_body(S0_ref, S1_ref, dis_ref, m_ref, hW_ref, b_ref, Ws_ref,
             h2_ref, hs_ref, gs_ref):
    dis = dis_ref[...]
    m = m_ref[...]
    S = S0_ref[0] + S1_ref[0]
    h2 = jax.nn.relu(jnp.broadcast_to(dis, (BLK, F)) * S
                     + jnp.broadcast_to(dis * dis * m, (BLK, F)) * hW_ref[...]
                     + b_ref[...])
    h2_ref[...] = h2
    hs = jnp.dot(h2, Ws_ref[...], preferred_element_type=jnp.float32)
    hs_ref[...] = hs
    gs_ref[...] = dis * m * hs


def _h2_hs(Spart, dis1, m1, hW, b, Ws):
    return pl.pallas_call(
        _h2_body,
        grid=(NP // BLK,),
        in_specs=[pl.BlockSpec((1, BLK, F), lambda i: (0, i, 0)),
                  pl.BlockSpec((1, BLK, F), lambda i: (1, i, 0)),
                  pl.BlockSpec((BLK, 1), lambda i: (i, 0)),
                  pl.BlockSpec((BLK, 1), lambda i: (i, 0)),
                  pl.BlockSpec((BLK, F), lambda i: (i, 0)),
                  pl.BlockSpec((1, F), lambda i: (0, 0)),
                  pl.BlockSpec((F, 1), lambda i: (0, 0))],
        out_specs=[pl.BlockSpec((BLK, F), lambda i: (i, 0)),
                   pl.BlockSpec((BLK, 1), lambda i: (i, 0)),
                   pl.BlockSpec((BLK, 1), lambda i: (i, 0))],
        out_shape=[jax.ShapeDtypeStruct((NP, F), jnp.float32),
                   jax.ShapeDtypeStruct((NP, 1), jnp.float32),
                   jax.ShapeDtypeStruct((NP, 1), jnp.float32)],
    )(Spart, Spart, dis1, m1, hW, b[None, :], Ws)


def _topk_body(k, ss_ref, dis_ref, m_ref, hs_ref, bs_ref, mnew_ref, score_ref):
    dis = dis_ref[...]
    m = m_ref[...]
    hs = hs_ref[...]
    score = dis * ss_ref[...] + dis * dis * m * hs + bs_ref[0, 0]
    score_ref[...] = score
    bits = lax.bitcast_convert_type(score, jnp.uint32)
    key = jnp.where(bits >> 31 == 0, bits | jnp.uint32(0x80000000), ~bits)
    key = jnp.where(m > 0, key, jnp.uint32(0))

    def bit_step(i, p):
        t = p | (jnp.uint32(1) << (31 - i))
        c = jnp.sum(jnp.where(key >= t, 1, 0), dtype=jnp.int32)
        return jnp.where(c >= k, t, p)

    T = lax.fori_loop(0, 32, bit_step, jnp.uint32(0))
    cg = jnp.sum(jnp.where(key > T, 1, 0), dtype=jnp.int32)
    need = k - cg
    eq = key == T
    idx = lax.broadcasted_iota(jnp.int32, (G, 128), 0) * 128 + \
        lax.broadcasted_iota(jnp.int32, (G, 128), 1)

    def j_step(b, Jp):
        cand = Jp | (jnp.int32(1) << (13 - b))
        c2 = jnp.sum(jnp.where(eq & (idx < cand), 1, 0), dtype=jnp.int32)
        return jnp.where(c2 < need, cand, Jp)

    Jp = lax.fori_loop(0, 14, j_step, jnp.int32(0))
    sel = (key > T) | (eq & (idx <= Jp) & (need > 0))
    mnew_ref[...] = sel.astype(jnp.float32)


def _topk(ss2, dis2, m2, hs2, bs, k):
    return pl.pallas_call(
        functools.partial(_topk_body, k),
        in_specs=[pl.BlockSpec((G, 128), lambda: (0, 0))] * 4 +
                 [pl.BlockSpec((1, 1), lambda: (0, 0))],
        out_specs=[pl.BlockSpec((G, 128), lambda: (0, 0))] * 2,
        out_shape=[jax.ShapeDtypeStruct((G, 128), jnp.float32)] * 2,
    )(ss2, dis2, m2, hs2, bs)


def _pool_body(k, h2_ref, score_ref, mnew_ref, o3_ref, or_ref):
    sc = score_ref[...]
    mn = mnew_ref[...]
    h3 = h2_ref[...] * jnp.tanh(sc) * mn
    o3_ref[...] = h3
    gmax = jnp.max(jnp.where(mn > 0, h3, -3.0e38), axis=0, keepdims=True)
    gmean = jnp.sum(h3, axis=0, keepdims=True) / k
    or_ref[...] = jnp.concatenate([gmax, gmean], axis=0)


def _pool(h2, score1, mnew1, k):
    return pl.pallas_call(
        functools.partial(_pool_body, float(k)),
        in_specs=[pl.BlockSpec((NP, F), lambda: (0, 0)),
                  pl.BlockSpec((NP, 1), lambda: (0, 0)),
                  pl.BlockSpec((NP, 1), lambda: (0, 0))],
        out_specs=[pl.BlockSpec((NP, F), lambda: (0, 0)),
                   pl.BlockSpec((2, F), lambda: (0, 0))],
        out_shape=[jax.ShapeDtypeStruct((NP, F), jnp.float32),
                   jax.ShapeDtypeStruct((2, F), jnp.float32)],
    )(h2, score1, mnew1)


def kernel(x, edge_index, batch, W1, b1, Ws1, bs1, W2, b2, Ws2, bs2, W3, b3, Ws3, bs3):
    src = edge_index[0]
    dst = edge_index[1]
    src3a = src.reshape(NW, EPW // EB128, EB128)
    dst3a = dst.reshape(NW, EPW // EB128, EB128)
    src3b = src.reshape(NW, EPW // EB16, EB16)
    dst3b = dst.reshape(NW, EPW // EB16, EB16)
    z16 = jnp.zeros((RPT, 16), jnp.float32)
    z128 = jnp.zeros((RPT, F), jnp.float32)

    k1 = math.ceil(RATIO * N)
    k2 = math.ceil(RATIO * k1)
    k3 = math.ceil(RATIO * k2)
    m1 = jnp.concatenate([jnp.ones((N, 1), jnp.float32),
                          jnp.zeros((NP - N, 1), jnp.float32)])
    h = jnp.pad(x, ((0, NP - N), (0, 0)))
    outs = []
    for (W, b, Ws, bs, k) in ((W1, b1, Ws1, bs1, k1), (W2, b2, Ws2, bs2, k2),
                              (W3, b3, Ws3, bs3, k3)):
        hW = _matmul(h, W)
        m16 = jnp.broadcast_to(m1, (NP, 16))
        degp = _segsum16(m16, src3b, dst3b, z16)
        deg1 = (degp[0, :, :1] + degp[1, :, :1]) + m1
        g, dis1 = _prep_g(deg1, m1, hW)
        Spart = _segsum128(g, src3a, dst3a, z128)
        h2, hs1, gs1 = _h2_hs(Spart, dis1, m1, hW, b, Ws)
        gs16 = jnp.broadcast_to(gs1, (NP, 16))
        Ssp = _segsum16(gs16, src3b, dst3b, z16)
        ss2 = (Ssp[0, :, 0] + Ssp[1, :, 0]).reshape(G, 128)
        mnew2, score2 = _topk(ss2, dis1.reshape(G, 128), m1.reshape(G, 128),
                              hs1.reshape(G, 128), bs.reshape(1, 1), k)
        h, orow = _pool(h2, score2.reshape(NP, 1), mnew2.reshape(NP, 1), k)
        outs.append(orow.reshape(1, 2 * F))
        m1 = mnew2.reshape(NP, 1)
    return outs[0] + outs[1] + outs[2]

# --- scband reference (transcript-rebuilt; emitter-appended) ---
"""Pipeline reference for scband-graph-encoder-979252543764 (READ-ONLY COPY).

The authoritative reference and input builder live on the scoring server;
editing this copy changes nothing except your own understanding.
"""

import math
import jax, jax.numpy as jnp
import numpy as np

N0 = 10000
E = 320000
F_IN = 128
NHID = 128
RATIO = 0.5


def gcn_conv(x, src, dst, ew, W, b):
    n = x.shape[0]
    loop = jnp.arange(n, dtype=src.dtype)
    s = jnp.concatenate([src, loop])
    d = jnp.concatenate([dst, loop])
    w = jnp.concatenate([ew, jnp.ones((n,), x.dtype)])
    deg = jax.ops.segment_sum(w, d, num_segments=n)
    dis = jnp.where(deg > 0, 1.0 / jnp.sqrt(jnp.maximum(deg, 1e-12)), 0.0)
    norm = dis[s] * w * dis[d]
    h = x @ W
    out = jax.ops.segment_sum(h[s] * norm[:, None], d, num_segments=n) + b
    return out


def sag_pool(x, src, dst, ew, batch, Ws, bs, k):
    score = gcn_conv(x, src, dst, ew, Ws, bs)[:, 0]
    vals, perm = jax.lax.top_k(score, k)
    xk = x[perm] * jnp.tanh(vals)[:, None]
    n = x.shape[0]
    idx_map = jnp.full((n,), -1, dtype=src.dtype).at[perm].set(jnp.arange(k, dtype=src.dtype))
    ns = idx_map[src]
    nd = idx_map[dst]
    valid = (ns >= 0) & (nd >= 0) & (ew > 0)
    new_ew = jnp.where(valid, ew, 0.0)
    ns = jnp.where(valid, ns, 0)
    nd = jnp.where(valid, nd, 0)
    return xk, ns, nd, new_ew, batch[perm]


def readout(x, batch):
    B = 1
    gmax = jax.ops.segment_max(x, batch, num_segments=B)
    gsum = jax.ops.segment_sum(x, batch, num_segments=B)
    cnt = jax.ops.segment_sum(jnp.ones((x.shape[0], 1), x.dtype), batch, num_segments=B)
    return jnp.concatenate([gmax, gsum / cnt], axis=1)


def setup_inputs(seed: int = 0):
    key = jax.random.key(seed)
    ks = jax.random.split(key, 8)
    x = jax.random.normal(ks[0], (N0, F_IN), dtype=jnp.float32)
    edge_index = jax.random.randint(ks[1], (2, E), 0, N0, dtype=jnp.int32)
    batch = jnp.zeros((N0,), dtype=jnp.int32)

    def lin(k, fi, fo):
        kw, kb = jax.random.split(k)
        s = 1.0 / math.sqrt(fi)
        W = jax.random.uniform(kw, (fi, fo), jnp.float32, -s, s)
        b = jax.random.uniform(kb, (fo,), jnp.float32, -s, s)
        return W, b

    W1, b1 = lin(ks[2], F_IN, NHID)
    Ws1, bs1 = lin(ks[3], NHID, 1)
    W2, b2 = lin(ks[4], NHID, NHID)
    Ws2, bs2 = lin(ks[5], NHID, 1)
    W3, b3 = lin(ks[6], NHID, NHID)
    Ws3, bs3 = lin(ks[7], NHID, 1)
    return {"x": x, "edge_index": edge_index, "batch": batch,
            "W1": W1, "b1": b1, "Ws1": Ws1, "bs1": bs1,
            "W2": W2, "b2": b2, "Ws2": Ws2, "bs2": bs2,
            "W3": W3, "b3": b3, "Ws3": Ws3, "bs3": bs3}


def reference(x, edge_index, batch, W1, b1, Ws1, bs1, W2, b2, Ws2, bs2, W3, b3, Ws3, bs3):
    src = edge_index[0]
    dst = edge_index[1]
    ew = jnp.ones((src.shape[0],), x.dtype)
    k1 = math.ceil(RATIO * N0)
    k2 = math.ceil(RATIO * k1)
    k3 = math.ceil(RATIO * k2)
    h = jax.nn.relu(gcn_conv(x, src, dst, ew, W1, b1))
    h, src, dst, ew, batch = sag_pool(h, src, dst, ew, batch, Ws1, bs1, k1)
    x1 = readout(h, batch)
    h = jax.nn.relu(gcn_conv(h, src, dst, ew, W2, b2))
    h, src, dst, ew, batch = sag_pool(h, src, dst, ew, batch, Ws2, bs2, k2)
    x2 = readout(h, batch)
    h = jax.nn.relu(gcn_conv(h, src, dst, ew, W3, b3))
    h, src, dst, ew, batch = sag_pool(h, src, dst, ew, batch, Ws3, bs3, k3)
    x3 = readout(h, batch)
    return x1 + x2 + x3

if __name__ == "__main__":
    import jax
    _d = setup_inputs()
    print(jax.jit(kernel)(*tuple(_d.values())))

</pallas_src>

<mosaic_0001>
#map = affine_map<(d0, d1) -> (0, 0)>
#map1 = affine_map<(d0, d1) -> (0, 0, 0)>
module attributes {stable_mosaic.version = 14 : i64} {
  func.func @body(%arg0: i32, %arg1: i32, %arg2: memref<10240x16xf32, #tpu.memory_space<hbm>>, %arg3: memref<32x80x125xi32, #tpu.memory_space<hbm>>, %arg4: memref<32x80x125xi32, #tpu.memory_space<hbm>>, %arg5: memref<640x16xf32, #tpu.memory_space<hbm>>, %arg6: memref<2x10240x16xf32, #tpu.memory_space<hbm>>, %arg7: memref<80x125xi32, #tpu.memory_space<vmem>>, %arg8: memref<80x125xi32, #tpu.memory_space<vmem>>, %arg9: memref<125x16xf32, #tpu.memory_space<vmem>>, %arg10: memref<125x16xf32, #tpu.memory_space<vmem>>, %arg11: memref<10240x16xf32, #tpu.memory_space<vmem_shared>>, %arg12: memref<!tpu.dma_semaphore, #tpu.memory_space<semaphore_mem>>, %arg13: memref<!tpu.dma_semaphore, #tpu.memory_space<semaphore_mem>>) attributes {dimension_semantics = [#tpu.dimension_semantics<core_parallel>, #tpu.dimension_semantics<subcore_parallel>], iteration_bounds = array<i64: 2, 16>, scalar_prefetch = 0 : i64, scratch_operands = 7 : i64, tpu.core_type = #tpu.core_type<sc_vector_subcore>, window_params = [{transform_indices = #map}, {transform_indices = #map1}, {transform_indices = #map1}, {transform_indices = #map}, {transform_indices = #map1}]} {
    %mul3A = arith.constant 16 : i32
    %mul3A_0 = arith.muli %arg0, %mul3A : i32
    %add3A = arith.addi %mul3A_0, %arg1 : i32
    "tpu.region"() ({
      %run_scoped3A = tpu.sem_alloc : memref<!tpu.dma_semaphore, #tpu.memory_space<semaphore_mem>>
      %dma_start3A_19 = arith.constant 0 : i32
      %dma_start3A_20 = arith.constant 0 : i32
      %dma_start3A_21 = tpu.memref_slice %arg3[%add3A, %dma_start3A_19, %dma_start3A_20] : memref<32x80x125xi32, #tpu.memory_space<hbm>> -> memref<1x80x125xi32, #tpu.memory_space<hbm>>
      %dma_start3A_22 = tpu.memref_squeeze %dma_start3A_21 : memref<1x80x125xi32, #tpu.memory_space<hbm>> -> memref<80x125xi32, #tpu.memory_space<hbm>>
      %dma_start3A_23 = arith.constant 0 : i32
      %dma_start3A_24 = arith.constant 0 : i32
      %dma_start3A_25 = tpu.memref_slice %arg3[%add3A, %dma_start3A_23, %dma_start3A_24] : memref<32x80x125xi32, #tpu.memory_space<hbm>> -> memref<1x80x125xi32, #tpu.memory_space<hbm>>
      %dma_start3A_26 = tpu.memref_squeeze %dma_start3A_25 : memref<1x80x125xi32, #tpu.memory_space<hbm>> -> memref<80x125xi32, #tpu.memory_space<hbm>>
      tpu.enqueue_dma source(%dma_start3A_26 : memref<80x125xi32, #tpu.memory_space<hbm>>) target(%arg7 : memref<80x125xi32, #tpu.memory_space<vmem>>) target_semaphore(%run_scoped3A : memref<!tpu.dma_semaphore, #tpu.memory_space<semaphore_mem>>)
      %dma_wait3A = arith.constant 0 : i32
      %dma_wait3A_27 = arith.constant 0 : i32
      %dma_wait3A_28 = tpu.memref_slice %arg3[%add3A, %dma_wait3A, %dma_wait3A_27] : memref<32x80x125xi32, #tpu.memory_space<hbm>> -> memref<1x80x125xi32, #tpu.memory_space<hbm>>
      %dma_wait3A_29 = tpu.memref_squeeze %dma_wait3A_28 : memref<1x80x125xi32, #tpu.memory_space<hbm>> -> memref<80x125xi32, #tpu.memory_space<hbm>>
      %dma_wait3A_30 = arith.constant 0 : i32
      %dma_wait3A_31 = arith.constant 0 : i32
      %dma_wait3A_32 = tpu.memref_slice %arg3[%add3A, %dma_wait3A_30, %dma_wait3A_31] : memref<32x80x125xi32, #tpu.memory_space<hbm>> -> memref<1x80x125xi32, #tpu.memory_space<hbm>>
      %dma_wait3A_33 = tpu.memref_squeeze %dma_wait3A_32 : memref<1x80x125xi32, #tpu.memory_space<hbm>> -> memref<80x125xi32, #tpu.memory_space<hbm>>
      tpu.wait_dma2 semaphore(%run_scoped3A : memref<!tpu.dma_semaphore, #tpu.memory_space<semaphore_mem>>) src(%dma_wait3A_33 : memref<80x125xi32, #tpu.memory_space<hbm>>) dst(%arg7 : memref<80x125xi32, #tpu.memory_space<vmem>>)
      tpu.yield
    }) : () -> ()
    "tpu.region"() ({
      %run_scoped3A = tpu.sem_alloc : memref<!tpu.dma_semaphore, #tpu.memory_space<semaphore_mem>>
      %dma_start3A_19 = arith.constant 0 : i32
      %dma_start3A_20 = arith.constant 0 : i32
      %dma_start3A_21 = tpu.memref_slice %arg4[%add3A, %dma_start3A_19, %dma_start3A_20] : memref<32x80x125xi32, #tpu.memory_space<hbm>> -> memref<1x80x125xi32, #tpu.memory_space<hbm>>
      %dma_start3A_22 = tpu.memref_squeeze %dma_start3A_21 : memref<1x80x125xi32, #tpu.memory_space<hbm>> -> memref<80x125xi32, #tpu.memory_space<hbm>>
      %dma_start3A_23 = arith.constant 0 : i32
      %dma_start3A_24 = arith.constant 0 : i32
      %dma_start3A_25 = tpu.memref_slice %arg4[%add3A, %dma_start3A_23, %dma_start3A_24] : memref<32x80x125xi32, #tpu.memory_space<hbm>> -> memref<1x80x125xi32, #tpu.memory_space<hbm>>
      %dma_start3A_26 = tpu.memref_squeeze %dma_start3A_25 : memref<1x80x125xi32, #tpu.memory_space<hbm>> -> memref<80x125xi32, #tpu.memory_space<hbm>>
      tpu.enqueue_dma source(%dma_start3A_26 : memref<80x125xi32, #tpu.memory_space<hbm>>) target(%arg8 : memref<80x125xi32, #tpu.memory_space<vmem>>) target_semaphore(%run_scoped3A : memref<!tpu.dma_semaphore, #tpu.memory_space<semaphore_mem>>)
      %dma_wait3A = arith.constant 0 : i32
      %dma_wait3A_27 = arith.constant 0 : i32
      %dma_wait3A_28 = tpu.memref_slice %arg4[%add3A, %dma_wait3A, %dma_wait3A_27] : memref<32x80x125xi32, #tpu.memory_space<hbm>> -> memref<1x80x125xi32, #tpu.memory_space<hbm>>
      %dma_wait3A_29 = tpu.memref_squeeze %dma_wait3A_28 : memref<1x80x125xi32, #tpu.memory_space<hbm>> -> memref<80x125xi32, #tpu.memory_space<hbm>>
      %dma_wait3A_30 = arith.constant 0 : i32
      %dma_wait3A_31 = arith.constant 0 : i32
      %dma_wait3A_32 = tpu.memref_slice %arg4[%add3A, %dma_wait3A_30, %dma_wait3A_31] : memref<32x80x125xi32, #tpu.memory_space<hbm>> -> memref<1x80x125xi32, #tpu.memory_space<hbm>>
      %dma_wait3A_33 = tpu.memref_squeeze %dma_wait3A_32 : memref<1x80x125xi32, #tpu.memory_space<hbm>> -> memref<80x125xi32, #tpu.memory_space<hbm>>
      tpu.wait_dma2 semaphore(%run_scoped3A : memref<!tpu.dma_semaphore, #tpu.memory_space<semaphore_mem>>) src(%dma_wait3A_33 : memref<80x125xi32, #tpu.memory_space<hbm>>) dst(%arg8 : memref<80x125xi32, #tpu.memory_space<vmem>>)
      tpu.yield
    }) : () -> ()
    %mul3A_1 = arith.constant 640 : i32
    %mul3A_2 = arith.muli %arg1, %mul3A_1 : i32
    "tpu.region"() ({
      %run_scoped3A = tpu.sem_alloc : memref<!tpu.dma_semaphore, #tpu.memory_space<semaphore_mem>>
      %dma_start3A_19 = arith.constant 0 : i32
      %dma_start3A_20 = tpu.memref_slice %arg11[%mul3A_2, %dma_start3A_19] : memref<10240x16xf32, #tpu.memory_space<vmem_shared>> -> memref<640x16xf32, #tpu.memory_space<vmem_shared>>
      tpu.enqueue_dma source(%arg5 : memref<640x16xf32, #tpu.memory_space<hbm>>) target(%dma_start3A_20 : memref<640x16xf32, #tpu.memory_space<vmem_shared>>) target_semaphore(%run_scoped3A : memref<!tpu.dma_semaphore, #tpu.memory_space<semaphore_mem>>)
      %dma_wait3A = arith.constant 0 : i32
      %dma_wait3A_21 = tpu.memref_slice %arg11[%mul3A_2, %dma_wait3A] : memref<10240x16xf32, #tpu.memory_space<vmem_shared>> -> memref<640x16xf32, #tpu.memory_space<vmem_shared>>
      tpu.wait_dma2 semaphore(%run_scoped3A : memref<!tpu.dma_semaphore, #tpu.memory_space<semaphore_mem>>) src(%arg5 : memref<640x16xf32, #tpu.memory_space<hbm>>) dst(%dma_wait3A_21 : memref<640x16xf32, #tpu.memory_space<vmem_shared>>)
      tpu.yield
    }) : () -> ()
    %barrier3A = arith.constant 0 : index
    tpu.barrier barrier_id(%barrier3A)
    %dma_start3A = arith.constant 0 : i32
    %dma_start3A_3 = arith.constant 0 : i32
    %dma_start3A_4 = tpu.memref_slice %arg7[%dma_start3A, %dma_start3A_3] : memref<80x125xi32, #tpu.memory_space<vmem>> -> memref<1x125xi32, #tpu.memory_space<vmem>>
    %dma_start3A_5 = tpu.memref_squeeze %dma_start3A_4 : memref<1x125xi32, #tpu.memory_space<vmem>> -> memref<125xi32, #tpu.memory_space<vmem>>
    %dma_start3A_6 = arith.constant 0 : i32
    %dma_start3A_7 = arith.constant 0 : i32
    %dma_start3A_8 = tpu.memref_slice %arg2[%dma_start3A_6, %dma_start3A_7] : memref<10240x16xf32, #tpu.memory_space<hbm>> -> memref<10240x16xf32, #tpu.memory_space<hbm>>
    tpu.enqueue_indirect_dma source(%dma_start3A_8 : memref<10240x16xf32, #tpu.memory_space<hbm>>) target(%arg9 : memref<125x16xf32, #tpu.memory_space<vmem>>) offsets(%dma_start3A_5 : memref<125xi32, #tpu.memory_space<vmem>>) semaphore(%arg12 : memref<!tpu.dma_semaphore, #tpu.memory_space<semaphore_mem>>)
    %scan3A = arith.constant 0 : i32
    %scan3A_9 = arith.constant 0 : i32
    %scan3A_10 = arith.constant 40 : i32
    %scan3A_11 = arith.addi %scan3A_9, %scan3A_10 : i32
    %scan3A_12 = arith.constant 1 : i32
    scf.for %scan3A_19 = %scan3A_9 to %scan3A_11 step %scan3A_12  : i32 {
      %mul3A_20 = arith.constant 2 : i32
      %mul3A_21 = arith.muli %scan3A_19, %mul3A_20 : i32
      %add3A_22 = arith.constant 1 : i32
      %add3A_23 = arith.addi %mul3A_21, %add3A_22 : i32
      %dma_start3A_24 = arith.constant 0 : i32
      %dma_start3A_25 = tpu.memref_slice %arg7[%add3A_23, %dma_start3A_24] : memref<80x125xi32, #tpu.memory_space<vmem>> -> memref<1x125xi32, #tpu.memory_space<vmem>>
      %dma_start3A_26 = tpu.memref_squeeze %dma_start3A_25 : memref<1x125xi32, #tpu.memory_space<vmem>> -> memref<125xi32, #tpu.memory_space<vmem>>
      %dma_start3A_27 = arith.constant 0 : i32
      %dma_start3A_28 = arith.constant 0 : i32
      %dma_start3A_29 = tpu.memref_slice %arg2[%dma_start3A_27, %dma_start3A_28] : memref<10240x16xf32, #tpu.memory_space<hbm>> -> memref<10240x16xf32, #tpu.memory_space<hbm>>
      tpu.enqueue_indirect_dma source(%dma_start3A_29 : memref<10240x16xf32, #tpu.memory_space<hbm>>) target(%arg10 : memref<125x16xf32, #tpu.memory_space<vmem>>) offsets(%dma_start3A_26 : memref<125xi32, #tpu.memory_space<vmem>>) semaphore(%arg13 : memref<!tpu.dma_semaphore, #tpu.memory_space<semaphore_mem>>)
      %dma_wait3A = arith.constant 0 : i32
      %dma_wait3A_30 = arith.constant 0 : i32
      %dma_wait3A_31 = tpu.memref_slice %arg7[%dma_wait3A, %dma_wait3A_30] : memref<80x125xi32, #tpu.memory_space<vmem>> -> memref<1x125xi32, #tpu.memory_space<vmem>>
      %dma_wait3A_32 = tpu.memref_squeeze %dma_wait3A_31 : memref<1x125xi32, #tpu.memory_space<vmem>> -> memref<125xi32, #tpu.memory_space<vmem>>
      %dma_wait3A_33 = arith.constant 0 : i32
      %dma_wait3A_34 = arith.constant 0 : i32
      %dma_wait3A_35 = tpu.memref_slice %arg2[%dma_wait3A_33, %dma_wait3A_34] : memref<10240x16xf32, #tpu.memory_space<hbm>> -> memref<10240x16xf32, #tpu.memory_space<hbm>>
      tpu.wait_indirect_dma semaphore(%arg12 : memref<!tpu.dma_semaphore, #tpu.memory_space<semaphore_mem>>) src(%dma_wait3A_35 : memref<10240x16xf32, #tpu.memory_space<hbm>>) dst(%arg9 : memref<125x16xf32, #tpu.memory_space<vmem>>)
      "tpu.region"() ({
        %run_scoped3A = tpu.sem_alloc : memref<!tpu.dma_semaphore, #tpu.memory_space<semaphore_mem>>
        %dma_start3A_49 = arith.constant 0 : i32
        %dma_start3A_50 = tpu.memref_slice %arg8[%mul3A_21, %dma_start3A_49] : memref<80x125xi32, #tpu.memory_space<vmem>> -> memref<1x125xi32, #tpu.memory_space<vmem>>
        %dma_start3A_51 = tpu.memref_squeeze %dma_start3A_50 : memref<1x125xi32, #tpu.memory_space<vmem>> -> memref<125xi32, #tpu.memory_space<vmem>>
        %dma_start3A_52 = arith.constant 0 : i32
        %dma_start3A_53 = arith.constant 0 : i32
        %dma_start3A_54 = tpu.memref_slice %arg11[%dma_start3A_52, %dma_start3A_53] : memref<10240x16xf32, #tpu.memory_space<vmem_shared>> -> memref<10240x16xf32, #tpu.memory_space<vmem_shared>>
        tpu.enqueue_indirect_dma source(%arg9 : memref<125x16xf32, #tpu.memory_space<vmem>>) target(%dma_start3A_54 : memref<10240x16xf32, #tpu.memory_space<vmem_shared>>) offsets(%dma_start3A_51 : memref<125xi32, #tpu.memory_space<vmem>>) semaphore(%run_scoped3A : memref<!tpu.dma_semaphore, #tpu.memory_space<semaphore_mem>>) {add = true}
        %dma_wait3A_55 = arith.constant 0 : i32
        %dma_wait3A_56 = tpu.memref_slice %arg8[%mul3A_21, %dma_wait3A_55] : memref<80x125xi32, #tpu.memory_space<vmem>> -> memref<1x125xi32, #tpu.memory_space<vmem>>
        %dma_wait3A_57 = tpu.memref_squeeze %dma_wait3A_56 : memref<1x125xi32, #tpu.memory_space<vmem>> -> memref<125xi32, #tpu.memory_space<vmem>>
        %dma_wait3A_58 = arith.constant 0 : i32
        %dma_wait3A_59 = arith.constant 0 : i32
        %dma_wait3A_60 = tpu.memref_slice %arg11[%dma_wait3A_58, %dma_wait3A_59] : memref<10240x16xf32, #tpu.memory_space<vmem_shared>> -> memref<10240x16xf32, #tpu.memory_space<vmem_shared>>
        tpu.wait_indirect_dma semaphore(%run_scoped3A : memref<!tpu.dma_semaphore, #tpu.memory_space<semaphore_mem>>) src(%arg9 : memref<125x16xf32, #tpu.memory_space<vmem>>) dst(%dma_wait3A_60 : memref<10240x16xf32, #tpu.memory_space<vmem_shared>>)
        tpu.yield
      }) : () -> ()
      %add3A_36 = arith.constant 2 : i32
      %add3A_37 = arith.addi %mul3A_21, %add3A_36 : i32
      %lt3A = arith.constant 80 : i32
      %lt3A_38 = arith.cmpi slt, %add3A_37, %lt3A : i32
      %convert_element_type3A = arith.extui %lt3A_38 : i1 to i32
      %cond3A = arith.constant 0 : i32
      %cond3A_39 = arith.cmpi ne, %convert_element_type3A, %cond3A : i32
      scf.if %cond3A_39 {
        %add3A_49 = arith.constant 2 : i32
        %add3A_50 = arith.addi %mul3A_21, %add3A_49 : i32
        %dma_start3A_51 = arith.constant 0 : i32
        %dma_start3A_52 = tpu.memref_slice %arg7[%add3A_50, %dma_start3A_51] : memref<80x125xi32, #tpu.memory_space<vmem>> -> memref<1x125xi32, #tpu.memory_space<vmem>>
        %dma_start3A_53 = tpu.memref_squeeze %dma_start3A_52 : memref<1x125xi32, #tpu.memory_space<vmem>> -> memref<125xi32, #tpu.memory_space<vmem>>
        %dma_start3A_54 = arith.constant 0 : i32
        %dma_start3A_55 = arith.constant 0 : i32
        %dma_start3A_56 = tpu.memref_slice %arg2[%dma_start3A_54, %dma_start3A_55] : memref<10240x16xf32, #tpu.memory_space<hbm>> -> memref<10240x16xf32, #tpu.memory_space<hbm>>
        tpu.enqueue_indirect_dma source(%dma_start3A_56 : memref<10240x16xf32, #tpu.memory_space<hbm>>) target(%arg9 : memref<125x16xf32, #tpu.memory_space<vmem>>) offsets(%dma_start3A_53 : memref<125xi32, #tpu.memory_space<vmem>>) semaphore(%arg12 : memref<!tpu.dma_semaphore, #tpu.memory_space<semaphore_mem>>)
      } else {
      }
      %dma_wait3A_40 = arith.constant 0 : i32
      %dma_wait3A_41 = arith.constant 0 : i32
      %dma_wait3A_42 = tpu.memref_slice %arg7[%dma_wait3A_40, %dma_wait3A_41] : memref<80x125xi32, #tpu.memory_space<vmem>> -> memref<1x125xi32, #tpu.memory_space<vmem>>
      %dma_wait3A_43 = tpu.memref_squeeze %dma_wait3A_42 : memref<1x125xi32, #tpu.memory_space<vmem>> -> memref<125xi32, #tpu.memory_space<vmem>>
      %dma_wait3A_44 = arith.constant 0 : i32
      %dma_wait3A_45 = arith.constant 0 : i32
      %dma_wait3A_46 = tpu.memref_slice %arg2[%dma_wait3A_44, %dma_wait3A_45] : memref<10240x16xf32, #tpu.memory_space<hbm>> -> memref<10240x16xf32, #tpu.memory_space<hbm>>
      tpu.wait_indirect_dma semaphore(%arg13 : memref<!tpu.dma_semaphore, #tpu.memory_space<semaphore_mem>>) src(%dma_wait3A_46 : memref<10240x16xf32, #tpu.memory_space<hbm>>) dst(%arg10 : memref<125x16xf32, #tpu.memory_space<vmem>>)
      %add3A_47 = arith.constant 1 : i32
      %add3A_48 = arith.addi %mul3A_21, %add3A_47 : i32
      "tpu.region"() ({
        %run_scoped3A = tpu.sem_alloc : memref<!tpu.dma_semaphore, #tpu.memory_space<semaphore_mem>>
        %dma_start3A_49 = arith.constant 0 : i32
        %dma_start3A_50 = tpu.memref_slice %arg8[%add3A_48, %dma_start3A_49] : memref<80x125xi32, #tpu.memory_space<vmem>> -> memref<1x125xi32, #tpu.memory_space<vmem>>
        %dma_start3A_51 = tpu.memref_squeeze %dma_start3A_50 : memref<1x125xi32, #tpu.memory_space<vmem>> -> memref<125xi32, #tpu.memory_space<vmem>>
        %dma_start3A_52 = arith.constant 0 : i32
        %dma_start3A_53 = arith.constant 0 : i32
        %dma_start3A_54 = tpu.memref_slice %arg11[%dma_start3A_52, %dma_start3A_53] : memref<10240x16xf32, #tpu.memory_space<vmem_shared>> -> memref<10240x16xf32, #tpu.memory_space<vmem_shared>>
        tpu.enqueue_indirect_dma source(%arg10 : memref<125x16xf32, #tpu.memory_space<vmem>>) target(%dma_start3A_54 : memref<10240x16xf32, #tpu.memory_space<vmem_shared>>) offsets(%dma_start3A_51 : memref<125xi32, #tpu.memory_space<vmem>>) semaphore(%run_scoped3A : memref<!tpu.dma_semaphore, #tpu.memory_space<semaphore_mem>>) {add = true}
        %dma_wait3A_55 = arith.constant 0 : i32
        %dma_wait3A_56 = tpu.memref_slice %arg8[%add3A_48, %dma_wait3A_55] : memref<80x125xi32, #tpu.memory_space<vmem>> -> memref<1x125xi32, #tpu.memory_space<vmem>>
        %dma_wait3A_57 = tpu.memref_squeeze %dma_wait3A_56 : memref<1x125xi32, #tpu.memory_space<vmem>> -> memref<125xi32, #tpu.memory_space<vmem>>
        %dma_wait3A_58 = arith.constant 0 : i32
        %dma_wait3A_59 = arith.constant 0 : i32
        %dma_wait3A_60 = tpu.memref_slice %arg11[%dma_wait3A_58, %dma_wait3A_59] : memref<10240x16xf32, #tpu.memory_space<vmem_shared>> -> memref<10240x16xf32, #tpu.memory_space<vmem_shared>>
        tpu.wait_indirect_dma semaphore(%run_scoped3A : memref<!tpu.dma_semaphore, #tpu.memory_space<semaphore_mem>>) src(%arg10 : memref<125x16xf32, #tpu.memory_space<vmem>>) dst(%dma_wait3A_60 : memref<10240x16xf32, #tpu.memory_space<vmem_shared>>)
        tpu.yield
      }) : () -> ()
    }
    %scan3A_13 = arith.constant 40 : i32
    %barrier3A_14 = arith.constant 0 : index
    tpu.barrier barrier_id(%barrier3A_14)
    %mul3A_15 = arith.constant 640 : i32
    %mul3A_16 = arith.muli %arg1, %mul3A_15 : i32
    %mul3A_17 = arith.constant 640 : i32
    %mul3A_18 = arith.muli %arg1, %mul3A_17 : i32
    "tpu.region"() ({
      %run_scoped3A = tpu.sem_alloc : memref<!tpu.dma_semaphore, #tpu.memory_space<semaphore_mem>>
      %dma_start3A_19 = arith.constant 0 : i32
      %dma_start3A_20 = tpu.memref_slice %arg6[%arg0, %mul3A_18, %dma_start3A_19] : memref<2x10240x16xf32, #tpu.memory_space<hbm>> -> memref<1x640x16xf32, #tpu.memory_space<hbm>>
      %dma_start3A_21 = tpu.memref_squeeze %dma_start3A_20 : memref<1x640x16xf32, #tpu.memory_space<hbm>> -> memref<640x16xf32, #tpu.memory_space<hbm>>
      %dma_start3A_22 = arith.constant 0 : i32
      %dma_start3A_23 = tpu.memref_slice %arg11[%mul3A_16, %dma_start3A_22] : memref<10240x16xf32, #tpu.memory_space<vmem_shared>> -> memref<640x16xf32, #tpu.memory_space<vmem_shared>>
      tpu.enqueue_dma source(%dma_start3A_23 : memref<640x16xf32, #tpu.memory_space<vmem_shared>>) target(%dma_start3A_21 : memref<640x16xf32, #tpu.memory_space<hbm>>) target_semaphore(%run_scoped3A : memref<!tpu.dma_semaphore, #tpu.memory_space<semaphore_mem>>)
      %dma_wait3A = arith.constant 0 : i32
      %dma_wait3A_24 = tpu.memref_slice %arg6[%arg0, %mul3A_18, %dma_wait3A] : memref<2x10240x16xf32, #tpu.memory_space<hbm>> -> memref<1x640x16xf32, #tpu.memory_space<hbm>>
      %dma_wait3A_25 = tpu.memref_squeeze %dma_wait3A_24 : memref<1x640x16xf32, #tpu.memory_space<hbm>> -> memref<640x16xf32, #tpu.memory_space<hbm>>
      %dma_wait3A_26 = arith.constant 0 : i32
      %dma_wait3A_27 = tpu.memref_slice %arg11[%mul3A_16, %dma_wait3A_26] : memref<10240x16xf32, #tpu.memory_space<vmem_shared>> -> memref<640x16xf32, #tpu.memory_space<vmem_shared>>
      tpu.wait_dma2 semaphore(%run_scoped3A : memref<!tpu.dma_semaphore, #tpu.memory_space<semaphore_mem>>) src(%dma_wait3A_27 : memref<640x16xf32, #tpu.memory_space<vmem_shared>>) dst(%dma_wait3A_25 : memref<640x16xf32, #tpu.memory_space<hbm>>)
      tpu.yield
    }) : () -> ()
    return
  }
}

#map = affine_map<(d0, d1) -> (0, 0)>
#map1 = affine_map<(d0, d1) -> (0, 0, 0)>
module attributes {stable_mosaic.version = 14 : i64} {
  func.func @body(%arg0: i32, %arg1: i32, %arg2: memref<10240x16xf32, #tpu.memory_space<hbm>>, %arg3: memref<32x80x125xi32, #tpu.memory_space<hbm>>, %arg4: memref<32x80x125xi32, #tpu.memory_space<hbm>>, %arg5: memref<640x16xf32, #tpu.memory_space<hbm>>, %arg6: memref<2x10240x16xf32, #tpu.memory_space<hbm>>, %arg7: memref<80x125xi32, #tpu.memory_space<vmem>>, %arg8: memref<80x125xi32, #tpu.memory_space<vmem>>, %arg9: memref<125x16xf32, #tpu.memory_space<vmem>>, %arg10: memref<125x16xf32, #tpu.memory_space<vmem>>, %arg11: memref<10240x16xf32, #tpu.memory_space<vmem_shared>>, %arg12: memref<!tpu.dma_semaphore, #tpu.memory_space<semaphore_mem>>, %arg13: memref<!tpu.dma_semaphore, #tpu.memory_space<semaphore_mem>>) attributes {dimension_semantics = [#tpu.dimension_semantics<core_parallel>, #tpu.dimension_semantics<subcore_parallel>], iteration_bounds = array<i64: 2, 16>, scalar_prefetch = 0 : i64, scratch_operands = 7 : i64, tpu.core_type = #tpu.core_type<sc_vector_subcore>, window_params = [{transform_indices = #map}, {transform_indices = #map1}, {transform_indices = #map1}, {transform_indices = #map}, {transform_indices = #map1}]} {
    %mul3A = arith.constant 16 : i32
    %mul3A_0 = arith.muli %arg0, %mul3A : i32
    %add3A = arith.addi %mul3A_0, %arg1 : i32
    "tpu.region"() ({
      %run_scoped3A = tpu.sem_alloc : memref<!tpu.dma_semaphore, #tpu.memory_space<semaphore_mem>>
      %dma_start3A_19 = arith.constant 0 : i32
      %dma_start3A_20 = arith.constant 0 : i32
      %dma_start3A_21 = tpu.memref_slice %arg3[%add3A, %dma_start3A_19, %dma_start3A_20] : memref<32x80x125xi32, #tpu.memory_space<hbm>> -> memref<1x80x125xi32, #tpu.memory_space<hbm>>
      %dma_start3A_22 = tpu.memref_squeeze %dma_start3A_21 : memref<1x80x125xi32, #tpu.memory_space<hbm>> -> memref<80x125xi32, #tpu.memory_space<hbm>>
      %dma_start3A_23 = arith.constant 0 : i32
      %dma_start3A_24 = arith.constant 0 : i32
      %dma_start3A_25 = tpu.memref_slice %arg3[%add3A, %dma_start3A_23, %dma_start3A_24] : memref<32x80x125xi32, #tpu.memory_space<hbm>> -> memref<1x80x125xi32, #tpu.memory_space<hbm>>
      %dma_start3A_26 = tpu.memref_squeeze %dma_start3A_25 : memref<1x80x125xi32, #tpu.memory_space<hbm>> -> memref<80x125xi32, #tpu.memory_space<hbm>>
      tpu.enqueue_dma source(%dma_start3A_26 : memref<80x125xi32, #tpu.memory_space<hbm>>) target(%arg7 : memref<80x125xi32, #tpu.memory_space<vmem>>) target_semaphore(%run_scoped3A : memref<!tpu.dma_semaphore, #tpu.memory_space<semaphore_mem>>)
      %dma_wait3A = arith.constant 0 : i32
      %dma_wait3A_27 = arith.constant 0 : i32
      %dma_wait3A_28 = tpu.memref_slice %arg3[%add3A, %dma_wait3A, %dma_wait3A_27] : memref<32x80x125xi32, #tpu.memory_space<hbm>> -> memref<1x80x125xi32, #tpu.memory_space<hbm>>
      %dma_wait3A_29 = tpu.memref_squeeze %dma_wait3A_28 : memref<1x80x125xi32, #tpu.memory_space<hbm>> -> memref<80x125xi32, #tpu.memory_space<hbm>>
      %dma_wait3A_30 = arith.constant 0 : i32
      %dma_wait3A_31 = arith.constant 0 : i32
      %dma_wait3A_32 = tpu.memref_slice %arg3[%add3A, %dma_wait3A_30, %dma_wait3A_31] : memref<32x80x125xi32, #tpu.memory_space<hbm>> -> memref<1x80x125xi32, #tpu.memory_space<hbm>>
      %dma_wait3A_33 = tpu.memref_squeeze %dma_wait3A_32 : memref<1x80x125xi32, #tpu.memory_space<hbm>> -> memref<80x125xi32, #tpu.memory_space<hbm>>
      tpu.wait_dma2 semaphore(%run_scoped3A : memref<!tpu.dma_semaphore, #tpu.memory_space<semaphore_mem>>) src(%dma_wait3A_33 : memref<80x125xi32, #tpu.memory_space<hbm>>) dst(%arg7 : memref<80x125xi32, #tpu.memory_space<vmem>>)
      tpu.yield
    }) : () -> ()
    "tpu.region"() ({
      %run_scoped3A = tpu.sem_alloc : memref<!tpu.dma_semaphore, #tpu.memory_space<semaphore_mem>>
      %dma_start3A_19 = arith.constant 0 : i32
      %dma_start3A_20 = arith.constant 0 : i32
      %dma_start3A_21 = tpu.memref_slice %arg4[%add3A, %dma_start3A_19, %dma_start3A_20] : memref<32x80x125xi32, #tpu.memory_space<hbm>> -> memref<1x80x125xi32, #tpu.memory_space<hbm>>
      %dma_start3A_22 = tpu.memref_squeeze %dma_start3A_21 : memref<1x80x125xi32, #tpu.memory_space<hbm>> -> memref<80x125xi32, #tpu.memory_space<hbm>>
      %dma_start3A_23 = arith.constant 0 : i32
      %dma_start3A_24 = arith.constant 0 : i32
      %dma_start3A_25 = tpu.memref_slice %arg4[%add3A, %dma_start3A_23, %dma_start3A_24] : memref<32x80x125xi32, #tpu.memory_space<hbm>> -> memref<1x80x125xi32, #tpu.memory_space<hbm>>
      %dma_start3A_26 = tpu.memref_squeeze %dma_start3A_25 : memref<1x80x125xi32, #tpu.memory_space<hbm>> -> memref<80x125xi32, #tpu.memory_space<hbm>>
      tpu.enqueue_dma source(%dma_start3A_26 : memref<80x125xi32, #tpu.memory_space<hbm>>) target(%arg8 : memref<80x125xi32, #tpu.memory_space<vmem>>) target_semaphore(%run_scoped3A : memref<!tpu.dma_semaphore, #tpu.memory_space<semaphore_mem>>)
      %dma_wait3A = arith.constant 0 : i32
      %dma_wait3A_27 = arith.constant 0 : i32
      %dma_wait3A_28 = tpu.memref_slice %arg4[%add3A, %dma_wait3A, %dma_wait3A_27] : memref<32x80x125xi32, #tpu.memory_space<hbm>> -> memref<1x80x125xi32, #tpu.memory_space<hbm>>
      %dma_wait3A_29 = tpu.memref_squeeze %dma_wait3A_28 : memref<1x80x125xi32, #tpu.memory_space<hbm>> -> memref<80x125xi32, #tpu.memory_space<hbm>>
      %dma_wait3A_30 = arith.constant 0 : i32
      %dma_wait3A_31 = arith.constant 0 : i32
      %dma_wait3A_32 = tpu.memref_slice %arg4[%add3A, %dma_wait3A_30, %dma_wait3A_31] : memref<32x80x125xi32, #tpu.memory_space<hbm>> -> memref<1x80x125xi32, #tpu.memory_space<hbm>>
      %dma_wait3A_33 = tpu.memref_squeeze %dma_wait3A_32 : memref<1x80x125xi32, #tpu.memory_space<hbm>> -> memref<80x125xi32, #tpu.memory_space<hbm>>
      tpu.wait_dma2 semaphore(%run_scoped3A : memref<!tpu.dma_semaphore, #tpu.memory_space<semaphore_mem>>) src(%dma_wait3A_33 : memref<80x125xi32, #tpu.memory_space<hbm>>) dst(%arg8 : memref<80x125xi32, #tpu.memory_space<vmem>>)
      tpu.yield
    }) : () -> ()
    %mul3A_1 = arith.constant 640 : i32
    %mul3A_2 = arith.muli %arg1, %mul3A_1 : i32
    "tpu.region"() ({
      %run_scoped3A = tpu.sem_alloc : memref<!tpu.dma_semaphore, #tpu.memory_space<semaphore_mem>>
      %dma_start3A_19 = arith.constant 0 : i32
      %dma_start3A_20 = tpu.memref_slice %arg11[%mul3A_2, %dma_start3A_19] : memref<10240x16xf32, #tpu.memory_space<vmem_shared>> -> memref<640x16xf32, #tpu.memory_space<vmem_shared>>
      tpu.enqueue_dma source(%arg5 : memref<640x16xf32, #tpu.memory_space<hbm>>) target(%dma_start3A_20 : memref<640x16xf32, #tpu.memory_space<vmem_shared>>) target_semaphore(%run_scoped3A : memref<!tpu.dma_semaphore, #tpu.memory_space<semaphore_mem>>)
      %dma_wait3A = arith.constant 0 : i32
      %dma_wait3A_21 = tpu.memref_slice %arg11[%mul3A_2, %dma_wait3A] : memref<10240x16xf32, #tpu.memory_space<vmem_shared>> -> memref<640x16xf32, #tpu.memory_space<vmem_shared>>
      tpu.wait_dma2 semaphore(%run_scoped3A : memref<!tpu.dma_semaphore, #tpu.memory_space<semaphore_mem>>) src(%arg5 : memref<640x16xf32, #tpu.memory_space<hbm>>) dst(%dma_wait3A_21 : memref<640x16xf32, #tpu.memory_space<vmem_shared>>)
      tpu.yield
    }) : () -> ()
    %barrier3A = arith.constant 0 : index
    tpu.barrier barrier_id(%barrier3A)
    %dma_start3A = arith.constant 0 : i32
    %dma_start3A_3 = arith.constant 0 : i32
    %dma_start3A_4 = tpu.memref_slice %arg7[%dma_start3A, %dma_start3A_3] : memref<80x125xi32, #tpu.memory_space<vmem>> -> memref<1x125xi32, #tpu.memory_space<vmem>>
    %dma_start3A_5 = tpu.memref_squeeze %dma_start3A_4 : memref<1x125xi32, #tpu.memory_space<vmem>> -> memref<125xi32, #tpu.memory_space<vmem>>
    %dma_start3A_6 = arith.constant 0 : i32
    %dma_start3A_7 = arith.constant 0 : i32
    %dma_start3A_8 = tpu.memref_slice %arg2[%dma_start3A_6, %dma_start3A_7] : memref<10240x16xf32, #tpu.memory_space<hbm>> -> memref<10240x16xf32, #tpu.memory_space<hbm>>
    tpu.enqueue_indirect_dma source(%dma_start3A_8 : memref<10240x16xf32, #tpu.memory_space<hbm>>) target(%arg9 : memref<125x16xf32, #tpu.memory_space<vmem>>) offsets(%dma_start3A_5 : memref<125xi32, #tpu.memory_space<vmem>>) semaphore(%arg12 : memref<!tpu.dma_semaphore, #tpu.memory_space<semaphore_mem>>)
    %scan3A = arith.constant 0 : i32
    %scan3A_9 = arith.constant 0 : i32
    %scan3A_10 = arith.constant 40 : i32
    %scan3A_11 = arith.addi %scan3A_9, %scan3A_10 : i32
    %scan3A_12 = arith.constant 1 : i32
    scf.for %scan3A_19 = %scan3A_9 to %scan3A_11 step %scan3A_12  : i32 {
      %mul3A_20 = arith.constant 2 : i32
      %mul3A_21 = arith.muli %scan3A_19, %mul3A_20 : i32
      %add3A_22 = arith.constant 1 : i32
      %add3A_23 = arith.addi %mul3A_21, %add3A_22 : i32
      %dma_start3A_24 = arith.constant 0 : i32
      %dma_start3A_25 = tpu.memref_slice %arg7[%add3A_23, %dma_start3A_24] : memref<80x125xi32, #tpu.memory_space<vmem>> -> memref<1x125xi32, #tpu.memory_space<vmem>>
      %dma_start3A_26 = tpu.memref_squeeze %dma_start3A_25 : memref<1x125xi32, #tpu.memory_space<vmem>> -> memref<125xi32, #tpu.memory_space<vmem>>
      %dma_start3A_27 = arith.constant 0 : i32
      %dma_start3A_28 = arith.constant 0 : i32
      %dma_start3A_29 = tpu.memref_slice %arg2[%dma_start3A_27, %dma_start3A_28] : memref<10240x16xf32, #tpu.memory_space<hbm>> -> memref<10240x16xf32, #tpu.memory_space<hbm>>
      tpu.enqueue_indirect_dma source(%dma_start3A_29 : memref<10240x16xf32, #tpu.memory_space<hbm>>) target(%arg10 : memref<125x16xf32, #tpu.memory_space<vmem>>) offsets(%dma_start3A_26 : memref<125xi32, #tpu.memory_space<vmem>>) semaphore(%arg13 : memref<!tpu.dma_semaphore, #tpu.memory_space<semaphore_mem>>)
      %dma_wait3A = arith.constant 0 : i32
      %dma_wait3A_30 = arith.constant 0 : i32
      %dma_wait3A_31 = tpu.memref_slice %arg7[%dma_wait3A, %dma_wait3A_30] : memref<80x125xi32, #tpu.memory_space<vmem>> -> memref<1x125xi32, #tpu.memory_space<vmem>>
      %dma_wait3A_32 = tpu.memref_squeeze %dma_wait3A_31 : memref<1x125xi32, #tpu.memory_space<vmem>> -> memref<125xi32, #tpu.memory_space<vmem>>
      %dma_wait3A_33 = arith.constant 0 : i32
      %dma_wait3A_34 = arith.constant 0 : i32
      %dma_wait3A_35 = tpu.memref_slice %arg2[%dma_wait3A_33, %dma_wait3A_34] : memref<10240x16xf32, #tpu.memory_space<hbm>> -> memref<10240x16xf32, #tpu.memory_space<hbm>>
      tpu.wait_indirect_dma semaphore(%arg12 : memref<!tpu.dma_semaphore, #tpu.memory_space<semaphore_mem>>) src(%dma_wait3A_35 : memref<10240x16xf32, #tpu.memory_space<hbm>>) dst(%arg9 : memref<125x16xf32, #tpu.memory_space<vmem>>)
      "tpu.region"() ({
        %run_scoped3A = tpu.sem_alloc : memref<!tpu.dma_semaphore, #tpu.memory_space<semaphore_mem>>
        %dma_start3A_49 = arith.constant 0 : i32
        %dma_start3A_50 = tpu.memref_slice %arg8[%mul3A_21, %dma_start3A_49] : memref<80x125xi32, #tpu.memory_space<vmem>> -> memref<1x125xi32, #tpu.memory_space<vmem>>
        %dma_start3A_51 = tpu.memref_squeeze %dma_start3A_50 : memref<1x125xi32, #tpu.memory_space<vmem>> -> memref<125xi32, #tpu.memory_space<vmem>>
        %dma_start3A_52 = arith.constant 0 : i32
        %dma_start3A_53 = arith.constant 0 : i32
        %dma_start3A_54 = tpu.memref_slice %arg11[%dma_start3A_52, %dma_start3A_53] : memref<10240x16xf32, #tpu.memory_space<vmem_shared>> -> memref<10240x16xf32, #tpu.memory_space<vmem_shared>>
        tpu.enqueue_indirect_dma source(%arg9 : memref<125x16xf32, #tpu.memory_space<vmem>>) target(%dma_start3A_54 : memref<10240x16xf32, #tpu.memory_space<vmem_shared>>) offsets(%dma_start3A_51 : memref<125xi32, #tpu.memory_space<vmem>>) semaphore(%run_scoped3A : memref<!tpu.dma_semaphore, #tpu.memory_space<semaphore_mem>>) {add = true}
        %dma_wait3A_55 = arith.constant 0 : i32
        %dma_wait3A_56 = tpu.memref_slice %arg8[%mul3A_21, %dma_wait3A_55] : memref<80x125xi32, #tpu.memory_space<vmem>> -> memref<1x125xi32, #tpu.memory_space<vmem>>
        %dma_wait3A_57 = tpu.memref_squeeze %dma_wait3A_56 : memref<1x125xi32, #tpu.memory_space<vmem>> -> memref<125xi32, #tpu.memory_space<vmem>>
        %dma_wait3A_58 = arith.constant 0 : i32
        %dma_wait3A_59 = arith.constant 0 : i32
        %dma_wait3A_60 = tpu.memref_slice %arg11[%dma_wait3A_58, %dma_wait3A_59] : memref<10240x16xf32, #tpu.memory_space<vmem_shared>> -> memref<10240x16xf32, #tpu.memory_space<vmem_shared>>
        tpu.wait_indirect_dma semaphore(%run_scoped3A : memref<!tpu.dma_semaphore, #tpu.memory_space<semaphore_mem>>) src(%arg9 : memref<125x16xf32, #tpu.memory_space<vmem>>) dst(%dma_wait3A_60 : memref<10240x16xf32, #tpu.memory_space<vmem_shared>>)
        tpu.yield
      }) : () -> ()
      %add3A_36 = arith.constant 2 : i32
      %add3A_37 = arith.addi %mul3A_21, %add3A_36 : i32
      %lt3A = arith.constant 80 : i32
      %lt3A_38 = arith.cmpi slt, %add3A_37, %lt3A : i32
      %convert_element_type3A = arith.extui %lt3A_38 : i1 to i32
      %cond3A = arith.constant 0 : i32
      %cond3A_39 = arith.cmpi ne, %convert_element_type3A, %cond3A : i32
      scf.if %cond3A_39 {
        %add3A_49 = arith.constant 2 : i32
        %add3A_50 = arith.addi %mul3A_21, %add3A_49 : i32
        %dma_start3A_51 = arith.constant 0 : i32
        %dma_start3A_52 = tpu.memref_slice %arg7[%add3A_50, %dma_start3A_51] : memref<80x125xi32, #tpu.memory_space<vmem>> -> memref<1x125xi32, #tpu.memory_space<vmem>>
        %dma_start3A_53 = tpu.memref_squeeze %dma_start3A_52 : memref<1x125xi32, #tpu.memory_space<vmem>> -> memref<125xi32, #tpu.memory_space<vmem>>
        %dma_start3A_54 = arith.constant 0 : i32
        %dma_start3A_55 = arith.constant 0 : i32
        %dma_start3A_56 = tpu.memref_slice %arg2[%dma_start3A_54, %dma_start3A_55] : memref<10240x16xf32, #tpu.memory_space<hbm>> -> memref<10240x16xf32, #tpu.memory_space<hbm>>
        tpu.enqueue_indirect_dma source(%dma_start3A_56 : memref<10240x16xf32, #tpu.memory_space<hbm>>) target(%arg9 : memref<125x16xf32, #tpu.memory_space<vmem>>) offsets(%dma_start3A_53 : memref<125xi32, #tpu.memory_space<vmem>>) semaphore(%arg12 : memref<!tpu.dma_semaphore, #tpu.memory_space<semaphore_mem>>)
      } else {
      }
      %dma_wait3A_40 = arith.constant 0 : i32
      %dma_wait3A_41 = arith.constant 0 : i32
      %dma_wait3A_42 = tpu.memref_slice %arg7[%dma_wait3A_40, %dma_wait3A_41] : memref<80x125xi32, #tpu.memory_space<vmem>> -> memref<1x125xi32, #tpu.memory_space<vmem>>
      %dma_wait3A_43 = tpu.memref_squeeze %dma_wait3A_42 : memref<1x125xi32, #tpu.memory_space<vmem>> -> memref<125xi32, #tpu.memory_space<vmem>>
      %dma_wait3A_44 = arith.constant 0 : i32
      %dma_wait3A_45 = arith.constant 0 : i32
      %dma_wait3A_46 = tpu.memref_slice %arg2[%dma_wait3A_44, %dma_wait3A_45] : memref<10240x16xf32, #tpu.memory_space<hbm>> -> memref<10240x16xf32, #tpu.memory_space<hbm>>
      tpu.wait_indirect_dma semaphore(%arg13 : memref<!tpu.dma_semaphore, #tpu.memory_space<semaphore_mem>>) src(%dma_wait3A_46 : memref<10240x16xf32, #tpu.memory_space<hbm>>) dst(%arg10 : memref<125x16xf32, #tpu.memory_space<vmem>>)
      %add3A_47 = arith.constant 1 : i32
      %add3A_48 = arith.addi %mul3A_21, %add3A_47 : i32
      "tpu.region"() ({
        %run_scoped3A = tpu.sem_alloc : memref<!tpu.dma_semaphore, #tpu.memory_space<semaphore_mem>>
        %dma_start3A_49 = arith.constant 0 : i32
        %dma_start3A_50 = tpu.memref_slice %arg8[%add3A_48, %dma_start3A_49] : memref<80x125xi32, #tpu.memory_space<vmem>> -> memref<1x125xi32, #tpu.memory_space<vmem>>
        %dma_start3A_51 = tpu.memref_squeeze %dma_start3A_50 : memref<1x125xi32, #tpu.memory_space<vmem>> -> memref<125xi32, #tpu.memory_space<vmem>>
        %dma_start3A_52 = arith.constant 0 : i32
        %dma_start3A_53 = arith.constant 0 : i32
        %dma_start3A_54 = tpu.memref_slice %arg11[%dma_start3A_52, %dma_start3A_53] : memref<10240x16xf32, #tpu.memory_space<vmem_shared>> -> memref<10240x16xf32, #tpu.memory_space<vmem_shared>>
        tpu.enqueue_indirect_dma source(%arg10 : memref<125x16xf32, #tpu.memory_space<vmem>>) target(%dma_start3A_54 : memref<10240x16xf32, #tpu.memory_space<vmem_shared>>) offsets(%dma_start3A_51 : memref<125xi32, #tpu.memory_space<vmem>>) semaphore(%run_scoped3A : memref<!tpu.dma_semaphore, #tpu.memory_space<semaphore_mem>>) {add = true}
        %dma_wait3A_55 = arith.constant 0 : i32
        %dma_wait3A_56 = tpu.memref_slice %arg8[%add3A_48, %dma_wait3A_55] : memref<80x125xi32, #tpu.memory_space<vmem>> -> memref<1x125xi32, #tpu.memory_space<vmem>>
        %dma_wait3A_57 = tpu.memref_squeeze %dma_wait3A_56 : memref<1x125xi32, #tpu.memory_space<vmem>> -> memref<125xi32, #tpu.memory_space<vmem>>
        %dma_wait3A_58 = arith.constant 0 : i32
        %dma_wait3A_59 = arith.constant 0 : i32
        %dma_wait3A_60 = tpu.memref_slice %arg11[%dma_wait3A_58, %dma_wait3A_59] : memref<10240x16xf32, #tpu.memory_space<vmem_shared>> -> memref<10240x16xf32, #tpu.memory_space<vmem_shared>>
        tpu.wait_indirect_dma semaphore(%run_scoped3A : memref<!tpu.dma_semaphore, #tpu.memory_space<semaphore_mem>>) src(%arg10 : memref<125x16xf32, #tpu.memory_space<vmem>>) dst(%dma_wait3A_60 : memref<10240x16xf32, #tpu.memory_space<vmem_shared>>)
        tpu.yield
      }) : () -> ()
    }
    %scan3A_13 = arith.constant 40 : i32
    %barrier3A_14 = arith.constant 0 : index
    tpu.barrier barrier_id(%barrier3A_14)
    %mul3A_15 = arith.constant 640 : i32
    %mul3A_16 = arith.muli %arg1, %mul3A_15 : i32
    %mul3A_17 = arith.constant 640 : i32
    %mul3A_18 = arith.muli %arg1, %mul3A_17 : i32
    "tpu.region"() ({
      %run_scoped3A = tpu.sem_alloc : memref<!tpu.dma_semaphore, #tpu.memory_space<semaphore_mem>>
      %dma_start3A_19 = arith.constant 0 : i32
      %dma_start3A_20 = tpu.memref_slice %arg6[%arg0, %mul3A_18, %dma_start3A_19] : memref<2x10240x16xf32, #tpu.memory_space<hbm>> -> memref<1x640x16xf32, #tpu.memory_space<hbm>>
      %dma_start3A_21 = tpu.memref_squeeze %dma_start3A_20 : memref<1x640x16xf32, #tpu.memory_space<hbm>> -> memref<640x16xf32, #tpu.memory_space<hbm>>
      %dma_start3A_22 = arith.constant 0 : i32
      %dma_start3A_23 = tpu.memref_slice %arg11[%mul3A_16, %dma_start3A_22] : memref<10240x16xf32, #tpu.memory_space<vmem_shared>> -> memref<640x16xf32, #tpu.memory_space<vmem_shared>>
      tpu.enqueue_dma source(%dma_start3A_23 : memref<640x16xf32, #tpu.memory_space<vmem_shared>>) target(%dma_start3A_21 : memref<640x16xf32, #tpu.memory_space<hbm>>) target_semaphore(%run_scoped3A : memref<!tpu.dma_semaphore, #tpu.memory_space<semaphore_mem>>)
      %dma_wait3A = arith.constant 0 : i32
      %dma_wait3A_24 = tpu.memref_slice %arg6[%arg0, %mul3A_18, %dma_wait3A] : memref<2x10240x16xf32, #tpu.memory_space<hbm>> -> memref<1x640x16xf32, #tpu.memory_space<hbm>>
      %dma_wait3A_25 = tpu.memref_squeeze %dma_wait3A_24 : memref<1x640x16xf32, #tpu.memory_space<hbm>> -> memref<640x16xf32, #tpu.memory_space<hbm>>
      %dma_wait3A_26 = arith.constant 0 : i32
      %dma_wait3A_27 = tpu.memref_slice %arg11[%mul3A_16, %dma_wait3A_26] : memref<10240x16xf32, #tpu.memory_space<vmem_shared>> -> memref<640x16xf32, #tpu.memory_space<vmem_shared>>
      tpu.wait_dma2 semaphore(%run_scoped3A : memref<!tpu.dma_semaphore, #tpu.memory_space<semaphore_mem>>) src(%dma_wait3A_27 : memref<640x16xf32, #tpu.memory_space<vmem_shared>>) dst(%dma_wait3A_25 : memref<640x16xf32, #tpu.memory_space<hbm>>)
      tpu.yield
    }) : () -> ()
    return
  }
}

#map = affine_map<(d0, d1) -> (0, 0)>
#map1 = affine_map<(d0, d1) -> (0, 0, 0)>
module attributes {stable_mosaic.version = 14 : i64} {
  func.func @body(%arg0: i32, %arg1: i32, %arg2: memref<10240x16xf32, #tpu.memory_space<hbm>>, %arg3: memref<32x80x125xi32, #tpu.memory_space<hbm>>, %arg4: memref<32x80x125xi32, #tpu.memory_space<hbm>>, %arg5: memref<640x16xf32, #tpu.memory_space<hbm>>, %arg6: memref<2x10240x16xf32, #tpu.memory_space<hbm>>, %arg7: memref<80x125xi32, #tpu.memory_space<vmem>>, %arg8: memref<80x125xi32, #tpu.memory_space<vmem>>, %arg9: memref<125x16xf32, #tpu.memory_space<vmem>>, %arg10: memref<125x16xf32, #tpu.memory_space<vmem>>, %arg11: memref<10240x16xf32, #tpu.memory_space<vmem_shared>>, %arg12: memref<!tpu.dma_semaphore, #tpu.memory_space<semaphore_mem>>, %arg13: memref<!tpu.dma_semaphore, #tpu.memory_space<semaphore_mem>>) attributes {dimension_semantics = [#tpu.dimension_semantics<core_parallel>, #tpu.dimension_semantics<subcore_parallel>], iteration_bounds = array<i64: 2, 16>, scalar_prefetch = 0 : i64, scratch_operands = 7 : i64, tpu.core_type = #tpu.core_type<sc_vector_subcore>, window_params = [{transform_indices = #map}, {transform_indices = #map1}, {transform_indices = #map1}, {transform_indices = #map}, {transform_indices = #map1}]} {
    %mul3A = arith.constant 16 : i32
    %mul3A_0 = arith.muli %arg0, %mul3A : i32
    %add3A = arith.addi %mul3A_0, %arg1 : i32
    "tpu.region"() ({
      %run_scoped3A = tpu.sem_alloc : memref<!tpu.dma_semaphore, #tpu.memory_space<semaphore_mem>>
      %dma_start3A_19 = arith.constant 0 : i32
      %dma_start3A_20 = arith.constant 0 : i32
      %dma_start3A_21 = tpu.memref_slice %arg3[%add3A, %dma_start3A_19, %dma_start3A_20] : memref<32x80x125xi32, #tpu.memory_space<hbm>> -> memref<1x80x125xi32, #tpu.memory_space<hbm>>
      %dma_start3A_22 = tpu.memref_squeeze %dma_start3A_21 : memref<1x80x125xi32, #tpu.memory_space<hbm>> -> memref<80x125xi32, #tpu.memory_space<hbm>>
      %dma_start3A_23 = arith.constant 0 : i32
      %dma_start3A_24 = arith.constant 0 : i32
      %dma_start3A_25 = tpu.memref_slice %arg3[%add3A, %dma_start3A_23, %dma_start3A_24] : memref<32x80x125xi32, #tpu.memory_space<hbm>> -> memref<1x80x125xi32, #tpu.memory_space<hbm>>
      %dma_start3A_26 = tpu.memref_squeeze %dma_start3A_25 : memref<1x80x125xi32, #tpu.memory_space<hbm>> -> memref<80x125xi32, #tpu.memory_space<hbm>>
      tpu.enqueue_dma source(%dma_start3A_26 : memref<80x125xi32, #tpu.memory_space<hbm>>) target(%arg7 : memref<80x125xi32, #tpu.memory_space<vmem>>) target_semaphore(%run_scoped3A : memref<!tpu.dma_semaphore, #tpu.memory_space<semaphore_mem>>)
      %dma_wait3A = arith.constant 0 : i32
      %dma_wait3A_27 = arith.constant 0 : i32
      %dma_wait3A_28 = tpu.memref_slice %arg3[%add3A, %dma_wait3A, %dma_wait3A_27] : memref<32x80x125xi32, #tpu.memory_space<hbm>> -> memref<1x80x125xi32, #tpu.memory_space<hbm>>
      %dma_wait3A_29 = tpu.memref_squeeze %dma_wait3A_28 : memref<1x80x125xi32, #tpu.memory_space<hbm>> -> memref<80x125xi32, #tpu.memory_space<hbm>>
      %dma_wait3A_30 = arith.constant 0 : i32
      %dma_wait3A_31 = arith.constant 0 : i32
      %dma_wait3A_32 = tpu.memref_slice %arg3[%add3A, %dma_wait3A_30, %dma_wait3A_31] : memref<32x80x125xi32, #tpu.memory_space<hbm>> -> memref<1x80x125xi32, #tpu.memory_space<hbm>>
      %dma_wait3A_33 = tpu.memref_squeeze %dma_wait3A_32 : memref<1x80x125xi32, #tpu.memory_space<hbm>> -> memref<80x125xi32, #tpu.memory_space<hbm>>
      tpu.wait_dma2 semaphore(%run_scoped3A : memref<!tpu.dma_semaphore, #tpu.memory_space<semaphore_mem>>) src(%dma_wait3A_33 : memref<80x125xi32, #tpu.memory_space<hbm>>) dst(%arg7 : memref<80x125xi32, #tpu.memory_space<vmem>>)
      tpu.yield
    }) : () -> ()
    "tpu.region"() ({
      %run_scoped3A = tpu.sem_alloc : memref<!tpu.dma_semaphore, #tpu.memory_space<semaphore_mem>>
      %dma_start3A_19 = arith.constant 0 : i32
      %dma_start3A_20 = arith.constant 0 : i32
      %dma_start3A_21 = tpu.memref_slice %arg4[%add3A, %dma_start3A_19, %dma_start3A_20] : memref<32x80x125xi32, #tpu.memory_space<hbm>> -> memref<1x80x125xi32, #tpu.memory_space<hbm>>
      %dma_start3A_22 = tpu.memref_squeeze %dma_start3A_21 : memref<1x80x125xi32, #tpu.memory_space<hbm>> -> memref<80x125xi32, #tpu.memory_space<hbm>>
      %dma_start3A_23 = arith.constant 0 : i32
      %dma_start3A_24 = arith.constant 0 : i32
      %dma_start3A_25 = tpu.memref_slice %arg4[%add3A, %dma_start3A_23, %dma_start3A_24] : memref<32x80x125xi32, #tpu.memory_space<hbm>> -> memref<1x80x125xi32, #tpu.memory_space<hbm>>
      %dma_start3A_26 = tpu.memref_squeeze %dma_start3A_25 : memref<1x80x125xi32, #tpu.memory_space<hbm>> -> memref<80x125xi32, #tpu.memory_space<hbm>>
      tpu.enqueue_dma source(%dma_start3A_26 : memref<80x125xi32, #tpu.memory_space<hbm>>) target(%arg8 : memref<80x125xi32, #tpu.memory_space<vmem>>) target_semaphore(%run_scoped3A : memref<!tpu.dma_semaphore, #tpu.memory_space<semaphore_mem>>)
      %dma_wait3A = arith.constant 0 : i32
      %dma_wait3A_27 = arith.constant 0 : i32
      %dma_wait3A_28 = tpu.memref_slice %arg4[%add3A, %dma_wait3A, %dma_wait3A_27] : memref<32x80x125xi32, #tpu.memory_space<hbm>> -> memref<1x80x125xi32, #tpu.memory_space<hbm>>
      %dma_wait3A_29 = tpu.memref_squeeze %dma_wait3A_28 : memref<1x80x125xi32, #tpu.memory_space<hbm>> -> memref<80x125xi32, #tpu.memory_space<hbm>>
      %dma_wait3A_30 = arith.constant 0 : i32
      %dma_wait3A_31 = arith.constant 0 : i32
      %dma_wait3A_32 = tpu.memref_slice %arg4[%add3A, %dma_wait3A_30, %dma_wait3A_31] : memref<32x80x125xi32, #tpu.memory_space<hbm>> -> memref<1x80x125xi32, #tpu.memory_space<hbm>>
      %dma_wait3A_33 = tpu.memref_squeeze %dma_wait3A_32 : memref<1x80x125xi32, #tpu.memory_space<hbm>> -> memref<80x125xi32, #tpu.memory_space<hbm>>
      tpu.wait_dma2 semaphore(%run_scoped3A : memref<!tpu.dma_semaphore, #tpu.memory_space<semaphore_mem>>) src(%dma_wait3A_33 : memref<80x125xi32, #tpu.memory_space<hbm>>) dst(%arg8 : memref<80x125xi32, #tpu.memory_space<vmem>>)
      tpu.yield
    }) : () -> ()
    %mul3A_1 = arith.constant 640 : i32
    %mul3A_2 = arith.muli %arg1, %mul3A_1 : i32
    "tpu.region"() ({
      %run_scoped3A = tpu.sem_alloc : memref<!tpu.dma_semaphore, #tpu.memory_space<semaphore_mem>>
      %dma_start3A_19 = arith.constant 0 : i32
      %dma_start3A_20 = tpu.memref_slice %arg11[%mul3A_2, %dma_start3A_19] : memref<10240x16xf32, #tpu.memory_space<vmem_shared>> -> memref<640x16xf32, #tpu.memory_space<vmem_shared>>
      tpu.enqueue_dma source(%arg5 : memref<640x16xf32, #tpu.memory_space<hbm>>) target(%dma_start3A_20 : memref<640x16xf32, #tpu.memory_space<vmem_shared>>) target_semaphore(%run_scoped3A : memref<!tpu.dma_semaphore, #tpu.memory_space<semaphore_mem>>)
      %dma_wait3A = arith.constant 0 : i32
      %dma_wait3A_21 = tpu.memref_slice %arg11[%mul3A_2, %dma_wait3A] : memref<10240x16xf32, #tpu.memory_space<vmem_shared>> -> memref<640x16xf32, #tpu.memory_space<vmem_shared>>
      tpu.wait_dma2 semaphore(%run_scoped3A : memref<!tpu.dma_semaphore, #tpu.memory_space<semaphore_mem>>) src(%arg5 : memref<640x16xf32, #tpu.memory_space<hbm>>) dst(%dma_wait3A_21 : memref<640x16xf32, #tpu.memory_space<vmem_shared>>)
      tpu.yield
    }) : () -> ()
    %barrier3A = arith.constant 0 : index
    tpu.barrier barrier_id(%barrier3A)
    %dma_start3A = arith.constant 0 : i32
    %dma_start3A_3 = arith.constant 0 : i32
    %dma_start3A_4 = tpu.memref_slice %arg7[%dma_start3A, %dma_start3A_3] : memref<80x125xi32, #tpu.memory_space<vmem>> -> memref<1x125xi32, #tpu.memory_space<vmem>>
    %dma_start3A_5 = tpu.memref_squeeze %dma_start3A_4 : memref<1x125xi32, #tpu.memory_space<vmem>> -> memref<125xi32, #tpu.memory_space<vmem>>
    %dma_start3A_6 = arith.constant 0 : i32
    %dma_start3A_7 = arith.constant 0 : i32
    %dma_start3A_8 = tpu.memref_slice %arg2[%dma_start3A_6, %dma_start3A_7] : memref<10240x16xf32, #tpu.memory_space<hbm>> -> memref<10240x16xf32, #tpu.memory_space<hbm>>
    tpu.enqueue_indirect_dma source(%dma_start3A_8 : memref<10240x16xf32, #tpu.memory_space<hbm>>) target(%arg9 : memref<125x16xf32, #tpu.memory_space<vmem>>) offsets(%dma_start3A_5 : memref<125xi32, #tpu.memory_space<vmem>>) semaphore(%arg12 : memref<!tpu.dma_semaphore, #tpu.memory_space<semaphore_mem>>)
    %scan3A = arith.constant 0 : i32
    %scan3A_9 = arith.constant 0 : i32
    %scan3A_10 = arith.constant 40 : i32
    %scan3A_11 = arith.addi %scan3A_9, %scan3A_10 : i32
    %scan3A_12 = arith.constant 1 : i32
    scf.for %scan3A_19 = %scan3A_9 to %scan3A_11 step %scan3A_12  : i32 {
      %mul3A_20 = arith.constant 2 : i32
      %mul3A_21 = arith.muli %scan3A_19, %mul3A_20 : i32
      %add3A_22 = arith.constant 1 : i32
      %add3A_23 = arith.addi %mul3A_21, %add3A_22 : i32
      %dma_start3A_24 = arith.constant 0 : i32
      %dma_start3A_25 = tpu.memref_slice %arg7[%add3A_23, %dma_start3A_24] : memref<80x125xi32, #tpu.memory_space<vmem>> -> memref<1x125xi32, #tpu.memory_space<vmem>>
      %dma_start3A_26 = tpu.memref_squeeze %dma_start3A_25 : memref<1x125xi32, #tpu.memory_space<vmem>> -> memref<125xi32, #tpu.memory_space<vmem>>
      %dma_start3A_27 = arith.constant 0 : i32
      %dma_start3A_28 = arith.constant 0 : i32
      %dma_start3A_29 = tpu.memref_slice %arg2[%dma_start3A_27, %dma_start3A_28] : memref<10240x16xf32, #tpu.memory_space<hbm>> -> memref<10240x16xf32, #tpu.memory_space<hbm>>
      tpu.enqueue_indirect_dma source(%dma_start3A_29 : memref<10240x16xf32, #tpu.memory_space<hbm>>) target(%arg10 : memref<125x16xf32, #tpu.memory_space<vmem>>) offsets(%dma_start3A_26 : memref<125xi32, #tpu.memory_space<vmem>>) semaphore(%arg13 : memref<!tpu.dma_semaphore, #tpu.memory_space<semaphore_mem>>)
      %dma_wait3A = arith.constant 0 : i32
      %dma_wait3A_30 = arith.constant 0 : i32
      %dma_wait3A_31 = tpu.memref_slice %arg7[%dma_wait3A, %dma_wait3A_30] : memref<80x125xi32, #tpu.memory_space<vmem>> -> memref<1x125xi32, #tpu.memory_space<vmem>>
      %dma_wait3A_32 = tpu.memref_squeeze %dma_wait3A_31 : memref<1x125xi32, #tpu.memory_space<vmem>> -> memref<125xi32, #tpu.memory_space<vmem>>
      %dma_wait3A_33 = arith.constant 0 : i32
      %dma_wait3A_34 = arith.constant 0 : i32
      %dma_wait3A_35 = tpu.memref_slice %arg2[%dma_wait3A_33, %dma_wait3A_34] : memref<10240x16xf32, #tpu.memory_space<hbm>> -> memref<10240x16xf32, #tpu.memory_space<hbm>>
      tpu.wait_indirect_dma semaphore(%arg12 : memref<!tpu.dma_semaphore, #tpu.memory_space<semaphore_mem>>) src(%dma_wait3A_35 : memref<10240x16xf32, #tpu.memory_space<hbm>>) dst(%arg9 : memref<125x16xf32, #tpu.memory_space<vmem>>)
      "tpu.region"() ({
        %run_scoped3A = tpu.sem_alloc : memref<!tpu.dma_semaphore, #tpu.memory_space<semaphore_mem>>
        %dma_start3A_49 = arith.constant 0 : i32
        %dma_start3A_50 = tpu.memref_slice %arg8[%mul3A_21, %dma_start3A_49] : memref<80x125xi32, #tpu.memory_space<vmem>> -> memref<1x125xi32, #tpu.memory_space<vmem>>
        %dma_start3A_51 = tpu.memref_squeeze %dma_start3A_50 : memref<1x125xi32, #tpu.memory_space<vmem>> -> memref<125xi32, #tpu.memory_space<vmem>>
        %dma_start3A_52 = arith.constant 0 : i32
        %dma_start3A_53 = arith.constant 0 : i32
        %dma_start3A_54 = tpu.memref_slice %arg11[%dma_start3A_52, %dma_start3A_53] : memref<10240x16xf32, #tpu.memory_space<vmem_shared>> -> memref<10240x16xf32, #tpu.memory_space<vmem_shared>>
        tpu.enqueue_indirect_dma source(%arg9 : memref<125x16xf32, #tpu.memory_space<vmem>>) target(%dma_start3A_54 : memref<10240x16xf32, #tpu.memory_space<vmem_shared>>) offsets(%dma_start3A_51 : memref<125xi32, #tpu.memory_space<vmem>>) semaphore(%run_scoped3A : memref<!tpu.dma_semaphore, #tpu.memory_space<semaphore_mem>>) {add = true}
        %dma_wait3A_55 = arith.constant 0 : i32
        %dma_wait3A_56 = tpu.memref_slice %arg8[%mul3A_21, %dma_wait3A_55] : memref<80x125xi32, #tpu.memory_space<vmem>> -> memref<1x125xi32, #tpu.memory_space<vmem>>
        %dma_wait3A_57 = tpu.memref_squeeze %dma_wait3A_56 : memref<1x125xi32, #tpu.memory_space<vmem>> -> memref<125xi32, #tpu.memory_space<vmem>>
        %dma_wait3A_58 = arith.constant 0 : i32
        %dma_wait3A_59 = arith.constant 0 : i32
        %dma_wait3A_60 = tpu.memref_slice %arg11[%dma_wait3A_58, %dma_wait3A_59] : memref<10240x16xf32, #tpu.memory_space<vmem_shared>> -> memref<10240x16xf32, #tpu.memory_space<vmem_shared>>
        tpu.wait_indirect_dma semaphore(%run_scoped3A : memref<!tpu.dma_semaphore, #tpu.memory_space<semaphore_mem>>) src(%arg9 : memref<125x16xf32, #tpu.memory_space<vmem>>) dst(%dma_wait3A_60 : memref<10240x16xf32, #tpu.memory_space<vmem_shared>>)
        tpu.yield
      }) : () -> ()
      %add3A_36 = arith.constant 2 : i32
      %add3A_37 = arith.addi %mul3A_21, %add3A_36 : i32
      %lt3A = arith.constant 80 : i32
      %lt3A_38 = arith.cmpi slt, %add3A_37, %lt3A : i32
      %convert_element_type3A = arith.extui %lt3A_38 : i1 to i32
      %cond3A = arith.constant 0 : i32
      %cond3A_39 = arith.cmpi ne, %convert_element_type3A, %cond3A : i32
      scf.if %cond3A_39 {
        %add3A_49 = arith.constant 2 : i32
        %add3A_50 = arith.addi %mul3A_21, %add3A_49 : i32
        %dma_start3A_51 = arith.constant 0 : i32
        %dma_start3A_52 = tpu.memref_slice %arg7[%add3A_50, %dma_start3A_51] : memref<80x125xi32, #tpu.memory_space<vmem>> -> memref<1x125xi32, #tpu.memory_space<vmem>>
        %dma_start3A_53 = tpu.memref_squeeze %dma_start3A_52 : memref<1x125xi32, #tpu.memory_space<vmem>> -> memref<125xi32, #tpu.memory_space<vmem>>
        %dma_start3A_54 = arith.constant 0 : i32
        %dma_start3A_55 = arith.constant 0 : i32
        %dma_start3A_56 = tpu.memref_slice %arg2[%dma_start3A_54, %dma_start3A_55] : memref<10240x16xf32, #tpu.memory_space<hbm>> -> memref<10240x16xf32, #tpu.memory_space<hbm>>
        tpu.enqueue_indirect_dma source(%dma_start3A_56 : memref<10240x16xf32, #tpu.memory_space<hbm>>) target(%arg9 : memref<125x16xf32, #tpu.memory_space<vmem>>) offsets(%dma_start3A_53 : memref<125xi32, #tpu.memory_space<vmem>>) semaphore(%arg12 : memref<!tpu.dma_semaphore, #tpu.memory_space<semaphore_mem>>)
      } else {
      }
      %dma_wait3A_40 = arith.constant 0 : i32
      %dma_wait3A_41 = arith.constant 0 : i32
      %dma_wait3A_42 = tpu.memref_slice %arg7[%dma_wait3A_40, %dma_wait3A_41] : memref<80x125xi32, #tpu.memory_space<vmem>> -> memref<1x125xi32, #tpu.memory_space<vmem>>
      %dma_wait3A_43 = tpu.memref_squeeze %dma_wait3A_42 : memref<1x125xi32, #tpu.memory_space<vmem>> -> memref<125xi32, #tpu.memory_space<vmem>>
      %dma_wait3A_44 = arith.constant 0 : i32
      %dma_wait3A_45 = arith.constant 0 : i32
      %dma_wait3A_46 = tpu.memref_slice %arg2[%dma_wait3A_44, %dma_wait3A_45] : memref<10240x16xf32, #tpu.memory_space<hbm>> -> memref<10240x16xf32, #tpu.memory_space<hbm>>
      tpu.wait_indirect_dma semaphore(%arg13 : memref<!tpu.dma_semaphore, #tpu.memory_space<semaphore_mem>>) src(%dma_wait3A_46 : memref<10240x16xf32, #tpu.memory_space<hbm>>) dst(%arg10 : memref<125x16xf32, #tpu.memory_space<vmem>>)
      %add3A_47 = arith.constant 1 : i32
      %add3A_48 = arith.addi %mul3A_21, %add3A_47 : i32
      "tpu.region"() ({
        %run_scoped3A = tpu.sem_alloc : memref<!tpu.dma_semaphore, #tpu.memory_space<semaphore_mem>>
        %dma_start3A_49 = arith.constant 0 : i32
        %dma_start3A_50 = tpu.memref_slice %arg8[%add3A_48, %dma_start3A_49] : memref<80x125xi32, #tpu.memory_space<vmem>> -> memref<1x125xi32, #tpu.memory_space<vmem>>
        %dma_start3A_51 = tpu.memref_squeeze %dma_start3A_50 : memref<1x125xi32, #tpu.memory_space<vmem>> -> memref<125xi32, #tpu.memory_space<vmem>>
        %dma_start3A_52 = arith.constant 0 : i32
        %dma_start3A_53 = arith.constant 0 : i32
        %dma_start3A_54 = tpu.memref_slice %arg11[%dma_start3A_52, %dma_start3A_53] : memref<10240x16xf32, #tpu.memory_space<vmem_shared>> -> memref<10240x16xf32, #tpu.memory_space<vmem_shared>>
        tpu.enqueue_indirect_dma source(%arg10 : memref<125x16xf32, #tpu.memory_space<vmem>>) target(%dma_start3A_54 : memref<10240x16xf32, #tpu.memory_space<vmem_shared>>) offsets(%dma_start3A_51 : memref<125xi32, #tpu.memory_space<vmem>>) semaphore(%run_scoped3A : memref<!tpu.dma_semaphore, #tpu.memory_space<semaphore_mem>>) {add = true}
        %dma_wait3A_55 = arith.constant 0 : i32
        %dma_wait3A_56 = tpu.memref_slice %arg8[%add3A_48, %dma_wait3A_55] : memref<80x125xi32, #tpu.memory_space<vmem>> -> memref<1x125xi32, #tpu.memory_space<vmem>>
        %dma_wait3A_57 = tpu.memref_squeeze %dma_wait3A_56 : memref<1x125xi32, #tpu.memory_space<vmem>> -> memref<125xi32, #tpu.memory_space<vmem>>
        %dma_wait3A_58 = arith.constant 0 : i32
        %dma_wait3A_59 = arith.constant 0 : i32
        %dma_wait3A_60 = tpu.memref_slice %arg11[%dma_wait3A_58, %dma_wait3A_59] : memref<10240x16xf32, #tpu.memory_space<vmem_shared>> -> memref<10240x16xf32, #tpu.memory_space<vmem_shared>>
        tpu.wait_indirect_dma semaphore(%run_scoped3A : memref<!tpu.dma_semaphore, #tpu.memory_space<semaphore_mem>>) src(%arg10 : memref<125x16xf32, #tpu.memory_space<vmem>>) dst(%dma_wait3A_60 : memref<10240x16xf32, #tpu.memory_space<vmem_shared>>)
        tpu.yield
      }) : () -> ()
    }
    %scan3A_13 = arith.constant 40 : i32
    %barrier3A_14 = arith.constant 0 : index
    tpu.barrier barrier_id(%barrier3A_14)
    %mul3A_15 = arith.constant 640 : i32
    %mul3A_16 = arith.muli %arg1, %mul3A_15 : i32
    %mul3A_17 = arith.constant 640 : i32
    %mul3A_18 = arith.muli %arg1, %mul3A_17 : i32
    "tpu.region"() ({
      %run_scoped3A = tpu.sem_alloc : memref<!tpu.dma_semaphore, #tpu.memory_space<semaphore_mem>>
      %dma_start3A_19 = arith.constant 0 : i32
      %dma_start3A_20 = tpu.memref_slice %arg6[%arg0, %mul3A_18, %dma_start3A_19] : memref<2x10240x16xf32, #tpu.memory_space<hbm>> -> memref<1x640x16xf32, #tpu.memory_space<hbm>>
      %dma_start3A_21 = tpu.memref_squeeze %dma_start3A_20 : memref<1x640x16xf32, #tpu.memory_space<hbm>> -> memref<640x16xf32, #tpu.memory_space<hbm>>
      %dma_start3A_22 = arith.constant 0 : i32
      %dma_start3A_23 = tpu.memref_slice %arg11[%mul3A_16, %dma_start3A_22] : memref<10240x16xf32, #tpu.memory_space<vmem_shared>> -> memref<640x16xf32, #tpu.memory_space<vmem_shared>>
      tpu.enqueue_dma source(%dma_start3A_23 : memref<640x16xf32, #tpu.memory_space<vmem_shared>>) target(%dma_start3A_21 : memref<640x16xf32, #tpu.memory_space<hbm>>) target_semaphore(%run_scoped3A : memref<!tpu.dma_semaphore, #tpu.memory_space<semaphore_mem>>)
      %dma_wait3A = arith.constant 0 : i32
      %dma_wait3A_24 = tpu.memref_slice %arg6[%arg0, %mul3A_18, %dma_wait3A] : memref<2x10240x16xf32, #tpu.memory_space<hbm>> -> memref<1x640x16xf32, #tpu.memory_space<hbm>>
      %dma_wait3A_25 = tpu.memref_squeeze %dma_wait3A_24 : memref<1x640x16xf32, #tpu.memory_space<hbm>> -> memref<640x16xf32, #tpu.memory_space<hbm>>
      %dma_wait3A_26 = arith.constant 0 : i32
      %dma_wait3A_27 = tpu.memref_slice %arg11[%mul3A_16, %dma_wait3A_26] : memref<10240x16xf32, #tpu.memory_space<vmem_shared>> -> memref<640x16xf32, #tpu.memory_space<vmem_shared>>
      tpu.wait_dma2 semaphore(%run_scoped3A : memref<!tpu.dma_semaphore, #tpu.memory_space<semaphore_mem>>) src(%dma_wait3A_27 : memref<640x16xf32, #tpu.memory_space<vmem_shared>>) dst(%dma_wait3A_25 : memref<640x16xf32, #tpu.memory_space<hbm>>)
      tpu.yield
    }) : () -> ()
    return
  }
}

#map = affine_map<(d0, d1) -> (0, 0)>
#map1 = affine_map<(d0, d1) -> (0, 0, 0)>
module attributes {stable_mosaic.version = 14 : i64} {
  func.func @body(%arg0: i32, %arg1: i32, %arg2: memref<10240x128xf32, #tpu.memory_space<hbm>>, %arg3: memref<32x125x80xi32, #tpu.memory_space<hbm>>, %arg4: memref<32x125x80xi32, #tpu.memory_space<hbm>>, %arg5: memref<640x128xf32, #tpu.memory_space<hbm>>, %arg6: memref<2x10240x128xf32, #tpu.memory_space<hbm>>, %arg7: memref<125x80xi32, #tpu.memory_space<vmem>>, %arg8: memref<125x80xi32, #tpu.memory_space<vmem>>, %arg9: memref<80x128xf32, #tpu.memory_space<vmem>>, %arg10: memref<80x128xf32, #tpu.memory_space<vmem>>, %arg11: memref<10240x128xf32, #tpu.memory_space<vmem_shared>>, %arg12: memref<!tpu.dma_semaphore, #tpu.memory_space<semaphore_mem>>, %arg13: memref<!tpu.dma_semaphore, #tpu.memory_space<semaphore_mem>>) attributes {dimension_semantics = [#tpu.dimension_semantics<core_parallel>, #tpu.dimension_semantics<subcore_parallel>], iteration_bounds = array<i64: 2, 16>, scalar_prefetch = 0 : i64, scratch_operands = 7 : i64, tpu.core_type = #tpu.core_type<sc_vector_subcore>, window_params = [{transform_indices = #map}, {transform_indices = #map1}, {transform_indices = #map1}, {transform_indices = #map}, {transform_indices = #map1}]} {
    %mul3A = arith.constant 16 : i32
    %mul3A_0 = arith.muli %arg0, %mul3A : i32
    %add3A = arith.addi %mul3A_0, %arg1 : i32
    "tpu.region"() ({
      %run_scoped3A_25 = tpu.sem_alloc : memref<!tpu.dma_semaphore, #tpu.memory_space<semaphore_mem>>
      %dma_start3A_26 = arith.constant 0 : i32
      %dma_start3A_27 = arith.constant 0 : i32
      %dma_start3A_28 = tpu.memref_slice %arg3[%add3A, %dma_start3A_26, %dma_start3A_27] : memref<32x125x80xi32, #tpu.memory_space<hbm>> -> memref<1x125x80xi32, #tpu.memory_space<hbm>>
      %dma_start3A_29 = tpu.memref_squeeze %dma_start3A_28 : memref<1x125x80xi32, #tpu.memory_space<hbm>> -> memref<125x80xi32, #tpu.memory_space<hbm>>
      %dma_start3A_30 = arith.constant 0 : i32
      %dma_start3A_31 = arith.constant 0 : i32
      %dma_start3A_32 = tpu.memref_slice %arg3[%add3A, %dma_start3A_30, %dma_start3A_31] : memref<32x125x80xi32, #tpu.memory_space<hbm>> -> memref<1x125x80xi32, #tpu.memory_space<hbm>>
      %dma_start3A_33 = tpu.memref_squeeze %dma_start3A_32 : memref<1x125x80xi32, #tpu.memory_space<hbm>> -> memref<125x80xi32, #tpu.memory_space<hbm>>
      tpu.enqueue_dma source(%dma_start3A_33 : memref<125x80xi32, #tpu.memory_space<hbm>>) target(%arg7 : memref<125x80xi32, #tpu.memory_space<vmem>>) target_semaphore(%run_scoped3A_25 : memref<!tpu.dma_semaphore, #tpu.memory_space<semaphore_mem>>)
      %dma_wait3A_34 = arith.constant 0 : i32
      %dma_wait3A_35 = arith.constant 0 : i32
      %dma_wait3A_36 = tpu.memref_slice %arg3[%add3A, %dma_wait3A_34, %dma_wait3A_35] : memref<32x125x80xi32, #tpu.memory_space<hbm>> -> memref<1x125x80xi32, #tpu.memory_space<hbm>>
      %dma_wait3A_37 = tpu.memref_squeeze %dma_wait3A_36 : memref<1x125x80xi32, #tpu.memory_space<hbm>> -> memref<125x80xi32, #tpu.memory_space<hbm>>
      %dma_wait3A_38 = arith.constant 0 : i32
      %dma_wait3A_39 = arith.constant 0 : i32
      %dma_wait3A_40 = tpu.memref_slice %arg3[%add3A, %dma_wait3A_38, %dma_wait3A_39] : memref<32x125x80xi32, #tpu.memory_space<hbm>> -> memref<1x125x80xi32, #tpu.memory_space<hbm>>
      %dma_wait3A_41 = tpu.memref_squeeze %dma_wait3A_40 : memref<1x125x80xi32, #tpu.memory_space<hbm>> -> memref<125x80xi32, #tpu.memory_space<hbm>>
      tpu.wait_dma2 semaphore(%run_scoped3A_25 : memref<!tpu.dma_semaphore, #tpu.memory_space<semaphore_mem>>) src(%dma_wait3A_41 : memref<125x80xi32, #tpu.memory_space<hbm>>) dst(%arg7 : memref<125x80xi32, #tpu.memory_space<vmem>>)
      tpu.yield
    }) : () -> ()
    "tpu.region"() ({
      %run_scoped3A_25 = tpu.sem_alloc : memref<!tpu.dma_semaphore, #tpu.memory_space<semaphore_mem>>
      %dma_start3A_26 = arith.constant 0 : i32
      %dma_start3A_27 = arith.constant 0 : i32
      %dma_start3A_28 = tpu.memref_slice %arg4[%add3A, %dma_start3A_26, %dma_start3A_27] : memref<32x125x80xi32, #tpu.memory_space<hbm>> -> memref<1x125x80xi32, #tpu.memory_space<hbm>>
      %dma_start3A_29 = tpu.memref_squeeze %dma_start3A_28 : memref<1x125x80xi32, #tpu.memory_space<hbm>> -> memref<125x80xi32, #tpu.memory_space<hbm>>
      %dma_start3A_30 = arith.constant 0 : i32
      %dma_start3A_31 = arith.constant 0 : i32
      %dma_start3A_32 = tpu.memref_slice %arg4[%add3A, %dma_start3A_30, %dma_start3A_31] : memref<32x125x80xi32, #tpu.memory_space<hbm>> -> memref<1x125x80xi32, #tpu.memory_space<hbm>>
      %dma_start3A_33 = tpu.memref_squeeze %dma_start3A_32 : memref<1x125x80xi32, #tpu.memory_space<hbm>> -> memref<125x80xi32, #tpu.memory_space<hbm>>
      tpu.enqueue_dma source(%dma_start3A_33 : memref<125x80xi32, #tpu.memory_space<hbm>>) target(%arg8 : memref<125x80xi32, #tpu.memory_space<vmem>>) target_semaphore(%run_scoped3A_25 : memref<!tpu.dma_semaphore, #tpu.memory_space<semaphore_mem>>)
      %dma_wait3A_34 = arith.constant 0 : i32
      %dma_wait3A_35 = arith.constant 0 : i32
      %dma_wait3A_36 = tpu.memref_slice %arg4[%add3A, %dma_wait3A_34, %dma_wait3A_35] : memref<32x125x80xi32, #tpu.memory_space<hbm>> -> memref<1x125x80xi32, #tpu.memory_space<hbm>>
      %dma_wait3A_37 = tpu.memref_squeeze %dma_wait3A_36 : memref<1x125x80xi32, #tpu.memory_space<hbm>> -> memref<125x80xi32, #tpu.memory_space<hbm>>
      %dma_wait3A_38 = arith.constant 0 : i32
      %dma_wait3A_39 = arith.constant 0 : i32
      %dma_wait3A_40 = tpu.memref_slice %arg4[%add3A, %dma_wait3A_38, %dma_wait3A_39] : memref<32x125x80xi32, #tpu.memory_space<hbm>> -> memref<1x125x80xi32, #tpu.memory_space<hbm>>
      %dma_wait3A_41 = tpu.memref_squeeze %dma_wait3A_40 : memref<1x125x80xi32, #tpu.memory_space<hbm>> -> memref<125x80xi32, #tpu.memory_space<hbm>>
      tpu.wait_dma2 semaphore(%run_scoped3A_25 : memref<!tpu.dma_semaphore, #tpu.memory_space<semaphore_mem>>) src(%dma_wait3A_41 : memref<125x80xi32, #tpu.memory_space<hbm>>) dst(%arg8 : memref<125x80xi32, #tpu.memory_space<vmem>>)
      tpu.yield
    }) : () -> ()
    %mul3A_1 = arith.constant 640 : i32
    %mul3A_2 = arith.muli %arg1, %mul3A_1 : i32
    "tpu.region"() ({
      %run_scoped3A_25 = tpu.sem_alloc : memref<!tpu.dma_semaphore, #tpu.memory_space<semaphore_mem>>
      %dma_start3A_26 = arith.constant 0 : i32
      %dma_start3A_27 = tpu.memref_slice %arg11[%mul3A_2, %dma_start3A_26] : memref<10240x128xf32, #tpu.memory_space<vmem_shared>> -> memref<640x128xf32, #tpu.memory_space<vmem_shared>>
      tpu.enqueue_dma source(%arg5 : memref<640x128xf32, #tpu.memory_space<hbm>>) target(%dma_start3A_27 : memref<640x128xf32, #tpu.memory_space<vmem_shared>>) target_semaphore(%run_scoped3A_25 : memref<!tpu.dma_semaphore, #tpu.memory_space<semaphore_mem>>)
      %dma_wait3A_28 = arith.constant 0 : i32
      %dma_wait3A_29 = tpu.memref_slice %arg11[%mul3A_2, %dma_wait3A_28] : memref<10240x128xf32, #tpu.memory_space<vmem_shared>> -> memref<640x128xf32, #tpu.memory_space<vmem_shared>>
      tpu.wait_dma2 semaphore(%run_scoped3A_25 : memref<!tpu.dma_semaphore, #tpu.memory_space<semaphore_mem>>) src(%arg5 : memref<640x128xf32, #tpu.memory_space<hbm>>) dst(%dma_wait3A_29 : memref<640x128xf32, #tpu.memory_space<vmem_shared>>)
      tpu.yield
    }) : () -> ()
    %barrier3A = arith.constant 0 : index
    tpu.barrier barrier_id(%barrier3A)
    %dma_start3A = arith.constant 0 : i32
    %dma_start3A_3 = arith.constant 0 : i32
    %dma_start3A_4 = tpu.memref_slice %arg7[%dma_start3A, %dma_start3A_3] : memref<125x80xi32, #tpu.memory_space<vmem>> -> memref<1x80xi32, #tpu.memory_space<vmem>>
    %dma_start3A_5 = tpu.memref_squeeze %dma_start3A_4 : memref<1x80xi32, #tpu.memory_space<vmem>> -> memref<80xi32, #tpu.memory_space<vmem>>
    %dma_start3A_6 = arith.constant 0 : i32
    %dma_start3A_7 = arith.constant 0 : i32
    %dma_start3A_8 = tpu.memref_slice %arg2[%dma_start3A_6, %dma_start3A_7] : memref<10240x128xf32, #tpu.memory_space<hbm>> -> memref<10240x128xf32, #tpu.memory_space<hbm>>
    tpu.enqueue_indirect_dma source(%dma_start3A_8 : memref<10240x128xf32, #tpu.memory_space<hbm>>) target(%arg9 : memref<80x128xf32, #tpu.memory_space<vmem>>) offsets(%dma_start3A_5 : memref<80xi32, #tpu.memory_space<vmem>>) semaphore(%arg12 : memref<!tpu.dma_semaphore, #tpu.memory_space<semaphore_mem>>)
    %scan3A = arith.constant 0 : i32
    %scan3A_9 = arith.constant 0 : i32
    %scan3A_10 = arith.constant 62 : i32
    %scan3A_11 = arith.addi %scan3A_9, %scan3A_10 : i32
    %scan3A_12 = arith.constant 1 : i32
    scf.for %scan3A_25 = %scan3A_9 to %scan3A_11 step %scan3A_12  : i32 {
      %mul3A_26 = arith.constant 2 : i32
      %mul3A_27 = arith.muli %scan3A_25, %mul3A_26 : i32
      %add3A_28 = arith.constant 1 : i32
      %add3A_29 = arith.addi %mul3A_27, %add3A_28 : i32
      %dma_start3A_30 = arith.constant 0 : i32
      %dma_start3A_31 = tpu.memref_slice %arg7[%add3A_29, %dma_start3A_30] : memref<125x80xi32, #tpu.memory_space<vmem>> -> memref<1x80xi32, #tpu.memory_space<vmem>>
      %dma_start3A_32 = tpu.memref_squeeze %dma_start3A_31 : memref<1x80xi32, #tpu.memory_space<vmem>> -> memref<80xi32, #tpu.memory_space<vmem>>
      %dma_start3A_33 = arith.constant 0 : i32
      %dma_start3A_34 = arith.constant 0 : i32
      %dma_start3A_35 = tpu.memref_slice %arg2[%dma_start3A_33, %dma_start3A_34] : memref<10240x128xf32, #tpu.memory_space<hbm>> -> memref<10240x128xf32, #tpu.memory_space<hbm>>
      tpu.enqueue_indirect_dma source(%dma_start3A_35 : memref<10240x128xf32, #tpu.memory_space<hbm>>) target(%arg10 : memref<80x128xf32, #tpu.memory_space<vmem>>) offsets(%dma_start3A_32 : memref<80xi32, #tpu.memory_space<vmem>>) semaphore(%arg13 : memref<!tpu.dma_semaphore, #tpu.memory_space<semaphore_mem>>)
      %dma_wait3A_36 = arith.constant 0 : i32
      %dma_wait3A_37 = arith.constant 0 : i32
      %dma_wait3A_38 = tpu.memref_slice %arg7[%dma_wait3A_36, %dma_wait3A_37] : memref<125x80xi32, #tpu.memory_space<vmem>> -> memref<1x80xi32, #tpu.memory_space<vmem>>
      %dma_wait3A_39 = tpu.memref_squeeze %dma_wait3A_38 : memref<1x80xi32, #tpu.memory_space<vmem>> -> memref<80xi32, #tpu.memory_space<vmem>>
      %dma_wait3A_40 = arith.constant 0 : i32
      %dma_wait3A_41 = arith.constant 0 : i32
      %dma_wait3A_42 = tpu.memref_slice %arg2[%dma_wait3A_40, %dma_wait3A_41] : memref<10240x128xf32, #tpu.memory_space<hbm>> -> memref<10240x128xf32, #tpu.memory_space<hbm>>
      tpu.wait_indirect_dma semaphore(%arg12 : memref<!tpu.dma_semaphore, #tpu.memory_space<semaphore_mem>>) src(%dma_wait3A_42 : memref<10240x128xf32, #tpu.memory_space<hbm>>) dst(%arg9 : memref<80x128xf32, #tpu.memory_space<vmem>>)
      "tpu.region"() ({
        %run_scoped3A_56 = tpu.sem_alloc : memref<!tpu.dma_semaphore, #tpu.memory_space<semaphore_mem>>
        %dma_start3A_57 = arith.constant 0 : i32
        %dma_start3A_58 = tpu.memref_slice %arg8[%mul3A_27, %dma_start3A_57] : memref<125x80xi32, #tpu.memory_space<vmem>> -> memref<1x80xi32, #tpu.memory_space<vmem>>
        %dma_start3A_59 = tpu.memref_squeeze %dma_start3A_58 : memref<1x80xi32, #tpu.memory_space<vmem>> -> memref<80xi32, #tpu.memory_space<vmem>>
        %dma_start3A_60 = arith.constant 0 : i32
        %dma_start3A_61 = arith.constant 0 : i32
        %dma_start3A_62 = tpu.memref_slice %arg11[%dma_start3A_60, %dma_start3A_61] : memref<10240x128xf32, #tpu.memory_space<vmem_shared>> -> memref<10240x128xf32, #tpu.memory_space<vmem_shared>>
        tpu.enqueue_indirect_dma source(%arg9 : memref<80x128xf32, #tpu.memory_space<vmem>>) target(%dma_start3A_62 : memref<10240x128xf32, #tpu.memory_space<vmem_shared>>) offsets(%dma_start3A_59 : memref<80xi32, #tpu.memory_space<vmem>>) semaphore(%run_scoped3A_56 : memref<!tpu.dma_semaphore, #tpu.memory_space<semaphore_mem>>) {add = true}
        %dma_wait3A_63 = arith.constant 0 : i32
        %dma_wait3A_64 = tpu.memref_slice %arg8[%mul3A_27, %dma_wait3A_63] : memref<125x80xi32, #tpu.memory_space<vmem>> -> memref<1x80xi32, #tpu.memory_space<vmem>>
        %dma_wait3A_65 = tpu.memref_squeeze %dma_wait3A_64 : memref<1x80xi32, #tpu.memory_space<vmem>> -> memref<80xi32, #tpu.memory_space<vmem>>
        %dma_wait3A_66 = arith.constant 0 : i32
        %dma_wait3A_67 = arith.constant 0 : i32
        %dma_wait3A_68 = tpu.memref_slice %arg11[%dma_wait3A_66, %dma_wait3A_67] : memref<10240x128xf32, #tpu.memory_space<vmem_shared>> -> memref<10240x128xf32, #tpu.memory_space<vmem_shared>>
        tpu.wait_indirect_dma semaphore(%run_scoped3A_56 : memref<!tpu.dma_semaphore, #tpu.memory_space<semaphore_mem>>) src(%arg9 : memref<80x128xf32, #tpu.memory_space<vmem>>) dst(%dma_wait3A_68 : memref<10240x128xf32, #tpu.memory_space<vmem_shared>>)
        tpu.yield
      }) : () -> ()
      %add3A_43 = arith.constant 2 : i32
      %add3A_44 = arith.addi %mul3A_27, %add3A_43 : i32
      %lt3A = arith.constant 125 : i32
      %lt3A_45 = arith.cmpi slt, %add3A_44, %lt3A : i32
      %convert_element_type3A = arith.extui %lt3A_45 : i1 to i32
      %cond3A = arith.constant 0 : i32
      %cond3A_46 = arith.cmpi ne, %convert_element_type3A, %cond3A : i32
      scf.if %cond3A_46 {
        %add3A_56 = arith.constant 2 : i32
        %add3A_57 = arith.addi %mul3A_27, %add3A_56 : i32
        %dma_start3A_58 = arith.constant 0 : i32
        %dma_start3A_59 = tpu.memref_slice %arg7[%add3A_57, %dma_start3A_58] : memref<125x80xi32, #tpu.memory_space<vmem>> -> memref<1x80xi32, #tpu.memory_space<vmem>>
        %dma_start3A_60 = tpu.memref_squeeze %dma_start3A_59 : memref<1x80xi32, #tpu.memory_space<vmem>> -> memref<80xi32, #tpu.memory_space<vmem>>
        %dma_start3A_61 = arith.constant 0 : i32
        %dma_start3A_62 = arith.constant 0 : i32
        %dma_start3A_63 = tpu.memref_slice %arg2[%dma_start3A_61, %dma_start3A_62] : memref<10240x128xf32, #tpu.memory_space<hbm>> -> memref<10240x128xf32, #tpu.memory_space<hbm>>
        tpu.enqueue_indirect_dma source(%dma_start3A_63 : memref<10240x128xf32, #tpu.memory_space<hbm>>) target(%arg9 : memref<80x128xf32, #tpu.memory_space<vmem>>) offsets(%dma_start3A_60 : memref<80xi32, #tpu.memory_space<vmem>>) semaphore(%arg12 : memref<!tpu.dma_semaphore, #tpu.memory_space<semaphore_mem>>)
      } else {
      }
      %dma_wait3A_47 = arith.constant 0 : i32
      %dma_wait3A_48 = arith.constant 0 : i32
      %dma_wait3A_49 = tpu.memref_slice %arg7[%dma_wait3A_47, %dma_wait3A_48] : memref<125x80xi32, #tpu.memory_space<vmem>> -> memref<1x80xi32, #tpu.memory_space<vmem>>
      %dma_wait3A_50 = tpu.memref_squeeze %dma_wait3A_49 : memref<1x80xi32, #tpu.memory_space<vmem>> -> memref<80xi32, #tpu.memory_space<vmem>>
      %dma_wait3A_51 = arith.constant 0 : i32
      %dma_wait3A_52 = arith.constant 0 : i32
      %dma_wait3A_53 = tpu.memref_slice %arg2[%dma_wait3A_51, %dma_wait3A_52] : memref<10240x128xf32, #tpu.memory_space<hbm>> -> memref<10240x128xf32, #tpu.memory_space<hbm>>
      tpu.wait_indirect_dma semaphore(%arg13 : memref<!tpu.dma_semaphore, #tpu.memory_space<semaphore_mem>>) src(%dma_wait3A_53 : memref<10240x128xf32, #tpu.memory_space<hbm>>) dst(%arg10 : memref<80x128xf32, #tpu.memory_space<vmem>>)
      %add3A_54 = arith.constant 1 : i32
      %add3A_55 = arith.addi %mul3A_27, %add3A_54 : i32
      "tpu.region"() ({
        %run_scoped3A_56 = tpu.sem_alloc : memref<!tpu.dma_semaphore, #tpu.memory_space<semaphore_mem>>
        %dma_start3A_57 = arith.constant 0 : i32
        %dma_start3A_58 = tpu.memref_slice %arg8[%add3A_55, %dma_start3A_57] : memref<125x80xi32, #tpu.memory_space<vmem>> -> memref<1x80xi32, #tpu.memory_space<vmem>>
        %dma_start3A_59 = tpu.memref_squeeze %dma_start3A_58 : memref<1x80xi32, #tpu.memory_space<vmem>> -> memref<80xi32, #tpu.memory_space<vmem>>
        %dma_start3A_60 = arith.constant 0 : i32
        %dma_start3A_61 = arith.constant 0 : i32
        %dma_start3A_62 = tpu.memref_slice %arg11[%dma_start3A_60, %dma_start3A_61] : memref<10240x128xf32, #tpu.memory_space<vmem_shared>> -> memref<10240x128xf32, #tpu.memory_space<vmem_shared>>
        tpu.enqueue_indirect_dma source(%arg10 : memref<80x128xf32, #tpu.memory_space<vmem>>) target(%dma_start3A_62 : memref<10240x128xf32, #tpu.memory_space<vmem_shared>>) offsets(%dma_start3A_59 : memref<80xi32, #tpu.memory_space<vmem>>) semaphore(%run_scoped3A_56 : memref<!tpu.dma_semaphore, #tpu.memory_space<semaphore_mem>>) {add = true}
        %dma_wait3A_63 = arith.constant 0 : i32
        %dma_wait3A_64 = tpu.memref_slice %arg8[%add3A_55, %dma_wait3A_63] : memref<125x80xi32, #tpu.memory_space<vmem>> -> memref<1x80xi32, #tpu.memory_space<vmem>>
        %dma_wait3A_65 = tpu.memref_squeeze %dma_wait3A_64 : memref<1x80xi32, #tpu.memory_space<vmem>> -> memref<80xi32, #tpu.memory_space<vmem>>
        %dma_wait3A_66 = arith.constant 0 : i32
        %dma_wait3A_67 = arith.constant 0 : i32
        %dma_wait3A_68 = tpu.memref_slice %arg11[%dma_wait3A_66, %dma_wait3A_67] : memref<10240x128xf32, #tpu.memory_space<vmem_shared>> -> memref<10240x128xf32, #tpu.memory_space<vmem_shared>>
        tpu.wait_indirect_dma semaphore(%run_scoped3A_56 : memref<!tpu.dma_semaphore, #tpu.memory_space<semaphore_mem>>) src(%arg10 : memref<80x128xf32, #tpu.memory_space<vmem>>) dst(%dma_wait3A_68 : memref<10240x128xf32, #tpu.memory_space<vmem_shared>>)
        tpu.yield
      }) : () -> ()
    }
    %scan3A_13 = arith.constant 62 : i32
    %dma_wait3A = arith.constant 0 : i32
    %dma_wait3A_14 = arith.constant 0 : i32
    %dma_wait3A_15 = tpu.memref_slice %arg7[%dma_wait3A, %dma_wait3A_14] : memref<125x80xi32, #tpu.memory_space<vmem>> -> memref<1x80xi32, #tpu.memory_space<vmem>>
    %dma_wait3A_16 = tpu.memref_squeeze %dma_wait3A_15 : memref<1x80xi32, #tpu.memory_space<vmem>> -> memref<80xi32, #tpu.memory_space<vmem>>
    %dma_wait3A_17 = arith.constant 0 : i32
    %dma_wait3A_18 = arith.constant 0 : i32
    %dma_wait3A_19 = tpu.memref_slice %arg2[%dma_wait3A_17, %dma_wait3A_18] : memref<10240x128xf32, #tpu.memory_space<hbm>> -> memref<10240x128xf32, #tpu.memory_space<hbm>>
    tpu.wait_indirect_dma semaphore(%arg12 : memref<!tpu.dma_semaphore, #tpu.memory_space<semaphore_mem>>) src(%dma_wait3A_19 : memref<10240x128xf32, #tpu.memory_space<hbm>>) dst(%arg9 : memref<80x128xf32, #tpu.memory_space<vmem>>)
    %run_scoped3A = arith.constant 124 : i32
    "tpu.region"() ({
      %run_scoped3A_25 = tpu.sem_alloc : memref<!tpu.dma_semaphore, #tpu.memory_space<semaphore_mem>>
      %dma_start3A_26 = arith.constant 0 : i32
      %dma_start3A_27 = tpu.memref_slice %arg8[%run_scoped3A, %dma_start3A_26] : memref<125x80xi32, #tpu.memory_space<vmem>> -> memref<1x80xi32, #tpu.memory_space<vmem>>
      %dma_start3A_28 = tpu.memref_squeeze %dma_start3A_27 : memref<1x80xi32, #tpu.memory_space<vmem>> -> memref<80xi32, #tpu.memory_space<vmem>>
      %dma_start3A_29 = arith.constant 0 : i32
      %dma_start3A_30 = arith.constant 0 : i32
      %dma_start3A_31 = tpu.memref_slice %arg11[%dma_start3A_29, %dma_start3A_30] : memref<10240x128xf32, #tpu.memory_space<vmem_shared>> -> memref<10240x128xf32, #tpu.memory_space<vmem_shared>>
      tpu.enqueue_indirect_dma source(%arg9 : memref<80x128xf32, #tpu.memory_space<vmem>>) target(%dma_start3A_31 : memref<10240x128xf32, #tpu.memory_space<vmem_shared>>) offsets(%dma_start3A_28 : memref<80xi32, #tpu.memory_space<vmem>>) semaphore(%run_scoped3A_25 : memref<!tpu.dma_semaphore, #tpu.memory_space<semaphore_mem>>) {add = true}
      %dma_wait3A_32 = arith.constant 0 : i32
      %dma_wait3A_33 = tpu.memref_slice %arg8[%run_scoped3A, %dma_wait3A_32] : memref<125x80xi32, #tpu.memory_space<vmem>> -> memref<1x80xi32, #tpu.memory_space<vmem>>
      %dma_wait3A_34 = tpu.memref_squeeze %dma_wait3A_33 : memref<1x80xi32, #tpu.memory_space<vmem>> -> memref<80xi32, #tpu.memory_space<vmem>>
      %dma_wait3A_35 = arith.constant 0 : i32
      %dma_wait3A_36 = arith.constant 0 : i32
      %dma_wait3A_37 = tpu.memref_slice %arg11[%dma_wait3A_35, %dma_wait3A_36] : memref<10240x128xf32, #tpu.memory_space<vmem_shared>> -> memref<10240x128xf32, #tpu.memory_space<vmem_shared>>
      tpu.wait_indirect_dma semaphore(%run_scoped3A_25 : memref<!tpu.dma_semaphore, #tpu.memory_space<semaphore_mem>>) src(%arg9 : memref<80x128xf32, #tpu.memory_space<vmem>>) dst(%dma_wait3A_37 : memref<10240x128xf32, #tpu.memory_space<vmem_shared>>)
      tpu.yield
    }) : () -> ()
    %barrier3A_20 = arith.constant 0 : index
    tpu.barrier barrier_id(%barrier3A_20)
    %mul3A_21 = arith.constant 640 : i32
    %mul3A_22 = arith.muli %arg1, %mul3A_21 : i32
    %mul3A_23 = arith.constant 640 : i32
    %mul3A_24 = arith.muli %arg1, %mul3A_23 : i32
    "tpu.region"() ({
      %run_scoped3A_25 = tpu.sem_alloc : memref<!tpu.dma_semaphore, #tpu.memory_space<semaphore_mem>>
      %dma_start3A_26 = arith.constant 0 : i32
      %dma_start3A_27 = tpu.memref_slice %arg6[%arg0, %mul3A_24, %dma_start3A_26] : memref<2x10240x128xf32, #tpu.memory_space<hbm>> -> memref<1x640x128xf32, #tpu.memory_space<hbm>>
      %dma_start3A_28 = tpu.memref_squeeze %dma_start3A_27 : memref<1x640x128xf32, #tpu.memory_space<hbm>> -> memref<640x128xf32, #tpu.memory_space<hbm>>
      %dma_start3A_29 = arith.constant 0 : i32
      %dma_start3A_30 = tpu.memref_slice %arg11[%mul3A_22, %dma_start3A_29] : memref<10240x128xf32, #tpu.memory_space<vmem_shared>> -> memref<640x128xf32, #tpu.memory_space<vmem_shared>>
      tpu.enqueue_dma source(%dma_start3A_30 : memref<640x128xf32, #tpu.memory_space<vmem_shared>>) target(%dma_start3A_28 : memref<640x128xf32, #tpu.memory_space<hbm>>) target_semaphore(%run_scoped3A_25 : memref<!tpu.dma_semaphore, #tpu.memory_space<semaphore_mem>>)
      %dma_wait3A_31 = arith.constant 0 : i32
      %dma_wait3A_32 = tpu.memref_slice %arg6[%arg0, %mul3A_24, %dma_wait3A_31] : memref<2x10240x128xf32, #tpu.memory_space<hbm>> -> memref<1x640x128xf32, #tpu.memory_space<hbm>>
      %dma_wait3A_33 = tpu.memref_squeeze %dma_wait3A_32 : memref<1x640x128xf32, #tpu.memory_space<hbm>> -> memref<640x128xf32, #tpu.memory_space<hbm>>
      %dma_wait3A_34 = arith.constant 0 : i32
      %dma_wait3A_35 = tpu.memref_slice %arg11[%mul3A_22, %dma_wait3A_34] : memref<10240x128xf32, #tpu.memory_space<vmem_shared>> -> memref<640x128xf32, #tpu.memory_space<vmem_shared>>
      tpu.wait_dma2 semaphore(%run_scoped3A_25 : memref<!tpu.dma_semaphore, #tpu.memory_space<semaphore_mem>>) src(%dma_wait3A_35 : memref<640x128xf32, #tpu.memory_space<vmem_shared>>) dst(%dma_wait3A_33 : memref<640x128xf32, #tpu.memory_space<hbm>>)
      tpu.yield
    }) : () -> ()
    return
  }
}

#map = affine_map<(d0, d1) -> (0, 0)>
#map1 = affine_map<(d0, d1) -> (0, 0, 0)>
module attributes {stable_mosaic.version = 14 : i64} {
  func.func @body(%arg0: i32, %arg1: i32, %arg2: memref<10240x128xf32, #tpu.memory_space<hbm>>, %arg3: memref<32x125x80xi32, #tpu.memory_space<hbm>>, %arg4: memref<32x125x80xi32, #tpu.memory_space<hbm>>, %arg5: memref<640x128xf32, #tpu.memory_space<hbm>>, %arg6: memref<2x10240x128xf32, #tpu.memory_space<hbm>>, %arg7: memref<125x80xi32, #tpu.memory_space<vmem>>, %arg8: memref<125x80xi32, #tpu.memory_space<vmem>>, %arg9: memref<80x128xf32, #tpu.memory_space<vmem>>, %arg10: memref<80x128xf32, #tpu.memory_space<vmem>>, %arg11: memref<10240x128xf32, #tpu.memory_space<vmem_shared>>, %arg12: memref<!tpu.dma_semaphore, #tpu.memory_space<semaphore_mem>>, %arg13: memref<!tpu.dma_semaphore, #tpu.memory_space<semaphore_mem>>) attributes {dimension_semantics = [#tpu.dimension_semantics<core_parallel>, #tpu.dimension_semantics<subcore_parallel>], iteration_bounds = array<i64: 2, 16>, scalar_prefetch = 0 : i64, scratch_operands = 7 : i64, tpu.core_type = #tpu.core_type<sc_vector_subcore>, window_params = [{transform_indices = #map}, {transform_indices = #map1}, {transform_indices = #map1}, {transform_indices = #map}, {transform_indices = #map1}]} {
    %mul3A = arith.constant 16 : i32
    %mul3A_0 = arith.muli %arg0, %mul3A : i32
    %add3A = arith.addi %mul3A_0, %arg1 : i32
    "tpu.region"() ({
      %run_scoped3A_25 = tpu.sem_alloc : memref<!tpu.dma_semaphore, #tpu.memory_space<semaphore_mem>>
      %dma_start3A_26 = arith.constant 0 : i32
      %dma_start3A_27 = arith.constant 0 : i32
      %dma_start3A_28 = tpu.memref_slice %arg3[%add3A, %dma_start3A_26, %dma_start3A_27] : memref<32x125x80xi32, #tpu.memory_space<hbm>> -> memref<1x125x80xi32, #tpu.memory_space<hbm>>
      %dma_start3A_29 = tpu.memref_squeeze %dma_start3A_28 : memref<1x125x80xi32, #tpu.memory_space<hbm>> -> memref<125x80xi32, #tpu.memory_space<hbm>>
      %dma_start3A_30 = arith.constant 0 : i32
      %dma_start3A_31 = arith.constant 0 : i32
      %dma_start3A_32 = tpu.memref_slice %arg3[%add3A, %dma_start3A_30, %dma_start3A_31] : memref<32x125x80xi32, #tpu.memory_space<hbm>> -> memref<1x125x80xi32, #tpu.memory_space<hbm>>
      %dma_start3A_33 = tpu.memref_squeeze %dma_start3A_32 : memref<1x125x80xi32, #tpu.memory_space<hbm>> -> memref<125x80xi32, #tpu.memory_space<hbm>>
      tpu.enqueue_dma source(%dma_start3A_33 : memref<125x80xi32, #tpu.memory_space<hbm>>) target(%arg7 : memref<125x80xi32, #tpu.memory_space<vmem>>) target_semaphore(%run_scoped3A_25 : memref<!tpu.dma_semaphore, #tpu.memory_space<semaphore_mem>>)
      %dma_wait3A_34 = arith.constant 0 : i32
      %dma_wait3A_35 = arith.constant 0 : i32
      %dma_wait3A_36 = tpu.memref_slice %arg3[%add3A, %dma_wait3A_34, %dma_wait3A_35] : memref<32x125x80xi32, #tpu.memory_space<hbm>> -> memref<1x125x80xi32, #tpu.memory_space<hbm>>
      %dma_wait3A_37 = tpu.memref_squeeze %dma_wait3A_36 : memref<1x125x80xi32, #tpu.memory_space<hbm>> -> memref<125x80xi32, #tpu.memory_space<hbm>>
      %dma_wait3A_38 = arith.constant 0 : i32
      %dma_wait3A_39 = arith.constant 0 : i32
      %dma_wait3A_40 = tpu.memref_slice %arg3[%add3A, %dma_wait3A_38, %dma_wait3A_39] : memref<32x125x80xi32, #tpu.memory_space<hbm>> -> memref<1x125x80xi32, #tpu.memory_space<hbm>>
      %dma_wait3A_41 = tpu.memref_squeeze %dma_wait3A_40 : memref<1x125x80xi32, #tpu.memory_space<hbm>> -> memref<125x80xi32, #tpu.memory_space<hbm>>
      tpu.wait_dma2 semaphore(%run_scoped3A_25 : memref<!tpu.dma_semaphore, #tpu.memory_space<semaphore_mem>>) src(%dma_wait3A_41 : memref<125x80xi32, #tpu.memory_space<hbm>>) dst(%arg7 : memref<125x80xi32, #tpu.memory_space<vmem>>)
      tpu.yield
    }) : () -> ()
    "tpu.region"() ({
      %run_scoped3A_25 = tpu.sem_alloc : memref<!tpu.dma_semaphore, #tpu.memory_space<semaphore_mem>>
      %dma_start3A_26 = arith.constant 0 : i32
      %dma_start3A_27 = arith.constant 0 : i32
      %dma_start3A_28 = tpu.memref_slice %arg4[%add3A, %dma_start3A_26, %dma_start3A_27] : memref<32x125x80xi32, #tpu.memory_space<hbm>> -> memref<1x125x80xi32, #tpu.memory_space<hbm>>
      %dma_start3A_29 = tpu.memref_squeeze %dma_start3A_28 : memref<1x125x80xi32, #tpu.memory_space<hbm>> -> memref<125x80xi32, #tpu.memory_space<hbm>>
      %dma_start3A_30 = arith.constant 0 : i32
      %dma_start3A_31 = arith.constant 0 : i32
      %dma_start3A_32 = tpu.memref_slice %arg4[%add3A, %dma_start3A_30, %dma_start3A_31] : memref<32x125x80xi32, #tpu.memory_space<hbm>> -> memref<1x125x80xi32, #tpu.memory_space<hbm>>
      %dma_start3A_33 = tpu.memref_squeeze %dma_start3A_32 : memref<1x125x80xi32, #tpu.memory_space<hbm>> -> memref<125x80xi32, #tpu.memory_space<hbm>>
      tpu.enqueue_dma source(%dma_start3A_33 : memref<125x80xi32, #tpu.memory_space<hbm>>) target(%arg8 : memref<125x80xi32, #tpu.memory_space<vmem>>) target_semaphore(%run_scoped3A_25 : memref<!tpu.dma_semaphore, #tpu.memory_space<semaphore_mem>>)
      %dma_wait3A_34 = arith.constant 0 : i32
      %dma_wait3A_35 = arith.constant 0 : i32
      %dma_wait3A_36 = tpu.memref_slice %arg4[%add3A, %dma_wait3A_34, %dma_wait3A_35] : memref<32x125x80xi32, #tpu.memory_space<hbm>> -> memref<1x125x80xi32, #tpu.memory_space<hbm>>
      %dma_wait3A_37 = tpu.memref_squeeze %dma_wait3A_36 : memref<1x125x80xi32, #tpu.memory_space<hbm>> -> memref<125x80xi32, #tpu.memory_space<hbm>>
      %dma_wait3A_38 = arith.constant 0 : i32
      %dma_wait3A_39 = arith.constant 0 : i32
      %dma_wait3A_40 = tpu.memref_slice %arg4[%add3A, %dma_wait3A_38, %dma_wait3A_39] : memref<32x125x80xi32, #tpu.memory_space<hbm>> -> memref<1x125x80xi32, #tpu.memory_space<hbm>>
      %dma_wait3A_41 = tpu.memref_squeeze %dma_wait3A_40 : memref<1x125x80xi32, #tpu.memory_space<hbm>> -> memref<125x80xi32, #tpu.memory_space<hbm>>
      tpu.wait_dma2 semaphore(%run_scoped3A_25 : memref<!tpu.dma_semaphore, #tpu.memory_space<semaphore_mem>>) src(%dma_wait3A_41 : memref<125x80xi32, #tpu.memory_space<hbm>>) dst(%arg8 : memref<125x80xi32, #tpu.memory_space<vmem>>)
      tpu.yield
    }) : () -> ()
    %mul3A_1 = arith.constant 640 : i32
    %mul3A_2 = arith.muli %arg1, %mul3A_1 : i32
    "tpu.region"() ({
      %run_scoped3A_25 = tpu.sem_alloc : memref<!tpu.dma_semaphore, #tpu.memory_space<semaphore_mem>>
      %dma_start3A_26 = arith.constant 0 : i32
      %dma_start3A_27 = tpu.memref_slice %arg11[%mul3A_2, %dma_start3A_26] : memref<10240x128xf32, #tpu.memory_space<vmem_shared>> -> memref<640x128xf32, #tpu.memory_space<vmem_shared>>
      tpu.enqueue_dma source(%arg5 : memref<640x128xf32, #tpu.memory_space<hbm>>) target(%dma_start3A_27 : memref<640x128xf32, #tpu.memory_space<vmem_shared>>) target_semaphore(%run_scoped3A_25 : memref<!tpu.dma_semaphore, #tpu.memory_space<semaphore_mem>>)
      %dma_wait3A_28 = arith.constant 0 : i32
      %dma_wait3A_29 = tpu.memref_slice %arg11[%mul3A_2, %dma_wait3A_28] : memref<10240x128xf32, #tpu.memory_space<vmem_shared>> -> memref<640x128xf32, #tpu.memory_space<vmem_shared>>
      tpu.wait_dma2 semaphore(%run_scoped3A_25 : memref<!tpu.dma_semaphore, #tpu.memory_space<semaphore_mem>>) src(%arg5 : memref<640x128xf32, #tpu.memory_space<hbm>>) dst(%dma_wait3A_29 : memref<640x128xf32, #tpu.memory_space<vmem_shared>>)
      tpu.yield
    }) : () -> ()
    %barrier3A = arith.constant 0 : index
    tpu.barrier barrier_id(%barrier3A)
    %dma_start3A = arith.constant 0 : i32
    %dma_start3A_3 = arith.constant 0 : i32
    %dma_start3A_4 = tpu.memref_slice %arg7[%dma_start3A, %dma_start3A_3] : memref<125x80xi32, #tpu.memory_space<vmem>> -> memref<1x80xi32, #tpu.memory_space<vmem>>
    %dma_start3A_5 = tpu.memref_squeeze %dma_start3A_4 : memref<1x80xi32, #tpu.memory_space<vmem>> -> memref<80xi32, #tpu.memory_space<vmem>>
    %dma_start3A_6 = arith.constant 0 : i32
    %dma_start3A_7 = arith.constant 0 : i32
    %dma_start3A_8 = tpu.memref_slice %arg2[%dma_start3A_6, %dma_start3A_7] : memref<10240x128xf32, #tpu.memory_space<hbm>> -> memref<10240x128xf32, #tpu.memory_space<hbm>>
    tpu.enqueue_indirect_dma source(%dma_start3A_8 : memref<10240x128xf32, #tpu.memory_space<hbm>>) target(%arg9 : memref<80x128xf32, #tpu.memory_space<vmem>>) offsets(%dma_start3A_5 : memref<80xi32, #tpu.memory_space<vmem>>) semaphore(%arg12 : memref<!tpu.dma_semaphore, #tpu.memory_space<semaphore_mem>>)
    %scan3A = arith.constant 0 : i32
    %scan3A_9 = arith.constant 0 : i32
    %scan3A_10 = arith.constant 62 : i32
    %scan3A_11 = arith.addi %scan3A_9, %scan3A_10 : i32
    %scan3A_12 = arith.constant 1 : i32
    scf.for %scan3A_25 = %scan3A_9 to %scan3A_11 step %scan3A_12  : i32 {
      %mul3A_26 = arith.constant 2 : i32
      %mul3A_27 = arith.muli %scan3A_25, %mul3A_26 : i32
      %add3A_28 = arith.constant 1 : i32
      %add3A_29 = arith.addi %mul3A_27, %add3A_28 : i32
      %dma_start3A_30 = arith.constant 0 : i32
      %dma_start3A_31 = tpu.memref_slice %arg7[%add3A_29, %dma_start3A_30] : memref<125x80xi32, #tpu.memory_space<vmem>> -> memref<1x80xi32, #tpu.memory_space<vmem>>
      %dma_start3A_32 = tpu.memref_squeeze %dma_start3A_31 : memref<1x80xi32, #tpu.memory_space<vmem>> -> memref<80xi32, #tpu.memory_space<vmem>>
      %dma_start3A_33 = arith.constant 0 : i32
      %dma_start3A_34 = arith.constant 0 : i32
      %dma_start3A_35 = tpu.memref_slice %arg2[%dma_start3A_33, %dma_start3A_34] : memref<10240x128xf32, #tpu.memory_space<hbm>> -> memref<10240x128xf32, #tpu.memory_space<hbm>>
      tpu.enqueue_indirect_dma source(%dma_start3A_35 : memref<10240x128xf32, #tpu.memory_space<hbm>>) target(%arg10 : memref<80x128xf32, #tpu.memory_space<vmem>>) offsets(%dma_start3A_32 : memref<80xi32, #tpu.memory_space<vmem>>) semaphore(%arg13 : memref<!tpu.dma_semaphore, #tpu.memory_space<semaphore_mem>>)
      %dma_wait3A_36 = arith.constant 0 : i32
      %dma_wait3A_37 = arith.constant 0 : i32
      %dma_wait3A_38 = tpu.memref_slice %arg7[%dma_wait3A_36, %dma_wait3A_37] : memref<125x80xi32, #tpu.memory_space<vmem>> -> memref<1x80xi32, #tpu.memory_space<vmem>>
      %dma_wait3A_39 = tpu.memref_squeeze %dma_wait3A_38 : memref<1x80xi32, #tpu.memory_space<vmem>> -> memref<80xi32, #tpu.memory_space<vmem>>
      %dma_wait3A_40 = arith.constant 0 : i32
      %dma_wait3A_41 = arith.constant 0 : i32
      %dma_wait3A_42 = tpu.memref_slice %arg2[%dma_wait3A_40, %dma_wait3A_41] : memref<10240x128xf32, #tpu.memory_space<hbm>> -> memref<10240x128xf32, #tpu.memory_space<hbm>>
      tpu.wait_indirect_dma semaphore(%arg12 : memref<!tpu.dma_semaphore, #tpu.memory_space<semaphore_mem>>) src(%dma_wait3A_42 : memref<10240x128xf32, #tpu.memory_space<hbm>>) dst(%arg9 : memref<80x128xf32, #tpu.memory_space<vmem>>)
      "tpu.region"() ({
        %run_scoped3A_56 = tpu.sem_alloc : memref<!tpu.dma_semaphore, #tpu.memory_space<semaphore_mem>>
        %dma_start3A_57 = arith.constant 0 : i32
        %dma_start3A_58 = tpu.memref_slice %arg8[%mul3A_27, %dma_start3A_57] : memref<125x80xi32, #tpu.memory_space<vmem>> -> memref<1x80xi32, #tpu.memory_space<vmem>>
        %dma_start3A_59 = tpu.memref_squeeze %dma_start3A_58 : memref<1x80xi32, #tpu.memory_space<vmem>> -> memref<80xi32, #tpu.memory_space<vmem>>
        %dma_start3A_60 = arith.constant 0 : i32
        %dma_start3A_61 = arith.constant 0 : i32
        %dma_start3A_62 = tpu.memref_slice %arg11[%dma_start3A_60, %dma_start3A_61] : memref<10240x128xf32, #tpu.memory_space<vmem_shared>> -> memref<10240x128xf32, #tpu.memory_space<vmem_shared>>
        tpu.enqueue_indirect_dma source(%arg9 : memref<80x128xf32, #tpu.memory_space<vmem>>) target(%dma_start3A_62 : memref<10240x128xf32, #tpu.memory_space<vmem_shared>>) offsets(%dma_start3A_59 : memref<80xi32, #tpu.memory_space<vmem>>) semaphore(%run_scoped3A_56 : memref<!tpu.dma_semaphore, #tpu.memory_space<semaphore_mem>>) {add = true}
        %dma_wait3A_63 = arith.constant 0 : i32
        %dma_wait3A_64 = tpu.memref_slice %arg8[%mul3A_27, %dma_wait3A_63] : memref<125x80xi32, #tpu.memory_space<vmem>> -> memref<1x80xi32, #tpu.memory_space<vmem>>
        %dma_wait3A_65 = tpu.memref_squeeze %dma_wait3A_64 : memref<1x80xi32, #tpu.memory_space<vmem>> -> memref<80xi32, #tpu.memory_space<vmem>>
        %dma_wait3A_66 = arith.constant 0 : i32
        %dma_wait3A_67 = arith.constant 0 : i32
        %dma_wait3A_68 = tpu.memref_slice %arg11[%dma_wait3A_66, %dma_wait3A_67] : memref<10240x128xf32, #tpu.memory_space<vmem_shared>> -> memref<10240x128xf32, #tpu.memory_space<vmem_shared>>
        tpu.wait_indirect_dma semaphore(%run_scoped3A_56 : memref<!tpu.dma_semaphore, #tpu.memory_space<semaphore_mem>>) src(%arg9 : memref<80x128xf32, #tpu.memory_space<vmem>>) dst(%dma_wait3A_68 : memref<10240x128xf32, #tpu.memory_space<vmem_shared>>)
        tpu.yield
      }) : () -> ()
      %add3A_43 = arith.constant 2 : i32
      %add3A_44 = arith.addi %mul3A_27, %add3A_43 : i32
      %lt3A = arith.constant 125 : i32
      %lt3A_45 = arith.cmpi slt, %add3A_44, %lt3A : i32
      %convert_element_type3A = arith.extui %lt3A_45 : i1 to i32
      %cond3A = arith.constant 0 : i32
      %cond3A_46 = arith.cmpi ne, %convert_element_type3A, %cond3A : i32
      scf.if %cond3A_46 {
        %add3A_56 = arith.constant 2 : i32
        %add3A_57 = arith.addi %mul3A_27, %add3A_56 : i32
        %dma_start3A_58 = arith.constant 0 : i32
        %dma_start3A_59 = tpu.memref_slice %arg7[%add3A_57, %dma_start3A_58] : memref<125x80xi32, #tpu.memory_space<vmem>> -> memref<1x80xi32, #tpu.memory_space<vmem>>
        %dma_start3A_60 = tpu.memref_squeeze %dma_start3A_59 : memref<1x80xi32, #tpu.memory_space<vmem>> -> memref<80xi32, #tpu.memory_space<vmem>>
        %dma_start3A_61 = arith.constant 0 : i32
        %dma_start3A_62 = arith.constant 0 : i32
        %dma_start3A_63 = tpu.memref_slice %arg2[%dma_start3A_61, %dma_start3A_62] : memref<10240x128xf32, #tpu.memory_space<hbm>> -> memref<10240x128xf32, #tpu.memory_space<hbm>>
        tpu.enqueue_indirect_dma source(%dma_start3A_63 : memref<10240x128xf32, #tpu.memory_space<hbm>>) target(%arg9 : memref<80x128xf32, #tpu.memory_space<vmem>>) offsets(%dma_start3A_60 : memref<80xi32, #tpu.memory_space<vmem>>) semaphore(%arg12 : memref<!tpu.dma_semaphore, #tpu.memory_space<semaphore_mem>>)
      } else {
      }
      %dma_wait3A_47 = arith.constant 0 : i32
      %dma_wait3A_48 = arith.constant 0 : i32
      %dma_wait3A_49 = tpu.memref_slice %arg7[%dma_wait3A_47, %dma_wait3A_48] : memref<125x80xi32, #tpu.memory_space<vmem>> -> memref<1x80xi32, #tpu.memory_space<vmem>>
      %dma_wait3A_50 = tpu.memref_squeeze %dma_wait3A_49 : memref<1x80xi32, #tpu.memory_space<vmem>> -> memref<80xi32, #tpu.memory_space<vmem>>
      %dma_wait3A_51 = arith.constant 0 : i32
      %dma_wait3A_52 = arith.constant 0 : i32
      %dma_wait3A_53 = tpu.memref_slice %arg2[%dma_wait3A_51, %dma_wait3A_52] : memref<10240x128xf32, #tpu.memory_space<hbm>> -> memref<10240x128xf32, #tpu.memory_space<hbm>>
      tpu.wait_indirect_dma semaphore(%arg13 : memref<!tpu.dma_semaphore, #tpu.memory_space<semaphore_mem>>) src(%dma_wait3A_53 : memref<10240x128xf32, #tpu.memory_space<hbm>>) dst(%arg10 : memref<80x128xf32, #tpu.memory_space<vmem>>)
      %add3A_54 = arith.constant 1 : i32
      %add3A_55 = arith.addi %mul3A_27, %add3A_54 : i32
      "tpu.region"() ({
        %run_scoped3A_56 = tpu.sem_alloc : memref<!tpu.dma_semaphore, #tpu.memory_space<semaphore_mem>>
        %dma_start3A_57 = arith.constant 0 : i32
        %dma_start3A_58 = tpu.memref_slice %arg8[%add3A_55, %dma_start3A_57] : memref<125x80xi32, #tpu.memory_space<vmem>> -> memref<1x80xi32, #tpu.memory_space<vmem>>
        %dma_start3A_59 = tpu.memref_squeeze %dma_start3A_58 : memref<1x80xi32, #tpu.memory_space<vmem>> -> memref<80xi32, #tpu.memory_space<vmem>>
        %dma_start3A_60 = arith.constant 0 : i32
        %dma_start3A_61 = arith.constant 0 : i32
        %dma_start3A_62 = tpu.memref_slice %arg11[%dma_start3A_60, %dma_start3A_61] : memref<10240x128xf32, #tpu.memory_space<vmem_shared>> -> memref<10240x128xf32, #tpu.memory_space<vmem_shared>>
        tpu.enqueue_indirect_dma source(%arg10 : memref<80x128xf32, #tpu.memory_space<vmem>>) target(%dma_start3A_62 : memref<10240x128xf32, #tpu.memory_space<vmem_shared>>) offsets(%dma_start3A_59 : memref<80xi32, #tpu.memory_space<vmem>>) semaphore(%run_scoped3A_56 : memref<!tpu.dma_semaphore, #tpu.memory_space<semaphore_mem>>) {add = true}
        %dma_wait3A_63 = arith.constant 0 : i32
        %dma_wait3A_64 = tpu.memref_slice %arg8[%add3A_55, %dma_wait3A_63] : memref<125x80xi32, #tpu.memory_space<vmem>> -> memref<1x80xi32, #tpu.memory_space<vmem>>
        %dma_wait3A_65 = tpu.memref_squeeze %dma_wait3A_64 : memref<1x80xi32, #tpu.memory_space<vmem>> -> memref<80xi32, #tpu.memory_space<vmem>>
        %dma_wait3A_66 = arith.constant 0 : i32
        %dma_wait3A_67 = arith.constant 0 : i32
        %dma_wait3A_68 = tpu.memref_slice %arg11[%dma_wait3A_66, %dma_wait3A_67] : memref<10240x128xf32, #tpu.memory_space<vmem_shared>> -> memref<10240x128xf32, #tpu.memory_space<vmem_shared>>
        tpu.wait_indirect_dma semaphore(%run_scoped3A_56 : memref<!tpu.dma_semaphore, #tpu.memory_space<semaphore_mem>>) src(%arg10 : memref<80x128xf32, #tpu.memory_space<vmem>>) dst(%dma_wait3A_68 : memref<10240x128xf32, #tpu.memory_space<vmem_shared>>)
        tpu.yield
      }) : () -> ()
    }
    %scan3A_13 = arith.constant 62 : i32
    %dma_wait3A = arith.constant 0 : i32
    %dma_wait3A_14 = arith.constant 0 : i32
    %dma_wait3A_15 = tpu.memref_slice %arg7[%dma_wait3A, %dma_wait3A_14] : memref<125x80xi32, #tpu.memory_space<vmem>> -> memref<1x80xi32, #tpu.memory_space<vmem>>
    %dma_wait3A_16 = tpu.memref_squeeze %dma_wait3A_15 : memref<1x80xi32, #tpu.memory_space<vmem>> -> memref<80xi32, #tpu.memory_space<vmem>>
    %dma_wait3A_17 = arith.constant 0 : i32
    %dma_wait3A_18 = arith.constant 0 : i32
    %dma_wait3A_19 = tpu.memref_slice %arg2[%dma_wait3A_17, %dma_wait3A_18] : memref<10240x128xf32, #tpu.memory_space<hbm>> -> memref<10240x128xf32, #tpu.memory_space<hbm>>
    tpu.wait_indirect_dma semaphore(%arg12 : memref<!tpu.dma_semaphore, #tpu.memory_space<semaphore_mem>>) src(%dma_wait3A_19 : memref<10240x128xf32, #tpu.memory_space<hbm>>) dst(%arg9 : memref<80x128xf32, #tpu.memory_space<vmem>>)
    %run_scoped3A = arith.constant 124 : i32
    "tpu.region"() ({
      %run_scoped3A_25 = tpu.sem_alloc : memref<!tpu.dma_semaphore, #tpu.memory_space<semaphore_mem>>
      %dma_start3A_26 = arith.constant 0 : i32
      %dma_start3A_27 = tpu.memref_slice %arg8[%run_scoped3A, %dma_start3A_26] : memref<125x80xi32, #tpu.memory_space<vmem>> -> memref<1x80xi32, #tpu.memory_space<vmem>>
      %dma_start3A_28 = tpu.memref_squeeze %dma_start3A_27 : memref<1x80xi32, #tpu.memory_space<vmem>> -> memref<80xi32, #tpu.memory_space<vmem>>
      %dma_start3A_29 = arith.constant 0 : i32
      %dma_start3A_30 = arith.constant 0 : i32
      %dma_start3A_31 = tpu.memref_slice %arg11[%dma_start3A_29, %dma_start3A_30] : memref<10240x128xf32, #tpu.memory_space<vmem_shared>> -> memref<10240x128xf32, #tpu.memory_space<vmem_shared>>
      tpu.enqueue_indirect_dma source(%arg9 : memref<80x128xf32, #tpu.memory_space<vmem>>) target(%dma_start3A_31 : memref<10240x128xf32, #tpu.memory_space<vmem_shared>>) offsets(%dma_start3A_28 : memref<80xi32, #tpu.memory_space<vmem>>) semaphore(%run_scoped3A_25 : memref<!tpu.dma_semaphore, #tpu.memory_space<semaphore_mem>>) {add = true}
      %dma_wait3A_32 = arith.constant 0 : i32
      %dma_wait3A_33 = tpu.memref_slice %arg8[%run_scoped3A, %dma_wait3A_32] : memref<125x80xi32, #tpu.memory_space<vmem>> -> memref<1x80xi32, #tpu.memory_space<vmem>>
      %dma_wait3A_34 = tpu.memref_squeeze %dma_wait3A_33 : memref<1x80xi32, #tpu.memory_space<vmem>> -> memref<80xi32, #tpu.memory_space<vmem>>
      %dma_wait3A_35 = arith.constant 0 : i32
      %dma_wait3A_36 = arith.constant 0 : i32
      %dma_wait3A_37 = tpu.memref_slice %arg11[%dma_wait3A_35, %dma_wait3A_36] : memref<10240x128xf32, #tpu.memory_space<vmem_shared>> -> memref<10240x128xf32, #tpu.memory_space<vmem_shared>>
      tpu.wait_indirect_dma semaphore(%run_scoped3A_25 : memref<!tpu.dma_semaphore, #tpu.memory_space<semaphore_mem>>) src(%arg9 : memref<80x128xf32, #tpu.memory_space<vmem>>) dst(%dma_wait3A_37 : memref<10240x128xf32, #tpu.memory_space<vmem_shared>>)
      tpu.yield
    }) : () -> ()
    %barrier3A_20 = arith.constant 0 : index
    tpu.barrier barrier_id(%barrier3A_20)
    %mul3A_21 = arith.constant 640 : i32
    %mul3A_22 = arith.muli %arg1, %mul3A_21 : i32
    %mul3A_23 = arith.constant 640 : i32
    %mul3A_24 = arith.muli %arg1, %mul3A_23 : i32
    "tpu.region"() ({
      %run_scoped3A_25 = tpu.sem_alloc : memref<!tpu.dma_semaphore, #tpu.memory_space<semaphore_mem>>
      %dma_start3A_26 = arith.constant 0 : i32
      %dma_start3A_27 = tpu.memref_slice %arg6[%arg0, %mul3A_24, %dma_start3A_26] : memref<2x10240x128xf32, #tpu.memory_space<hbm>> -> memref<1x640x128xf32, #tpu.memory_space<hbm>>
      %dma_start3A_28 = tpu.memref_squeeze %dma_start3A_27 : memref<1x640x128xf32, #tpu.memory_space<hbm>> -> memref<640x128xf32, #tpu.memory_space<hbm>>
      %dma_start3A_29 = arith.constant 0 : i32
      %dma_start3A_30 = tpu.memref_slice %arg11[%mul3A_22, %dma_start3A_29] : memref<10240x128xf32, #tpu.memory_space<vmem_shared>> -> memref<640x128xf32, #tpu.memory_space<vmem_shared>>
      tpu.enqueue_dma source(%dma_start3A_30 : memref<640x128xf32, #tpu.memory_space<vmem_shared>>) target(%dma_start3A_28 : memref<640x128xf32, #tpu.memory_space<hbm>>) target_semaphore(%run_scoped3A_25 : memref<!tpu.dma_semaphore, #tpu.memory_space<semaphore_mem>>)
      %dma_wait3A_31 = arith.constant 0 : i32
      %dma_wait3A_32 = tpu.memref_slice %arg6[%arg0, %mul3A_24, %dma_wait3A_31] : memref<2x10240x128xf32, #tpu.memory_space<hbm>> -> memref<1x640x128xf32, #tpu.memory_space<hbm>>
      %dma_wait3A_33 = tpu.memref_squeeze %dma_wait3A_32 : memref<1x640x128xf32, #tpu.memory_space<hbm>> -> memref<640x128xf32, #tpu.memory_space<hbm>>
      %dma_wait3A_34 = arith.constant 0 : i32
      %dma_wait3A_35 = tpu.memref_slice %arg11[%mul3A_22, %dma_wait3A_34] : memref<10240x128xf32, #tpu.memory_space<vmem_shared>> -> memref<640x128xf32, #tpu.memory_space<vmem_shared>>
      tpu.wait_dma2 semaphore(%run_scoped3A_25 : memref<!tpu.dma_semaphore, #tpu.memory_space<semaphore_mem>>) src(%dma_wait3A_35 : memref<640x128xf32, #tpu.memory_space<vmem_shared>>) dst(%dma_wait3A_33 : memref<640x128xf32, #tpu.memory_space<hbm>>)
      tpu.yield
    }) : () -> ()
    return
  }
}

#map = affine_map<(d0, d1) -> (0, 0)>
#map1 = affine_map<(d0, d1) -> (0, 0, 0)>
module attributes {stable_mosaic.version = 14 : i64} {
  func.func @body(%arg0: i32, %arg1: i32, %arg2: memref<10240x16xf32, #tpu.memory_space<hbm>>, %arg3: memref<32x80x125xi32, #tpu.memory_space<hbm>>, %arg4: memref<32x80x125xi32, #tpu.memory_space<hbm>>, %arg5: memref<640x16xf32, #tpu.memory_space<hbm>>, %arg6: memref<2x10240x16xf32, #tpu.memory_space<hbm>>, %arg7: memref<80x125xi32, #tpu.memory_space<vmem>>, %arg8: memref<80x125xi32, #tpu.memory_space<vmem>>, %arg9: memref<125x16xf32, #tpu.memory_space<vmem>>, %arg10: memref<125x16xf32, #tpu.memory_space<vmem>>, %arg11: memref<10240x16xf32, #tpu.memory_space<vmem_shared>>, %arg12: memref<!tpu.dma_semaphore, #tpu.memory_space<semaphore_mem>>, %arg13: memref<!tpu.dma_semaphore, #tpu.memory_space<semaphore_mem>>) attributes {dimension_semantics = [#tpu.dimension_semantics<core_parallel>, #tpu.dimension_semantics<subcore_parallel>], iteration_bounds = array<i64: 2, 16>, scalar_prefetch = 0 : i64, scratch_operands = 7 : i64, tpu.core_type = #tpu.core_type<sc_vector_subcore>, window_params = [{transform_indices = #map}, {transform_indices = #map1}, {transform_indices = #map1}, {transform_indices = #map}, {transform_indices = #map1}]} {
    %mul3A = arith.constant 16 : i32
    %mul3A_0 = arith.muli %arg0, %mul3A : i32
    %add3A = arith.addi %mul3A_0, %arg1 : i32
    "tpu.region"() ({
      %run_scoped3A = tpu.sem_alloc : memref<!tpu.dma_semaphore, #tpu.memory_space<semaphore_mem>>
      %dma_start3A_19 = arith.constant 0 : i32
      %dma_start3A_20 = arith.constant 0 : i32
      %dma_start3A_21 = tpu.memref_slice %arg3[%add3A, %dma_start3A_19, %dma_start3A_20] : memref<32x80x125xi32, #tpu.memory_space<hbm>> -> memref<1x80x125xi32, #tpu.memory_space<hbm>>
      %dma_start3A_22 = tpu.memref_squeeze %dma_start3A_21 : memref<1x80x125xi32, #tpu.memory_space<hbm>> -> memref<80x125xi32, #tpu.memory_space<hbm>>
      %dma_start3A_23 = arith.constant 0 : i32
      %dma_start3A_24 = arith.constant 0 : i32
      %dma_start3A_25 = tpu.memref_slice %arg3[%add3A, %dma_start3A_23, %dma_start3A_24] : memref<32x80x125xi32, #tpu.memory_space<hbm>> -> memref<1x80x125xi32, #tpu.memory_space<hbm>>
      %dma_start3A_26 = tpu.memref_squeeze %dma_start3A_25 : memref<1x80x125xi32, #tpu.memory_space<hbm>> -> memref<80x125xi32, #tpu.memory_space<hbm>>
      tpu.enqueue_dma source(%dma_start3A_26 : memref<80x125xi32, #tpu.memory_space<hbm>>) target(%arg7 : memref<80x125xi32, #tpu.memory_space<vmem>>) target_semaphore(%run_scoped3A : memref<!tpu.dma_semaphore, #tpu.memory_space<semaphore_mem>>)
      %dma_wait3A = arith.constant 0 : i32
      %dma_wait3A_27 = arith.constant 0 : i32
      %dma_wait3A_28 = tpu.memref_slice %arg3[%add3A, %dma_wait3A, %dma_wait3A_27] : memref<32x80x125xi32, #tpu.memory_space<hbm>> -> memref<1x80x125xi32, #tpu.memory_space<hbm>>
      %dma_wait3A_29 = tpu.memref_squeeze %dma_wait3A_28 : memref<1x80x125xi32, #tpu.memory_space<hbm>> -> memref<80x125xi32, #tpu.memory_space<hbm>>
      %dma_wait3A_30 = arith.constant 0 : i32
      %dma_wait3A_31 = arith.constant 0 : i32
      %dma_wait3A_32 = tpu.memref_slice %arg3[%add3A, %dma_wait3A_30, %dma_wait3A_31] : memref<32x80x125xi32, #tpu.memory_space<hbm>> -> memref<1x80x125xi32, #tpu.memory_space<hbm>>
      %dma_wait3A_33 = tpu.memref_squeeze %dma_wait3A_32 : memref<1x80x125xi32, #tpu.memory_space<hbm>> -> memref<80x125xi32, #tpu.memory_space<hbm>>
      tpu.wait_dma2 semaphore(%run_scoped3A : memref<!tpu.dma_semaphore, #tpu.memory_space<semaphore_mem>>) src(%dma_wait3A_33 : memref<80x125xi32, #tpu.memory_space<hbm>>) dst(%arg7 : memref<80x125xi32, #tpu.memory_space<vmem>>)
      tpu.yield
    }) : () -> ()
    "tpu.region"() ({
      %run_scoped3A = tpu.sem_alloc : memref<!tpu.dma_semaphore, #tpu.memory_space<semaphore_mem>>
      %dma_start3A_19 = arith.constant 0 : i32
      %dma_start3A_20 = arith.constant 0 : i32
      %dma_start3A_21 = tpu.memref_slice %arg4[%add3A, %dma_start3A_19, %dma_start3A_20] : memref<32x80x125xi32, #tpu.memory_space<hbm>> -> memref<1x80x125xi32, #tpu.memory_space<hbm>>
      %dma_start3A_22 = tpu.memref_squeeze %dma_start3A_21 : memref<1x80x125xi32, #tpu.memory_space<hbm>> -> memref<80x125xi32, #tpu.memory_space<hbm>>
      %dma_start3A_23 = arith.constant 0 : i32
      %dma_start3A_24 = arith.constant 0 : i32
      %dma_start3A_25 = tpu.memref_slice %arg4[%add3A, %dma_start3A_23, %dma_start3A_24] : memref<32x80x125xi32, #tpu.memory_space<hbm>> -> memref<1x80x125xi32, #tpu.memory_space<hbm>>
      %dma_start3A_26 = tpu.memref_squeeze %dma_start3A_25 : memref<1x80x125xi32, #tpu.memory_space<hbm>> -> memref<80x125xi32, #tpu.memory_space<hbm>>
      tpu.enqueue_dma source(%dma_start3A_26 : memref<80x125xi32, #tpu.memory_space<hbm>>) target(%arg8 : memref<80x125xi32, #tpu.memory_space<vmem>>) target_semaphore(%run_scoped3A : memref<!tpu.dma_semaphore, #tpu.memory_space<semaphore_mem>>)
      %dma_wait3A = arith.constant 0 : i32
      %dma_wait3A_27 = arith.constant 0 : i32
      %dma_wait3A_28 = tpu.memref_slice %arg4[%add3A, %dma_wait3A, %dma_wait3A_27] : memref<32x80x125xi32, #tpu.memory_space<hbm>> -> memref<1x80x125xi32, #tpu.memory_space<hbm>>
      %dma_wait3A_29 = tpu.memref_squeeze %dma_wait3A_28 : memref<1x80x125xi32, #tpu.memory_space<hbm>> -> memref<80x125xi32, #tpu.memory_space<hbm>>
      %dma_wait3A_30 = arith.constant 0 : i32
      %dma_wait3A_31 = arith.constant 0 : i32
      %dma_wait3A_32 = tpu.memref_slice %arg4[%add3A, %dma_wait3A_30, %dma_wait3A_31] : memref<32x80x125xi32, #tpu.memory_space<hbm>> -> memref<1x80x125xi32, #tpu.memory_space<hbm>>
      %dma_wait3A_33 = tpu.memref_squeeze %dma_wait3A_32 : memref<1x80x125xi32, #tpu.memory_space<hbm>> -> memref<80x125xi32, #tpu.memory_space<hbm>>
      tpu.wait_dma2 semaphore(%run_scoped3A : memref<!tpu.dma_semaphore, #tpu.memory_space<semaphore_mem>>) src(%dma_wait3A_33 : memref<80x125xi32, #tpu.memory_space<hbm>>) dst(%arg8 : memref<80x125xi32, #tpu.memory_space<vmem>>)
      tpu.yield
    }) : () -> ()
    %mul3A_1 = arith.constant 640 : i32
    %mul3A_2 = arith.muli %arg1, %mul3A_1 : i32
    "tpu.region"() ({
      %run_scoped3A = tpu.sem_alloc : memref<!tpu.dma_semaphore, #tpu.memory_space<semaphore_mem>>
      %dma_start3A_19 = arith.constant 0 : i32
      %dma_start3A_20 = tpu.memref_slice %arg11[%mul3A_2, %dma_start3A_19] : memref<10240x16xf32, #tpu.memory_space<vmem_shared>> -> memref<640x16xf32, #tpu.memory_space<vmem_shared>>
      tpu.enqueue_dma source(%arg5 : memref<640x16xf32, #tpu.memory_space<hbm>>) target(%dma_start3A_20 : memref<640x16xf32, #tpu.memory_space<vmem_shared>>) target_semaphore(%run_scoped3A : memref<!tpu.dma_semaphore, #tpu.memory_space<semaphore_mem>>)
      %dma_wait3A = arith.constant 0 : i32
      %dma_wait3A_21 = tpu.memref_slice %arg11[%mul3A_2, %dma_wait3A] : memref<10240x16xf32, #tpu.memory_space<vmem_shared>> -> memref<640x16xf32, #tpu.memory_space<vmem_shared>>
      tpu.wait_dma2 semaphore(%run_scoped3A : memref<!tpu.dma_semaphore, #tpu.memory_space<semaphore_mem>>) src(%arg5 : memref<640x16xf32, #tpu.memory_space<hbm>>) dst(%dma_wait3A_21 : memref<640x16xf32, #tpu.memory_space<vmem_shared>>)
      tpu.yield
    }) : () -> ()
    %barrier3A = arith.constant 0 : index
    tpu.barrier barrier_id(%barrier3A)
    %dma_start3A = arith.constant 0 : i32
    %dma_start3A_3 = arith.constant 0 : i32
    %dma_start3A_4 = tpu.memref_slice %arg7[%dma_start3A, %dma_start3A_3] : memref<80x125xi32, #tpu.memory_space<vmem>> -> memref<1x125xi32, #tpu.memory_space<vmem>>
    %dma_start3A_5 = tpu.memref_squeeze %dma_start3A_4 : memref<1x125xi32, #tpu.memory_space<vmem>> -> memref<125xi32, #tpu.memory_space<vmem>>
    %dma_start3A_6 = arith.constant 0 : i32
    %dma_start3A_7 = arith.constant 0 : i32
    %dma_start3A_8 = tpu.memref_slice %arg2[%dma_start3A_6, %dma_start3A_7] : memref<10240x16xf32, #tpu.memory_space<hbm>> -> memref<10240x16xf32, #tpu.memory_space<hbm>>
    tpu.enqueue_indirect_dma source(%dma_start3A_8 : memref<10240x16xf32, #tpu.memory_space<hbm>>) target(%arg9 : memref<125x16xf32, #tpu.memory_space<vmem>>) offsets(%dma_start3A_5 : memref<125xi32, #tpu.memory_space<vmem>>) semaphore(%arg12 : memref<!tpu.dma_semaphore, #tpu.memory_space<semaphore_mem>>)
    %scan3A = arith.constant 0 : i32
    %scan3A_9 = arith.constant 0 : i32
    %scan3A_10 = arith.constant 40 : i32
    %scan3A_11 = arith.addi %scan3A_9, %scan3A_10 : i32
    %scan3A_12 = arith.constant 1 : i32
    scf.for %scan3A_19 = %scan3A_9 to %scan3A_11 step %scan3A_12  : i32 {
      %mul3A_20 = arith.constant 2 : i32
      %mul3A_21 = arith.muli %scan3A_19, %mul3A_20 : i32
      %add3A_22 = arith.constant 1 : i32
      %add3A_23 = arith.addi %mul3A_21, %add3A_22 : i32
      %dma_start3A_24 = arith.constant 0 : i32
      %dma_start3A_25 = tpu.memref_slice %arg7[%add3A_23, %dma_start3A_24] : memref<80x125xi32, #tpu.memory_space<vmem>> -> memref<1x125xi32, #tpu.memory_space<vmem>>
      %dma_start3A_26 = tpu.memref_squeeze %dma_start3A_25 : memref<1x125xi32, #tpu.memory_space<vmem>> -> memref<125xi32, #tpu.memory_space<vmem>>
      %dma_start3A_27 = arith.constant 0 : i32
      %dma_start3A_28 = arith.constant 0 : i32
      %dma_start3A_29 = tpu.memref_slice %arg2[%dma_start3A_27, %dma_start3A_28] : memref<10240x16xf32, #tpu.memory_space<hbm>> -> memref<10240x16xf32, #tpu.memory_space<hbm>>
      tpu.enqueue_indirect_dma source(%dma_start3A_29 : memref<10240x16xf32, #tpu.memory_space<hbm>>) target(%arg10 : memref<125x16xf32, #tpu.memory_space<vmem>>) offsets(%dma_start3A_26 : memref<125xi32, #tpu.memory_space<vmem>>) semaphore(%arg13 : memref<!tpu.dma_semaphore, #tpu.memory_space<semaphore_mem>>)
      %dma_wait3A = arith.constant 0 : i32
      %dma_wait3A_30 = arith.constant 0 : i32
      %dma_wait3A_31 = tpu.memref_slice %arg7[%dma_wait3A, %dma_wait3A_30] : memref<80x125xi32, #tpu.memory_space<vmem>> -> memref<1x125xi32, #tpu.memory_space<vmem>>
      %dma_wait3A_32 = tpu.memref_squeeze %dma_wait3A_31 : memref<1x125xi32, #tpu.memory_space<vmem>> -> memref<125xi32, #tpu.memory_space<vmem>>
      %dma_wait3A_33 = arith.constant 0 : i32
      %dma_wait3A_34 = arith.constant 0 : i32
      %dma_wait3A_35 = tpu.memref_slice %arg2[%dma_wait3A_33, %dma_wait3A_34] : memref<10240x16xf32, #tpu.memory_space<hbm>> -> memref<10240x16xf32, #tpu.memory_space<hbm>>
      tpu.wait_indirect_dma semaphore(%arg12 : memref<!tpu.dma_semaphore, #tpu.memory_space<semaphore_mem>>) src(%dma_wait3A_35 : memref<10240x16xf32, #tpu.memory_space<hbm>>) dst(%arg9 : memref<125x16xf32, #tpu.memory_space<vmem>>)
      "tpu.region"() ({
        %run_scoped3A = tpu.sem_alloc : memref<!tpu.dma_semaphore, #tpu.memory_space<semaphore_mem>>
        %dma_start3A_49 = arith.constant 0 : i32
        %dma_start3A_50 = tpu.memref_slice %arg8[%mul3A_21, %dma_start3A_49] : memref<80x125xi32, #tpu.memory_space<vmem>> -> memref<1x125xi32, #tpu.memory_space<vmem>>
        %dma_start3A_51 = tpu.memref_squeeze %dma_start3A_50 : memref<1x125xi32, #tpu.memory_space<vmem>> -> memref<125xi32, #tpu.memory_space<vmem>>
        %dma_start3A_52 = arith.constant 0 : i32
        %dma_start3A_53 = arith.constant 0 : i32
        %dma_start3A_54 = tpu.memref_slice %arg11[%dma_start3A_52, %dma_start3A_53] : memref<10240x16xf32, #tpu.memory_space<vmem_shared>> -> memref<10240x16xf32, #tpu.memory_space<vmem_shared>>
        tpu.enqueue_indirect_dma source(%arg9 : memref<125x16xf32, #tpu.memory_space<vmem>>) target(%dma_start3A_54 : memref<10240x16xf32, #tpu.memory_space<vmem_shared>>) offsets(%dma_start3A_51 : memref<125xi32, #tpu.memory_space<vmem>>) semaphore(%run_scoped3A : memref<!tpu.dma_semaphore, #tpu.memory_space<semaphore_mem>>) {add = true}
        %dma_wait3A_55 = arith.constant 0 : i32
        %dma_wait3A_56 = tpu.memref_slice %arg8[%mul3A_21, %dma_wait3A_55] : memref<80x125xi32, #tpu.memory_space<vmem>> -> memref<1x125xi32, #tpu.memory_space<vmem>>
        %dma_wait3A_57 = tpu.memref_squeeze %dma_wait3A_56 : memref<1x125xi32, #tpu.memory_space<vmem>> -> memref<125xi32, #tpu.memory_space<vmem>>
        %dma_wait3A_58 = arith.constant 0 : i32
        %dma_wait3A_59 = arith.constant 0 : i32
        %dma_wait3A_60 = tpu.memref_slice %arg11[%dma_wait3A_58, %dma_wait3A_59] : memref<10240x16xf32, #tpu.memory_space<vmem_shared>> -> memref<10240x16xf32, #tpu.memory_space<vmem_shared>>
        tpu.wait_indirect_dma semaphore(%run_scoped3A : memref<!tpu.dma_semaphore, #tpu.memory_space<semaphore_mem>>) src(%arg9 : memref<125x16xf32, #tpu.memory_space<vmem>>) dst(%dma_wait3A_60 : memref<10240x16xf32, #tpu.memory_space<vmem_shared>>)
        tpu.yield
      }) : () -> ()
      %add3A_36 = arith.constant 2 : i32
      %add3A_37 = arith.addi %mul3A_21, %add3A_36 : i32
      %lt3A = arith.constant 80 : i32
      %lt3A_38 = arith.cmpi slt, %add3A_37, %lt3A : i32
      %convert_element_type3A = arith.extui %lt3A_38 : i1 to i32
      %cond3A = arith.constant 0 : i32
      %cond3A_39 = arith.cmpi ne, %convert_element_type3A, %cond3A : i32
      scf.if %cond3A_39 {
        %add3A_49 = arith.constant 2 : i32
        %add3A_50 = arith.addi %mul3A_21, %add3A_49 : i32
        %dma_start3A_51 = arith.constant 0 : i32
        %dma_start3A_52 = tpu.memref_slice %arg7[%add3A_50, %dma_start3A_51] : memref<80x125xi32, #tpu.memory_space<vmem>> -> memref<1x125xi32, #tpu.memory_space<vmem>>
        %dma_start3A_53 = tpu.memref_squeeze %dma_start3A_52 : memref<1x125xi32, #tpu.memory_space<vmem>> -> memref<125xi32, #tpu.memory_space<vmem>>
        %dma_start3A_54 = arith.constant 0 : i32
        %dma_start3A_55 = arith.constant 0 : i32
        %dma_start3A_56 = tpu.memref_slice %arg2[%dma_start3A_54, %dma_start3A_55] : memref<10240x16xf32, #tpu.memory_space<hbm>> -> memref<10240x16xf32, #tpu.memory_space<hbm>>
        tpu.enqueue_indirect_dma source(%dma_start3A_56 : memref<10240x16xf32, #tpu.memory_space<hbm>>) target(%arg9 : memref<125x16xf32, #tpu.memory_space<vmem>>) offsets(%dma_start3A_53 : memref<125xi32, #tpu.memory_space<vmem>>) semaphore(%arg12 : memref<!tpu.dma_semaphore, #tpu.memory_space<semaphore_mem>>)
      } else {
      }
      %dma_wait3A_40 = arith.constant 0 : i32
      %dma_wait3A_41 = arith.constant 0 : i32
      %dma_wait3A_42 = tpu.memref_slice %arg7[%dma_wait3A_40, %dma_wait3A_41] : memref<80x125xi32, #tpu.memory_space<vmem>> -> memref<1x125xi32, #tpu.memory_space<vmem>>
      %dma_wait3A_43 = tpu.memref_squeeze %dma_wait3A_42 : memref<1x125xi32, #tpu.memory_space<vmem>> -> memref<125xi32, #tpu.memory_space<vmem>>
      %dma_wait3A_44 = arith.constant 0 : i32
      %dma_wait3A_45 = arith.constant 0 : i32
      %dma_wait3A_46 = tpu.memref_slice %arg2[%dma_wait3A_44, %dma_wait3A_45] : memref<10240x16xf32, #tpu.memory_space<hbm>> -> memref<10240x16xf32, #tpu.memory_space<hbm>>
      tpu.wait_indirect_dma semaphore(%arg13 : memref<!tpu.dma_semaphore, #tpu.memory_space<semaphore_mem>>) src(%dma_wait3A_46 : memref<10240x16xf32, #tpu.memory_space<hbm>>) dst(%arg10 : memref<125x16xf32, #tpu.memory_space<vmem>>)
      %add3A_47 = arith.constant 1 : i32
      %add3A_48 = arith.addi %mul3A_21, %add3A_47 : i32
      "tpu.region"() ({
        %run_scoped3A = tpu.sem_alloc : memref<!tpu.dma_semaphore, #tpu.memory_space<semaphore_mem>>
        %dma_start3A_49 = arith.constant 0 : i32
        %dma_start3A_50 = tpu.memref_slice %arg8[%add3A_48, %dma_start3A_49] : memref<80x125xi32, #tpu.memory_space<vmem>> -> memref<1x125xi32, #tpu.memory_space<vmem>>
        %dma_start3A_51 = tpu.memref_squeeze %dma_start3A_50 : memref<1x125xi32, #tpu.memory_space<vmem>> -> memref<125xi32, #tpu.memory_space<vmem>>
        %dma_start3A_52 = arith.constant 0 : i32
        %dma_start3A_53 = arith.constant 0 : i32
        %dma_start3A_54 = tpu.memref_slice %arg11[%dma_start3A_52, %dma_start3A_53] : memref<10240x16xf32, #tpu.memory_space<vmem_shared>> -> memref<10240x16xf32, #tpu.memory_space<vmem_shared>>
        tpu.enqueue_indirect_dma source(%arg10 : memref<125x16xf32, #tpu.memory_space<vmem>>) target(%dma_start3A_54 : memref<10240x16xf32, #tpu.memory_space<vmem_shared>>) offsets(%dma_start3A_51 : memref<125xi32, #tpu.memory_space<vmem>>) semaphore(%run_scoped3A : memref<!tpu.dma_semaphore, #tpu.memory_space<semaphore_mem>>) {add = true}
        %dma_wait3A_55 = arith.constant 0 : i32
        %dma_wait3A_56 = tpu.memref_slice %arg8[%add3A_48, %dma_wait3A_55] : memref<80x125xi32, #tpu.memory_space<vmem>> -> memref<1x125xi32, #tpu.memory_space<vmem>>
        %dma_wait3A_57 = tpu.memref_squeeze %dma_wait3A_56 : memref<1x125xi32, #tpu.memory_space<vmem>> -> memref<125xi32, #tpu.memory_space<vmem>>
        %dma_wait3A_58 = arith.constant 0 : i32
        %dma_wait3A_59 = arith.constant 0 : i32
        %dma_wait3A_60 = tpu.memref_slice %arg11[%dma_wait3A_58, %dma_wait3A_59] : memref<10240x16xf32, #tpu.memory_space<vmem_shared>> -> memref<10240x16xf32, #tpu.memory_space<vmem_shared>>
        tpu.wait_indirect_dma semaphore(%run_scoped3A : memref<!tpu.dma_semaphore, #tpu.memory_space<semaphore_mem>>) src(%arg10 : memref<125x16xf32, #tpu.memory_space<vmem>>) dst(%dma_wait3A_60 : memref<10240x16xf32, #tpu.memory_space<vmem_shared>>)
        tpu.yield
      }) : () -> ()
    }
    %scan3A_13 = arith.constant 40 : i32
    %barrier3A_14 = arith.constant 0 : index
    tpu.barrier barrier_id(%barrier3A_14)
    %mul3A_15 = arith.constant 640 : i32
    %mul3A_16 = arith.muli %arg1, %mul3A_15 : i32
    %mul3A_17 = arith.constant 640 : i32
    %mul3A_18 = arith.muli %arg1, %mul3A_17 : i32
    "tpu.region"() ({
      %run_scoped3A = tpu.sem_alloc : memref<!tpu.dma_semaphore, #tpu.memory_space<semaphore_mem>>
      %dma_start3A_19 = arith.constant 0 : i32
      %dma_start3A_20 = tpu.memref_slice %arg6[%arg0, %mul3A_18, %dma_start3A_19] : memref<2x10240x16xf32, #tpu.memory_space<hbm>> -> memref<1x640x16xf32, #tpu.memory_space<hbm>>
      %dma_start3A_21 = tpu.memref_squeeze %dma_start3A_20 : memref<1x640x16xf32, #tpu.memory_space<hbm>> -> memref<640x16xf32, #tpu.memory_space<hbm>>
      %dma_start3A_22 = arith.constant 0 : i32
      %dma_start3A_23 = tpu.memref_slice %arg11[%mul3A_16, %dma_start3A_22] : memref<10240x16xf32, #tpu.memory_space<vmem_shared>> -> memref<640x16xf32, #tpu.memory_space<vmem_shared>>
      tpu.enqueue_dma source(%dma_start3A_23 : memref<640x16xf32, #tpu.memory_space<vmem_shared>>) target(%dma_start3A_21 : memref<640x16xf32, #tpu.memory_space<hbm>>) target_semaphore(%run_scoped3A : memref<!tpu.dma_semaphore, #tpu.memory_space<semaphore_mem>>)
      %dma_wait3A = arith.constant 0 : i32
      %dma_wait3A_24 = tpu.memref_slice %arg6[%arg0, %mul3A_18, %dma_wait3A] : memref<2x10240x16xf32, #tpu.memory_space<hbm>> -> memref<1x640x16xf32, #tpu.memory_space<hbm>>
      %dma_wait3A_25 = tpu.memref_squeeze %dma_wait3A_24 : memref<1x640x16xf32, #tpu.memory_space<hbm>> -> memref<640x16xf32, #tpu.memory_space<hbm>>
      %dma_wait3A_26 = arith.constant 0 : i32
      %dma_wait3A_27 = tpu.memref_slice %arg11[%mul3A_16, %dma_wait3A_26] : memref<10240x16xf32, #tpu.memory_space<vmem_shared>> -> memref<640x16xf32, #tpu.memory_space<vmem_shared>>
      tpu.wait_dma2 semaphore(%run_scoped3A : memref<!tpu.dma_semaphore, #tpu.memory_space<semaphore_mem>>) src(%dma_wait3A_27 : memref<640x16xf32, #tpu.memory_space<vmem_shared>>) dst(%dma_wait3A_25 : memref<640x16xf32, #tpu.memory_space<hbm>>)
      tpu.yield
    }) : () -> ()
    return
  }
}

#map = affine_map<(d0, d1) -> (0, 0)>
#map1 = affine_map<(d0, d1) -> (0, 0, 0)>
module attributes {stable_mosaic.version = 14 : i64} {
  func.func @body(%arg0: i32, %arg1: i32, %arg2: memref<10240x16xf32, #tpu.memory_space<hbm>>, %arg3: memref<32x80x125xi32, #tpu.memory_space<hbm>>, %arg4: memref<32x80x125xi32, #tpu.memory_space<hbm>>, %arg5: memref<640x16xf32, #tpu.memory_space<hbm>>, %arg6: memref<2x10240x16xf32, #tpu.memory_space<hbm>>, %arg7: memref<80x125xi32, #tpu.memory_space<vmem>>, %arg8: memref<80x125xi32, #tpu.memory_space<vmem>>, %arg9: memref<125x16xf32, #tpu.memory_space<vmem>>, %arg10: memref<125x16xf32, #tpu.memory_space<vmem>>, %arg11: memref<10240x16xf32, #tpu.memory_space<vmem_shared>>, %arg12: memref<!tpu.dma_semaphore, #tpu.memory_space<semaphore_mem>>, %arg13: memref<!tpu.dma_semaphore, #tpu.memory_space<semaphore_mem>>) attributes {dimension_semantics = [#tpu.dimension_semantics<core_parallel>, #tpu.dimension_semantics<subcore_parallel>], iteration_bounds = array<i64: 2, 16>, scalar_prefetch = 0 : i64, scratch_operands = 7 : i64, tpu.core_type = #tpu.core_type<sc_vector_subcore>, window_params = [{transform_indices = #map}, {transform_indices = #map1}, {transform_indices = #map1}, {transform_indices = #map}, {transform_indices = #map1}]} {
    %mul3A = arith.constant 16 : i32
    %mul3A_0 = arith.muli %arg0, %mul3A : i32
    %add3A = arith.addi %mul3A_0, %arg1 : i32
    "tpu.region"() ({
      %run_scoped3A = tpu.sem_alloc : memref<!tpu.dma_semaphore, #tpu.memory_space<semaphore_mem>>
      %dma_start3A_19 = arith.constant 0 : i32
      %dma_start3A_20 = arith.constant 0 : i32
      %dma_start3A_21 = tpu.memref_slice %arg3[%add3A, %dma_start3A_19, %dma_start3A_20] : memref<32x80x125xi32, #tpu.memory_space<hbm>> -> memref<1x80x125xi32, #tpu.memory_space<hbm>>
      %dma_start3A_22 = tpu.memref_squeeze %dma_start3A_21 : memref<1x80x125xi32, #tpu.memory_space<hbm>> -> memref<80x125xi32, #tpu.memory_space<hbm>>
      %dma_start3A_23 = arith.constant 0 : i32
      %dma_start3A_24 = arith.constant 0 : i32
      %dma_start3A_25 = tpu.memref_slice %arg3[%add3A, %dma_start3A_23, %dma_start3A_24] : memref<32x80x125xi32, #tpu.memory_space<hbm>> -> memref<1x80x125xi32, #tpu.memory_space<hbm>>
      %dma_start3A_26 = tpu.memref_squeeze %dma_start3A_25 : memref<1x80x125xi32, #tpu.memory_space<hbm>> -> memref<80x125xi32, #tpu.memory_space<hbm>>
      tpu.enqueue_dma source(%dma_start3A_26 : memref<80x125xi32, #tpu.memory_space<hbm>>) target(%arg7 : memref<80x125xi32, #tpu.memory_space<vmem>>) target_semaphore(%run_scoped3A : memref<!tpu.dma_semaphore, #tpu.memory_space<semaphore_mem>>)
      %dma_wait3A = arith.constant 0 : i32
      %dma_wait3A_27 = arith.constant 0 : i32
      %dma_wait3A_28 = tpu.memref_slice %arg3[%add3A, %dma_wait3A, %dma_wait3A_27] : memref<32x80x125xi32, #tpu.memory_space<hbm>> -> memref<1x80x125xi32, #tpu.memory_space<hbm>>
      %dma_wait3A_29 = tpu.memref_squeeze %dma_wait3A_28 : memref<1x80x125xi32, #tpu.memory_space<hbm>> -> memref<80x125xi32, #tpu.memory_space<hbm>>
      %dma_wait3A_30 = arith.constant 0 : i32
      %dma_wait3A_31 = arith.constant 0 : i32
      %dma_wait3A_32 = tpu.memref_slice %arg3[%add3A, %dma_wait3A_30, %dma_wait3A_31] : memref<32x80x125xi32, #tpu.memory_space<hbm>> -> memref<1x80x125xi32, #tpu.memory_space<hbm>>
      %dma_wait3A_33 = tpu.memref_squeeze %dma_wait3A_32 : memref<1x80x125xi32, #tpu.memory_space<hbm>> -> memref<80x125xi32, #tpu.memory_space<hbm>>
      tpu.wait_dma2 semaphore(%run_scoped3A : memref<!tpu.dma_semaphore, #tpu.memory_space<semaphore_mem>>) src(%dma_wait3A_33 : memref<80x125xi32, #tpu.memory_space<hbm>>) dst(%arg7 : memref<80x125xi32, #tpu.memory_space<vmem>>)
      tpu.yield
    }) : () -> ()
    "tpu.region"() ({
      %run_scoped3A = tpu.sem_alloc : memref<!tpu.dma_semaphore, #tpu.memory_space<semaphore_mem>>
      %dma_start3A_19 = arith.constant 0 : i32
      %dma_start3A_20 = arith.constant 0 : i32
      %dma_start3A_21 = tpu.memref_slice %arg4[%add3A, %dma_start3A_19, %dma_start3A_20] : memref<32x80x125xi32, #tpu.memory_space<hbm>> -> memref<1x80x125xi32, #tpu.memory_space<hbm>>
      %dma_start3A_22 = tpu.memref_squeeze %dma_start3A_21 : memref<1x80x125xi32, #tpu.memory_space<hbm>> -> memref<80x125xi32, #tpu.memory_space<hbm>>
      %dma_start3A_23 = arith.constant 0 : i32
      %dma_start3A_24 = arith.constant 0 : i32
      %dma_start3A_25 = tpu.memref_slice %arg4[%add3A, %dma_start3A_23, %dma_start3A_24] : memref<32x80x125xi32, #tpu.memory_space<hbm>> -> memref<1x80x125xi32, #tpu.memory_space<hbm>>
      %dma_start3A_26 = tpu.memref_squeeze %dma_start3A_25 : memref<1x80x125xi32, #tpu.memory_space<hbm>> -> memref<80x125xi32, #tpu.memory_space<hbm>>
      tpu.enqueue_dma source(%dma_start3A_26 : memref<80x125xi32, #tpu.memory_space<hbm>>) target(%arg8 : memref<80x125xi32, #tpu.memory_space<vmem>>) target_semaphore(%run_scoped3A : memref<!tpu.dma_semaphore, #tpu.memory_space<semaphore_mem>>)
      %dma_wait3A = arith.constant 0 : i32
      %dma_wait3A_27 = arith.constant 0 : i32
      %dma_wait3A_28 = tpu.memref_slice %arg4[%add3A, %dma_wait3A, %dma_wait3A_27] : memref<32x80x125xi32, #tpu.memory_space<hbm>> -> memref<1x80x125xi32, #tpu.memory_space<hbm>>
      %dma_wait3A_29 = tpu.memref_squeeze %dma_wait3A_28 : memref<1x80x125xi32, #tpu.memory_space<hbm>> -> memref<80x125xi32, #tpu.memory_space<hbm>>
      %dma_wait3A_30 = arith.constant 0 : i32
      %dma_wait3A_31 = arith.constant 0 : i32
      %dma_wait3A_32 = tpu.memref_slice %arg4[%add3A, %dma_wait3A_30, %dma_wait3A_31] : memref<32x80x125xi32, #tpu.memory_space<hbm>> -> memref<1x80x125xi32, #tpu.memory_space<hbm>>
      %dma_wait3A_33 = tpu.memref_squeeze %dma_wait3A_32 : memref<1x80x125xi32, #tpu.memory_space<hbm>> -> memref<80x125xi32, #tpu.memory_space<hbm>>
      tpu.wait_dma2 semaphore(%run_scoped3A : memref<!tpu.dma_semaphore, #tpu.memory_space<semaphore_mem>>) src(%dma_wait3A_33 : memref<80x125xi32, #tpu.memory_space<hbm>>) dst(%arg8 : memref<80x125xi32, #tpu.memory_space<vmem>>)
      tpu.yield
    }) : () -> ()
    %mul3A_1 = arith.constant 640 : i32
    %mul3A_2 = arith.muli %arg1, %mul3A_1 : i32
    "tpu.region"() ({
      %run_scoped3A = tpu.sem_alloc : memref<!tpu.dma_semaphore, #tpu.memory_space<semaphore_mem>>
      %dma_start3A_19 = arith.constant 0 : i32
      %dma_start3A_20 = tpu.memref_slice %arg11[%mul3A_2, %dma_start3A_19] : memref<10240x16xf32, #tpu.memory_space<vmem_shared>> -> memref<640x16xf32, #tpu.memory_space<vmem_shared>>
      tpu.enqueue_dma source(%arg5 : memref<640x16xf32, #tpu.memory_space<hbm>>) target(%dma_start3A_20 : memref<640x16xf32, #tpu.memory_space<vmem_shared>>) target_semaphore(%run_scoped3A : memref<!tpu.dma_semaphore, #tpu.memory_space<semaphore_mem>>)
      %dma_wait3A = arith.constant 0 : i32
      %dma_wait3A_21 = tpu.memref_slice %arg11[%mul3A_2, %dma_wait3A] : memref<10240x16xf32, #tpu.memory_space<vmem_shared>> -> memref<640x16xf32, #tpu.memory_space<vmem_shared>>
      tpu.wait_dma2 semaphore(%run_scoped3A : memref<!tpu.dma_semaphore, #tpu.memory_space<semaphore_mem>>) src(%arg5 : memref<640x16xf32, #tpu.memory_space<hbm>>) dst(%dma_wait3A_21 : memref<640x16xf32, #tpu.memory_space<vmem_shared>>)
      tpu.yield
    }) : () -> ()
    %barrier3A = arith.constant 0 : index
    tpu.barrier barrier_id(%barrier3A)
    %dma_start3A = arith.constant 0 : i32
    %dma_start3A_3 = arith.constant 0 : i32
    %dma_start3A_4 = tpu.memref_slice %arg7[%dma_start3A, %dma_start3A_3] : memref<80x125xi32, #tpu.memory_space<vmem>> -> memref<1x125xi32, #tpu.memory_space<vmem>>
    %dma_start3A_5 = tpu.memref_squeeze %dma_start3A_4 : memref<1x125xi32, #tpu.memory_space<vmem>> -> memref<125xi32, #tpu.memory_space<vmem>>
    %dma_start3A_6 = arith.constant 0 : i32
    %dma_start3A_7 = arith.constant 0 : i32
    %dma_start3A_8 = tpu.memref_slice %arg2[%dma_start3A_6, %dma_start3A_7] : memref<10240x16xf32, #tpu.memory_space<hbm>> -> memref<10240x16xf32, #tpu.memory_space<hbm>>
    tpu.enqueue_indirect_dma source(%dma_start3A_8 : memref<10240x16xf32, #tpu.memory_space<hbm>>) target(%arg9 : memref<125x16xf32, #tpu.memory_space<vmem>>) offsets(%dma_start3A_5 : memref<125xi32, #tpu.memory_space<vmem>>) semaphore(%arg12 : memref<!tpu.dma_semaphore, #tpu.memory_space<semaphore_mem>>)
    %scan3A = arith.constant 0 : i32
    %scan3A_9 = arith.constant 0 : i32
    %scan3A_10 = arith.constant 40 : i32
    %scan3A_11 = arith.addi %scan3A_9, %scan3A_10 : i32
    %scan3A_12 = arith.constant 1 : i32
    scf.for %scan3A_19 = %scan3A_9 to %scan3A_11 step %scan3A_12  : i32 {
      %mul3A_20 = arith.constant 2 : i32
      %mul3A_21 = arith.muli %scan3A_19, %mul3A_20 : i32
      %add3A_22 = arith.constant 1 : i32
      %add3A_23 = arith.addi %mul3A_21, %add3A_22 : i32
      %dma_start3A_24 = arith.constant 0 : i32
      %dma_start3A_25 = tpu.memref_slice %arg7[%add3A_23, %dma_start3A_24] : memref<80x125xi32, #tpu.memory_space<vmem>> -> memref<1x125xi32, #tpu.memory_space<vmem>>
      %dma_start3A_26 = tpu.memref_squeeze %dma_start3A_25 : memref<1x125xi32, #tpu.memory_space<vmem>> -> memref<125xi32, #tpu.memory_space<vmem>>
      %dma_start3A_27 = arith.constant 0 : i32
      %dma_start3A_28 = arith.constant 0 : i32
      %dma_start3A_29 = tpu.memref_slice %arg2[%dma_start3A_27, %dma_start3A_28] : memref<10240x16xf32, #tpu.memory_space<hbm>> -> memref<10240x16xf32, #tpu.memory_space<hbm>>
      tpu.enqueue_indirect_dma source(%dma_start3A_29 : memref<10240x16xf32, #tpu.memory_space<hbm>>) target(%arg10 : memref<125x16xf32, #tpu.memory_space<vmem>>) offsets(%dma_start3A_26 : memref<125xi32, #tpu.memory_space<vmem>>) semaphore(%arg13 : memref<!tpu.dma_semaphore, #tpu.memory_space<semaphore_mem>>)
      %dma_wait3A = arith.constant 0 : i32
      %dma_wait3A_30 = arith.constant 0 : i32
      %dma_wait3A_31 = tpu.memref_slice %arg7[%dma_wait3A, %dma_wait3A_30] : memref<80x125xi32, #tpu.memory_space<vmem>> -> memref<1x125xi32, #tpu.memory_space<vmem>>
      %dma_wait3A_32 = tpu.memref_squeeze %dma_wait3A_31 : memref<1x125xi32, #tpu.memory_space<vmem>> -> memref<125xi32, #tpu.memory_space<vmem>>
      %dma_wait3A_33 = arith.constant 0 : i32
      %dma_wait3A_34 = arith.constant 0 : i32
      %dma_wait3A_35 = tpu.memref_slice %arg2[%dma_wait3A_33, %dma_wait3A_34] : memref<10240x16xf32, #tpu.memory_space<hbm>> -> memref<10240x16xf32, #tpu.memory_space<hbm>>
      tpu.wait_indirect_dma semaphore(%arg12 : memref<!tpu.dma_semaphore, #tpu.memory_space<semaphore_mem>>) src(%dma_wait3A_35 : memref<10240x16xf32, #tpu.memory_space<hbm>>) dst(%arg9 : memref<125x16xf32, #tpu.memory_space<vmem>>)
      "tpu.region"() ({
        %run_scoped3A = tpu.sem_alloc : memref<!tpu.dma_semaphore, #tpu.memory_space<semaphore_mem>>
        %dma_start3A_49 = arith.constant 0 : i32
        %dma_start3A_50 = tpu.memref_slice %arg8[%mul3A_21, %dma_start3A_49] : memref<80x125xi32, #tpu.memory_space<vmem>> -> memref<1x125xi32, #tpu.memory_space<vmem>>
        %dma_start3A_51 = tpu.memref_squeeze %dma_start3A_50 : memref<1x125xi32, #tpu.memory_space<vmem>> -> memref<125xi32, #tpu.memory_space<vmem>>
        %dma_start3A_52 = arith.constant 0 : i32
        %dma_start3A_53 = arith.constant 0 : i32
        %dma_start3A_54 = tpu.memref_slice %arg11[%dma_start3A_52, %dma_start3A_53] : memref<10240x16xf32, #tpu.memory_space<vmem_shared>> -> memref<10240x16xf32, #tpu.memory_space<vmem_shared>>
        tpu.enqueue_indirect_dma source(%arg9 : memref<125x16xf32, #tpu.memory_space<vmem>>) target(%dma_start3A_54 : memref<10240x16xf32, #tpu.memory_space<vmem_shared>>) offsets(%dma_start3A_51 : memref<125xi32, #tpu.memory_space<vmem>>) semaphore(%run_scoped3A : memref<!tpu.dma_semaphore, #tpu.memory_space<semaphore_mem>>) {add = true}
        %dma_wait3A_55 = arith.constant 0 : i32
        %dma_wait3A_56 = tpu.memref_slice %arg8[%mul3A_21, %dma_wait3A_55] : memref<80x125xi32, #tpu.memory_space<vmem>> -> memref<1x125xi32, #tpu.memory_space<vmem>>
        %dma_wait3A_57 = tpu.memref_squeeze %dma_wait3A_56 : memref<1x125xi32, #tpu.memory_space<vmem>> -> memref<125xi32, #tpu.memory_space<vmem>>
        %dma_wait3A_58 = arith.constant 0 : i32
        %dma_wait3A_59 = arith.constant 0 : i32
        %dma_wait3A_60 = tpu.memref_slice %arg11[%dma_wait3A_58, %dma_wait3A_59] : memref<10240x16xf32, #tpu.memory_space<vmem_shared>> -> memref<10240x16xf32, #tpu.memory_space<vmem_shared>>
        tpu.wait_indirect_dma semaphore(%run_scoped3A : memref<!tpu.dma_semaphore, #tpu.memory_space<semaphore_mem>>) src(%arg9 : memref<125x16xf32, #tpu.memory_space<vmem>>) dst(%dma_wait3A_60 : memref<10240x16xf32, #tpu.memory_space<vmem_shared>>)
        tpu.yield
      }) : () -> ()
      %add3A_36 = arith.constant 2 : i32
      %add3A_37 = arith.addi %mul3A_21, %add3A_36 : i32
      %lt3A = arith.constant 80 : i32
      %lt3A_38 = arith.cmpi slt, %add3A_37, %lt3A : i32
      %convert_element_type3A = arith.extui %lt3A_38 : i1 to i32
      %cond3A = arith.constant 0 : i32
      %cond3A_39 = arith.cmpi ne, %convert_element_type3A, %cond3A : i32
      scf.if %cond3A_39 {
        %add3A_49 = arith.constant 2 : i32
        %add3A_50 = arith.addi %mul3A_21, %add3A_49 : i32
        %dma_start3A_51 = arith.constant 0 : i32
        %dma_start3A_52 = tpu.memref_slice %arg7[%add3A_50, %dma_start3A_51] : memref<80x125xi32, #tpu.memory_space<vmem>> -> memref<1x125xi32, #tpu.memory_space<vmem>>
        %dma_start3A_53 = tpu.memref_squeeze %dma_start3A_52 : memref<1x125xi32, #tpu.memory_space<vmem>> -> memref<125xi32, #tpu.memory_space<vmem>>
        %dma_start3A_54 = arith.constant 0 : i32
        %dma_start3A_55 = arith.constant 0 : i32
        %dma_start3A_56 = tpu.memref_slice %arg2[%dma_start3A_54, %dma_start3A_55] : memref<10240x16xf32, #tpu.memory_space<hbm>> -> memref<10240x16xf32, #tpu.memory_space<hbm>>
        tpu.enqueue_indirect_dma source(%dma_start3A_56 : memref<10240x16xf32, #tpu.memory_space<hbm>>) target(%arg9 : memref<125x16xf32, #tpu.memory_space<vmem>>) offsets(%dma_start3A_53 : memref<125xi32, #tpu.memory_space<vmem>>) semaphore(%arg12 : memref<!tpu.dma_semaphore, #tpu.memory_space<semaphore_mem>>)
      } else {
      }
      %dma_wait3A_40 = arith.constant 0 : i32
      %dma_wait3A_41 = arith.constant 0 : i32
      %dma_wait3A_42 = tpu.memref_slice %arg7[%dma_wait3A_40, %dma_wait3A_41] : memref<80x125xi32, #tpu.memory_space<vmem>> -> memref<1x125xi32, #tpu.memory_space<vmem>>
      %dma_wait3A_43 = tpu.memref_squeeze %dma_wait3A_42 : memref<1x125xi32, #tpu.memory_space<vmem>> -> memref<125xi32, #tpu.memory_space<vmem>>
      %dma_wait3A_44 = arith.constant 0 : i32
      %dma_wait3A_45 = arith.constant 0 : i32
      %dma_wait3A_46 = tpu.memref_slice %arg2[%dma_wait3A_44, %dma_wait3A_45] : memref<10240x16xf32, #tpu.memory_space<hbm>> -> memref<10240x16xf32, #tpu.memory_space<hbm>>
      tpu.wait_indirect_dma semaphore(%arg13 : memref<!tpu.dma_semaphore, #tpu.memory_space<semaphore_mem>>) src(%dma_wait3A_46 : memref<10240x16xf32, #tpu.memory_space<hbm>>) dst(%arg10 : memref<125x16xf32, #tpu.memory_space<vmem>>)
      %add3A_47 = arith.constant 1 : i32
      %add3A_48 = arith.addi %mul3A_21, %add3A_47 : i32
      "tpu.region"() ({
        %run_scoped3A = tpu.sem_alloc : memref<!tpu.dma_semaphore, #tpu.memory_space<semaphore_mem>>
        %dma_start3A_49 = arith.constant 0 : i32
        %dma_start3A_50 = tpu.memref_slice %arg8[%add3A_48, %dma_start3A_49] : memref<80x125xi32, #tpu.memory_space<vmem>> -> memref<1x125xi32, #tpu.memory_space<vmem>>
        %dma_start3A_51 = tpu.memref_squeeze %dma_start3A_50 : memref<1x125xi32, #tpu.memory_space<vmem>> -> memref<125xi32, #tpu.memory_space<vmem>>
        %dma_start3A_52 = arith.constant 0 : i32
        %dma_start3A_53 = arith.constant 0 : i32
        %dma_start3A_54 = tpu.memref_slice %arg11[%dma_start3A_52, %dma_start3A_53] : memref<10240x16xf32, #tpu.memory_space<vmem_shared>> -> memref<10240x16xf32, #tpu.memory_space<vmem_shared>>
        tpu.enqueue_indirect_dma source(%arg10 : memref<125x16xf32, #tpu.memory_space<vmem>>) target(%dma_start3A_54 : memref<10240x16xf32, #tpu.memory_space<vmem_shared>>) offsets(%dma_start3A_51 : memref<125xi32, #tpu.memory_space<vmem>>) semaphore(%run_scoped3A : memref<!tpu.dma_semaphore, #tpu.memory_space<semaphore_mem>>) {add = true}
        %dma_wait3A_55 = arith.constant 0 : i32
        %dma_wait3A_56 = tpu.memref_slice %arg8[%add3A_48, %dma_wait3A_55] : memref<80x125xi32, #tpu.memory_space<vmem>> -> memref<1x125xi32, #tpu.memory_space<vmem>>
        %dma_wait3A_57 = tpu.memref_squeeze %dma_wait3A_56 : memref<1x125xi32, #tpu.memory_space<vmem>> -> memref<125xi32, #tpu.memory_space<vmem>>
        %dma_wait3A_58 = arith.constant 0 : i32
        %dma_wait3A_59 = arith.constant 0 : i32
        %dma_wait3A_60 = tpu.memref_slice %arg11[%dma_wait3A_58, %dma_wait3A_59] : memref<10240x16xf32, #tpu.memory_space<vmem_shared>> -> memref<10240x16xf32, #tpu.memory_space<vmem_shared>>
        tpu.wait_indirect_dma semaphore(%run_scoped3A : memref<!tpu.dma_semaphore, #tpu.memory_space<semaphore_mem>>) src(%arg10 : memref<125x16xf32, #tpu.memory_space<vmem>>) dst(%dma_wait3A_60 : memref<10240x16xf32, #tpu.memory_space<vmem_shared>>)
        tpu.yield
      }) : () -> ()
    }
    %scan3A_13 = arith.constant 40 : i32
    %barrier3A_14 = arith.constant 0 : index
    tpu.barrier barrier_id(%barrier3A_14)
    %mul3A_15 = arith.constant 640 : i32
    %mul3A_16 = arith.muli %arg1, %mul3A_15 : i32
    %mul3A_17 = arith.constant 640 : i32
    %mul3A_18 = arith.muli %arg1, %mul3A_17 : i32
    "tpu.region"() ({
      %run_scoped3A = tpu.sem_alloc : memref<!tpu.dma_semaphore, #tpu.memory_space<semaphore_mem>>
      %dma_start3A_19 = arith.constant 0 : i32
      %dma_start3A_20 = tpu.memref_slice %arg6[%arg0, %mul3A_18, %dma_start3A_19] : memref<2x10240x16xf32, #tpu.memory_space<hbm>> -> memref<1x640x16xf32, #tpu.memory_space<hbm>>
      %dma_start3A_21 = tpu.memref_squeeze %dma_start3A_20 : memref<1x640x16xf32, #tpu.memory_space<hbm>> -> memref<640x16xf32, #tpu.memory_space<hbm>>
      %dma_start3A_22 = arith.constant 0 : i32
      %dma_start3A_23 = tpu.memref_slice %arg11[%mul3A_16, %dma_start3A_22] : memref<10240x16xf32, #tpu.memory_space<vmem_shared>> -> memref<640x16xf32, #tpu.memory_space<vmem_shared>>
      tpu.enqueue_dma source(%dma_start3A_23 : memref<640x16xf32, #tpu.memory_space<vmem_shared>>) target(%dma_start3A_21 : memref<640x16xf32, #tpu.memory_space<hbm>>) target_semaphore(%run_scoped3A : memref<!tpu.dma_semaphore, #tpu.memory_space<semaphore_mem>>)
      %dma_wait3A = arith.constant 0 : i32
      %dma_wait3A_24 = tpu.memref_slice %arg6[%arg0, %mul3A_18, %dma_wait3A] : memref<2x10240x16xf32, #tpu.memory_space<hbm>> -> memref<1x640x16xf32, #tpu.memory_space<hbm>>
      %dma_wait3A_25 = tpu.memref_squeeze %dma_wait3A_24 : memref<1x640x16xf32, #tpu.memory_space<hbm>> -> memref<640x16xf32, #tpu.memory_space<hbm>>
      %dma_wait3A_26 = arith.constant 0 : i32
      %dma_wait3A_27 = tpu.memref_slice %arg11[%mul3A_16, %dma_wait3A_26] : memref<10240x16xf32, #tpu.memory_space<vmem_shared>> -> memref<640x16xf32, #tpu.memory_space<vmem_shared>>
      tpu.wait_dma2 semaphore(%run_scoped3A : memref<!tpu.dma_semaphore, #tpu.memory_space<semaphore_mem>>) src(%dma_wait3A_27 : memref<640x16xf32, #tpu.memory_space<vmem_shared>>) dst(%dma_wait3A_25 : memref<640x16xf32, #tpu.memory_space<hbm>>)
      tpu.yield
    }) : () -> ()
    return
  }
}

#map = affine_map<(d0, d1) -> (0, 0)>
#map1 = affine_map<(d0, d1) -> (0, 0, 0)>
module attributes {stable_mosaic.version = 14 : i64} {
  func.func @body(%arg0: i32, %arg1: i32, %arg2: memref<10240x128xf32, #tpu.memory_space<hbm>>, %arg3: memref<32x125x80xi32, #tpu.memory_space<hbm>>, %arg4: memref<32x125x80xi32, #tpu.memory_space<hbm>>, %arg5: memref<640x128xf32, #tpu.memory_space<hbm>>, %arg6: memref<2x10240x128xf32, #tpu.memory_space<hbm>>, %arg7: memref<125x80xi32, #tpu.memory_space<vmem>>, %arg8: memref<125x80xi32, #tpu.memory_space<vmem>>, %arg9: memref<80x128xf32, #tpu.memory_space<vmem>>, %arg10: memref<80x128xf32, #tpu.memory_space<vmem>>, %arg11: memref<10240x128xf32, #tpu.memory_space<vmem_shared>>, %arg12: memref<!tpu.dma_semaphore, #tpu.memory_space<semaphore_mem>>, %arg13: memref<!tpu.dma_semaphore, #tpu.memory_space<semaphore_mem>>) attributes {dimension_semantics = [#tpu.dimension_semantics<core_parallel>, #tpu.dimension_semantics<subcore_parallel>], iteration_bounds = array<i64: 2, 16>, scalar_prefetch = 0 : i64, scratch_operands = 7 : i64, tpu.core_type = #tpu.core_type<sc_vector_subcore>, window_params = [{transform_indices = #map}, {transform_indices = #map1}, {transform_indices = #map1}, {transform_indices = #map}, {transform_indices = #map1}]} {
    %mul3A = arith.constant 16 : i32
    %mul3A_0 = arith.muli %arg0, %mul3A : i32
    %add3A = arith.addi %mul3A_0, %arg1 : i32
    "tpu.region"() ({
      %run_scoped3A_25 = tpu.sem_alloc : memref<!tpu.dma_semaphore, #tpu.memory_space<semaphore_mem>>
      %dma_start3A_26 = arith.constant 0 : i32
      %dma_start3A_27 = arith.constant 0 : i32
      %dma_start3A_28 = tpu.memref_slice %arg3[%add3A, %dma_start3A_26, %dma_start3A_27] : memref<32x125x80xi32, #tpu.memory_space<hbm>> -> memref<1x125x80xi32, #tpu.memory_space<hbm>>
      %dma_start3A_29 = tpu.memref_squeeze %dma_start3A_28 : memref<1x125x80xi32, #tpu.memory_space<hbm>> -> memref<125x80xi32, #tpu.memory_space<hbm>>
      %dma_start3A_30 = arith.constant 0 : i32
      %dma_start3A_31 = arith.constant 0 : i32
      %dma_start3A_32 = tpu.memref_slice %arg3[%add3A, %dma_start3A_30, %dma_start3A_31] : memref<32x125x80xi32, #tpu.memory_space<hbm>> -> memref<1x125x80xi32, #tpu.memory_space<hbm>>
      %dma_start3A_33 = tpu.memref_squeeze %dma_start3A_32 : memref<1x125x80xi32, #tpu.memory_space<hbm>> -> memref<125x80xi32, #tpu.memory_space<hbm>>
      tpu.enqueue_dma source(%dma_start3A_33 : memref<125x80xi32, #tpu.memory_space<hbm>>) target(%arg7 : memref<125x80xi32, #tpu.memory_space<vmem>>) target_semaphore(%run_scoped3A_25 : memref<!tpu.dma_semaphore, #tpu.memory_space<semaphore_mem>>)
      %dma_wait3A_34 = arith.constant 0 : i32
      %dma_wait3A_35 = arith.constant 0 : i32
      %dma_wait3A_36 = tpu.memref_slice %arg3[%add3A, %dma_wait3A_34, %dma_wait3A_35] : memref<32x125x80xi32, #tpu.memory_space<hbm>> -> memref<1x125x80xi32, #tpu.memory_space<hbm>>
      %dma_wait3A_37 = tpu.memref_squeeze %dma_wait3A_36 : memref<1x125x80xi32, #tpu.memory_space<hbm>> -> memref<125x80xi32, #tpu.memory_space<hbm>>
      %dma_wait3A_38 = arith.constant 0 : i32
      %dma_wait3A_39 = arith.constant 0 : i32
      %dma_wait3A_40 = tpu.memref_slice %arg3[%add3A, %dma_wait3A_38, %dma_wait3A_39] : memref<32x125x80xi32, #tpu.memory_space<hbm>> -> memref<1x125x80xi32, #tpu.memory_space<hbm>>
      %dma_wait3A_41 = tpu.memref_squeeze %dma_wait3A_40 : memref<1x125x80xi32, #tpu.memory_space<hbm>> -> memref<125x80xi32, #tpu.memory_space<hbm>>
      tpu.wait_dma2 semaphore(%run_scoped3A_25 : memref<!tpu.dma_semaphore, #tpu.memory_space<semaphore_mem>>) src(%dma_wait3A_41 : memref<125x80xi32, #tpu.memory_space<hbm>>) dst(%arg7 : memref<125x80xi32, #tpu.memory_space<vmem>>)
      tpu.yield
    }) : () -> ()
    "tpu.region"() ({
      %run_scoped3A_25 = tpu.sem_alloc : memref<!tpu.dma_semaphore, #tpu.memory_space<semaphore_mem>>
      %dma_start3A_26 = arith.constant 0 : i32
      %dma_start3A_27 = arith.constant 0 : i32
      %dma_start3A_28 = tpu.memref_slice %arg4[%add3A, %dma_start3A_26, %dma_start3A_27] : memref<32x125x80xi32, #tpu.memory_space<hbm>> -> memref<1x125x80xi32, #tpu.memory_space<hbm>>
      %dma_start3A_29 = tpu.memref_squeeze %dma_start3A_28 : memref<1x125x80xi32, #tpu.memory_space<hbm>> -> memref<125x80xi32, #tpu.memory_space<hbm>>
      %dma_start3A_30 = arith.constant 0 : i32
      %dma_start3A_31 = arith.constant 0 : i32
      %dma_start3A_32 = tpu.memref_slice %arg4[%add3A, %dma_start3A_30, %dma_start3A_31] : memref<32x125x80xi32, #tpu.memory_space<hbm>> -> memref<1x125x80xi32, #tpu.memory_space<hbm>>
      %dma_start3A_33 = tpu.memref_squeeze %dma_start3A_32 : memref<1x125x80xi32, #tpu.memory_space<hbm>> -> memref<125x80xi32, #tpu.memory_space<hbm>>
      tpu.enqueue_dma source(%dma_start3A_33 : memref<125x80xi32, #tpu.memory_space<hbm>>) target(%arg8 : memref<125x80xi32, #tpu.memory_space<vmem>>) target_semaphore(%run_scoped3A_25 : memref<!tpu.dma_semaphore, #tpu.memory_space<semaphore_mem>>)
      %dma_wait3A_34 = arith.constant 0 : i32
      %dma_wait3A_35 = arith.constant 0 : i32
      %dma_wait3A_36 = tpu.memref_slice %arg4[%add3A, %dma_wait3A_34, %dma_wait3A_35] : memref<32x125x80xi32, #tpu.memory_space<hbm>> -> memref<1x125x80xi32, #tpu.memory_space<hbm>>
      %dma_wait3A_37 = tpu.memref_squeeze %dma_wait3A_36 : memref<1x125x80xi32, #tpu.memory_space<hbm>> -> memref<125x80xi32, #tpu.memory_space<hbm>>
      %dma_wait3A_38 = arith.constant 0 : i32
      %dma_wait3A_39 = arith.constant 0 : i32
      %dma_wait3A_40 = tpu.memref_slice %arg4[%add3A, %dma_wait3A_38, %dma_wait3A_39] : memref<32x125x80xi32, #tpu.memory_space<hbm>> -> memref<1x125x80xi32, #tpu.memory_space<hbm>>
      %dma_wait3A_41 = tpu.memref_squeeze %dma_wait3A_40 : memref<1x125x80xi32, #tpu.memory_space<hbm>> -> memref<125x80xi32, #tpu.memory_space<hbm>>
      tpu.wait_dma2 semaphore(%run_scoped3A_25 : memref<!tpu.dma_semaphore, #tpu.memory_space<semaphore_mem>>) src(%dma_wait3A_41 : memref<125x80xi32, #tpu.memory_space<hbm>>) dst(%arg8 : memref<125x80xi32, #tpu.memory_space<vmem>>)
      tpu.yield
    }) : () -> ()
    %mul3A_1 = arith.constant 640 : i32
    %mul3A_2 = arith.muli %arg1, %mul3A_1 : i32
    "tpu.region"() ({
      %run_scoped3A_25 = tpu.sem_alloc : memref<!tpu.dma_semaphore, #tpu.memory_space<semaphore_mem>>
      %dma_start3A_26 = arith.constant 0 : i32
      %dma_start3A_27 = tpu.memref_slice %arg11[%mul3A_2, %dma_start3A_26] : memref<10240x128xf32, #tpu.memory_space<vmem_shared>> -> memref<640x128xf32, #tpu.memory_space<vmem_shared>>
      tpu.enqueue_dma source(%arg5 : memref<640x128xf32, #tpu.memory_space<hbm>>) target(%dma_start3A_27 : memref<640x128xf32, #tpu.memory_space<vmem_shared>>) target_semaphore(%run_scoped3A_25 : memref<!tpu.dma_semaphore, #tpu.memory_space<semaphore_mem>>)
      %dma_wait3A_28 = arith.constant 0 : i32
      %dma_wait3A_29 = tpu.memref_slice %arg11[%mul3A_2, %dma_wait3A_28] : memref<10240x128xf32, #tpu.memory_space<vmem_shared>> -> memref<640x128xf32, #tpu.memory_space<vmem_shared>>
      tpu.wait_dma2 semaphore(%run_scoped3A_25 : memref<!tpu.dma_semaphore, #tpu.memory_space<semaphore_mem>>) src(%arg5 : memref<640x128xf32, #tpu.memory_space<hbm>>) dst(%dma_wait3A_29 : memref<640x128xf32, #tpu.memory_space<vmem_shared>>)
      tpu.yield
    }) : () -> ()
    %barrier3A = arith.constant 0 : index
    tpu.barrier barrier_id(%barrier3A)
    %dma_start3A = arith.constant 0 : i32
    %dma_start3A_3 = arith.constant 0 : i32
    %dma_start3A_4 = tpu.memref_slice %arg7[%dma_start3A, %dma_start3A_3] : memref<125x80xi32, #tpu.memory_space<vmem>> -> memref<1x80xi32, #tpu.memory_space<vmem>>
    %dma_start3A_5 = tpu.memref_squeeze %dma_start3A_4 : memref<1x80xi32, #tpu.memory_space<vmem>> -> memref<80xi32, #tpu.memory_space<vmem>>
    %dma_start3A_6 = arith.constant 0 : i32
    %dma_start3A_7 = arith.constant 0 : i32
    %dma_start3A_8 = tpu.memref_slice %arg2[%dma_start3A_6, %dma_start3A_7] : memref<10240x128xf32, #tpu.memory_space<hbm>> -> memref<10240x128xf32, #tpu.memory_space<hbm>>
    tpu.enqueue_indirect_dma source(%dma_start3A_8 : memref<10240x128xf32, #tpu.memory_space<hbm>>) target(%arg9 : memref<80x128xf32, #tpu.memory_space<vmem>>) offsets(%dma_start3A_5 : memref<80xi32, #tpu.memory_space<vmem>>) semaphore(%arg12 : memref<!tpu.dma_semaphore, #tpu.memory_space<semaphore_mem>>)
    %scan3A = arith.constant 0 : i32
    %scan3A_9 = arith.constant 0 : i32
    %scan3A_10 = arith.constant 62 : i32
    %scan3A_11 = arith.addi %scan3A_9, %scan3A_10 : i32
    %scan3A_12 = arith.constant 1 : i32
    scf.for %scan3A_25 = %scan3A_9 to %scan3A_11 step %scan3A_12  : i32 {
      %mul3A_26 = arith.constant 2 : i32
      %mul3A_27 = arith.muli %scan3A_25, %mul3A_26 : i32
      %add3A_28 = arith.constant 1 : i32
      %add3A_29 = arith.addi %mul3A_27, %add3A_28 : i32
      %dma_start3A_30 = arith.constant 0 : i32
      %dma_start3A_31 = tpu.memref_slice %arg7[%add3A_29, %dma_start3A_30] : memref<125x80xi32, #tpu.memory_space<vmem>> -> memref<1x80xi32, #tpu.memory_space<vmem>>
      %dma_start3A_32 = tpu.memref_squeeze %dma_start3A_31 : memref<1x80xi32, #tpu.memory_space<vmem>> -> memref<80xi32, #tpu.memory_space<vmem>>
      %dma_start3A_33 = arith.constant 0 : i32
      %dma_start3A_34 = arith.constant 0 : i32
      %dma_start3A_35 = tpu.memref_slice %arg2[%dma_start3A_33, %dma_start3A_34] : memref<10240x128xf32, #tpu.memory_space<hbm>> -> memref<10240x128xf32, #tpu.memory_space<hbm>>
      tpu.enqueue_indirect_dma source(%dma_start3A_35 : memref<10240x128xf32, #tpu.memory_space<hbm>>) target(%arg10 : memref<80x128xf32, #tpu.memory_space<vmem>>) offsets(%dma_start3A_32 : memref<80xi32, #tpu.memory_space<vmem>>) semaphore(%arg13 : memref<!tpu.dma_semaphore, #tpu.memory_space<semaphore_mem>>)
      %dma_wait3A_36 = arith.constant 0 : i32
      %dma_wait3A_37 = arith.constant 0 : i32
      %dma_wait3A_38 = tpu.memref_slice %arg7[%dma_wait3A_36, %dma_wait3A_37] : memref<125x80xi32, #tpu.memory_space<vmem>> -> memref<1x80xi32, #tpu.memory_space<vmem>>
      %dma_wait3A_39 = tpu.memref_squeeze %dma_wait3A_38 : memref<1x80xi32, #tpu.memory_space<vmem>> -> memref<80xi32, #tpu.memory_space<vmem>>
      %dma_wait3A_40 = arith.constant 0 : i32
      %dma_wait3A_41 = arith.constant 0 : i32
      %dma_wait3A_42 = tpu.memref_slice %arg2[%dma_wait3A_40, %dma_wait3A_41] : memref<10240x128xf32, #tpu.memory_space<hbm>> -> memref<10240x128xf32, #tpu.memory_space<hbm>>
      tpu.wait_indirect_dma semaphore(%arg12 : memref<!tpu.dma_semaphore, #tpu.memory_space<semaphore_mem>>) src(%dma_wait3A_42 : memref<10240x128xf32, #tpu.memory_space<hbm>>) dst(%arg9 : memref<80x128xf32, #tpu.memory_space<vmem>>)
      "tpu.region"() ({
        %run_scoped3A_56 = tpu.sem_alloc : memref<!tpu.dma_semaphore, #tpu.memory_space<semaphore_mem>>
        %dma_start3A_57 = arith.constant 0 : i32
        %dma_start3A_58 = tpu.memref_slice %arg8[%mul3A_27, %dma_start3A_57] : memref<125x80xi32, #tpu.memory_space<vmem>> -> memref<1x80xi32, #tpu.memory_space<vmem>>
        %dma_start3A_59 = tpu.memref_squeeze %dma_start3A_58 : memref<1x80xi32, #tpu.memory_space<vmem>> -> memref<80xi32, #tpu.memory_space<vmem>>
        %dma_start3A_60 = arith.constant 0 : i32
        %dma_start3A_61 = arith.constant 0 : i32
        %dma_start3A_62 = tpu.memref_slice %arg11[%dma_start3A_60, %dma_start3A_61] : memref<10240x128xf32, #tpu.memory_space<vmem_shared>> -> memref<10240x128xf32, #tpu.memory_space<vmem_shared>>
        tpu.enqueue_indirect_dma source(%arg9 : memref<80x128xf32, #tpu.memory_space<vmem>>) target(%dma_start3A_62 : memref<10240x128xf32, #tpu.memory_space<vmem_shared>>) offsets(%dma_start3A_59 : memref<80xi32, #tpu.memory_space<vmem>>) semaphore(%run_scoped3A_56 : memref<!tpu.dma_semaphore, #tpu.memory_space<semaphore_mem>>) {add = true}
        %dma_wait3A_63 = arith.constant 0 : i32
        %dma_wait3A_64 = tpu.memref_slice %arg8[%mul3A_27, %dma_wait3A_63] : memref<125x80xi32, #tpu.memory_space<vmem>> -> memref<1x80xi32, #tpu.memory_space<vmem>>
        %dma_wait3A_65 = tpu.memref_squeeze %dma_wait3A_64 : memref<1x80xi32, #tpu.memory_space<vmem>> -> memref<80xi32, #tpu.memory_space<vmem>>
        %dma_wait3A_66 = arith.constant 0 : i32
        %dma_wait3A_67 = arith.constant 0 : i32
        %dma_wait3A_68 = tpu.memref_slice %arg11[%dma_wait3A_66, %dma_wait3A_67] : memref<10240x128xf32, #tpu.memory_space<vmem_shared>> -> memref<10240x128xf32, #tpu.memory_space<vmem_shared>>
        tpu.wait_indirect_dma semaphore(%run_scoped3A_56 : memref<!tpu.dma_semaphore, #tpu.memory_space<semaphore_mem>>) src(%arg9 : memref<80x128xf32, #tpu.memory_space<vmem>>) dst(%dma_wait3A_68 : memref<10240x128xf32, #tpu.memory_space<vmem_shared>>)
        tpu.yield
      }) : () -> ()
      %add3A_43 = arith.constant 2 : i32
      %add3A_44 = arith.addi %mul3A_27, %add3A_43 : i32
      %lt3A = arith.constant 125 : i32
      %lt3A_45 = arith.cmpi slt, %add3A_44, %lt3A : i32
      %convert_element_type3A = arith.extui %lt3A_45 : i1 to i32
      %cond3A = arith.constant 0 : i32
      %cond3A_46 = arith.cmpi ne, %convert_element_type3A, %cond3A : i32
      scf.if %cond3A_46 {
        %add3A_56 = arith.constant 2 : i32
        %add3A_57 = arith.addi %mul3A_27, %add3A_56 : i32
        %dma_start3A_58 = arith.constant 0 : i32
        %dma_start3A_59 = tpu.memref_slice %arg7[%add3A_57, %dma_start3A_58] : memref<125x80xi32, #tpu.memory_space<vmem>> -> memref<1x80xi32, #tpu.memory_space<vmem>>
        %dma_start3A_60 = tpu.memref_squeeze %dma_start3A_59 : memref<1x80xi32, #tpu.memory_space<vmem>> -> memref<80xi32, #tpu.memory_space<vmem>>
        %dma_start3A_61 = arith.constant 0 : i32
        %dma_start3A_62 = arith.constant 0 : i32
        %dma_start3A_63 = tpu.memref_slice %arg2[%dma_start3A_61, %dma_start3A_62] : memref<10240x128xf32, #tpu.memory_space<hbm>> -> memref<10240x128xf32, #tpu.memory_space<hbm>>
        tpu.enqueue_indirect_dma source(%dma_start3A_63 : memref<10240x128xf32, #tpu.memory_space<hbm>>) target(%arg9 : memref<80x128xf32, #tpu.memory_space<vmem>>) offsets(%dma_start3A_60 : memref<80xi32, #tpu.memory_space<vmem>>) semaphore(%arg12 : memref<!tpu.dma_semaphore, #tpu.memory_space<semaphore_mem>>)
      } else {
      }
      %dma_wait3A_47 = arith.constant 0 : i32
      %dma_wait3A_48 = arith.constant 0 : i32
      %dma_wait3A_49 = tpu.memref_slice %arg7[%dma_wait3A_47, %dma_wait3A_48] : memref<125x80xi32, #tpu.memory_space<vmem>> -> memref<1x80xi32, #tpu.memory_space<vmem>>
      %dma_wait3A_50 = tpu.memref_squeeze %dma_wait3A_49 : memref<1x80xi32, #tpu.memory_space<vmem>> -> memref<80xi32, #tpu.memory_space<vmem>>
      %dma_wait3A_51 = arith.constant 0 : i32
      %dma_wait3A_52 = arith.constant 0 : i32
      %dma_wait3A_53 = tpu.memref_slice %arg2[%dma_wait3A_51, %dma_wait3A_52] : memref<10240x128xf32, #tpu.memory_space<hbm>> -> memref<10240x128xf32, #tpu.memory_space<hbm>>
      tpu.wait_indirect_dma semaphore(%arg13 : memref<!tpu.dma_semaphore, #tpu.memory_space<semaphore_mem>>) src(%dma_wait3A_53 : memref<10240x128xf32, #tpu.memory_space<hbm>>) dst(%arg10 : memref<80x128xf32, #tpu.memory_space<vmem>>)
      %add3A_54 = arith.constant 1 : i32
      %add3A_55 = arith.addi %mul3A_27, %add3A_54 : i32
      "tpu.region"() ({
        %run_scoped3A_56 = tpu.sem_alloc : memref<!tpu.dma_semaphore, #tpu.memory_space<semaphore_mem>>
        %dma_start3A_57 = arith.constant 0 : i32
        %dma_start3A_58 = tpu.memref_slice %arg8[%add3A_55, %dma_start3A_57] : memref<125x80xi32, #tpu.memory_space<vmem>> -> memref<1x80xi32, #tpu.memory_space<vmem>>
        %dma_start3A_59 = tpu.memref_squeeze %dma_start3A_58 : memref<1x80xi32, #tpu.memory_space<vmem>> -> memref<80xi32, #tpu.memory_space<vmem>>
        %dma_start3A_60 = arith.constant 0 : i32
        %dma_start3A_61 = arith.constant 0 : i32
        %dma_start3A_62 = tpu.memref_slice %arg11[%dma_start3A_60, %dma_start3A_61] : memref<10240x128xf32, #tpu.memory_space<vmem_shared>> -> memref<10240x128xf32, #tpu.memory_space<vmem_shared>>
        tpu.enqueue_indirect_dma source(%arg10 : memref<80x128xf32, #tpu.memory_space<vmem>>) target(%dma_start3A_62 : memref<10240x128xf32, #tpu.memory_space<vmem_shared>>) offsets(%dma_start3A_59 : memref<80xi32, #tpu.memory_space<vmem>>) semaphore(%run_scoped3A_56 : memref<!tpu.dma_semaphore, #tpu.memory_space<semaphore_mem>>) {add = true}
        %dma_wait3A_63 = arith.constant 0 : i32
        %dma_wait3A_64 = tpu.memref_slice %arg8[%add3A_55, %dma_wait3A_63] : memref<125x80xi32, #tpu.memory_space<vmem>> -> memref<1x80xi32, #tpu.memory_space<vmem>>
        %dma_wait3A_65 = tpu.memref_squeeze %dma_wait3A_64 : memref<1x80xi32, #tpu.memory_space<vmem>> -> memref<80xi32, #tpu.memory_space<vmem>>
        %dma_wait3A_66 = arith.constant 0 : i32
        %dma_wait3A_67 = arith.constant 0 : i32
        %dma_wait3A_68 = tpu.memref_slice %arg11[%dma_wait3A_66, %dma_wait3A_67] : memref<10240x128xf32, #tpu.memory_space<vmem_shared>> -> memref<10240x128xf32, #tpu.memory_space<vmem_shared>>
        tpu.wait_indirect_dma semaphore(%run_scoped3A_56 : memref<!tpu.dma_semaphore, #tpu.memory_space<semaphore_mem>>) src(%arg10 : memref<80x128xf32, #tpu.memory_space<vmem>>) dst(%dma_wait3A_68 : memref<10240x128xf32, #tpu.memory_space<vmem_shared>>)
        tpu.yield
      }) : () -> ()
    }
    %scan3A_13 = arith.constant 62 : i32
    %dma_wait3A = arith.constant 0 : i32
    %dma_wait3A_14 = arith.constant 0 : i32
    %dma_wait3A_15 = tpu.memref_slice %arg7[%dma_wait3A, %dma_wait3A_14] : memref<125x80xi32, #tpu.memory_space<vmem>> -> memref<1x80xi32, #tpu.memory_space<vmem>>
    %dma_wait3A_16 = tpu.memref_squeeze %dma_wait3A_15 : memref<1x80xi32, #tpu.memory_space<vmem>> -> memref<80xi32, #tpu.memory_space<vmem>>
    %dma_wait3A_17 = arith.constant 0 : i32
    %dma_wait3A_18 = arith.constant 0 : i32
    %dma_wait3A_19 = tpu.memref_slice %arg2[%dma_wait3A_17, %dma_wait3A_18] : memref<10240x128xf32, #tpu.memory_space<hbm>> -> memref<10240x128xf32, #tpu.memory_space<hbm>>
    tpu.wait_indirect_dma semaphore(%arg12 : memref<!tpu.dma_semaphore, #tpu.memory_space<semaphore_mem>>) src(%dma_wait3A_19 : memref<10240x128xf32, #tpu.memory_space<hbm>>) dst(%arg9 : memref<80x128xf32, #tpu.memory_space<vmem>>)
    %run_scoped3A = arith.constant 124 : i32
    "tpu.region"() ({
      %run_scoped3A_25 = tpu.sem_alloc : memref<!tpu.dma_semaphore, #tpu.memory_space<semaphore_mem>>
      %dma_start3A_26 = arith.constant 0 : i32
      %dma_start3A_27 = tpu.memref_slice %arg8[%run_scoped3A, %dma_start3A_26] : memref<125x80xi32, #tpu.memory_space<vmem>> -> memref<1x80xi32, #tpu.memory_space<vmem>>
      %dma_start3A_28 = tpu.memref_squeeze %dma_start3A_27 : memref<1x80xi32, #tpu.memory_space<vmem>> -> memref<80xi32, #tpu.memory_space<vmem>>
      %dma_start3A_29 = arith.constant 0 : i32
      %dma_start3A_30 = arith.constant 0 : i32
      %dma_start3A_31 = tpu.memref_slice %arg11[%dma_start3A_29, %dma_start3A_30] : memref<10240x128xf32, #tpu.memory_space<vmem_shared>> -> memref<10240x128xf32, #tpu.memory_space<vmem_shared>>
      tpu.enqueue_indirect_dma source(%arg9 : memref<80x128xf32, #tpu.memory_space<vmem>>) target(%dma_start3A_31 : memref<10240x128xf32, #tpu.memory_space<vmem_shared>>) offsets(%dma_start3A_28 : memref<80xi32, #tpu.memory_space<vmem>>) semaphore(%run_scoped3A_25 : memref<!tpu.dma_semaphore, #tpu.memory_space<semaphore_mem>>) {add = true}
      %dma_wait3A_32 = arith.constant 0 : i32
      %dma_wait3A_33 = tpu.memref_slice %arg8[%run_scoped3A, %dma_wait3A_32] : memref<125x80xi32, #tpu.memory_space<vmem>> -> memref<1x80xi32, #tpu.memory_space<vmem>>
      %dma_wait3A_34 = tpu.memref_squeeze %dma_wait3A_33 : memref<1x80xi32, #tpu.memory_space<vmem>> -> memref<80xi32, #tpu.memory_space<vmem>>
      %dma_wait3A_35 = arith.constant 0 : i32
      %dma_wait3A_36 = arith.constant 0 : i32
      %dma_wait3A_37 = tpu.memref_slice %arg11[%dma_wait3A_35, %dma_wait3A_36] : memref<10240x128xf32, #tpu.memory_space<vmem_shared>> -> memref<10240x128xf32, #tpu.memory_space<vmem_shared>>
      tpu.wait_indirect_dma semaphore(%run_scoped3A_25 : memref<!tpu.dma_semaphore, #tpu.memory_space<semaphore_mem>>) src(%arg9 : memref<80x128xf32, #tpu.memory_space<vmem>>) dst(%dma_wait3A_37 : memref<10240x128xf32, #tpu.memory_space<vmem_shared>>)
      tpu.yield
    }) : () -> ()
    %barrier3A_20 = arith.constant 0 : index
    tpu.barrier barrier_id(%barrier3A_20)
    %mul3A_21 = arith.constant 640 : i32
    %mul3A_22 = arith.muli %arg1, %mul3A_21 : i32
    %mul3A_23 = arith.constant 640 : i32
    %mul3A_24 = arith.muli %arg1, %mul3A_23 : i32
    "tpu.region"() ({
      %run_scoped3A_25 = tpu.sem_alloc : memref<!tpu.dma_semaphore, #tpu.memory_space<semaphore_mem>>
      %dma_start3A_26 = arith.constant 0 : i32
      %dma_start3A_27 = tpu.memref_slice %arg6[%arg0, %mul3A_24, %dma_start3A_26] : memref<2x10240x128xf32, #tpu.memory_space<hbm>> -> memref<1x640x128xf32, #tpu.memory_space<hbm>>
      %dma_start3A_28 = tpu.memref_squeeze %dma_start3A_27 : memref<1x640x128xf32, #tpu.memory_space<hbm>> -> memref<640x128xf32, #tpu.memory_space<hbm>>
      %dma_start3A_29 = arith.constant 0 : i32
      %dma_start3A_30 = tpu.memref_slice %arg11[%mul3A_22, %dma_start3A_29] : memref<10240x128xf32, #tpu.memory_space<vmem_shared>> -> memref<640x128xf32, #tpu.memory_space<vmem_shared>>
      tpu.enqueue_dma source(%dma_start3A_30 : memref<640x128xf32, #tpu.memory_space<vmem_shared>>) target(%dma_start3A_28 : memref<640x128xf32, #tpu.memory_space<hbm>>) target_semaphore(%run_scoped3A_25 : memref<!tpu.dma_semaphore, #tpu.memory_space<semaphore_mem>>)
      %dma_wait3A_31 = arith.constant 0 : i32
      %dma_wait3A_32 = tpu.memref_slice %arg6[%arg0, %mul3A_24, %dma_wait3A_31] : memref<2x10240x128xf32, #tpu.memory_space<hbm>> -> memref<1x640x128xf32, #tpu.memory_space<hbm>>
      %dma_wait3A_33 = tpu.memref_squeeze %dma_wait3A_32 : memref<1x640x128xf32, #tpu.memory_space<hbm>> -> memref<640x128xf32, #tpu.memory_space<hbm>>
      %dma_wait3A_34 = arith.constant 0 : i32
      %dma_wait3A_35 = tpu.memref_slice %arg11[%mul3A_22, %dma_wait3A_34] : memref<10240x128xf32, #tpu.memory_space<vmem_shared>> -> memref<640x128xf32, #tpu.memory_space<vmem_shared>>
      tpu.wait_dma2 semaphore(%run_scoped3A_25 : memref<!tpu.dma_semaphore, #tpu.memory_space<semaphore_mem>>) src(%dma_wait3A_35 : memref<640x128xf32, #tpu.memory_space<vmem_shared>>) dst(%dma_wait3A_33 : memref<640x128xf32, #tpu.memory_space<hbm>>)
      tpu.yield
    }) : () -> ()
    return
  }
}

#map = affine_map<(d0, d1) -> (0, 0)>
#map1 = affine_map<(d0, d1) -> (0, 0, 0)>
module attributes {stable_mosaic.version = 14 : i64} {
  func.func @body(%arg0: i32, %arg1: i32, %arg2: memref<10240x16xf32, #tpu.memory_space<hbm>>, %arg3: memref<32x80x125xi32, #tpu.memory_space<hbm>>, %arg4: memref<32x80x125xi32, #tpu.memory_space<hbm>>, %arg5: memref<640x16xf32, #tpu.memory_space<hbm>>, %arg6: memref<2x10240x16xf32, #tpu.memory_space<hbm>>, %arg7: memref<80x125xi32, #tpu.memory_space<vmem>>, %arg8: memref<80x125xi32, #tpu.memory_space<vmem>>, %arg9: memref<125x16xf32, #tpu.memory_space<vmem>>, %arg10: memref<125x16xf32, #tpu.memory_space<vmem>>, %arg11: memref<10240x16xf32, #tpu.memory_space<vmem_shared>>, %arg12: memref<!tpu.dma_semaphore, #tpu.memory_space<semaphore_mem>>, %arg13: memref<!tpu.dma_semaphore, #tpu.memory_space<semaphore_mem>>) attributes {dimension_semantics = [#tpu.dimension_semantics<core_parallel>, #tpu.dimension_semantics<subcore_parallel>], iteration_bounds = array<i64: 2, 16>, scalar_prefetch = 0 : i64, scratch_operands = 7 : i64, tpu.core_type = #tpu.core_type<sc_vector_subcore>, window_params = [{transform_indices = #map}, {transform_indices = #map1}, {transform_indices = #map1}, {transform_indices = #map}, {transform_indices = #map1}]} {
    %mul3A = arith.constant 16 : i32
    %mul3A_0 = arith.muli %arg0, %mul3A : i32
    %add3A = arith.addi %mul3A_0, %arg1 : i32
    "tpu.region"() ({
      %run_scoped3A = tpu.sem_alloc : memref<!tpu.dma_semaphore, #tpu.memory_space<semaphore_mem>>
      %dma_start3A_19 = arith.constant 0 : i32
      %dma_start3A_20 = arith.constant 0 : i32
      %dma_start3A_21 = tpu.memref_slice %arg3[%add3A, %dma_start3A_19, %dma_start3A_20] : memref<32x80x125xi32, #tpu.memory_space<hbm>> -> memref<1x80x125xi32, #tpu.memory_space<hbm>>
      %dma_start3A_22 = tpu.memref_squeeze %dma_start3A_21 : memref<1x80x125xi32, #tpu.memory_space<hbm>> -> memref<80x125xi32, #tpu.memory_space<hbm>>
      %dma_start3A_23 = arith.constant 0 : i32
      %dma_start3A_24 = arith.constant 0 : i32
      %dma_start3A_25 = tpu.memref_slice %arg3[%add3A, %dma_start3A_23, %dma_start3A_24] : memref<32x80x125xi32, #tpu.memory_space<hbm>> -> memref<1x80x125xi32, #tpu.memory_space<hbm>>
      %dma_start3A_26 = tpu.memref_squeeze %dma_start3A_25 : memref<1x80x125xi32, #tpu.memory_space<hbm>> -> memref<80x125xi32, #tpu.memory_space<hbm>>
      tpu.enqueue_dma source(%dma_start3A_26 : memref<80x125xi32, #tpu.memory_space<hbm>>) target(%arg7 : memref<80x125xi32, #tpu.memory_space<vmem>>) target_semaphore(%run_scoped3A : memref<!tpu.dma_semaphore, #tpu.memory_space<semaphore_mem>>)
      %dma_wait3A = arith.constant 0 : i32
      %dma_wait3A_27 = arith.constant 0 : i32
      %dma_wait3A_28 = tpu.memref_slice %arg3[%add3A, %dma_wait3A, %dma_wait3A_27] : memref<32x80x125xi32, #tpu.memory_space<hbm>> -> memref<1x80x125xi32, #tpu.memory_space<hbm>>
      %dma_wait3A_29 = tpu.memref_squeeze %dma_wait3A_28 : memref<1x80x125xi32, #tpu.memory_space<hbm>> -> memref<80x125xi32, #tpu.memory_space<hbm>>
      %dma_wait3A_30 = arith.constant 0 : i32
      %dma_wait3A_31 = arith.constant 0 : i32
      %dma_wait3A_32 = tpu.memref_slice %arg3[%add3A, %dma_wait3A_30, %dma_wait3A_31] : memref<32x80x125xi32, #tpu.memory_space<hbm>> -> memref<1x80x125xi32, #tpu.memory_space<hbm>>
      %dma_wait3A_33 = tpu.memref_squeeze %dma_wait3A_32 : memref<1x80x125xi32, #tpu.memory_space<hbm>> -> memref<80x125xi32, #tpu.memory_space<hbm>>
      tpu.wait_dma2 semaphore(%run_scoped3A : memref<!tpu.dma_semaphore, #tpu.memory_space<semaphore_mem>>) src(%dma_wait3A_33 : memref<80x125xi32, #tpu.memory_space<hbm>>) dst(%arg7 : memref<80x125xi32, #tpu.memory_space<vmem>>)
      tpu.yield
    }) : () -> ()
    "tpu.region"() ({
      %run_scoped3A = tpu.sem_alloc : memref<!tpu.dma_semaphore, #tpu.memory_space<semaphore_mem>>
      %dma_start3A_19 = arith.constant 0 : i32
      %dma_start3A_20 = arith.constant 0 : i32
      %dma_start3A_21 = tpu.memref_slice %arg4[%add3A, %dma_start3A_19, %dma_start3A_20] : memref<32x80x125xi32, #tpu.memory_space<hbm>> -> memref<1x80x125xi32, #tpu.memory_space<hbm>>
      %dma_start3A_22 = tpu.memref_squeeze %dma_start3A_21 : memref<1x80x125xi32, #tpu.memory_space<hbm>> -> memref<80x125xi32, #tpu.memory_space<hbm>>
      %dma_start3A_23 = arith.constant 0 : i32
      %dma_start3A_24 = arith.constant 0 : i32
      %dma_start3A_25 = tpu.memref_slice %arg4[%add3A, %dma_start3A_23, %dma_start3A_24] : memref<32x80x125xi32, #tpu.memory_space<hbm>> -> memref<1x80x125xi32, #tpu.memory_space<hbm>>
      %dma_start3A_26 = tpu.memref_squeeze %dma_start3A_25 : memref<1x80x125xi32, #tpu.memory_space<hbm>> -> memref<80x125xi32, #tpu.memory_space<hbm>>
      tpu.enqueue_dma source(%dma_start3A_26 : memref<80x125xi32, #tpu.memory_space<hbm>>) target(%arg8 : memref<80x125xi32, #tpu.memory_space<vmem>>) target_semaphore(%run_scoped3A : memref<!tpu.dma_semaphore, #tpu.memory_space<semaphore_mem>>)
      %dma_wait3A = arith.constant 0 : i32
      %dma_wait3A_27 = arith.constant 0 : i32
      %dma_wait3A_28 = tpu.memref_slice %arg4[%add3A, %dma_wait3A, %dma_wait3A_27] : memref<32x80x125xi32, #tpu.memory_space<hbm>> -> memref<1x80x125xi32, #tpu.memory_space<hbm>>
      %dma_wait3A_29 = tpu.memref_squeeze %dma_wait3A_28 : memref<1x80x125xi32, #tpu.memory_space<hbm>> -> memref<80x125xi32, #tpu.memory_space<hbm>>
      %dma_wait3A_30 = arith.constant 0 : i32
      %dma_wait3A_31 = arith.constant 0 : i32
      %dma_wait3A_32 = tpu.memref_slice %arg4[%add3A, %dma_wait3A_30, %dma_wait3A_31] : memref<32x80x125xi32, #tpu.memory_space<hbm>> -> memref<1x80x125xi32, #tpu.memory_space<hbm>>
      %dma_wait3A_33 = tpu.memref_squeeze %dma_wait3A_32 : memref<1x80x125xi32, #tpu.memory_space<hbm>> -> memref<80x125xi32, #tpu.memory_space<hbm>>
      tpu.wait_dma2 semaphore(%run_scoped3A : memref<!tpu.dma_semaphore, #tpu.memory_space<semaphore_mem>>) src(%dma_wait3A_33 : memref<80x125xi32, #tpu.memory_space<hbm>>) dst(%arg8 : memref<80x125xi32, #tpu.memory_space<vmem>>)
      tpu.yield
    }) : () -> ()
    %mul3A_1 = arith.constant 640 : i32
    %mul3A_2 = arith.muli %arg1, %mul3A_1 : i32
    "tpu.region"() ({
      %run_scoped3A = tpu.sem_alloc : memref<!tpu.dma_semaphore, #tpu.memory_space<semaphore_mem>>
      %dma_start3A_19 = arith.constant 0 : i32
      %dma_start3A_20 = tpu.memref_slice %arg11[%mul3A_2, %dma_start3A_19] : memref<10240x16xf32, #tpu.memory_space<vmem_shared>> -> memref<640x16xf32, #tpu.memory_space<vmem_shared>>
      tpu.enqueue_dma source(%arg5 : memref<640x16xf32, #tpu.memory_space<hbm>>) target(%dma_start3A_20 : memref<640x16xf32, #tpu.memory_space<vmem_shared>>) target_semaphore(%run_scoped3A : memref<!tpu.dma_semaphore, #tpu.memory_space<semaphore_mem>>)
      %dma_wait3A = arith.constant 0 : i32
      %dma_wait3A_21 = tpu.memref_slice %arg11[%mul3A_2, %dma_wait3A] : memref<10240x16xf32, #tpu.memory_space<vmem_shared>> -> memref<640x16xf32, #tpu.memory_space<vmem_shared>>
      tpu.wait_dma2 semaphore(%run_scoped3A : memref<!tpu.dma_semaphore, #tpu.memory_space<semaphore_mem>>) src(%arg5 : memref<640x16xf32, #tpu.memory_space<hbm>>) dst(%dma_wait3A_21 : memref<640x16xf32, #tpu.memory_space<vmem_shared>>)
      tpu.yield
    }) : () -> ()
    %barrier3A = arith.constant 0 : index
    tpu.barrier barrier_id(%barrier3A)
    %dma_start3A = arith.constant 0 : i32
    %dma_start3A_3 = arith.constant 0 : i32
    %dma_start3A_4 = tpu.memref_slice %arg7[%dma_start3A, %dma_start3A_3] : memref<80x125xi32, #tpu.memory_space<vmem>> -> memref<1x125xi32, #tpu.memory_space<vmem>>
    %dma_start3A_5 = tpu.memref_squeeze %dma_start3A_4 : memref<1x125xi32, #tpu.memory_space<vmem>> -> memref<125xi32, #tpu.memory_space<vmem>>
    %dma_start3A_6 = arith.constant 0 : i32
    %dma_start3A_7 = arith.constant 0 : i32
    %dma_start3A_8 = tpu.memref_slice %arg2[%dma_start3A_6, %dma_start3A_7] : memref<10240x16xf32, #tpu.memory_space<hbm>> -> memref<10240x16xf32, #tpu.memory_space<hbm>>
    tpu.enqueue_indirect_dma source(%dma_start3A_8 : memref<10240x16xf32, #tpu.memory_space<hbm>>) target(%arg9 : memref<125x16xf32, #tpu.memory_space<vmem>>) offsets(%dma_start3A_5 : memref<125xi32, #tpu.memory_space<vmem>>) semaphore(%arg12 : memref<!tpu.dma_semaphore, #tpu.memory_space<semaphore_mem>>)
    %scan3A = arith.constant 0 : i32
    %scan3A_9 = arith.constant 0 : i32
    %scan3A_10 = arith.constant 40 : i32
    %scan3A_11 = arith.addi %scan3A_9, %scan3A_10 : i32
    %scan3A_12 = arith.constant 1 : i32
    scf.for %scan3A_19 = %scan3A_9 to %scan3A_11 step %scan3A_12  : i32 {
      %mul3A_20 = arith.constant 2 : i32
      %mul3A_21 = arith.muli %scan3A_19, %mul3A_20 : i32
      %add3A_22 = arith.constant 1 : i32
      %add3A_23 = arith.addi %mul3A_21, %add3A_22 : i32
      %dma_start3A_24 = arith.constant 0 : i32
      %dma_start3A_25 = tpu.memref_slice %arg7[%add3A_23, %dma_start3A_24] : memref<80x125xi32, #tpu.memory_space<vmem>> -> memref<1x125xi32, #tpu.memory_space<vmem>>
      %dma_start3A_26 = tpu.memref_squeeze %dma_start3A_25 : memref<1x125xi32, #tpu.memory_space<vmem>> -> memref<125xi32, #tpu.memory_space<vmem>>
      %dma_start3A_27 = arith.constant 0 : i32
      %dma_start3A_28 = arith.constant 0 : i32
      %dma_start3A_29 = tpu.memref_slice %arg2[%dma_start3A_27, %dma_start3A_28] : memref<10240x16xf32, #tpu.memory_space<hbm>> -> memref<10240x16xf32, #tpu.memory_space<hbm>>
      tpu.enqueue_indirect_dma source(%dma_start3A_29 : memref<10240x16xf32, #tpu.memory_space<hbm>>) target(%arg10 : memref<125x16xf32, #tpu.memory_space<vmem>>) offsets(%dma_start3A_26 : memref<125xi32, #tpu.memory_space<vmem>>) semaphore(%arg13 : memref<!tpu.dma_semaphore, #tpu.memory_space<semaphore_mem>>)
      %dma_wait3A = arith.constant 0 : i32
      %dma_wait3A_30 = arith.constant 0 : i32
      %dma_wait3A_31 = tpu.memref_slice %arg7[%dma_wait3A, %dma_wait3A_30] : memref<80x125xi32, #tpu.memory_space<vmem>> -> memref<1x125xi32, #tpu.memory_space<vmem>>
      %dma_wait3A_32 = tpu.memref_squeeze %dma_wait3A_31 : memref<1x125xi32, #tpu.memory_space<vmem>> -> memref<125xi32, #tpu.memory_space<vmem>>
      %dma_wait3A_33 = arith.constant 0 : i32
      %dma_wait3A_34 = arith.constant 0 : i32
      %dma_wait3A_35 = tpu.memref_slice %arg2[%dma_wait3A_33, %dma_wait3A_34] : memref<10240x16xf32, #tpu.memory_space<hbm>> -> memref<10240x16xf32, #tpu.memory_space<hbm>>
      tpu.wait_indirect_dma semaphore(%arg12 : memref<!tpu.dma_semaphore, #tpu.memory_space<semaphore_mem>>) src(%dma_wait3A_35 : memref<10240x16xf32, #tpu.memory_space<hbm>>) dst(%arg9 : memref<125x16xf32, #tpu.memory_space<vmem>>)
      "tpu.region"() ({
        %run_scoped3A = tpu.sem_alloc : memref<!tpu.dma_semaphore, #tpu.memory_space<semaphore_mem>>
        %dma_start3A_49 = arith.constant 0 : i32
        %dma_start3A_50 = tpu.memref_slice %arg8[%mul3A_21, %dma_start3A_49] : memref<80x125xi32, #tpu.memory_space<vmem>> -> memref<1x125xi32, #tpu.memory_space<vmem>>
        %dma_start3A_51 = tpu.memref_squeeze %dma_start3A_50 : memref<1x125xi32, #tpu.memory_space<vmem>> -> memref<125xi32, #tpu.memory_space<vmem>>
        %dma_start3A_52 = arith.constant 0 : i32
        %dma_start3A_53 = arith.constant 0 : i32
        %dma_start3A_54 = tpu.memref_slice %arg11[%dma_start3A_52, %dma_start3A_53] : memref<10240x16xf32, #tpu.memory_space<vmem_shared>> -> memref<10240x16xf32, #tpu.memory_space<vmem_shared>>
        tpu.enqueue_indirect_dma source(%arg9 : memref<125x16xf32, #tpu.memory_space<vmem>>) target(%dma_start3A_54 : memref<10240x16xf32, #tpu.memory_space<vmem_shared>>) offsets(%dma_start3A_51 : memref<125xi32, #tpu.memory_space<vmem>>) semaphore(%run_scoped3A : memref<!tpu.dma_semaphore, #tpu.memory_space<semaphore_mem>>) {add = true}
        %dma_wait3A_55 = arith.constant 0 : i32
        %dma_wait3A_56 = tpu.memref_slice %arg8[%mul3A_21, %dma_wait3A_55] : memref<80x125xi32, #tpu.memory_space<vmem>> -> memref<1x125xi32, #tpu.memory_space<vmem>>
        %dma_wait3A_57 = tpu.memref_squeeze %dma_wait3A_56 : memref<1x125xi32, #tpu.memory_space<vmem>> -> memref<125xi32, #tpu.memory_space<vmem>>
        %dma_wait3A_58 = arith.constant 0 : i32
        %dma_wait3A_59 = arith.constant 0 : i32
        %dma_wait3A_60 = tpu.memref_slice %arg11[%dma_wait3A_58, %dma_wait3A_59] : memref<10240x16xf32, #tpu.memory_space<vmem_shared>> -> memref<10240x16xf32, #tpu.memory_space<vmem_shared>>
        tpu.wait_indirect_dma semaphore(%run_scoped3A : memref<!tpu.dma_semaphore, #tpu.memory_space<semaphore_mem>>) src(%arg9 : memref<125x16xf32, #tpu.memory_space<vmem>>) dst(%dma_wait3A_60 : memref<10240x16xf32, #tpu.memory_space<vmem_shared>>)
        tpu.yield
      }) : () -> ()
      %add3A_36 = arith.constant 2 : i32
      %add3A_37 = arith.addi %mul3A_21, %add3A_36 : i32
      %lt3A = arith.constant 80 : i32
      %lt3A_38 = arith.cmpi slt, %add3A_37, %lt3A : i32
      %convert_element_type3A = arith.extui %lt3A_38 : i1 to i32
      %cond3A = arith.constant 0 : i32
      %cond3A_39 = arith.cmpi ne, %convert_element_type3A, %cond3A : i32
      scf.if %cond3A_39 {
        %add3A_49 = arith.constant 2 : i32
        %add3A_50 = arith.addi %mul3A_21, %add3A_49 : i32
        %dma_start3A_51 = arith.constant 0 : i32
        %dma_start3A_52 = tpu.memref_slice %arg7[%add3A_50, %dma_start3A_51] : memref<80x125xi32, #tpu.memory_space<vmem>> -> memref<1x125xi32, #tpu.memory_space<vmem>>
        %dma_start3A_53 = tpu.memref_squeeze %dma_start3A_52 : memref<1x125xi32, #tpu.memory_space<vmem>> -> memref<125xi32, #tpu.memory_space<vmem>>
        %dma_start3A_54 = arith.constant 0 : i32
        %dma_start3A_55 = arith.constant 0 : i32
        %dma_start3A_56 = tpu.memref_slice %arg2[%dma_start3A_54, %dma_start3A_55] : memref<10240x16xf32, #tpu.memory_space<hbm>> -> memref<10240x16xf32, #tpu.memory_space<hbm>>
        tpu.enqueue_indirect_dma source(%dma_start3A_56 : memref<10240x16xf32, #tpu.memory_space<hbm>>) target(%arg9 : memref<125x16xf32, #tpu.memory_space<vmem>>) offsets(%dma_start3A_53 : memref<125xi32, #tpu.memory_space<vmem>>) semaphore(%arg12 : memref<!tpu.dma_semaphore, #tpu.memory_space<semaphore_mem>>)
      } else {
      }
      %dma_wait3A_40 = arith.constant 0 : i32
      %dma_wait3A_41 = arith.constant 0 : i32
      %dma_wait3A_42 = tpu.memref_slice %arg7[%dma_wait3A_40, %dma_wait3A_41] : memref<80x125xi32, #tpu.memory_space<vmem>> -> memref<1x125xi32, #tpu.memory_space<vmem>>
      %dma_wait3A_43 = tpu.memref_squeeze %dma_wait3A_42 : memref<1x125xi32, #tpu.memory_space<vmem>> -> memref<125xi32, #tpu.memory_space<vmem>>
      %dma_wait3A_44 = arith.constant 0 : i32
      %dma_wait3A_45 = arith.constant 0 : i32
      %dma_wait3A_46 = tpu.memref_slice %arg2[%dma_wait3A_44, %dma_wait3A_45] : memref<10240x16xf32, #tpu.memory_space<hbm>> -> memref<10240x16xf32, #tpu.memory_space<hbm>>
      tpu.wait_indirect_dma semaphore(%arg13 : memref<!tpu.dma_semaphore, #tpu.memory_space<semaphore_mem>>) src(%dma_wait3A_46 : memref<10240x16xf32, #tpu.memory_space<hbm>>) dst(%arg10 : memref<125x16xf32, #tpu.memory_space<vmem>>)
      %add3A_47 = arith.constant 1 : i32
      %add3A_48 = arith.addi %mul3A_21, %add3A_47 : i32
      "tpu.region"() ({
        %run_scoped3A = tpu.sem_alloc : memref<!tpu.dma_semaphore, #tpu.memory_space<semaphore_mem>>
        %dma_start3A_49 = arith.constant 0 : i32
        %dma_start3A_50 = tpu.memref_slice %arg8[%add3A_48, %dma_start3A_49] : memref<80x125xi32, #tpu.memory_space<vmem>> -> memref<1x125xi32, #tpu.memory_space<vmem>>
        %dma_start3A_51 = tpu.memref_squeeze %dma_start3A_50 : memref<1x125xi32, #tpu.memory_space<vmem>> -> memref<125xi32, #tpu.memory_space<vmem>>
        %dma_start3A_52 = arith.constant 0 : i32
        %dma_start3A_53 = arith.constant 0 : i32
        %dma_start3A_54 = tpu.memref_slice %arg11[%dma_start3A_52, %dma_start3A_53] : memref<10240x16xf32, #tpu.memory_space<vmem_shared>> -> memref<10240x16xf32, #tpu.memory_space<vmem_shared>>
        tpu.enqueue_indirect_dma source(%arg10 : memref<125x16xf32, #tpu.memory_space<vmem>>) target(%dma_start3A_54 : memref<10240x16xf32, #tpu.memory_space<vmem_shared>>) offsets(%dma_start3A_51 : memref<125xi32, #tpu.memory_space<vmem>>) semaphore(%run_scoped3A : memref<!tpu.dma_semaphore, #tpu.memory_space<semaphore_mem>>) {add = true}
        %dma_wait3A_55 = arith.constant 0 : i32
        %dma_wait3A_56 = tpu.memref_slice %arg8[%add3A_48, %dma_wait3A_55] : memref<80x125xi32, #tpu.memory_space<vmem>> -> memref<1x125xi32, #tpu.memory_space<vmem>>
        %dma_wait3A_57 = tpu.memref_squeeze %dma_wait3A_56 : memref<1x125xi32, #tpu.memory_space<vmem>> -> memref<125xi32, #tpu.memory_space<vmem>>
        %dma_wait3A_58 = arith.constant 0 : i32
        %dma_wait3A_59 = arith.constant 0 : i32
        %dma_wait3A_60 = tpu.memref_slice %arg11[%dma_wait3A_58, %dma_wait3A_59] : memref<10240x16xf32, #tpu.memory_space<vmem_shared>> -> memref<10240x16xf32, #tpu.memory_space<vmem_shared>>
        tpu.wait_indirect_dma semaphore(%run_scoped3A : memref<!tpu.dma_semaphore, #tpu.memory_space<semaphore_mem>>) src(%arg10 : memref<125x16xf32, #tpu.memory_space<vmem>>) dst(%dma_wait3A_60 : memref<10240x16xf32, #tpu.memory_space<vmem_shared>>)
        tpu.yield
      }) : () -> ()
    }
    %scan3A_13 = arith.constant 40 : i32
    %barrier3A_14 = arith.constant 0 : index
    tpu.barrier barrier_id(%barrier3A_14)
    %mul3A_15 = arith.constant 640 : i32
    %mul3A_16 = arith.muli %arg1, %mul3A_15 : i32
    %mul3A_17 = arith.constant 640 : i32
    %mul3A_18 = arith.muli %arg1, %mul3A_17 : i32
    "tpu.region"() ({
      %run_scoped3A = tpu.sem_alloc : memref<!tpu.dma_semaphore, #tpu.memory_space<semaphore_mem>>
      %dma_start3A_19 = arith.constant 0 : i32
      %dma_start3A_20 = tpu.memref_slice %arg6[%arg0, %mul3A_18, %dma_start3A_19] : memref<2x10240x16xf32, #tpu.memory_space<hbm>> -> memref<1x640x16xf32, #tpu.memory_space<hbm>>
      %dma_start3A_21 = tpu.memref_squeeze %dma_start3A_20 : memref<1x640x16xf32, #tpu.memory_space<hbm>> -> memref<640x16xf32, #tpu.memory_space<hbm>>
      %dma_start3A_22 = arith.constant 0 : i32
      %dma_start3A_23 = tpu.memref_slice %arg11[%mul3A_16, %dma_start3A_22] : memref<10240x16xf32, #tpu.memory_space<vmem_shared>> -> memref<640x16xf32, #tpu.memory_space<vmem_shared>>
      tpu.enqueue_dma source(%dma_start3A_23 : memref<640x16xf32, #tpu.memory_space<vmem_shared>>) target(%dma_start3A_21 : memref<640x16xf32, #tpu.memory_space<hbm>>) target_semaphore(%run_scoped3A : memref<!tpu.dma_semaphore, #tpu.memory_space<semaphore_mem>>)
      %dma_wait3A = arith.constant 0 : i32
      %dma_wait3A_24 = tpu.memref_slice %arg6[%arg0, %mul3A_18, %dma_wait3A] : memref<2x10240x16xf32, #tpu.memory_space<hbm>> -> memref<1x640x16xf32, #tpu.memory_space<hbm>>
      %dma_wait3A_25 = tpu.memref_squeeze %dma_wait3A_24 : memref<1x640x16xf32, #tpu.memory_space<hbm>> -> memref<640x16xf32, #tpu.memory_space<hbm>>
      %dma_wait3A_26 = arith.constant 0 : i32
      %dma_wait3A_27 = tpu.memref_slice %arg11[%mul3A_16, %dma_wait3A_26] : memref<10240x16xf32, #tpu.memory_space<vmem_shared>> -> memref<640x16xf32, #tpu.memory_space<vmem_shared>>
      tpu.wait_dma2 semaphore(%run_scoped3A : memref<!tpu.dma_semaphore, #tpu.memory_space<semaphore_mem>>) src(%dma_wait3A_27 : memref<640x16xf32, #tpu.memory_space<vmem_shared>>) dst(%dma_wait3A_25 : memref<640x16xf32, #tpu.memory_space<hbm>>)
      tpu.yield
    }) : () -> ()
    return
  }
}

module attributes {stable_mosaic.version = 14 : i64} {
  func.func @_mm_body(%arg0: i32, %arg1: memref<1280x128xf32, #tpu.memory_space<vmem>>, %arg2: memref<128x128xf32, #tpu.memory_space<vmem>>, %arg3: memref<1280x128xf32, #tpu.memory_space<vmem>>) attributes {dimension_semantics = [#tpu.dimension_semantics<arbitrary>], iteration_bounds = array<i64: 8>, scalar_prefetch = 0 : i64, scratch_operands = 0 : i64, tpu.core_type = #tpu.core_type<tc>, window_params = [{transform_indices = @transform_0, window_bounds = array<i64: 1280, 128>}, {pipeline_mode = #tpu.pipeline_mode<synchronous>, transform_indices = @transform_1, window_bounds = array<i64: 128, 128>}, {transform_indices = @transform_2, window_bounds = array<i64: 1280, 128>}]} {
    %get3A = arith.constant 0 : index
    %get3A_0 = arith.constant 0 : index
    %get3A_1 = vector.load %arg1[%get3A, %get3A_0] : memref<1280x128xf32, #tpu.memory_space<vmem>>, vector<1280x128xf32>
    %get3A_2 = arith.constant 0 : index
    %get3A_3 = arith.constant 0 : index
    %get3A_4 = vector.load %arg2[%get3A_2, %get3A_3] : memref<128x128xf32, #tpu.memory_space<vmem>>, vector<128x128xf32>
    %dot_general3A = arith.constant dense<0.000000e+00> : vector<1280x128xf32>
    %dot_general3A_5 = tpu.matmul %get3A_1, %get3A_4, %dot_general3A {dimension_numbers = #tpu.dot_dimension_numbers<[1], [0], [0], [1], [0, 0, 1, 1], [], []>, transpose_lhs_hint = false} : vector<1280x128xf32>, vector<128x128xf32>, vector<1280x128xf32> -> vector<1280x128xf32>
    %swap3A = arith.constant 0 : index
    %swap3A_6 = arith.constant 0 : index
    %swap3A_7 = vector.load %arg3[%swap3A, %swap3A_6] : memref<1280x128xf32, #tpu.memory_space<vmem>>, vector<1280x128xf32>
    tpu.vector_store %arg3[%swap3A, %swap3A_6], %dot_general3A_5 {strides = array<i32>} : memref<1280x128xf32, #tpu.memory_space<vmem>>, vector<1280x128xf32>,
    return
  }
  func.func @transform_0(%arg0: i32) -> (i32, i32) {
    %c0_i32 = arith.constant 0 : i32
    %c0_i32_0 = arith.constant 0 : i32
    return %arg0, %c0_i32 : i32, i32
  }
  func.func @transform_1(%arg0: i32) -> (i32, i32) {
    %c0_i32 = arith.constant 0 : i32
    %c0_i32_0 = arith.constant 0 : i32
    %c0_i32_1 = arith.constant 0 : i32
    return %c0_i32, %c0_i32_0 : i32, i32
  }
  func.func @transform_2(%arg0: i32) -> (i32, i32) {
    %c0_i32 = arith.constant 0 : i32
    %c0_i32_0 = arith.constant 0 : i32
    return %arg0, %c0_i32 : i32, i32
  }
}

module attributes {stable_mosaic.version = 14 : i64} {
  func.func @_prep_body(%arg0: i32, %arg1: memref<1280x1xf32, #tpu.memory_space<vmem>>, %arg2: memref<1280x1xf32, #tpu.memory_space<vmem>>, %arg3: memref<1280x128xf32, #tpu.memory_space<vmem>>, %arg4: memref<1280x128xf32, #tpu.memory_space<vmem>>, %arg5: memref<1280x1xf32, #tpu.memory_space<vmem>>) attributes {dimension_semantics = [#tpu.dimension_semantics<arbitrary>], iteration_bounds = array<i64: 8>, scalar_prefetch = 0 : i64, scratch_operands = 0 : i64, tpu.core_type = #tpu.core_type<tc>, window_params = [{transform_indices = @transform_0, window_bounds = array<i64: 1280, 1>}, {transform_indices = @transform_1, window_bounds = array<i64: 1280, 1>}, {transform_indices = @transform_2, window_bounds = array<i64: 1280, 128>}, {transform_indices = @transform_3, window_bounds = array<i64: 1280, 128>}, {transform_indices = @transform_4, window_bounds = array<i64: 1280, 1>}]} {
    %get3A = arith.constant 0 : index
    %get3A_0 = arith.constant 0 : index
    %get3A_1 = vector.load %arg1[%get3A, %get3A_0] : memref<1280x1xf32, #tpu.memory_space<vmem>>, vector<1280x1xf32>
    %get3A_2 = arith.constant 0 : index
    %get3A_3 = arith.constant 0 : index
    %get3A_4 = vector.load %arg2[%get3A_2, %get3A_3] : memref<1280x1xf32, #tpu.memory_space<vmem>>, vector<1280x1xf32>
    %gt3A = arith.constant 0.000000e+00 : f32
    %gt3A_5 = vector.broadcast %gt3A : f32 to vector<1280x1xf32>
    %gt3A_6 = arith.cmpf ogt, %get3A_1, %gt3A_5 : vector<1280x1xf32>
    %max3A = arith.constant 9.99999996E-13 : f32
    %max3A_7 = vector.broadcast %max3A : f32 to vector<1280x1xf32>
    %max3A_8 = arith.maximumf %get3A_1, %max3A_7 : vector<1280x1xf32>
    %rsqrt3A = math.rsqrt %max3A_8 : vector<1280x1xf32>
    %jit3A = arith.constant 0.000000e+00 : f32
    %broadcast_in_dim3A = vector.broadcast %jit3A : f32 to vector<1280x1xf32>
    %select_n3A = arith.select %gt3A_6, %rsqrt3A, %broadcast_in_dim3A : vector<1280x1xi1>, vector<1280x1xf32>
    %swap3A = arith.constant 0 : index
    %swap3A_9 = arith.constant 0 : index
    %swap3A_10 = vector.load %arg5[%swap3A, %swap3A_9] : memref<1280x1xf32, #tpu.memory_space<vmem>>, vector<1280x1xf32>
    tpu.vector_store %arg5[%swap3A, %swap3A_9], %select_n3A {strides = array<i32>} : memref<1280x1xf32, #tpu.memory_space<vmem>>, vector<1280x1xf32>,
    %mul3A = arith.mulf %select_n3A, %get3A_4 : vector<1280x1xf32>
    %broadcast_in_dim3A_11 = vector.shape_cast %mul3A : vector<1280x1xf32> to vector<1280x1xf32>
    %broadcast_in_dim3A_12 = vector.broadcast %broadcast_in_dim3A_11 : vector<1280x1xf32> to vector<1280x128xf32>
    %get3A_13 = arith.constant 0 : index
    %get3A_14 = arith.constant 0 : index
    %get3A_15 = vector.load %arg3[%get3A_13, %get3A_14] : memref<1280x128xf32, #tpu.memory_space<vmem>>, vector<1280x128xf32>
    %mul3A_16 = arith.mulf %broadcast_in_dim3A_12, %get3A_15 : vector<1280x128xf32>
    %swap3A_17 = arith.constant 0 : index
    %swap3A_18 = arith.constant 0 : index
    %swap3A_19 = vector.load %arg4[%swap3A_17, %swap3A_18] : memref<1280x128xf32, #tpu.memory_space<vmem>>, vector<1280x128xf32>
    tpu.vector_store %arg4[%swap3A_17, %swap3A_18], %mul3A_16 {strides = array<i32>} : memref<1280x128xf32, #tpu.memory_space<vmem>>, vector<1280x128xf32>,
    return
  }
  func.func @transform_0(%arg0: i32) -> (i32, i32) {
    %c0_i32 = arith.constant 0 : i32
    %c0_i32_0 = arith.constant 0 : i32
    return %arg0, %c0_i32 : i32, i32
  }
  func.func @transform_1(%arg0: i32) -> (i32, i32) {
    %c0_i32 = arith.constant 0 : i32
    %c0_i32_0 = arith.constant 0 : i32
    return %arg0, %c0_i32 : i32, i32
  }
  func.func @transform_2(%arg0: i32) -> (i32, i32) {
    %c0_i32 = arith.constant 0 : i32
    %c0_i32_0 = arith.constant 0 : i32
    return %arg0, %c0_i32 : i32, i32
  }
  func.func @transform_3(%arg0: i32) -> (i32, i32) {
    %c0_i32 = arith.constant 0 : i32
    %c0_i32_0 = arith.constant 0 : i32
    return %arg0, %c0_i32 : i32, i32
  }
  func.func @transform_4(%arg0: i32) -> (i32, i32) {
    %c0_i32 = arith.constant 0 : i32
    %c0_i32_0 = arith.constant 0 : i32
    return %arg0, %c0_i32 : i32, i32
  }
}

module attributes {stable_mosaic.version = 14 : i64} {
  func.func @_h2_body(%arg0: i32, %arg1: memref<1x1280x128xf32, #tpu.memory_space<vmem>>, %arg2: memref<1x1280x128xf32, #tpu.memory_space<vmem>>, %arg3: memref<1280x1xf32, #tpu.memory_space<vmem>>, %arg4: memref<1280x1xf32, #tpu.memory_space<vmem>>, %arg5: memref<1280x128xf32, #tpu.memory_space<vmem>>, %arg6: memref<1x128xf32, #tpu.memory_space<vmem>>, %arg7: memref<128x1xf32, #tpu.memory_space<vmem>>, %arg8: memref<1280x128xf32, #tpu.memory_space<vmem>>, %arg9: memref<1280x1xf32, #tpu.memory_space<vmem>>, %arg10: memref<1280x1xf32, #tpu.memory_space<vmem>>) attributes {dimension_semantics = [#tpu.dimension_semantics<arbitrary>], iteration_bounds = array<i64: 8>, scalar_prefetch = 0 : i64, scratch_operands = 0 : i64, tpu.core_type = #tpu.core_type<tc>, window_params = [{transform_indices = @transform_0, window_bounds = array<i64: 1, 1280, 128>}, {transform_indices = @transform_1, window_bounds = array<i64: 1, 1280, 128>}, {transform_indices = @transform_2, window_bounds = array<i64: 1280, 1>}, {transform_indices = @transform_3, window_bounds = array<i64: 1280, 1>}, {transform_indices = @transform_4, window_bounds = array<i64: 1280, 128>}, {pipeline_mode = #tpu.pipeline_mode<synchronous>, transform_indices = @transform_5, window_bounds = array<i64: 1, 128>}, {pipeline_mode = #tpu.pipeline_mode<synchronous>, transform_indices = @transform_6, window_bounds = array<i64: 128, 1>}, {transform_indices = @transform_7, window_bounds = array<i64: 1280, 128>}, {transform_indices = @transform_8, window_bounds = array<i64: 1280, 1>}, {transform_indices = @transform_9, window_bounds = array<i64: 1280, 1>}]} {
    %get3A = arith.constant 0 : index
    %get3A_0 = arith.constant 0 : index
    %get3A_1 = vector.load %arg3[%get3A, %get3A_0] : memref<1280x1xf32, #tpu.memory_space<vmem>>, vector<1280x1xf32>
    %get3A_2 = arith.constant 0 : index
    %get3A_3 = arith.constant 0 : index
    %get3A_4 = vector.load %arg4[%get3A_2, %get3A_3] : memref<1280x1xf32, #tpu.memory_space<vmem>>, vector<1280x1xf32>
    %get3A_5 = arith.constant 0 : index
    %get3A_6 = arith.constant 0 : index
    %get3A_7 = arith.constant 0 : index
    %get3A_8 = vector.load %arg1[%get3A_5, %get3A_6, %get3A_7] : memref<1x1280x128xf32, #tpu.memory_space<vmem>>, vector<1x1280x128xf32>
    %get3A_9 = vector.shape_cast %get3A_8 : vector<1x1280x128xf32> to vector<1280x128xf32>
    %get3A_10 = arith.constant 0 : index
    %get3A_11 = arith.constant 0 : index
    %get3A_12 = arith.constant 0 : index
    %get3A_13 = vector.load %arg2[%get3A_10, %get3A_11, %get3A_12] : memref<1x1280x128xf32, #tpu.memory_space<vmem>>, vector<1x1280x128xf32>
    %get3A_14 = vector.shape_cast %get3A_13 : vector<1x1280x128xf32> to vector<1280x128xf32>
    %add3A = arith.addf %get3A_9, %get3A_14 : vector<1280x128xf32>
    %broadcast_in_dim3A = vector.shape_cast %get3A_1 : vector<1280x1xf32> to vector<1280x1xf32>
    %broadcast_in_dim3A_15 = vector.broadcast %broadcast_in_dim3A : vector<1280x1xf32> to vector<1280x128xf32>
    %mul3A = arith.mulf %broadcast_in_dim3A_15, %add3A : vector<1280x128xf32>
    %mul3A_16 = arith.mulf %get3A_1, %get3A_1 : vector<1280x1xf32>
    %mul3A_17 = arith.mulf %mul3A_16, %get3A_4 : vector<1280x1xf32>
    %broadcast_in_dim3A_18 = vector.shape_cast %mul3A_17 : vector<1280x1xf32> to vector<1280x1xf32>
    %broadcast_in_dim3A_19 = vector.broadcast %broadcast_in_dim3A_18 : vector<1280x1xf32> to vector<1280x128xf32>
    %get3A_20 = arith.constant 0 : index
    %get3A_21 = arith.constant 0 : index
    %get3A_22 = vector.load %arg5[%get3A_20, %get3A_21] : memref<1280x128xf32, #tpu.memory_space<vmem>>, vector<1280x128xf32>
    %mul3A_23 = arith.mulf %broadcast_in_dim3A_19, %get3A_22 : vector<1280x128xf32>
    %add3A_24 = arith.addf %mul3A, %mul3A_23 : vector<1280x128xf32>
    %get3A_25 = arith.constant 0 : index
    %get3A_26 = arith.constant 0 : index
    %get3A_27 = vector.load %arg6[%get3A_25, %get3A_26] : memref<1x128xf32, #tpu.memory_space<vmem>>, vector<1x128xf32>
    %add3A_28 = vector.broadcast %get3A_27 : vector<1x128xf32> to vector<1280x128xf32>
    %add3A_29 = arith.addf %add3A_24, %add3A_28 : vector<1280x128xf32>
    %max3A = arith.constant 0.000000e+00 : f32
    %max3A_30 = vector.broadcast %max3A : f32 to vector<1280x128xf32>
    %max3A_31 = arith.maximumf %add3A_29, %max3A_30 : vector<1280x128xf32>
    %swap3A = arith.constant 0 : index
    %swap3A_32 = arith.constant 0 : index
    %swap3A_33 = vector.load %arg8[%swap3A, %swap3A_32] : memref<1280x128xf32, #tpu.memory_space<vmem>>, vector<1280x128xf32>
    tpu.vector_store %arg8[%swap3A, %swap3A_32], %max3A_31 {strides = array<i32>} : memref<1280x128xf32, #tpu.memory_space<vmem>>, vector<1280x128xf32>,
    %get3A_34 = arith.constant 0 : index
    %get3A_35 = arith.constant 0 : index
    %get3A_36 = vector.load %arg7[%get3A_34, %get3A_35] : memref<128x1xf32, #tpu.memory_space<vmem>>, vector<128x1xf32>
    %dot_general3A = arith.constant dense<0.000000e+00> : vector<1280x1xf32>
    %dot_general3A_37 = tpu.matmul %max3A_31, %get3A_36, %dot_general3A {dimension_numbers = #tpu.dot_dimension_numbers<[1], [0], [0], [1], [0, 0, 1, 1], [], []>, transpose_lhs_hint = false} : vector<1280x128xf32>, vector<128x1xf32>, vector<1280x1xf32> -> vector<1280x1xf32>
    %swap3A_38 = arith.constant 0 : index
    %swap3A_39 = arith.constant 0 : index
    %swap3A_40 = vector.load %arg9[%swap3A_38, %swap3A_39] : memref<1280x1xf32, #tpu.memory_space<vmem>>, vector<1280x1xf32>
    tpu.vector_store %arg9[%swap3A_38, %swap3A_39], %dot_general3A_37 {strides = array<i32>} : memref<1280x1xf32, #tpu.memory_space<vmem>>, vector<1280x1xf32>,
    %mul3A_41 = arith.mulf %get3A_1, %get3A_4 : vector<1280x1xf32>
    %mul3A_42 = arith.mulf %mul3A_41, %dot_general3A_37 : vector<1280x1xf32>
    %swap3A_43 = arith.constant 0 : index
    %swap3A_44 = arith.constant 0 : index
    %swap3A_45 = vector.load %arg10[%swap3A_43, %swap3A_44] : memref<1280x1xf32, #tpu.memory_space<vmem>>, vector<1280x1xf32>
    tpu.vector_store %arg10[%swap3A_43, %swap3A_44], %mul3A_42 {strides = array<i32>} : memref<1280x1xf32, #tpu.memory_space<vmem>>, vector<1280x1xf32>,
    return
  }
  func.func @transform_0(%arg0: i32) -> (i32, i32, i32) {
    %c0_i32 = arith.constant 0 : i32
    %c0_i32_0 = arith.constant 0 : i32
    %c0_i32_1 = arith.constant 0 : i32
    return %c0_i32, %arg0, %c0_i32_0 : i32, i32, i32
  }
  func.func @transform_1(%arg0: i32) -> (i32, i32, i32) {
    %c1_i32 = arith.constant 1 : i32
    %c0_i32 = arith.constant 0 : i32
    %c0_i32_0 = arith.constant 0 : i32
    return %c1_i32, %arg0, %c0_i32 : i32, i32, i32
  }
  func.func @transform_2(%arg0: i32) -> (i32, i32) {
    %c0_i32 = arith.constant 0 : i32
    %c0_i32_0 = arith.constant 0 : i32
    return %arg0, %c0_i32 : i32, i32
  }
  func.func @transform_3(%arg0: i32) -> (i32, i32) {
    %c0_i32 = arith.constant 0 : i32
    %c0_i32_0 = arith.constant 0 : i32
    return %arg0, %c0_i32 : i32, i32
  }
  func.func @transform_4(%arg0: i32) -> (i32, i32) {
    %c0_i32 = arith.constant 0 : i32
    %c0_i32_0 = arith.constant 0 : i32
    return %arg0, %c0_i32 : i32, i32
  }
  func.func @transform_5(%arg0: i32) -> (i32, i32) {
    %c0_i32 = arith.constant 0 : i32
    %c0_i32_0 = arith.constant 0 : i32
    %c0_i32_1 = arith.constant 0 : i32
    return %c0_i32, %c0_i32_0 : i32, i32
  }
  func.func @transform_6(%arg0: i32) -> (i32, i32) {
    %c0_i32 = arith.constant 0 : i32
    %c0_i32_0 = arith.constant 0 : i32
    %c0_i32_1 = arith.constant 0 : i32
    return %c0_i32, %c0_i32_0 : i32, i32
  }
  func.func @transform_7(%arg0: i32) -> (i32, i32) {
    %c0_i32 = arith.constant 0 : i32
    %c0_i32_0 = arith.constant 0 : i32
    return %arg0, %c0_i32 : i32, i32
  }
  func.func @transform_8(%arg0: i32) -> (i32, i32) {
    %c0_i32 = arith.constant 0 : i32
    %c0_i32_0 = arith.constant 0 : i32
    return %arg0, %c0_i32 : i32, i32
  }
  func.func @transform_9(%arg0: i32) -> (i32, i32) {
    %c0_i32 = arith.constant 0 : i32
    %c0_i32_0 = arith.constant 0 : i32
    return %arg0, %c0_i32 : i32, i32
  }
}

module attributes {stable_mosaic.version = 14 : i64} {
  func.func @_topk_body(%arg0: memref<80x128xf32, #tpu.memory_space<vmem>>, %arg1: memref<80x128xf32, #tpu.memory_space<vmem>>, %arg2: memref<80x128xf32, #tpu.memory_space<vmem>>, %arg3: memref<80x128xf32, #tpu.memory_space<vmem>>, %arg4: memref<1x1xf32, #tpu.memory_space<vmem>>, %arg5: memref<80x128xf32, #tpu.memory_space<vmem>>, %arg6: memref<80x128xf32, #tpu.memory_space<vmem>>) attributes {dimension_semantics = [], scalar_prefetch = 0 : i64, scratch_operands = 0 : i64, tpu.core_type = #tpu.core_type<tc>} {
    %get3A = arith.constant 0 : index
    %get3A_0 = arith.constant 0 : index
    %get3A_1 = vector.load %arg1[%get3A, %get3A_0] : memref<80x128xf32, #tpu.memory_space<vmem>>, vector<80x128xf32>
    %get3A_2 = arith.constant 0 : index
    %get3A_3 = arith.constant 0 : index
    %get3A_4 = vector.load %arg2[%get3A_2, %get3A_3] : memref<80x128xf32, #tpu.memory_space<vmem>>, vector<80x128xf32>
    %get3A_5 = arith.constant 0 : index
    %get3A_6 = arith.constant 0 : index
    %get3A_7 = vector.load %arg3[%get3A_5, %get3A_6] : memref<80x128xf32, #tpu.memory_space<vmem>>, vector<80x128xf32>
    %get3A_8 = arith.constant 0 : index
    %get3A_9 = arith.constant 0 : index
    %get3A_10 = vector.load %arg0[%get3A_8, %get3A_9] : memref<80x128xf32, #tpu.memory_space<vmem>>, vector<80x128xf32>
    %mul3A = arith.mulf %get3A_1, %get3A_10 : vector<80x128xf32>
    %mul3A_11 = arith.mulf %get3A_1, %get3A_1 : vector<80x128xf32>
    %mul3A_12 = arith.mulf %mul3A_11, %get3A_4 : vector<80x128xf32>
    %mul3A_13 = arith.mulf %mul3A_12, %get3A_7 : vector<80x128xf32>
    %add3A = arith.addf %mul3A, %mul3A_13 : vector<80x128xf32>
    %get3A_14 = arith.constant 0 : index
    %get3A_15 = arith.constant 0 : index
    %get3A_16 = vector.load %arg4[%get3A_14, %get3A_15] : memref<1x1xf32, #tpu.memory_space<vmem>>, vector<1x1xf32>
    %get3A_17 = vector.extract %get3A_16[0, 0] : f32 from vector<1x1xf32>
    %add3A_18 = vector.broadcast %get3A_17 : f32 to vector<80x128xf32>
    %add3A_19 = arith.addf %add3A, %add3A_18 : vector<80x128xf32>
    %swap3A = arith.constant 0 : index
    %swap3A_20 = arith.constant 0 : index
    %swap3A_21 = vector.load %arg6[%swap3A, %swap3A_20] : memref<80x128xf32, #tpu.memory_space<vmem>>, vector<80x128xf32>
    tpu.vector_store %arg6[%swap3A, %swap3A_20], %add3A_19 {strides = array<i32>} : memref<80x128xf32, #tpu.memory_space<vmem>>, vector<80x128xf32>,
    %bitcast_convert_type3A = tpu.bitcast %add3A_19 : vector<80x128xf32> -> vector<80x128xi32>
    %shift_right_logical3A = arith.constant 31 : i32
    %shift_right_logical3A_22 = vector.broadcast %shift_right_logical3A : i32 to vector<80x128xi32>
    %shift_right_logical3A_23 = arith.shrui %bitcast_convert_type3A, %shift_right_logical3A_22 : vector<80x128xi32>
    %eq3A = arith.constant 0 : i32
    %eq3A_24 = vector.broadcast %eq3A : i32 to vector<80x128xi32>
    %eq3A_25 = arith.cmpi eq, %shift_right_logical3A_23, %eq3A_24 : vector<80x128xi32>
    %or3A = arith.constant -2147483648 : i32
    %or3A_26 = vector.broadcast %or3A : i32 to vector<80x128xi32>
    %or3A_27 = arith.ori %bitcast_convert_type3A, %or3A_26 : vector<80x128xi32>
    %not3A = arith.constant dense<-1> : vector<80x128xi32>
    %not3A_28 = arith.xori %bitcast_convert_type3A, %not3A : vector<80x128xi32>
    %select_n3A = arith.select %eq3A_25, %or3A_27, %not3A_28 : vector<80x128xi1>, vector<80x128xi32>
    %gt3A = arith.constant 0.000000e+00 : f32
    %gt3A_29 = vector.broadcast %gt3A : f32 to vector<80x128xf32>
    %gt3A_30 = arith.cmpf ogt, %get3A_4, %gt3A_29 : vector<80x128xf32>
    %jit3A = arith.constant 0 : i32
    %broadcast_in_dim3A = vector.broadcast %jit3A : i32 to vector<80x128xi32>
    %select_n3A_31 = arith.select %gt3A_30, %select_n3A, %broadcast_in_dim3A : vector<80x128xi1>, vector<80x128xi32>
    %scan3A = arith.constant 0 : i32
    %scan3A_32 = arith.constant 0 : i32
    %scan3A_33 = arith.constant 32 : i32
    %scan3A_34 = arith.addi %scan3A_32, %scan3A_33 : i32
    %scan3A_35 = arith.constant 1 : i32
    %scan3A_36 = scf.for %scan3A_76 = %scan3A_32 to %scan3A_34 step %scan3A_35 iter_args(%scan3A_77 = %scan3A) -> (i32)  : i32 {
      %sub3A_78 = arith.constant 31 : i32
      %sub3A_79 = arith.subi %sub3A_78, %scan3A_76 : i32
      %shift_left3A = arith.constant 1 : i32
      %shift_left3A_80 = arith.shli %shift_left3A, %sub3A_79 : i32
      %or3A_81 = arith.ori %scan3A_77, %shift_left3A_80 : i32
      %ge3A = vector.broadcast %or3A_81 : i32 to vector<80x128xi32>
      %ge3A_82 = arith.cmpi uge, %select_n3A_31, %ge3A : vector<80x128xi32>
      %jit3A_83 = arith.constant 1 : i32
      %jit3A_84 = arith.constant 0 : i32
      %broadcast_in_dim3A_85 = vector.broadcast %jit3A_83 : i32 to vector<80x128xi32>
      %broadcast_in_dim3A_86 = vector.broadcast %jit3A_84 : i32 to vector<80x128xi32>
      %select_n3A_87 = arith.select %ge3A_82, %broadcast_in_dim3A_85, %broadcast_in_dim3A_86 : vector<80x128xi1>, vector<80x128xi32>
      %reduce_sum3A_88 = vector.shape_cast %select_n3A_87 : vector<80x128xi32> to vector<1x80x128xi32>
      %reduce_sum3A_89 = arith.constant dense<0> : vector<1xi32>
      %reduce_sum3A_90 = vector.multi_reduction <add>, %reduce_sum3A_88, %reduce_sum3A_89 [1, 2] : vector<1x80x128xi32> to vector<1xi32>
      %reduce_sum3A_91 = vector.shape_cast %reduce_sum3A_90 : vector<1xi32> to vector<1x1x1xi32>
      %reduce_sum3A_92 = vector.extract %reduce_sum3A_91[0, 0, 0] : i32 from vector<1x1x1xi32>
      %ge3A_93 = arith.constant 5000 : i32
      %ge3A_94 = arith.cmpi sge, %reduce_sum3A_92, %ge3A_93 : i32
      %select_n3A_95 = arith.select %ge3A_94, %or3A_81, %scan3A_77 : i32
      scf.yield %select_n3A_95 : i32
    }
    %scan3A_37 = arith.constant 32 : i32
    %gt3A_38 = vector.broadcast %scan3A_36 : i32 to vector<80x128xi32>
    %gt3A_39 = arith.cmpi ugt, %select_n3A_31, %gt3A_38 : vector<80x128xi32>
    %jit3A_40 = arith.constant 1 : i32
    %jit3A_41 = arith.constant 0 : i32
    %broadcast_in_dim3A_42 = vector.broadcast %jit3A_40 : i32 to vector<80x128xi32>
    %broadcast_in_dim3A_43 = vector.broadcast %jit3A_41 : i32 to vector<80x128xi32>
    %select_n3A_44 = arith.select %gt3A_39, %broadcast_in_dim3A_42, %broadcast_in_dim3A_43 : vector<80x128xi1>, vector<80x128xi32>
    %reduce_sum3A = vector.shape_cast %select_n3A_44 : vector<80x128xi32> to vector<1x80x128xi32>
    %reduce_sum3A_45 = arith.constant dense<0> : vector<1xi32>
    %reduce_sum3A_46 = vector.multi_reduction <add>, %reduce_sum3A, %reduce_sum3A_45 [1, 2] : vector<1x80x128xi32> to vector<1xi32>
    %reduce_sum3A_47 = vector.shape_cast %reduce_sum3A_46 : vector<1xi32> to vector<1x1x1xi32>
    %reduce_sum3A_48 = vector.extract %reduce_sum3A_47[0, 0, 0] : i32 from vector<1x1x1xi32>
    %sub3A = arith.constant 5000 : i32
    %sub3A_49 = arith.subi %sub3A, %reduce_sum3A_48 : i32
    %eq3A_50 = vector.broadcast %scan3A_36 : i32 to vector<80x128xi32>
    %eq3A_51 = arith.cmpi eq, %select_n3A_31, %eq3A_50 : vector<80x128xi32>
    %iota3A = tpu.iota {dimensions = array<i32: 0>} : vector<80x128xi32>
    %mul3A_52 = arith.constant 128 : i32
    %mul3A_53 = vector.broadcast %mul3A_52 : i32 to vector<80x128xi32>
    %mul3A_54 = arith.muli %iota3A, %mul3A_53 : vector<80x128xi32>
    %iota3A_55 = tpu.iota {dimensions = array<i32: 1>} : vector<80x128xi32>
    %add3A_56 = arith.addi %mul3A_54, %iota3A_55 : vector<80x128xi32>
    %scan3A_57 = arith.constant 0 : i32
    %scan3A_58 = arith.constant 0 : i32
    %scan3A_59 = arith.constant 14 : i32
    %scan3A_60 = arith.addi %scan3A_58, %scan3A_59 : i32
    %scan3A_61 = arith.constant 1 : i32
    %scan3A_62 = scf.for %scan3A_76 = %scan3A_58 to %scan3A_60 step %scan3A_61 iter_args(%scan3A_77 = %scan3A_57) -> (i32)  : i32 {
      %sub3A_78 = arith.constant 13 : i32
      %sub3A_79 = arith.subi %sub3A_78, %scan3A_76 : i32
      %shift_left3A = arith.constant 1 : i32
      %shift_left3A_80 = arith.shli %shift_left3A, %sub3A_79 : i32
      %or3A_81 = arith.ori %scan3A_77, %shift_left3A_80 : i32
      %lt3A = vector.broadcast %or3A_81 : i32 to vector<80x128xi32>
      %lt3A_82 = arith.cmpi slt, %add3A_56, %lt3A : vector<80x128xi32>
      %and3A_83 = arith.andi %eq3A_51, %lt3A_82 : vector<80x128xi1>
      %jit3A_84 = arith.constant 1 : i32
      %jit3A_85 = arith.constant 0 : i32
      %broadcast_in_dim3A_86 = vector.broadcast %jit3A_84 : i32 to vector<80x128xi32>
      %broadcast_in_dim3A_87 = vector.broadcast %jit3A_85 : i32 to vector<80x128xi32>
      %select_n3A_88 = arith.select %and3A_83, %broadcast_in_dim3A_86, %broadcast_in_dim3A_87 : vector<80x128xi1>, vector<80x128xi32>
      %reduce_sum3A_89 = vector.shape_cast %select_n3A_88 : vector<80x128xi32> to vector<1x80x128xi32>
      %reduce_sum3A_90 = arith.constant dense<0> : vector<1xi32>
      %reduce_sum3A_91 = vector.multi_reduction <add>, %reduce_sum3A_89, %reduce_sum3A_90 [1, 2] : vector<1x80x128xi32> to vector<1xi32>
      %reduce_sum3A_92 = vector.shape_cast %reduce_sum3A_91 : vector<1xi32> to vector<1x1x1xi32>
      %reduce_sum3A_93 = vector.extract %reduce_sum3A_92[0, 0, 0] : i32 from vector<1x1x1xi32>
      %lt3A_94 = arith.cmpi slt, %reduce_sum3A_93, %sub3A_49 : i32
      %select_n3A_95 = arith.select %lt3A_94, %or3A_81, %scan3A_77 : i32
      scf.yield %select_n3A_95 : i32
    }
    %scan3A_63 = arith.constant 14 : i32
    %gt3A_64 = vector.broadcast %scan3A_36 : i32 to vector<80x128xi32>
    %gt3A_65 = arith.cmpi ugt, %select_n3A_31, %gt3A_64 : vector<80x128xi32>
    %le3A = vector.broadcast %scan3A_62 : i32 to vector<80x128xi32>
    %le3A_66 = arith.cmpi sle, %add3A_56, %le3A : vector<80x128xi32>
    %and3A = arith.andi %eq3A_51, %le3A_66 : vector<80x128xi1>
    %gt3A_67 = arith.constant 0 : i32
    %gt3A_68 = arith.cmpi sgt, %sub3A_49, %gt3A_67 : i32
    %and3A_69 = vector.broadcast %gt3A_68 : i1 to vector<80x128xi1>
    %and3A_70 = arith.andi %and3A, %and3A_69 : vector<80x128xi1>
    %or3A_71 = arith.ori %gt3A_65, %and3A_70 : vector<80x128xi1>
    %convert_element_type3A = arith.extui %or3A_71 : vector<80x128xi1> to vector<80x128xi32>
    %convert_element_type3A_72 = arith.sitofp %convert_element_type3A : vector<80x128xi32> to vector<80x128xf32>
    %swap3A_73 = arith.constant 0 : index
    %swap3A_74 = arith.constant 0 : index
    %swap3A_75 = vector.load %arg5[%swap3A_73, %swap3A_74] : memref<80x128xf32, #tpu.memory_space<vmem>>, vector<80x128xf32>
    tpu.vector_store %arg5[%swap3A_73, %swap3A_74], %convert_element_type3A_72 {strides = array<i32>} : memref<80x128xf32, #tpu.memory_space<vmem>>, vector<80x128xf32>,
    return
  }
}

module attributes {stable_mosaic.version = 14 : i64} {
  func.func @_pool_body(%arg0: memref<10240x128xf32, #tpu.memory_space<vmem>>, %arg1: memref<10240x1xf32, #tpu.memory_space<vmem>>, %arg2: memref<10240x1xf32, #tpu.memory_space<vmem>>, %arg3: memref<10240x128xf32, #tpu.memory_space<vmem>>, %arg4: memref<2x128xf32, #tpu.memory_space<vmem>>) attributes {dimension_semantics = [], scalar_prefetch = 0 : i64, scratch_operands = 0 : i64, tpu.core_type = #tpu.core_type<tc>} {
    %get3A = arith.constant 0 : index
    %get3A_0 = arith.constant 0 : index
    %get3A_1 = vector.load %arg1[%get3A, %get3A_0] : memref<10240x1xf32, #tpu.memory_space<vmem>>, vector<10240x1xf32>
    %get3A_2 = arith.constant 0 : index
    %get3A_3 = arith.constant 0 : index
    %get3A_4 = vector.load %arg2[%get3A_2, %get3A_3] : memref<10240x1xf32, #tpu.memory_space<vmem>>, vector<10240x1xf32>
    %get3A_5 = arith.constant 0 : index
    %get3A_6 = arith.constant 0 : index
    %get3A_7 = vector.load %arg0[%get3A_5, %get3A_6] : memref<10240x128xf32, #tpu.memory_space<vmem>>, vector<10240x128xf32>
    %tanh3A = math.tanh %get3A_1 : vector<10240x1xf32>
    %mul3A = vector.broadcast %tanh3A : vector<10240x1xf32> to vector<10240x128xf32>
    %mul3A_8 = arith.mulf %get3A_7, %mul3A : vector<10240x128xf32>
    %mul3A_9 = vector.broadcast %get3A_4 : vector<10240x1xf32> to vector<10240x128xf32>
    %mul3A_10 = arith.mulf %mul3A_8, %mul3A_9 : vector<10240x128xf32>
    %swap3A = arith.constant 0 : index
    %swap3A_11 = arith.constant 0 : index
    %swap3A_12 = vector.load %arg3[%swap3A, %swap3A_11] : memref<10240x128xf32, #tpu.memory_space<vmem>>, vector<10240x128xf32>
    tpu.vector_store %arg3[%swap3A, %swap3A_11], %mul3A_10 {strides = array<i32>} : memref<10240x128xf32, #tpu.memory_space<vmem>>, vector<10240x128xf32>,
    %gt3A = arith.constant 0.000000e+00 : f32
    %gt3A_13 = vector.broadcast %gt3A : f32 to vector<10240x1xf32>
    %gt3A_14 = arith.cmpf ogt, %get3A_4, %gt3A_13 : vector<10240x1xf32>
    %jit3A = arith.constant -3.000000e+38 : f32
    %broadcast_in_dim3A = vector.shape_cast %gt3A_14 : vector<10240x1xi1> to vector<10240x1xi1>
    %broadcast_in_dim3A_15 = vector.broadcast %broadcast_in_dim3A : vector<10240x1xi1> to vector<10240x128xi1>
    %broadcast_in_dim3A_16 = vector.broadcast %jit3A : f32 to vector<10240x128xf32>
    %select_n3A = arith.select %broadcast_in_dim3A_15, %mul3A_10, %broadcast_in_dim3A_16 : vector<10240x128xi1>, vector<10240x128xf32>
    %reduce_max3A = arith.constant dense<0xFF800000> : vector<128xf32>
    %reduce_max3A_17 = vector.multi_reduction <maximumf>, %select_n3A, %reduce_max3A [0] : vector<10240x128xf32> to vector<128xf32>
    %broadcast_in_dim3A_18 = vector.shape_cast %reduce_max3A_17 : vector<128xf32> to vector<1x128xf32>
    %reduce_sum3A = arith.constant dense<0.000000e+00> : vector<128xf32>
    %reduce_sum3A_19 = vector.multi_reduction <add>, %mul3A_10, %reduce_sum3A [0] : vector<10240x128xf32> to vector<128xf32>
    %broadcast_in_dim3A_20 = vector.shape_cast %reduce_sum3A_19 : vector<128xf32> to vector<1x128xf32>
    %div3A = arith.constant 5.000000e+03 : f32
    %div3A_21 = vector.broadcast %div3A : f32 to vector<1x128xf32>
    %div3A_22 = arith.divf %broadcast_in_dim3A_20, %div3A_21 : vector<1x128xf32>
    %concatenate3A = tpu.concatenate %broadcast_in_dim3A_18, %div3A_22 in 0 : vector<1x128xf32>, vector<1x128xf32> -> vector<2x128xf32>
    %swap3A_23 = arith.constant 0 : index
    %swap3A_24 = arith.constant 0 : index
    %swap3A_25 = vector.load %arg4[%swap3A_23, %swap3A_24] : memref<2x128xf32, #tpu.memory_space<vmem>>, vector<2x128xf32>
    tpu.vector_store %arg4[%swap3A_23, %swap3A_24], %concatenate3A {strides = array<i32>} : memref<2x128xf32, #tpu.memory_space<vmem>>, vector<2x128xf32>,
    return
  }
}

module attributes {stable_mosaic.version = 14 : i64} {
  func.func @_topk_body(%arg0: memref<80x128xf32, #tpu.memory_space<vmem>>, %arg1: memref<80x128xf32, #tpu.memory_space<vmem>>, %arg2: memref<80x128xf32, #tpu.memory_space<vmem>>, %arg3: memref<80x128xf32, #tpu.memory_space<vmem>>, %arg4: memref<1x1xf32, #tpu.memory_space<vmem>>, %arg5: memref<80x128xf32, #tpu.memory_space<vmem>>, %arg6: memref<80x128xf32, #tpu.memory_space<vmem>>) attributes {dimension_semantics = [], scalar_prefetch = 0 : i64, scratch_operands = 0 : i64, tpu.core_type = #tpu.core_type<tc>} {
    %get3A = arith.constant 0 : index
    %get3A_0 = arith.constant 0 : index
    %get3A_1 = vector.load %arg1[%get3A, %get3A_0] : memref<80x128xf32, #tpu.memory_space<vmem>>, vector<80x128xf32>
    %get3A_2 = arith.constant 0 : index
    %get3A_3 = arith.constant 0 : index
    %get3A_4 = vector.load %arg2[%get3A_2, %get3A_3] : memref<80x128xf32, #tpu.memory_space<vmem>>, vector<80x128xf32>
    %get3A_5 = arith.constant 0 : index
    %get3A_6 = arith.constant 0 : index
    %get3A_7 = vector.load %arg3[%get3A_5, %get3A_6] : memref<80x128xf32, #tpu.memory_space<vmem>>, vector<80x128xf32>
    %get3A_8 = arith.constant 0 : index
    %get3A_9 = arith.constant 0 : index
    %get3A_10 = vector.load %arg0[%get3A_8, %get3A_9] : memref<80x128xf32, #tpu.memory_space<vmem>>, vector<80x128xf32>
    %mul3A = arith.mulf %get3A_1, %get3A_10 : vector<80x128xf32>
    %mul3A_11 = arith.mulf %get3A_1, %get3A_1 : vector<80x128xf32>
    %mul3A_12 = arith.mulf %mul3A_11, %get3A_4 : vector<80x128xf32>
    %mul3A_13 = arith.mulf %mul3A_12, %get3A_7 : vector<80x128xf32>
    %add3A = arith.addf %mul3A, %mul3A_13 : vector<80x128xf32>
    %get3A_14 = arith.constant 0 : index
    %get3A_15 = arith.constant 0 : index
    %get3A_16 = vector.load %arg4[%get3A_14, %get3A_15] : memref<1x1xf32, #tpu.memory_space<vmem>>, vector<1x1xf32>
    %get3A_17 = vector.extract %get3A_16[0, 0] : f32 from vector<1x1xf32>
    %add3A_18 = vector.broadcast %get3A_17 : f32 to vector<80x128xf32>
    %add3A_19 = arith.addf %add3A, %add3A_18 : vector<80x128xf32>
    %swap3A = arith.constant 0 : index
    %swap3A_20 = arith.constant 0 : index
    %swap3A_21 = vector.load %arg6[%swap3A, %swap3A_20] : memref<80x128xf32, #tpu.memory_space<vmem>>, vector<80x128xf32>
    tpu.vector_store %arg6[%swap3A, %swap3A_20], %add3A_19 {strides = array<i32>} : memref<80x128xf32, #tpu.memory_space<vmem>>, vector<80x128xf32>,
    %bitcast_convert_type3A = tpu.bitcast %add3A_19 : vector<80x128xf32> -> vector<80x128xi32>
    %shift_right_logical3A = arith.constant 31 : i32
    %shift_right_logical3A_22 = vector.broadcast %shift_right_logical3A : i32 to vector<80x128xi32>
    %shift_right_logical3A_23 = arith.shrui %bitcast_convert_type3A, %shift_right_logical3A_22 : vector<80x128xi32>
    %eq3A = arith.constant 0 : i32
    %eq3A_24 = vector.broadcast %eq3A : i32 to vector<80x128xi32>
    %eq3A_25 = arith.cmpi eq, %shift_right_logical3A_23, %eq3A_24 : vector<80x128xi32>
    %or3A = arith.constant -2147483648 : i32
    %or3A_26 = vector.broadcast %or3A : i32 to vector<80x128xi32>
    %or3A_27 = arith.ori %bitcast_convert_type3A, %or3A_26 : vector<80x128xi32>
    %not3A = arith.constant dense<-1> : vector<80x128xi32>
    %not3A_28 = arith.xori %bitcast_convert_type3A, %not3A : vector<80x128xi32>
    %select_n3A = arith.select %eq3A_25, %or3A_27, %not3A_28 : vector<80x128xi1>, vector<80x128xi32>
    %gt3A = arith.constant 0.000000e+00 : f32
    %gt3A_29 = vector.broadcast %gt3A : f32 to vector<80x128xf32>
    %gt3A_30 = arith.cmpf ogt, %get3A_4, %gt3A_29 : vector<80x128xf32>
    %jit3A = arith.constant 0 : i32
    %broadcast_in_dim3A = vector.broadcast %jit3A : i32 to vector<80x128xi32>
    %select_n3A_31 = arith.select %gt3A_30, %select_n3A, %broadcast_in_dim3A : vector<80x128xi1>, vector<80x128xi32>
    %scan3A = arith.constant 0 : i32
    %scan3A_32 = arith.constant 0 : i32
    %scan3A_33 = arith.constant 32 : i32
    %scan3A_34 = arith.addi %scan3A_32, %scan3A_33 : i32
    %scan3A_35 = arith.constant 1 : i32
    %scan3A_36 = scf.for %scan3A_76 = %scan3A_32 to %scan3A_34 step %scan3A_35 iter_args(%scan3A_77 = %scan3A) -> (i32)  : i32 {
      %sub3A_78 = arith.constant 31 : i32
      %sub3A_79 = arith.subi %sub3A_78, %scan3A_76 : i32
      %shift_left3A = arith.constant 1 : i32
      %shift_left3A_80 = arith.shli %shift_left3A, %sub3A_79 : i32
      %or3A_81 = arith.ori %scan3A_77, %shift_left3A_80 : i32
      %ge3A = vector.broadcast %or3A_81 : i32 to vector<80x128xi32>
      %ge3A_82 = arith.cmpi uge, %select_n3A_31, %ge3A : vector<80x128xi32>
      %jit3A_83 = arith.constant 1 : i32
      %jit3A_84 = arith.constant 0 : i32
      %broadcast_in_dim3A_85 = vector.broadcast %jit3A_83 : i32 to vector<80x128xi32>
      %broadcast_in_dim3A_86 = vector.broadcast %jit3A_84 : i32 to vector<80x128xi32>
      %select_n3A_87 = arith.select %ge3A_82, %broadcast_in_dim3A_85, %broadcast_in_dim3A_86 : vector<80x128xi1>, vector<80x128xi32>
      %reduce_sum3A_88 = vector.shape_cast %select_n3A_87 : vector<80x128xi32> to vector<1x80x128xi32>
      %reduce_sum3A_89 = arith.constant dense<0> : vector<1xi32>
      %reduce_sum3A_90 = vector.multi_reduction <add>, %reduce_sum3A_88, %reduce_sum3A_89 [1, 2] : vector<1x80x128xi32> to vector<1xi32>
      %reduce_sum3A_91 = vector.shape_cast %reduce_sum3A_90 : vector<1xi32> to vector<1x1x1xi32>
      %reduce_sum3A_92 = vector.extract %reduce_sum3A_91[0, 0, 0] : i32 from vector<1x1x1xi32>
      %ge3A_93 = arith.constant 2500 : i32
      %ge3A_94 = arith.cmpi sge, %reduce_sum3A_92, %ge3A_93 : i32
      %select_n3A_95 = arith.select %ge3A_94, %or3A_81, %scan3A_77 : i32
      scf.yield %select_n3A_95 : i32
    }
    %scan3A_37 = arith.constant 32 : i32
    %gt3A_38 = vector.broadcast %scan3A_36 : i32 to vector<80x128xi32>
    %gt3A_39 = arith.cmpi ugt, %select_n3A_31, %gt3A_38 : vector<80x128xi32>
    %jit3A_40 = arith.constant 1 : i32
    %jit3A_41 = arith.constant 0 : i32
    %broadcast_in_dim3A_42 = vector.broadcast %jit3A_40 : i32 to vector<80x128xi32>
    %broadcast_in_dim3A_43 = vector.broadcast %jit3A_41 : i32 to vector<80x128xi32>
    %select_n3A_44 = arith.select %gt3A_39, %broadcast_in_dim3A_42, %broadcast_in_dim3A_43 : vector<80x128xi1>, vector<80x128xi32>
    %reduce_sum3A = vector.shape_cast %select_n3A_44 : vector<80x128xi32> to vector<1x80x128xi32>
    %reduce_sum3A_45 = arith.constant dense<0> : vector<1xi32>
    %reduce_sum3A_46 = vector.multi_reduction <add>, %reduce_sum3A, %reduce_sum3A_45 [1, 2] : vector<1x80x128xi32> to vector<1xi32>
    %reduce_sum3A_47 = vector.shape_cast %reduce_sum3A_46 : vector<1xi32> to vector<1x1x1xi32>
    %reduce_sum3A_48 = vector.extract %reduce_sum3A_47[0, 0, 0] : i32 from vector<1x1x1xi32>
    %sub3A = arith.constant 2500 : i32
    %sub3A_49 = arith.subi %sub3A, %reduce_sum3A_48 : i32
    %eq3A_50 = vector.broadcast %scan3A_36 : i32 to vector<80x128xi32>
    %eq3A_51 = arith.cmpi eq, %select_n3A_31, %eq3A_50 : vector<80x128xi32>
    %iota3A = tpu.iota {dimensions = array<i32: 0>} : vector<80x128xi32>
    %mul3A_52 = arith.constant 128 : i32
    %mul3A_53 = vector.broadcast %mul3A_52 : i32 to vector<80x128xi32>
    %mul3A_54 = arith.muli %iota3A, %mul3A_53 : vector<80x128xi32>
    %iota3A_55 = tpu.iota {dimensions = array<i32: 1>} : vector<80x128xi32>
    %add3A_56 = arith.addi %mul3A_54, %iota3A_55 : vector<80x128xi32>
    %scan3A_57 = arith.constant 0 : i32
    %scan3A_58 = arith.constant 0 : i32
    %scan3A_59 = arith.constant 14 : i32
    %scan3A_60 = arith.addi %scan3A_58, %scan3A_59 : i32
    %scan3A_61 = arith.constant 1 : i32
    %scan3A_62 = scf.for %scan3A_76 = %scan3A_58 to %scan3A_60 step %scan3A_61 iter_args(%scan3A_77 = %scan3A_57) -> (i32)  : i32 {
      %sub3A_78 = arith.constant 13 : i32
      %sub3A_79 = arith.subi %sub3A_78, %scan3A_76 : i32
      %shift_left3A = arith.constant 1 : i32
      %shift_left3A_80 = arith.shli %shift_left3A, %sub3A_79 : i32
      %or3A_81 = arith.ori %scan3A_77, %shift_left3A_80 : i32
      %lt3A = vector.broadcast %or3A_81 : i32 to vector<80x128xi32>
      %lt3A_82 = arith.cmpi slt, %add3A_56, %lt3A : vector<80x128xi32>
      %and3A_83 = arith.andi %eq3A_51, %lt3A_82 : vector<80x128xi1>
      %jit3A_84 = arith.constant 1 : i32
      %jit3A_85 = arith.constant 0 : i32
      %broadcast_in_dim3A_86 = vector.broadcast %jit3A_84 : i32 to vector<80x128xi32>
      %broadcast_in_dim3A_87 = vector.broadcast %jit3A_85 : i32 to vector<80x128xi32>
      %select_n3A_88 = arith.select %and3A_83, %broadcast_in_dim3A_86, %broadcast_in_dim3A_87 : vector<80x128xi1>, vector<80x128xi32>
      %reduce_sum3A_89 = vector.shape_cast %select_n3A_88 : vector<80x128xi32> to vector<1x80x128xi32>
      %reduce_sum3A_90 = arith.constant dense<0> : vector<1xi32>
      %reduce_sum3A_91 = vector.multi_reduction <add>, %reduce_sum3A_89, %reduce_sum3A_90 [1, 2] : vector<1x80x128xi32> to vector<1xi32>
      %reduce_sum3A_92 = vector.shape_cast %reduce_sum3A_91 : vector<1xi32> to vector<1x1x1xi32>
      %reduce_sum3A_93 = vector.extract %reduce_sum3A_92[0, 0, 0] : i32 from vector<1x1x1xi32>
      %lt3A_94 = arith.cmpi slt, %reduce_sum3A_93, %sub3A_49 : i32
      %select_n3A_95 = arith.select %lt3A_94, %or3A_81, %scan3A_77 : i32
      scf.yield %select_n3A_95 : i32
    }
    %scan3A_63 = arith.constant 14 : i32
    %gt3A_64 = vector.broadcast %scan3A_36 : i32 to vector<80x128xi32>
    %gt3A_65 = arith.cmpi ugt, %select_n3A_31, %gt3A_64 : vector<80x128xi32>
    %le3A = vector.broadcast %scan3A_62 : i32 to vector<80x128xi32>
    %le3A_66 = arith.cmpi sle, %add3A_56, %le3A : vector<80x128xi32>
    %and3A = arith.andi %eq3A_51, %le3A_66 : vector<80x128xi1>
    %gt3A_67 = arith.constant 0 : i32
    %gt3A_68 = arith.cmpi sgt, %sub3A_49, %gt3A_67 : i32
    %and3A_69 = vector.broadcast %gt3A_68 : i1 to vector<80x128xi1>
    %and3A_70 = arith.andi %and3A, %and3A_69 : vector<80x128xi1>
    %or3A_71 = arith.ori %gt3A_65, %and3A_70 : vector<80x128xi1>
    %convert_element_type3A = arith.extui %or3A_71 : vector<80x128xi1> to vector<80x128xi32>
    %convert_element_type3A_72 = arith.sitofp %convert_element_type3A : vector<80x128xi32> to vector<80x128xf32>
    %swap3A_73 = arith.constant 0 : index
    %swap3A_74 = arith.constant 0 : index
    %swap3A_75 = vector.load %arg5[%swap3A_73, %swap3A_74] : memref<80x128xf32, #tpu.memory_space<vmem>>, vector<80x128xf32>
    tpu.vector_store %arg5[%swap3A_73, %swap3A_74], %convert_element_type3A_72 {strides = array<i32>} : memref<80x128xf32, #tpu.memory_space<vmem>>, vector<80x128xf32>,
    return
  }
}

module attributes {stable_mosaic.version = 14 : i64} {
  func.func @_pool_body(%arg0: memref<10240x128xf32, #tpu.memory_space<vmem>>, %arg1: memref<10240x1xf32, #tpu.memory_space<vmem>>, %arg2: memref<10240x1xf32, #tpu.memory_space<vmem>>, %arg3: memref<10240x128xf32, #tpu.memory_space<vmem>>, %arg4: memref<2x128xf32, #tpu.memory_space<vmem>>) attributes {dimension_semantics = [], scalar_prefetch = 0 : i64, scratch_operands = 0 : i64, tpu.core_type = #tpu.core_type<tc>} {
    %get3A = arith.constant 0 : index
    %get3A_0 = arith.constant 0 : index
    %get3A_1 = vector.load %arg1[%get3A, %get3A_0] : memref<10240x1xf32, #tpu.memory_space<vmem>>, vector<10240x1xf32>
    %get3A_2 = arith.constant 0 : index
    %get3A_3 = arith.constant 0 : index
    %get3A_4 = vector.load %arg2[%get3A_2, %get3A_3] : memref<10240x1xf32, #tpu.memory_space<vmem>>, vector<10240x1xf32>
    %get3A_5 = arith.constant 0 : index
    %get3A_6 = arith.constant 0 : index
    %get3A_7 = vector.load %arg0[%get3A_5, %get3A_6] : memref<10240x128xf32, #tpu.memory_space<vmem>>, vector<10240x128xf32>
    %tanh3A = math.tanh %get3A_1 : vector<10240x1xf32>
    %mul3A = vector.broadcast %tanh3A : vector<10240x1xf32> to vector<10240x128xf32>
    %mul3A_8 = arith.mulf %get3A_7, %mul3A : vector<10240x128xf32>
    %mul3A_9 = vector.broadcast %get3A_4 : vector<10240x1xf32> to vector<10240x128xf32>
    %mul3A_10 = arith.mulf %mul3A_8, %mul3A_9 : vector<10240x128xf32>
    %swap3A = arith.constant 0 : index
    %swap3A_11 = arith.constant 0 : index
    %swap3A_12 = vector.load %arg3[%swap3A, %swap3A_11] : memref<10240x128xf32, #tpu.memory_space<vmem>>, vector<10240x128xf32>
    tpu.vector_store %arg3[%swap3A, %swap3A_11], %mul3A_10 {strides = array<i32>} : memref<10240x128xf32, #tpu.memory_space<vmem>>, vector<10240x128xf32>,
    %gt3A = arith.constant 0.000000e+00 : f32
    %gt3A_13 = vector.broadcast %gt3A : f32 to vector<10240x1xf32>
    %gt3A_14 = arith.cmpf ogt, %get3A_4, %gt3A_13 : vector<10240x1xf32>
    %jit3A = arith.constant -3.000000e+38 : f32
    %broadcast_in_dim3A = vector.shape_cast %gt3A_14 : vector<10240x1xi1> to vector<10240x1xi1>
    %broadcast_in_dim3A_15 = vector.broadcast %broadcast_in_dim3A : vector<10240x1xi1> to vector<10240x128xi1>
    %broadcast_in_dim3A_16 = vector.broadcast %jit3A : f32 to vector<10240x128xf32>
    %select_n3A = arith.select %broadcast_in_dim3A_15, %mul3A_10, %broadcast_in_dim3A_16 : vector<10240x128xi1>, vector<10240x128xf32>
    %reduce_max3A = arith.constant dense<0xFF800000> : vector<128xf32>
    %reduce_max3A_17 = vector.multi_reduction <maximumf>, %select_n3A, %reduce_max3A [0] : vector<10240x128xf32> to vector<128xf32>
    %broadcast_in_dim3A_18 = vector.shape_cast %reduce_max3A_17 : vector<128xf32> to vector<1x128xf32>
    %reduce_sum3A = arith.constant dense<0.000000e+00> : vector<128xf32>
    %reduce_sum3A_19 = vector.multi_reduction <add>, %mul3A_10, %reduce_sum3A [0] : vector<10240x128xf32> to vector<128xf32>
    %broadcast_in_dim3A_20 = vector.shape_cast %reduce_sum3A_19 : vector<128xf32> to vector<1x128xf32>
    %div3A = arith.constant 2.500000e+03 : f32
    %div3A_21 = vector.broadcast %div3A : f32 to vector<1x128xf32>
    %div3A_22 = arith.divf %broadcast_in_dim3A_20, %div3A_21 : vector<1x128xf32>
    %concatenate3A = tpu.concatenate %broadcast_in_dim3A_18, %div3A_22 in 0 : vector<1x128xf32>, vector<1x128xf32> -> vector<2x128xf32>
    %swap3A_23 = arith.constant 0 : index
    %swap3A_24 = arith.constant 0 : index
    %swap3A_25 = vector.load %arg4[%swap3A_23, %swap3A_24] : memref<2x128xf32, #tpu.memory_space<vmem>>, vector<2x128xf32>
    tpu.vector_store %arg4[%swap3A_23, %swap3A_24], %concatenate3A {strides = array<i32>} : memref<2x128xf32, #tpu.memory_space<vmem>>, vector<2x128xf32>,
    return
  }
}

module attributes {stable_mosaic.version = 14 : i64} {
  func.func @_topk_body(%arg0: memref<80x128xf32, #tpu.memory_space<vmem>>, %arg1: memref<80x128xf32, #tpu.memory_space<vmem>>, %arg2: memref<80x128xf32, #tpu.memory_space<vmem>>, %arg3: memref<80x128xf32, #tpu.memory_space<vmem>>, %arg4: memref<1x1xf32, #tpu.memory_space<vmem>>, %arg5: memref<80x128xf32, #tpu.memory_space<vmem>>, %arg6: memref<80x128xf32, #tpu.memory_space<vmem>>) attributes {dimension_semantics = [], scalar_prefetch = 0 : i64, scratch_operands = 0 : i64, tpu.core_type = #tpu.core_type<tc>} {
    %get3A = arith.constant 0 : index
    %get3A_0 = arith.constant 0 : index
    %get3A_1 = vector.load %arg1[%get3A, %get3A_0] : memref<80x128xf32, #tpu.memory_space<vmem>>, vector<80x128xf32>
    %get3A_2 = arith.constant 0 : index
    %get3A_3 = arith.constant 0 : index
    %get3A_4 = vector.load %arg2[%get3A_2, %get3A_3] : memref<80x128xf32, #tpu.memory_space<vmem>>, vector<80x128xf32>
    %get3A_5 = arith.constant 0 : index
    %get3A_6 = arith.constant 0 : index
    %get3A_7 = vector.load %arg3[%get3A_5, %get3A_6] : memref<80x128xf32, #tpu.memory_space<vmem>>, vector<80x128xf32>
    %get3A_8 = arith.constant 0 : index
    %get3A_9 = arith.constant 0 : index
    %get3A_10 = vector.load %arg0[%get3A_8, %get3A_9] : memref<80x128xf32, #tpu.memory_space<vmem>>, vector<80x128xf32>
    %mul3A = arith.mulf %get3A_1, %get3A_10 : vector<80x128xf32>
    %mul3A_11 = arith.mulf %get3A_1, %get3A_1 : vector<80x128xf32>
    %mul3A_12 = arith.mulf %mul3A_11, %get3A_4 : vector<80x128xf32>
    %mul3A_13 = arith.mulf %mul3A_12, %get3A_7 : vector<80x128xf32>
    %add3A = arith.addf %mul3A, %mul3A_13 : vector<80x128xf32>
    %get3A_14 = arith.constant 0 : index
    %get3A_15 = arith.constant 0 : index
    %get3A_16 = vector.load %arg4[%get3A_14, %get3A_15] : memref<1x1xf32, #tpu.memory_space<vmem>>, vector<1x1xf32>
    %get3A_17 = vector.extract %get3A_16[0, 0] : f32 from vector<1x1xf32>
    %add3A_18 = vector.broadcast %get3A_17 : f32 to vector<80x128xf32>
    %add3A_19 = arith.addf %add3A, %add3A_18 : vector<80x128xf32>
    %swap3A = arith.constant 0 : index
    %swap3A_20 = arith.constant 0 : index
    %swap3A_21 = vector.load %arg6[%swap3A, %swap3A_20] : memref<80x128xf32, #tpu.memory_space<vmem>>, vector<80x128xf32>
    tpu.vector_store %arg6[%swap3A, %swap3A_20], %add3A_19 {strides = array<i32>} : memref<80x128xf32, #tpu.memory_space<vmem>>, vector<80x128xf32>,
    %bitcast_convert_type3A = tpu.bitcast %add3A_19 : vector<80x128xf32> -> vector<80x128xi32>
    %shift_right_logical3A = arith.constant 31 : i32
    %shift_right_logical3A_22 = vector.broadcast %shift_right_logical3A : i32 to vector<80x128xi32>
    %shift_right_logical3A_23 = arith.shrui %bitcast_convert_type3A, %shift_right_logical3A_22 : vector<80x128xi32>
    %eq3A = arith.constant 0 : i32
    %eq3A_24 = vector.broadcast %eq3A : i32 to vector<80x128xi32>
    %eq3A_25 = arith.cmpi eq, %shift_right_logical3A_23, %eq3A_24 : vector<80x128xi32>
    %or3A = arith.constant -2147483648 : i32
    %or3A_26 = vector.broadcast %or3A : i32 to vector<80x128xi32>
    %or3A_27 = arith.ori %bitcast_convert_type3A, %or3A_26 : vector<80x128xi32>
    %not3A = arith.constant dense<-1> : vector<80x128xi32>
    %not3A_28 = arith.xori %bitcast_convert_type3A, %not3A : vector<80x128xi32>
    %select_n3A = arith.select %eq3A_25, %or3A_27, %not3A_28 : vector<80x128xi1>, vector<80x128xi32>
    %gt3A = arith.constant 0.000000e+00 : f32
    %gt3A_29 = vector.broadcast %gt3A : f32 to vector<80x128xf32>
    %gt3A_30 = arith.cmpf ogt, %get3A_4, %gt3A_29 : vector<80x128xf32>
    %jit3A = arith.constant 0 : i32
    %broadcast_in_dim3A = vector.broadcast %jit3A : i32 to vector<80x128xi32>
    %select_n3A_31 = arith.select %gt3A_30, %select_n3A, %broadcast_in_dim3A : vector<80x128xi1>, vector<80x128xi32>
    %scan3A = arith.constant 0 : i32
    %scan3A_32 = arith.constant 0 : i32
    %scan3A_33 = arith.constant 32 : i32
    %scan3A_34 = arith.addi %scan3A_32, %scan3A_33 : i32
    %scan3A_35 = arith.constant 1 : i32
    %scan3A_36 = scf.for %scan3A_76 = %scan3A_32 to %scan3A_34 step %scan3A_35 iter_args(%scan3A_77 = %scan3A) -> (i32)  : i32 {
      %sub3A_78 = arith.constant 31 : i32
      %sub3A_79 = arith.subi %sub3A_78, %scan3A_76 : i32
      %shift_left3A = arith.constant 1 : i32
      %shift_left3A_80 = arith.shli %shift_left3A, %sub3A_79 : i32
      %or3A_81 = arith.ori %scan3A_77, %shift_left3A_80 : i32
      %ge3A = vector.broadcast %or3A_81 : i32 to vector<80x128xi32>
      %ge3A_82 = arith.cmpi uge, %select_n3A_31, %ge3A : vector<80x128xi32>
      %jit3A_83 = arith.constant 1 : i32
      %jit3A_84 = arith.constant 0 : i32
      %broadcast_in_dim3A_85 = vector.broadcast %jit3A_83 : i32 to vector<80x128xi32>
      %broadcast_in_dim3A_86 = vector.broadcast %jit3A_84 : i32 to vector<80x128xi32>
      %select_n3A_87 = arith.select %ge3A_82, %broadcast_in_dim3A_85, %broadcast_in_dim3A_86 : vector<80x128xi1>, vector<80x128xi32>
      %reduce_sum3A_88 = vector.shape_cast %select_n3A_87 : vector<80x128xi32> to vector<1x80x128xi32>
      %reduce_sum3A_89 = arith.constant dense<0> : vector<1xi32>
      %reduce_sum3A_90 = vector.multi_reduction <add>, %reduce_sum3A_88, %reduce_sum3A_89 [1, 2] : vector<1x80x128xi32> to vector<1xi32>
      %reduce_sum3A_91 = vector.shape_cast %reduce_sum3A_90 : vector<1xi32> to vector<1x1x1xi32>
      %reduce_sum3A_92 = vector.extract %reduce_sum3A_91[0, 0, 0] : i32 from vector<1x1x1xi32>
      %ge3A_93 = arith.constant 1250 : i32
      %ge3A_94 = arith.cmpi sge, %reduce_sum3A_92, %ge3A_93 : i32
      %select_n3A_95 = arith.select %ge3A_94, %or3A_81, %scan3A_77 : i32
      scf.yield %select_n3A_95 : i32
    }
    %scan3A_37 = arith.constant 32 : i32
    %gt3A_38 = vector.broadcast %scan3A_36 : i32 to vector<80x128xi32>
    %gt3A_39 = arith.cmpi ugt, %select_n3A_31, %gt3A_38 : vector<80x128xi32>
    %jit3A_40 = arith.constant 1 : i32
    %jit3A_41 = arith.constant 0 : i32
    %broadcast_in_dim3A_42 = vector.broadcast %jit3A_40 : i32 to vector<80x128xi32>
    %broadcast_in_dim3A_43 = vector.broadcast %jit3A_41 : i32 to vector<80x128xi32>
    %select_n3A_44 = arith.select %gt3A_39, %broadcast_in_dim3A_42, %broadcast_in_dim3A_43 : vector<80x128xi1>, vector<80x128xi32>
    %reduce_sum3A = vector.shape_cast %select_n3A_44 : vector<80x128xi32> to vector<1x80x128xi32>
    %reduce_sum3A_45 = arith.constant dense<0> : vector<1xi32>
    %reduce_sum3A_46 = vector.multi_reduction <add>, %reduce_sum3A, %reduce_sum3A_45 [1, 2] : vector<1x80x128xi32> to vector<1xi32>
    %reduce_sum3A_47 = vector.shape_cast %reduce_sum3A_46 : vector<1xi32> to vector<1x1x1xi32>
    %reduce_sum3A_48 = vector.extract %reduce_sum3A_47[0, 0, 0] : i32 from vector<1x1x1xi32>
    %sub3A = arith.constant 1250 : i32
    %sub3A_49 = arith.subi %sub3A, %reduce_sum3A_48 : i32
    %eq3A_50 = vector.broadcast %scan3A_36 : i32 to vector<80x128xi32>
    %eq3A_51 = arith.cmpi eq, %select_n3A_31, %eq3A_50 : vector<80x128xi32>
    %iota3A = tpu.iota {dimensions = array<i32: 0>} : vector<80x128xi32>
    %mul3A_52 = arith.constant 128 : i32
    %mul3A_53 = vector.broadcast %mul3A_52 : i32 to vector<80x128xi32>
    %mul3A_54 = arith.muli %iota3A, %mul3A_53 : vector<80x128xi32>
    %iota3A_55 = tpu.iota {dimensions = array<i32: 1>} : vector<80x128xi32>
    %add3A_56 = arith.addi %mul3A_54, %iota3A_55 : vector<80x128xi32>
    %scan3A_57 = arith.constant 0 : i32
    %scan3A_58 = arith.constant 0 : i32
    %scan3A_59 = arith.constant 14 : i32
    %scan3A_60 = arith.addi %scan3A_58, %scan3A_59 : i32
    %scan3A_61 = arith.constant 1 : i32
    %scan3A_62 = scf.for %scan3A_76 = %scan3A_58 to %scan3A_60 step %scan3A_61 iter_args(%scan3A_77 = %scan3A_57) -> (i32)  : i32 {
      %sub3A_78 = arith.constant 13 : i32
      %sub3A_79 = arith.subi %sub3A_78, %scan3A_76 : i32
      %shift_left3A = arith.constant 1 : i32
      %shift_left3A_80 = arith.shli %shift_left3A, %sub3A_79 : i32
      %or3A_81 = arith.ori %scan3A_77, %shift_left3A_80 : i32
      %lt3A = vector.broadcast %or3A_81 : i32 to vector<80x128xi32>
      %lt3A_82 = arith.cmpi slt, %add3A_56, %lt3A : vector<80x128xi32>
      %and3A_83 = arith.andi %eq3A_51, %lt3A_82 : vector<80x128xi1>
      %jit3A_84 = arith.constant 1 : i32
      %jit3A_85 = arith.constant 0 : i32
      %broadcast_in_dim3A_86 = vector.broadcast %jit3A_84 : i32 to vector<80x128xi32>
      %broadcast_in_dim3A_87 = vector.broadcast %jit3A_85 : i32 to vector<80x128xi32>
      %select_n3A_88 = arith.select %and3A_83, %broadcast_in_dim3A_86, %broadcast_in_dim3A_87 : vector<80x128xi1>, vector<80x128xi32>
      %reduce_sum3A_89 = vector.shape_cast %select_n3A_88 : vector<80x128xi32> to vector<1x80x128xi32>
      %reduce_sum3A_90 = arith.constant dense<0> : vector<1xi32>
      %reduce_sum3A_91 = vector.multi_reduction <add>, %reduce_sum3A_89, %reduce_sum3A_90 [1, 2] : vector<1x80x128xi32> to vector<1xi32>
      %reduce_sum3A_92 = vector.shape_cast %reduce_sum3A_91 : vector<1xi32> to vector<1x1x1xi32>
      %reduce_sum3A_93 = vector.extract %reduce_sum3A_92[0, 0, 0] : i32 from vector<1x1x1xi32>
      %lt3A_94 = arith.cmpi slt, %reduce_sum3A_93, %sub3A_49 : i32
      %select_n3A_95 = arith.select %lt3A_94, %or3A_81, %scan3A_77 : i32
      scf.yield %select_n3A_95 : i32
    }
    %scan3A_63 = arith.constant 14 : i32
    %gt3A_64 = vector.broadcast %scan3A_36 : i32 to vector<80x128xi32>
    %gt3A_65 = arith.cmpi ugt, %select_n3A_31, %gt3A_64 : vector<80x128xi32>
    %le3A = vector.broadcast %scan3A_62 : i32 to vector<80x128xi32>
    %le3A_66 = arith.cmpi sle, %add3A_56, %le3A : vector<80x128xi32>
    %and3A = arith.andi %eq3A_51, %le3A_66 : vector<80x128xi1>
    %gt3A_67 = arith.constant 0 : i32
    %gt3A_68 = arith.cmpi sgt, %sub3A_49, %gt3A_67 : i32
    %and3A_69 = vector.broadcast %gt3A_68 : i1 to vector<80x128xi1>
    %and3A_70 = arith.andi %and3A, %and3A_69 : vector<80x128xi1>
    %or3A_71 = arith.ori %gt3A_65, %and3A_70 : vector<80x128xi1>
    %convert_element_type3A = arith.extui %or3A_71 : vector<80x128xi1> to vector<80x128xi32>
    %convert_element_type3A_72 = arith.sitofp %convert_element_type3A : vector<80x128xi32> to vector<80x128xf32>
    %swap3A_73 = arith.constant 0 : index
    %swap3A_74 = arith.constant 0 : index
    %swap3A_75 = vector.load %arg5[%swap3A_73, %swap3A_74] : memref<80x128xf32, #tpu.memory_space<vmem>>, vector<80x128xf32>
    tpu.vector_store %arg5[%swap3A_73, %swap3A_74], %convert_element_type3A_72 {strides = array<i32>} : memref<80x128xf32, #tpu.memory_space<vmem>>, vector<80x128xf32>,
    return
  }
}

module attributes {stable_mosaic.version = 14 : i64} {
  func.func @_pool_body(%arg0: memref<10240x128xf32, #tpu.memory_space<vmem>>, %arg1: memref<10240x1xf32, #tpu.memory_space<vmem>>, %arg2: memref<10240x1xf32, #tpu.memory_space<vmem>>, %arg3: memref<10240x128xf32, #tpu.memory_space<vmem>>, %arg4: memref<2x128xf32, #tpu.memory_space<vmem>>) attributes {dimension_semantics = [], scalar_prefetch = 0 : i64, scratch_operands = 0 : i64, tpu.core_type = #tpu.core_type<tc>} {
    %get3A = arith.constant 0 : index
    %get3A_0 = arith.constant 0 : index
    %get3A_1 = vector.load %arg1[%get3A, %get3A_0] : memref<10240x1xf32, #tpu.memory_space<vmem>>, vector<10240x1xf32>
    %get3A_2 = arith.constant 0 : index
    %get3A_3 = arith.constant 0 : index
    %get3A_4 = vector.load %arg2[%get3A_2, %get3A_3] : memref<10240x1xf32, #tpu.memory_space<vmem>>, vector<10240x1xf32>
    %get3A_5 = arith.constant 0 : index
    %get3A_6 = arith.constant 0 : index
    %get3A_7 = vector.load %arg0[%get3A_5, %get3A_6] : memref<10240x128xf32, #tpu.memory_space<vmem>>, vector<10240x128xf32>
    %tanh3A = math.tanh %get3A_1 : vector<10240x1xf32>
    %mul3A = vector.broadcast %tanh3A : vector<10240x1xf32> to vector<10240x128xf32>
    %mul3A_8 = arith.mulf %get3A_7, %mul3A : vector<10240x128xf32>
    %mul3A_9 = vector.broadcast %get3A_4 : vector<10240x1xf32> to vector<10240x128xf32>
    %mul3A_10 = arith.mulf %mul3A_8, %mul3A_9 : vector<10240x128xf32>
    %swap3A = arith.constant 0 : index
    %swap3A_11 = arith.constant 0 : index
    %swap3A_12 = vector.load %arg3[%swap3A, %swap3A_11] : memref<10240x128xf32, #tpu.memory_space<vmem>>, vector<10240x128xf32>
    tpu.vector_store %arg3[%swap3A, %swap3A_11], %mul3A_10 {strides = array<i32>} : memref<10240x128xf32, #tpu.memory_space<vmem>>, vector<10240x128xf32>,
    %gt3A = arith.constant 0.000000e+00 : f32
    %gt3A_13 = vector.broadcast %gt3A : f32 to vector<10240x1xf32>
    %gt3A_14 = arith.cmpf ogt, %get3A_4, %gt3A_13 : vector<10240x1xf32>
    %jit3A = arith.constant -3.000000e+38 : f32
    %broadcast_in_dim3A = vector.shape_cast %gt3A_14 : vector<10240x1xi1> to vector<10240x1xi1>
    %broadcast_in_dim3A_15 = vector.broadcast %broadcast_in_dim3A : vector<10240x1xi1> to vector<10240x128xi1>
    %broadcast_in_dim3A_16 = vector.broadcast %jit3A : f32 to vector<10240x128xf32>
    %select_n3A = arith.select %broadcast_in_dim3A_15, %mul3A_10, %broadcast_in_dim3A_16 : vector<10240x128xi1>, vector<10240x128xf32>
    %reduce_max3A = arith.constant dense<0xFF800000> : vector<128xf32>
    %reduce_max3A_17 = vector.multi_reduction <maximumf>, %select_n3A, %reduce_max3A [0] : vector<10240x128xf32> to vector<128xf32>
    %broadcast_in_dim3A_18 = vector.shape_cast %reduce_max3A_17 : vector<128xf32> to vector<1x128xf32>
    %reduce_sum3A = arith.constant dense<0.000000e+00> : vector<128xf32>
    %reduce_sum3A_19 = vector.multi_reduction <add>, %mul3A_10, %reduce_sum3A [0] : vector<10240x128xf32> to vector<128xf32>
    %broadcast_in_dim3A_20 = vector.shape_cast %reduce_sum3A_19 : vector<128xf32> to vector<1x128xf32>
    %div3A = arith.constant 1.250000e+03 : f32
    %div3A_21 = vector.broadcast %div3A : f32 to vector<1x128xf32>
    %div3A_22 = arith.divf %broadcast_in_dim3A_20, %div3A_21 : vector<1x128xf32>
    %concatenate3A = tpu.concatenate %broadcast_in_dim3A_18, %div3A_22 in 0 : vector<1x128xf32>, vector<1x128xf32> -> vector<2x128xf32>
    %swap3A_23 = arith.constant 0 : index
    %swap3A_24 = arith.constant 0 : index
    %swap3A_25 = vector.load %arg4[%swap3A_23, %swap3A_24] : memref<2x128xf32, #tpu.memory_space<vmem>>, vector<2x128xf32>
    tpu.vector_store %arg4[%swap3A_23, %swap3A_24], %concatenate3A {strides = array<i32>} : memref<2x128xf32, #tpu.memory_space<vmem>>, vector<2x128xf32>,
    return
  }
}

</mosaic_0001>

<sc_bundles>
// kernel: kernel.26.cloned.1.call-start
scs
__scs_entry_jumppad:
0x0: {  	(pc) =	sbr.rel $0x88, $3  }
0x1: {  	(tag) =	ssettag $0x0;
	lr =	simm.s32 $0x1  }
0x2: {  	[smem:$0x3F93] =	sst lr;
	_ =	strace $0xD0000000  }
0x3: {  	_ = 	snop  }
0x4: {  	_ = 	snop  }
0x5: {  	_ = 	snop  }
0x6: {  	_ = 	snop  }
0x7: {  	_ = 	snop  }
__scs_overlays_trampoline_lowered:
0x8: {  	[smem:$0x3FA2] =	sst s0  }
0x9: {  	[smem:$0x3FA3] =	sst s1  }
0xa: {  	[smem:$0x3FA4] =	sst s2  }
0xb: {  	[smem:$0x3FA5] =	sst s3  }
0xc: {  	[smem:$0x3FA6] =	sst s4  }
0xd: {  	[smem:$0x3FA7] =	sst s5  }
0xe: {  	[smem:$0x3FA8] =	sst s6  }
0xf: {  	[smem:$0x3FA9] =	sst s7  }
0x10: {  	[smem:$0x3FAA] =	sst s8  }
0x11: {  	[smem:$0x3FAB] =	sst s9;
	s0 =	simm.s32 @!p0 $0x0  }
0x12: {  	s1 =	sld [smem:$0x3F91];
	s0 =	simm.s32 @p0 $0x1  }
0x13: {  	[smem:$0x3FAC] =	sst s0;
	s0 =	simm.s32 @!p1 $0x0  }
0x14: {  	s2 =	sld [smem:$0x3F90];
	s0 =	simm.s32 @p1 $0x1  }
0x15: {  	[smem:$0x3FAD] =	sst s0;
	s0 =	simm.s32 @!p2 $0x0  }
0x16: {  	s3 =	sld [smem:$0x3FDB];
	s0 =	simm.s32 @p2 $0x1  }
0x17: {  	s4 =	simm.s32 $0x1BF5;
	[smem:$0x3FAF] =	sst s0  }
0x18: {  	s0 =	sld [smem:$0x3F92];
	_ =	swait.ge [sflag:s4], $0x0  }
0x19: {  	s7 =	sld [smem:$0x3F93]  }
0x1a: {  	s8 =	sadd.s32 $0xFFFFE003, lr  }
0x1b: {  	s9 =	sadd.s32 $0xFFFFFEF7, lr;
	s5 =	simm.s32 $0xFFFFFFFF;
	p2 =	slt.u32 s8, $0xFFFFF086  }
0x1c: {  	p1 =	slt.u32 s9, $0xF7A;
	s5 =	simm.s32 @!p2 $0x0  }
0x1d: {  	s5 =	simm.s32 @p1 $0x1;
	p0 =	seq.s32 s7, s2  }
0x1e: {  	s7 =	smul.u32 @!p0 $0xF7A, s2;
	p2 =	seq.s32 @!p0 s5, $0x0  }
0x1f: {  	s9 =	smul.u32 $0xF7A, s1;
	s8 =	simm.s32 @!p0 $0x1BF5;
	p2 =	por !p2, p0  }
0x20: {  	[sflag:s8] =	ssyncset.s32 @!p0 $0xFFFFF086;
	s6 =	sadd.s32 @!p0 s3, s7;
	s7 =	simm.s32 @!p0 $0x108  }
0x21: {  	s3 =	sadd.s32 s3, s9;
	s6 =	sadd.s32 @!p0 $0x88, s6;
	s7 =	simm.s32 @p2 $0x1082  }
0x22: {  	[simem:s7], [sflag:s8] =	dma.local @!p0 [hbm:s6], $0xF7A  }
0x23: {  	s9 =	sor.u32 $0xD0000000, s2;
	s6 =	simm.s32 $0x108;
	_ =	swait.ge @!p0 [sflag:s8], $0x0  }
0x24: {  	s3 =	sadd.s32 $0x88, s3;
	s6 =	simm.s32 @!p1 $0x1082;
	[sflag:s4] =	ssyncset.s32 $0xFFFFF086  }
0x25: {  	[simem:s6], [sflag:s4] =	dma.local [hbm:s3], $0xF7A  }
0x26: {  	[smem:$0x3F93] =	sst s1;
	(tag) =	ssettag s2;
	_ =	strace s9  }
0x27: {  	s1 =	sld [smem:$0x3FA3]  }
0x28: {  	s2 =	sld [smem:$0x3FA4]  }
0x29: {  	s4 =	sld [smem:$0x3FA6]  }
0x2a: {  	p0 =	seq.s32 s5, $0x0;
	s5 =	sld [smem:$0x3FA7]  }
0x2b: {  	s6 =	sld [smem:$0x3FA8]  }
0x2c: {  	s7 =	sld [smem:$0x3FA9]  }
0x2d: {  	s3 =	simm.s32 $0x108;
	s8 =	sld [smem:$0x3FAA]  }
0x2e: {  	s3 =	simm.s32 @!p0 $0x1082;
	s9 =	sld [smem:$0x3FAB]  }
0x2f: {  	lr =	sadd.s32 s0, s3;
	s0 =	sld [smem:$0x3FA2]  }
0x30: {  	s3 =	sld [smem:$0x3FA5]  }
0x31: {  	[smem:$0x3FAE] =	sst s10  }
0x32: {  	s10 =	sld [smem:$0x3FAC];
	_ =	sdelay $0x3  }
0x33: {  	p0 =	seq.s32 s10, $0x1;
	s10 =	sld [smem:$0x3FAE];
	_ =	sdelay $0x3  }
0x34: {  	[smem:$0x3FAE] =	sst s10  }
0x35: {  	s10 =	sld [smem:$0x3FAD];
	_ =	sdelay $0x3  }
0x36: {  	p1 =	seq.s32 s10, $0x1;
	s10 =	sld [smem:$0x3FAE];
	_ =	sdelay $0x3  }
0x37: {  	[smem:$0x3FAE] =	sst s10  }
0x38: {  	s10 =	sld [smem:$0x3FAF]  }
0x39: {  	_ = 	snop;
	(pc) =	sbr.ind lr, $3  }
0x3a: {  	_ = 	snop  }
0x3b: {  	_ = 	snop  }
0x3c: {  	p2 =	seq.s32 s10, $0x1;
	s10 =	sld [smem:$0x3FAE]  }
0x3d: {  	_ =	shalt  }
0x3e: {  	_ =	shalt  }
0x3f: {  	_ =	shalt  }
0x40: {  	_ =	shalt  }
0x41: {  	_ =	shalt  }
0x42: {  	_ =	shalt  }
0x43: {  	_ =	shalt  }
0x44: {  	_ =	shalt  }
0x45: {  	_ =	shalt  }
0x46: {  	_ =	shalt  }
0x47: {  	_ =	shalt  }
0x48: {  	_ =	shalt  }
0x49: {  	_ =	shalt  }
0x4a: {  	_ =	shalt  }
0x4b: {  	_ =	shalt  }
0x4c: {  	_ =	shalt  }
0x4d: {  	_ =	shalt  }
0x4e: {  	_ =	shalt  }
0x4f: {  	_ =	shalt  }
0x50: {  	_ =	shalt  }
0x51: {  	_ =	shalt  }
0x52: {  	_ =	shalt  }
0x53: {  	_ =	shalt  }
0x54: {  	_ =	shalt  }
0x55: {  	_ =	shalt  }
0x56: {  	_ =	shalt  }
0x57: {  	_ =	shalt  }
0x58: {  	_ =	shalt  }
0x59: {  	_ =	shalt  }
0x5a: {  	_ =	shalt  }
0x5b: {  	_ =	shalt  }
0x5c: {  	_ =	shalt  }
0x5d: {  	_ =	shalt  }
0x5e: {  	_ =	shalt  }
0x5f: {  	_ =	shalt  }
0x60: {  	_ =	shalt  }
0x61: {  	_ =	shalt  }
0x62: {  	_ =	shalt  }
0x63: {  	_ =	shalt  }
0x64: {  	_ =	shalt  }
0x65: {  	_ =	shalt  }
0x66: {  	_ =	shalt  }
0x67: {  	_ =	shalt  }
0x68: {  	_ =	shalt  }
0x69: {  	_ =	shalt  }
0x6a: {  	_ =	shalt  }
0x6b: {  	_ =	shalt  }
0x6c: {  	_ =	shalt  }
0x6d: {  	_ =	shalt  }
0x6e: {  	_ =	shalt  }
0x6f: {  	_ =	shalt  }
0x70: {  	_ =	shalt  }
0x71: {  	_ =	shalt  }
0x72: {  	_ =	shalt  }
0x73: {  	_ =	shalt  }
0x74: {  	_ =	shalt  }
0x75: {  	_ =	shalt  }
0x76: {  	_ =	shalt  }
0x77: {  	_ =	shalt  }
0x78: {  	_ =	shalt  }
0x79: {  	_ =	shalt  }
0x7a: {  	_ =	shalt  }
0x7b: {  	_ =	shalt  }
0x7c: {  	_ =	shalt  }
0x7d: {  	_ =	shalt  }
0x7e: {  	_ =	shalt  }
0x7f: {  	_ =	shalt  }
0x80: {  	_ =	shalt  }
0x81: {  	_ =	shalt  }
0x82: {  	_ =	shalt  }
0x83: {  	_ =	shalt  }
0x84: {  	_ =	shalt  }
0x85: {  	_ =	shalt  }
0x86: {  	_ =	shalt  }
0x87: {  	_ =	shalt  }
.Lfunc_end0:
.L_simem_size_0:
called_computation_lowered:
.L_overlay_start_0:
0x88: {  	s2 =	sld [smem:$0x3FD9]  }
0x89: {  	s3 =	sld [smem:$0x3FFE];
	_ =	sdelay $0x1  }
0x8a: {  	s1 =	srdreg.scid  }
0x8b: {  	s0 =	sand.u32 $0x1, s1  }
0x8c: {  	s16 =	sshll.u32 s0, $0xA;
	s2 =	sadd.s32 s3, s2  }
0x8d: {  	s2 =	sadd.s32 s2, s16  }
0x8e: {  	[smem:$0x3FBA] =	sst s2  }
0x8f: {  	_ = 	snop  }
0x90: {  	(tm) =	ssettm $0x1  }
0x91: {  	s17 =	sld [smem:$0x3FFB];
	_ =	sdelay $0x3  }
0x92: {  	_ =	strace s17  }
0x93: {  	s2 =	sld [smem:$0x3FFC];
	_ =	sdelay $0x3  }
0x94: {  	_ =	strace s2  }
0x95: {  	s2 =	sld [smem:$0x3FFD];
	_ =	sdelay $0x3  }
0x96: {  	_ =	strace s2  }
0x97: {  	_ =	strace $0x8FFFFFFF  }
0x98: {  	s18 =	sld [smem:$0x3FDB];
	_ =	sdelay $0x1  }
0x99: {  	s19 =	simm.s32 $_scs_section_size  }
0x9a: {  	s4 =	simm.s32 $_size__tile_overlayer_lowered;
	s5 =	simm.s32 $_tile_overlayer_lowered  }
0x9b: {  	s22 =	simm.s32 $0x1BFF;
	s21 =	sshll.u32 s5, $0x1;
	s2 =	sadd.s32 s19, s18  }
0x9c: {  	s6 =	simm.s32 $0x0;
	s20 =	sshll.u32 s4, $0x1;
	s4 =	sadd.s32 s21, s2  }
0x9d: {  	[timem:s6], [sflag:s22] =	dma.local [hbm:s4], s20  }
0x9e: {  	_ =	swait.ge [sflag:s22], s20  }
0x9f: {  	s3 =	ssub.s32 $0x0, s20;
	[sflag:s22] =	ssyncset.done $0x0  }
0xa0: {  	[sflag:s22] =	ssyncadd.s32 s3;
	_ =	sdelay $0x1  }
0xa1: {  	s23 =	simm.s32 $0x1B8B  }
0xa2: {  	_ =	swait.ge [sflag:s23], $0x1  }
0xa3: {  	[sflag:s23] =	ssyncset.done $0x0  }
0xa4: {  	s25 =	simm.s32 $0x1B8E;
	s24 =	sld [smem:$0x3FFE];
	[sflag:s23] =	ssyncadd.s32 $0xFFFFFFFF  }
0xa5: {  	s26 =	simm.s32 $execute0_lowered;
	[smem:$0x3FD2] =	sst s25  }
0xa6: {  	s4 =	sshll.u32 s26, $0x1;
	_ =	strace $0x80000046;
	[dreg:$0x1] =	wrdreg $0xFFFFFFFF  }
0xa7: {  	s28 =	simm.s32 $_size_execute0_lowered;
	s2 =	sadd.s32 s2, s4;
	[dreg:$0x0] =	wrdreg $0x0  }
0xa8: {  	s4 =	sshll.u32 s28, $0x1;
	[dreg:$0x2] =	wrdreg s2  }
0xa9: {  	[dreg:$0x3] =	wrdreg s4  }
0xaa: {  	[dreg:$0x4] =	wrdreg $0xC0  }
0xab: {  	_ =	task [dreg:s6], $0x5FFFF  }
0xac: {  	[dreg:$0x1] =	wrdreg $0xFFFFFFFF  }
0xad: {  	[dreg:$0x0] =	wrdreg $0x60  }
0xae: {  	[dreg:$0x2] =	wrdreg s24  }
0xaf: {  	[dreg:$0x3] =	wrdreg $0x5FA00  }
0xb0: {  	[dreg:$0x4] =	wrdreg $0x9  }
0xb1: {  	_ =	task.clear_ibuf [dreg:s6], $0x5FFFF;
	_ =	strace $0x90000046  }
0xb2: {  	s29 =	simm.s32 $0x9;
	_ =	strace $0x80000048  }
0xb3: {  	_ =	swait.ge [sflag:s29], $0x1  }
0xb4: {  	[sflag:s29] =	ssyncadd.s32 $0xFFFFFFFF  }
0xb5: {  	_ =	strace $0x90000048  }
0xb6: {  	_ =	sfence  }
0xb7: {  	s30 =	sld [smem:$0x0];
	_ =	sdelay $0x2  }
0xb8: {  	s31 =	sshll.u32 s1, $0xD;
	s1 =	sshrl.u32 s1, $0x2  }
0xb9: {  	s3 =	sand.u32 $0x4000, s31;
	s1 =	sadd.s32 s1, s30  }
0xba: {  	s0 =	sor.u32 s3, s0;
	s1 =	sshll.u32 s1, $0x11  }
0xbb: {  	s0 =	sor.u32 s1, s0  }
0xbc: {  	s0 =	sadd.s32 $0x8F2B, s0  }
0xbd: {  	[sflag:s0] =	ssyncadd.remote.s32 $0x1  }
0xbe: {  	_ =	sfence.sel $0xFFFF  }
0xbf: {  	[dreg:$0x0] =	wrdreg $0xFFFFFFFF;
	(pc) =	sbr.abs _section_cstart, $3  }
0xc0: {  	[dreg:$0x1] =	wrdreg $0xFFFFFFFF  }
0xc1: {  	_ =	task.clear_ibuf [dreg:s6], $0x2FFFF;
	_ =	strace $0x9FFFFFFF  }
0xc2: {  	(tm) =	ssettm $0x7FFFFFFF  }
0xc3: {  	_ =	shalt  }
tec
execute0_lowered:
.L_overlay_start_1:
0x0: {  	(tag) =	ssettag $0x1  }
0x1: {  	s6 =	rddreg [dreg:$0x0]  }
0x2: {  	s0 =	srdreg.scid;
	s2 =	rddreg [dreg:$0x1]  }
0x3: {  	s3 =	simm.s32 $0x0;
	s14 =	simm.s32 $0x7D;
	s15 =	simm.s32 $0x5000  }
0x4: {  	s16 =	simm.s32 $0x57D0;
	s17 =	simm.s32 $0x1;
	s18 =	simm.s32 $0x2  }
0x5: {  	s19 =	simm.s32 $0x2780;
	s20 =	simm.s32 $0x4F00;
	s21 =	simm.s32 $0x4F80  }
0x6: {  	s22 =	simm.s32 $0x0;
	s5 =	sand.u32 $0x1, s0;
	s0 =	stileid.u32  }
0x7: {  	[smem:$0x7FF] =	sst s3;
	s4 =	sadd.s32 $0x2AC00, s6;
	s8 =	smul.u32 $0x2800, s0  }
0x8: {  	s1 =	sshll.u32 s5, $0x4;
	s9 =	smul.u32 $0x28000, s5;
	s10 =	ssub.s32 $0x2, s5  }
0x9: {  	s5 =	sadd.s32 $0x2FC00, s6;
	s12 =	sshll.u32 s0, $0x6;
	s1 =	sor.u32 s0, s1  }
0xa: {  	s11 =	sshrl.u32 s10, $0x1;
	s12 =	sor.u32 $0x1C03, s12;
	s7 =	smul.u32 $0x500, s1  }
0xb: {  	s1 =	rddreg [dreg:$0x2];
	_ =	strace $0x80000047;
	s9 =	sadd.s32 s8, s9  }
0xc: {  	s10 =	ssub.s32 s10, s11;
	s13 =	sadd.s32 s8, s2;
	s11 =	simm.s32 $0x2800  }
0xd: {  	s9 =	sshrl.u32 s9, $0x3;
	s13 =	sshrl.u32 s13, $0x3;
	s7 =	sadd.s32 s7, s6  }
0xe: {  	s9 =	sadd.s32 s9, s6;
	s6 =	sadd.s32 $0x20C00, s7;
	s7 =	sadd.s32 $0x16C00, s7  }
0xf: {  	s8 =	sadd.s32 $0x30200, s9;
	s9 =	smax.u32 s10, $0x1;
	s10 =	simm.s32 $0x3  }
.LBB2_1:
0x10: {  	[tilespmem:s3], [sflag:$0x3] =	stream.linear.gather [hbm4b:s6+s3], $0x2800, $0x38;
	[tilespmem:$0x87A0] =	vst v63  }
0x11: {  	_ =	swait.ge [sflag:s10], $0x2800  }
0x12: {  	[sflag:s10] =	ssyncset.done $0x0  }
0x13: {  	[sflag:s10] =	ssyncadd.s32 $0xFFFFD800  }
0x14: {  	[tilespmem:s11], [sflag:$0x3] =	stream.linear.gather [hbm4b:s7+s3], $0x2800, $0x38;
	[tilespmem:$0x87A0] =	vst v63  }
0x15: {  	_ =	swait.ge [sflag:s10], $0x2800  }
0x16: {  	[sflag:s10] =	ssyncset.done $0x0  }
0x17: {  	[sflag:s10] =	ssyncadd.s32 $0xFFFFD800  }
0x18: {  	[spmem:s13], [sflag:s12] =	dma.local [hbm:s5], $0x500  }
0x19: {  	_ =	swait.ge [sflag:s10], $0x500  }
0x1a: {  	[sflag:s10] =	ssyncset.done $0x0  }
0x1b: {  	[sflag:s10] =	ssyncadd.s32 $0xFFFFFB00  }
0x1c: {  	[bflag:$0x0] =	sbarrier.arrive $0xFFFF  }
0x1d: {  	[tilespmem:s15], [sflag:$0x1] =	stream.indirect.gather [hbm4b:s4+s14], $0x10, s3, s14, $0xb8;
	[tilespmem:$0x87A0] =	vst v63  }
0x1e: {  	s23 =	simm.s32 $0x80  }
0x1f: {  	[tilespmem:s16], [sflag:$0x2] =	stream.indirect.gather [hbm4b:s4+s14], $0x10, s23, s14, $0xb8;
	[tilespmem:$0x87A0] =	vst v63  }
0x20: {  	_ =	swait.ge [sflag:s17], $0x7D0  }
0x21: {  	[sflag:s17] =	ssyncset.done $0x0  }
0x22: {  	s29 =	simm.s32 $0x2800;
	[sflag:s17] =	ssyncadd.s32 $0xFFFFF830  }
0x23: {  	[spmem:s2] =	stream.indirect.scatter.add.f32 [tilespmem:s15], [sflag:$0x3], $0x10, s29, s14, $0xb8;
	[tilespmem:$0x87A0] =	vst v63  }
0x24: {  	_ =	swait.ge [sflag:s10], $0x7D0  }
0x25: {  	[sflag:s10] =	ssyncset.done $0x0  }
0x26: {  	s30 =	simm.s32 $0x100;
	[sflag:s10] =	ssyncadd.s32 $0xFFFFF830  }
0x27: {  	[tilespmem:s15], [sflag:$0x1] =	stream.indirect.gather [hbm4b:s4+s14], $0x10, s30, s14, $0xb8;
	[tilespmem:$0x87A0] =	vst v63  }
0x28: {  	_ =	swait.ge [sflag:s18], $0x7D0  }
0x29: {  	[sflag:s18] =	ssyncset.done $0x0  }
0x2a: {  	s31 =	simm.s32 $0x2880;
	[sflag:s18] =	ssyncadd.s32 $0xFFFFF830  }
0x2b: {  	[spmem:s2] =	stream.indirect.scatter.add.f32 [tilespmem:s16], [sflag:$0x3], $0x10, s31, s14, $0xb8;
	[tilespmem:$0x87A0] =	vst v63  }
0x2c: {  	_ =	swait.ge [sflag:s10], $0x7D0  }
0x2d: {  	s24 =	simm.s32 $0x800;
	s23 =	simm.s32 $0x100;
	[sflag:s10] =	ssyncset.done $0x0  }
.LBB2_2:
0x2e: {  	s25 =	sadd.s32 $0x80, s23  }
0x2f: {  	[sflag:s10] =	ssyncadd.s32 $0xFFFFF830;
	s26 =	smov.u32 s24;
	s28 =	sadd.s32 $0x400, s24  }
0x30: {  	[tilespmem:s16], [sflag:$0x2] =	stream.indirect.gather [hbm4b:s4+s14], $0x10, s25, s14, $0xb8;
	[tilespmem:$0x87A0] =	vst v63  }
0x31: {  	p0 =	sne.s32 s24, $0x9800;
	_ =	swait.ge [sflag:s17], $0x7D0  }
0x32: {  	[sflag:s17] =	ssyncset.done $0x0  }
0x33: {  	s24 =	sadd.s32 $0x2800, s23;
	[sflag:s17] =	ssyncadd.s32 $0xFFFFF830  }
0x34: {  	[spmem:s2] =	stream.indirect.scatter.add.f32 [tilespmem:s15], [sflag:$0x3], $0x10, s24, s14, $0xb8;
	[tilespmem:$0x87A0] =	vst v63  }
0x35: {  	_ =	swait.ge [sflag:s10], $0x7D0  }
0x36: {  	[sflag:s10] =	ssyncset.done $0x0  }
0x37: {  	s24 =	sadd.s32 $0x100, s23;
	[sflag:s10] =	ssyncadd.s32 $0xFFFFF830  }
0x38: {  	[tilespmem:s15], [sflag:$0x1] =	stream.indirect.gather [hbm4b:s4+s14], $0x10, s24, s14, $0xb8;
	[tilespmem:$0x87A0] =	vst v63  }
0x39: {  	_ =	swait.ge [sflag:s18], $0x7D0  }
.Ltmp0:
0x3a: {  	[sflag:s18] =	ssyncset.done $0x0;
	(pc) =	sbr.rel @p0 .LBB2_2-.Ltmp0, $4  }
0x3b: {  	s23 =	sadd.s32 $0x2880, s23;
	[sflag:s18] =	ssyncadd.s32 $0xFFFFF830  }
0x3c: {  	[spmem:s2] =	stream.indirect.scatter.add.f32 [tilespmem:s16], [sflag:$0x3], $0x10, s23, s14, $0xb8;
	[tilespmem:$0x87A0] =	vst v63  }
0x3d: {  	_ =	swait.ge [sflag:s10], $0x7D0  }
0x3e: {  	s24 =	smov.u32 s28;
	s23 =	sshra.s32 s26, $0x2;
	[sflag:s10] =	ssyncset.done $0x0  }
0x3f: {  	s24 =	sadd.s32 $0x80, s23;
	[sflag:s10] =	ssyncadd.s32 $0xFFFFF830  }
0x40: {  	[tilespmem:s16], [sflag:$0x2] =	stream.indirect.gather [hbm4b:s4+s14], $0x10, s24, s14, $0xb8;
	[tilespmem:$0x87A0] =	vst v63  }
0x41: {  	_ =	swait.ge [sflag:s17], $0x7D0  }
0x42: {  	[sflag:s17] =	ssyncset.done $0x0  }
0x43: {  	s29 =	sadd.s32 $0x2800, s23;
	[sflag:s17] =	ssyncadd.s32 $0xFFFFF830  }
0x44: {  	[spmem:s2] =	stream.indirect.scatter.add.f32 [tilespmem:s15], [sflag:$0x3], $0x10, s29, s14, $0xb8;
	[tilespmem:$0x87A0] =	vst v63  }
0x45: {  	_ =	swait.ge [sflag:s10], $0x7D0  }
0x46: {  	[sflag:s10] =	ssyncset.done $0x0  }
0x47: {  	s30 =	sadd.s32 $0x100, s23;
	[sflag:s10] =	ssyncadd.s32 $0xFFFFF830  }
0x48: {  	[tilespmem:s15], [sflag:$0x1] =	stream.indirect.gather [hbm4b:s4+s14], $0x10, s30, s14, $0xb8;
	[tilespmem:$0x87A0] =	vst v63  }
0x49: {  	_ =	swait.ge [sflag:s18], $0x7D0  }
0x4a: {  	[sflag:s18] =	ssyncset.done $0x0  }
0x4b: {  	s31 =	sadd.s32 $0x2880, s23;
	[sflag:s18] =	ssyncadd.s32 $0xFFFFF830  }
0x4c: {  	[spmem:s2] =	stream.indirect.scatter.add.f32 [tilespmem:s16], [sflag:$0x3], $0x10, s31, s14, $0xb8;
	[tilespmem:$0x87A0] =	vst v63  }
0x4d: {  	_ =	swait.ge [sflag:s10], $0x7D0  }
0x4e: {  	[sflag:s10] =	ssyncset.done $0x0  }
0x4f: {  	[sflag:s10] =	ssyncadd.s32 $0xFFFFF830  }
0x50: {  	[tilespmem:s16], [sflag:$0x2] =	stream.indirect.gather [hbm4b:s4+s14], $0x10, s19, s14, $0xb8;
	[tilespmem:$0x87A0] =	vst v63  }
0x51: {  	_ =	swait.ge [sflag:s17], $0x7D0  }
0x52: {  	[sflag:s17] =	ssyncset.done $0x0  }
0x53: {  	[sflag:s17] =	ssyncadd.s32 $0xFFFFF830  }
0x54: {  	[spmem:s2] =	stream.indirect.scatter.add.f32 [tilespmem:s15], [sflag:$0x3], $0x10, s20, s14, $0xb8;
	[tilespmem:$0x87A0] =	vst v63  }
0x55: {  	_ =	swait.ge [sflag:s10], $0x7D0  }
0x56: {  	[sflag:s10] =	ssyncset.done $0x0  }
0x57: {  	[sflag:s10] =	ssyncadd.s32 $0xFFFFF830  }
0x58: {  	_ =	swait.ge [sflag:s18], $0x7D0  }
0x59: {  	[sflag:s18] =	ssyncset.done $0x0  }
0x5a: {  	[sflag:s18] =	ssyncadd.s32 $0xFFFFF830  }
0x5b: {  	[spmem:s2] =	stream.indirect.scatter.add.f32 [tilespmem:s16], [sflag:$0x3], $0x10, s21, s14, $0xb8;
	[tilespmem:$0x87A0] =	vst v63  }
0x5c: {  	_ =	swait.ge [sflag:s10], $0x7D0  }
0x5d: {  	s22 =	sadd.s32 $0x1, s22;
	[sflag:s10] =	ssyncset.done $0x0  }
0x5e: {  	p0 =	sne.s32 s22, s9;
	[sflag:s10] =	ssyncadd.s32 $0xFFFFF830  }
.Ltmp1:
0x5f: {  	[bflag:$0x0] =	sbarrier.arrive $0xFFFF;
	(pc) =	sbr.rel @p0 .LBB2_1-.Ltmp1, $4  }
0x60: {  	[hbm:s8], [sflag:s12] =	dma.local [spmem:s13], $0x500  }
0x61: {  	_ =	swait.ge [sflag:s10], $0x500  }
0x62: {  	[sflag:s10] =	ssyncset.done $0x0  }
0x63: {  	[sflag:s10] =	ssyncadd.s32 $0xFFFFFB00  }
0x64: {  	_ =	sfence.sel $0x180000  }
0x65: {  	[bflag:$0x0] =	sbarrier.arrive $0xFFFF  }
0x66: {  	p0 =	sne.s32 s0, $0x0;
	_ =	strace $0x90000047  }
0x67: {  	s0 =	sadd.s32 @!p0 $0x100000, s1;
	[bflag:$0x2] =	sbarrier.arrive $0xFFFF  }
0x68: {  	[sflag:s0] =	ssyncadd.tile.s32 @!p0 $0x1;
	_ =	shalt  }
.Lfunc_end2:
_tile_overlayer_lowered:
.L_overlay_start_2:
0x69: {  	(tag) =	ssettag $0x2  }
0x6a: {  	s0 =	rddreg [dreg:$0x0];
	s2 =	stileid.u32  }
0x6b: {  	s1 =	rddreg [dreg:$0x1];
	p0 =	sne.s32 s2, $0x0  }
0x6c: {  	s3 =	rddreg [dreg:$0x2];
	[bflag:$0x3] =	sbarrier.arrive $0xFFFF;
	s2 =	simm.s32 @!p0 $0x1C03  }
0x6d: {  	[timem:s3], [sflag:s2] =	dma.local @!p0 [hbm:s0], s1  }
0x6e: {  	s0 =	simm.s32 @!p0 $0x3  }
0x6f: {  	_ =	swait.ge @!p0 [sflag:s0], s1  }
0x70: {  	s1 =	ssub.s32 @!p0 $0x0, s1;
	[sflag:s0] =	ssyncset.done @!p0 $0x0  }
0x71: {  	[sflag:s0] =	ssyncadd.s32 @!p0 s1  }
0x72: {  	[bflag:$0x3] =	sbarrier.arrive $0xFFFF  }
0x73: {  	_ =	shalt  }

// kernel: kernel.29.cloned.1.call-start
scs
__scs_entry_jumppad:
0x0: {  	(pc) =	sbr.rel $0x88, $3  }
0x1: {  	(tag) =	ssettag $0x0;
	lr =	simm.s32 $0x1  }
0x2: {  	[smem:$0x3F93] =	sst lr;
	_ =	strace $0xD0000000  }
0x3: {  	_ = 	snop  }
0x4: {  	_ = 	snop  }
0x5: {  	_ = 	snop  }
0x6: {  	_ = 	snop  }
0x7: {  	_ = 	snop  }
__scs_overlays_trampoline_lowered:
0x8: {  	[smem:$0x3FA2] =	sst s0  }
0x9: {  	[smem:$0x3FA3] =	sst s1  }
0xa: {  	[smem:$0x3FA4] =	sst s2  }
0xb: {  	[smem:$0x3FA5] =	sst s3  }
0xc: {  	[smem:$0x3FA6] =	sst s4  }
0xd: {  	[smem:$0x3FA7] =	sst s5  }
0xe: {  	[smem:$0x3FA8] =	sst s6  }
0xf: {  	[smem:$0x3FA9] =	sst s7  }
0x10: {  	[smem:$0x3FAA] =	sst s8  }
0x11: {  	[smem:$0x3FAB] =	sst s9;
	s0 =	simm.s32 @!p0 $0x0  }
0x12: {  	s1 =	sld [smem:$0x3F91];
	s0 =	simm.s32 @p0 $0x1  }
0x13: {  	[smem:$0x3FAC] =	sst s0;
	s0 =	simm.s32 @!p1 $0x0  }
0x14: {  	s2 =	sld [smem:$0x3F90];
	s0 =	simm.s32 @p1 $0x1  }
0x15: {  	[smem:$0x3FAD] =	sst s0;
	s0 =	simm.s32 @!p2 $0x0  }
0x16: {  	s3 =	sld [smem:$0x3FDB];
	s0 =	simm.s32 @p2 $0x1  }
0x17: {  	s4 =	simm.s32 $0x1BF5;
	[smem:$0x3FAF] =	sst s0  }
0x18: {  	s0 =	sld [smem:$0x3F92];
	_ =	swait.ge [sflag:s4], $0x0  }
0x19: {  	s7 =	sld [smem:$0x3F93]  }
0x1a: {  	s8 =	sadd.s32 $0xFFFFE003, lr  }
0x1b: {  	s9 =	sadd.s32 $0xFFFFFEF7, lr;
	s5 =	simm.s32 $0xFFFFFFFF;
	p2 =	slt.u32 s8, $0xFFFFF086  }
0x1c: {  	p1 =	slt.u32 s9, $0xF7A;
	s5 =	simm.s32 @!p2 $0x0  }
0x1d: {  	s5 =	simm.s32 @p1 $0x1;
	p0 =	seq.s32 s7, s2  }
0x1e: {  	s7 =	smul.u32 @!p0 $0xF7A, s2;
	p2 =	seq.s32 @!p0 s5, $0x0  }
0x1f: {  	s9 =	smul.u32 $0xF7A, s1;
	s8 =	simm.s32 @!p0 $0x1BF5;
	p2 =	por !p2, p0  }
0x20: {  	[sflag:s8] =	ssyncset.s32 @!p0 $0xFFFFF086;
	s6 =	sadd.s32 @!p0 s3, s7;
	s7 =	simm.s32 @!p0 $0x108  }
0x21: {  	s3 =	sadd.s32 s3, s9;
	s6 =	sadd.s32 @!p0 $0x88, s6;
	s7 =	simm.s32 @p2 $0x1082  }
0x22: {  	[simem:s7], [sflag:s8] =	dma.local @!p0 [hbm:s6], $0xF7A  }
0x23: {  	s9 =	sor.u32 $0xD0000000, s2;
	s6 =	simm.s32 $0x108;
	_ =	swait.ge @!p0 [sflag:s8], $0x0  }
0x24: {  	s3 =	sadd.s32 $0x88, s3;
	s6 =	simm.s32 @!p1 $0x1082;
	[sflag:s4] =	ssyncset.s32 $0xFFFFF086  }
0x25: {  	[simem:s6], [sflag:s4] =	dma.local [hbm:s3], $0xF7A  }
0x26: {  	[smem:$0x3F93] =	sst s1;
	(tag) =	ssettag s2;
	_ =	strace s9  }
0x27: {  	s1 =	sld [smem:$0x3FA3]  }
0x28: {  	s2 =	sld [smem:$0x3FA4]  }
0x29: {  	s4 =	sld [smem:$0x3FA6]  }
0x2a: {  	p0 =	seq.s32 s5, $0x0;
	s5 =	sld [smem:$0x3FA7]  }
0x2b: {  	s6 =	sld [smem:$0x3FA8]  }
0x2c: {  	s7 =	sld [smem:$0x3FA9]  }
0x2d: {  	s3 =	simm.s32 $0x108;
	s8 =	sld [smem:$0x3FAA]  }
0x2e: {  	s3 =	simm.s32 @!p0 $0x1082;
	s9 =	sld [smem:$0x3FAB]  }
0x2f: {  	lr =	sadd.s32 s0, s3;
	s0 =	sld [smem:$0x3FA2]  }
0x30: {  	s3 =	sld [smem:$0x3FA5]  }
0x31: {  	[smem:$0x3FAE] =	sst s10  }
0x32: {  	s10 =	sld [smem:$0x3FAC];
	_ =	sdelay $0x3  }
0x33: {  	p0 =	seq.s32 s10, $0x1;
	s10 =	sld [smem:$0x3FAE];
	_ =	sdelay $0x3  }
0x34: {  	[smem:$0x3FAE] =	sst s10  }
0x35: {  	s10 =	sld [smem:$0x3FAD];
	_ =	sdelay $0x3  }
0x36: {  	p1 =	seq.s32 s10, $0x1;
	s10 =	sld [smem:$0x3FAE];
	_ =	sdelay $0x3  }
0x37: {  	[smem:$0x3FAE] =	sst s10  }
0x38: {  	s10 =	sld [smem:$0x3FAF]  }
0x39: {  	_ = 	snop;
	(pc) =	sbr.ind lr, $3  }
0x3a: {  	_ = 	snop  }
0x3b: {  	_ = 	snop  }
0x3c: {  	p2 =	seq.s32 s10, $0x1;
	s10 =	sld [smem:$0x3FAE]  }
0x3d: {  	_ =	shalt  }
0x3e: {  	_ =	shalt  }
0x3f: {  	_ =	shalt  }
0x40: {  	_ =	shalt  }
0x41: {  	_ =	shalt  }
0x42: {  	_ =	shalt  }
0x43: {  	_ =	shalt  }
0x44: {  	_ =	shalt  }
0x45: {  	_ =	shalt  }
0x46: {  	_ =	shalt  }
0x47: {  	_ =	shalt  }
0x48: {  	_ =	shalt  }
0x49: {  	_ =	shalt  }
0x4a: {  	_ =	shalt  }
0x4b: {  	_ =	shalt  }
0x4c: {  	_ =	shalt  }
0x4d: {  	_ =	shalt  }
0x4e: {  	_ =	shalt  }
0x4f: {  	_ =	shalt  }
0x50: {  	_ =	shalt  }
0x51: {  	_ =	shalt  }
0x52: {  	_ =	shalt  }
0x53: {  	_ =	shalt  }
0x54: {  	_ =	shalt  }
0x55: {  	_ =	shalt  }
0x56: {  	_ =	shalt  }
0x57: {  	_ =	shalt  }
0x58: {  	_ =	shalt  }
0x59: {  	_ =	shalt  }
0x5a: {  	_ =	shalt  }
0x5b: {  	_ =	shalt  }
0x5c: {  	_ =	shalt  }
0x5d: {  	_ =	shalt  }
0x5e: {  	_ =	shalt  }
0x5f: {  	_ =	shalt  }
0x60: {  	_ =	shalt  }
0x61: {  	_ =	shalt  }
0x62: {  	_ =	shalt  }
0x63: {  	_ =	shalt  }
0x64: {  	_ =	shalt  }
0x65: {  	_ =	shalt  }
0x66: {  	_ =	shalt  }
0x67: {  	_ =	shalt  }
0x68: {  	_ =	shalt  }
0x69: {  	_ =	shalt  }
0x6a: {  	_ =	shalt  }
0x6b: {  	_ =	shalt  }
0x6c: {  	_ =	shalt  }
0x6d: {  	_ =	shalt  }
0x6e: {  	_ =	shalt  }
0x6f: {  	_ =	shalt  }
0x70: {  	_ =	shalt  }
0x71: {  	_ =	shalt  }
0x72: {  	_ =	shalt  }
0x73: {  	_ =	shalt  }
0x74: {  	_ =	shalt  }
0x75: {  	_ =	shalt  }
0x76: {  	_ =	shalt  }
0x77: {  	_ =	shalt  }
0x78: {  	_ =	shalt  }
0x79: {  	_ =	shalt  }
0x7a: {  	_ =	shalt  }
0x7b: {  	_ =	shalt  }
0x7c: {  	_ =	shalt  }
0x7d: {  	_ =	shalt  }
0x7e: {  	_ =	shalt  }
0x7f: {  	_ =	shalt  }
0x80: {  	_ =	shalt  }
0x81: {  	_ =	shalt  }
0x82: {  	_ =	shalt  }
0x83: {  	_ =	shalt  }
0x84: {  	_ =	shalt  }
0x85: {  	_ =	shalt  }
0x86: {  	_ =	shalt  }
0x87: {  	_ =	shalt  }
.Lfunc_end0:
.L_simem_size_0:
called_computation.1_lowered:
.L_overlay_start_0:
0x88: {  	s2 =	sld [smem:$0x3FD9]  }
0x89: {  	s3 =	sld [smem:$0x3FFE];
	_ =	sdelay $0x1  }
0x8a: {  	s1 =	srdreg.scid  }
0x8b: {  	s0 =	sand.u32 $0x1, s1  }
0x8c: {  	s16 =	sshll.u32 s0, $0xA;
	s2 =	sadd.s32 s3, s2  }
0x8d: {  	s2 =	sadd.s32 s2, s16  }
0x8e: {  	[smem:$0x3FBA] =	sst s2  }
0x8f: {  	_ = 	snop  }
0x90: {  	(tm) =	ssettm $0x1  }
0x91: {  	s17 =	sld [smem:$0x3FFB];
	_ =	sdelay $0x3  }
0x92: {  	_ =	strace s17  }
0x93: {  	s2 =	sld [smem:$0x3FFC];
	_ =	sdelay $0x3  }
0x94: {  	_ =	strace s2  }
0x95: {  	s2 =	sld [smem:$0x3FFD];
	_ =	sdelay $0x3  }
0x96: {  	_ =	strace s2  }
0x97: {  	_ =	strace $0x8FFFFFFF  }
0x98: {  	s18 =	sld [smem:$0x3FDB];
	_ =	sdelay $0x1  }
0x99: {  	s19 =	simm.s32 $_scs_section_size  }
0x9a: {  	s4 =	simm.s32 $_size__tile_overlayer_lowered;
	s5 =	simm.s32 $_tile_overlayer_lowered  }
0x9b: {  	s22 =	simm.s32 $0x1BFF;
	s21 =	sshll.u32 s5, $0x1;
	s2 =	sadd.s32 s19, s18  }
0x9c: {  	s6 =	simm.s32 $0x0;
	s20 =	sshll.u32 s4, $0x1;
	s4 =	sadd.s32 s21, s2  }
0x9d: {  	[timem:s6], [sflag:s22] =	dma.local [hbm:s4], s20  }
0x9e: {  	_ =	swait.ge [sflag:s22], s20  }
0x9f: {  	s3 =	ssub.s32 $0x0, s20;
	[sflag:s22] =	ssyncset.done $0x0  }
0xa0: {  	[sflag:s22] =	ssyncadd.s32 s3;
	_ =	sdelay $0x1  }
0xa1: {  	s23 =	simm.s32 $0x1B8B  }
0xa2: {  	_ =	swait.ge [sflag:s23], $0x1  }
0xa3: {  	[sflag:s23] =	ssyncset.done $0x0  }
0xa4: {  	s25 =	simm.s32 $0x1B8E;
	s24 =	sld [smem:$0x3FFE];
	[sflag:s23] =	ssyncadd.s32 $0xFFFFFFFF  }
0xa5: {  	s26 =	simm.s32 $execute0_lowered;
	[smem:$0x3FD2] =	sst s25  }
0xa6: {  	s4 =	sshll.u32 s26, $0x1;
	_ =	strace $0x80000049;
	[dreg:$0x1] =	wrdreg $0xFFFFFFFF  }
0xa7: {  	s28 =	simm.s32 $_size_execute0_lowered;
	s2 =	sadd.s32 s2, s4;
	[dreg:$0x0] =	wrdreg $0x0  }
0xa8: {  	s4 =	sshll.u32 s28, $0x1;
	[dreg:$0x2] =	wrdreg s2  }
0xa9: {  	[dreg:$0x3] =	wrdreg s4  }
0xaa: {  	[dreg:$0x4] =	wrdreg $0xC0  }
0xab: {  	_ =	task [dreg:s6], $0x5FFFF  }
0xac: {  	[dreg:$0x1] =	wrdreg $0xFFFFFFFF  }
0xad: {  	[dreg:$0x0] =	wrdreg $0x60  }
0xae: {  	[dreg:$0x2] =	wrdreg s24  }
0xaf: {  	[dreg:$0x3] =	wrdreg $0x9E200  }
0xb0: {  	[dreg:$0x4] =	wrdreg $0x9  }
0xb1: {  	_ =	task.clear_ibuf [dreg:s6], $0x5FFFF;
	_ =	strace $0x90000049  }
0xb2: {  	s29 =	simm.s32 $0x9;
	_ =	strace $0x8000004B  }
0xb3: {  	_ =	swait.ge [sflag:s29], $0x1  }
0xb4: {  	[sflag:s29] =	ssyncadd.s32 $0xFFFFFFFF  }
0xb5: {  	_ =	strace $0x9000004B  }
0xb6: {  	_ =	sfence  }
0xb7: {  	s30 =	sld [smem:$0x0];
	_ =	sdelay $0x2  }
0xb8: {  	s31 =	sshll.u32 s1, $0xD;
	s1 =	sshrl.u32 s1, $0x2  }
0xb9: {  	s3 =	sand.u32 $0x4000, s31;
	s1 =	sadd.s32 s1, s30  }
0xba: {  	s0 =	sor.u32 s3, s0;
	s1 =	sshll.u32 s1, $0x11  }
0xbb: {  	s0 =	sor.u32 s1, s0  }
0xbc: {  	s0 =	sadd.s32 $0x8F2B, s0  }
0xbd: {  	[sflag:s0] =	ssyncadd.remote.s32 $0x1  }
0xbe: {  	_ =	sfence.sel $0xFFFF  }
0xbf: {  	[dreg:$0x0] =	wrdreg $0xFFFFFFFF;
	(pc) =	sbr.abs _section_cstart, $3  }
0xc0: {  	[dreg:$0x1] =	wrdreg $0xFFFFFFFF  }
0xc1: {  	_ =	task.clear_ibuf [dreg:s6], $0x2FFFF;
	_ =	strace $0x9FFFFFFF  }
0xc2: {  	(tm) =	ssettm $0x7FFFFFFF  }
0xc3: {  	_ =	shalt  }
tec
execute0_lowered:
.L_overlay_start_1:
0x0: {  	(tag) =	ssettag $0x1  }
0x1: {  	s6 =	rddreg [dreg:$0x0];
	s0 =	srdreg.scid  }
0x2: {  	s2 =	rddreg [dreg:$0x1];
	s1 =	stileid.u32  }
0x3: {  	s3 =	simm.s32 $0x0;
	s14 =	simm.s32 $0x50;
	s15 =	simm.s32 $0x4E20  }
0x4: {  	s16 =	simm.s32 $0x7620;
	s17 =	simm.s32 $0x1;
	s18 =	simm.s32 $0x2  }
0x5: {  	s19 =	simm.s32 $0x4DD0;
	s5 =	sand.u32 $0x1, s0;
	s0 =	rddreg [dreg:$0x2]  }
0x6: {  	s20 =	simm.s32 $0x0;
	s8 =	smul.u32 $0x14000, s1;
	[smem:$0x7FF] =	sst s3  }
0x7: {  	s12 =	sshll.u32 s1, $0x6;
	s4 =	sshll.u32 s5, $0x4;
	s7 =	smul.u32 $0x140000, s5  }
0x8: {  	_ =	strace $0x8000004A;
	s10 =	ssub.s32 $0x2, s5;
	s5 =	sadd.s32 $0x2AC00, s6  }
0x9: {  	s12 =	sor.u32 $0x1C03, s12;
	s4 =	sor.u32 s1, s4;
	s31 =	sshrl.u32 s10, $0x1  }
0xa: {  	s13 =	sadd.s32 s8, s2;
	s9 =	smul.u32 $0x4E2, s4;
	s7 =	sadd.s32 s8, s7  }
0xb: {  	s4 =	sadd.s32 $0x62200, s6;
	s10 =	ssub.s32 s10, s31;
	s7 =	sshrl.u32 s7, $0x3  }
0xc: {  	s13 =	sshrl.u32 s13, $0x3;
	s9 =	sadd.s32 s9, s6;
	s11 =	sadd.s32 s7, s6  }
0xd: {  	s6 =	sadd.s32 $0xCE00, s9;
	s7 =	sadd.s32 $0x3000, s9;
	s8 =	sadd.s32 $0x8A200, s11  }
0xe: {  	s9 =	smax.u32 s10, $0x1;
	s10 =	simm.s32 $0x3;
	s11 =	simm.s32 $0x2710  }
.LBB2_1:
0xf: {  	[tilespmem:s3], [sflag:$0x3] =	stream.linear.gather [hbm4b:s6+s3], $0x2710, $0x38;
	[tilespmem:$0x1DE20] =	vst v63  }
0x10: {  	_ =	swait.ge [sflag:s10], $0x2710  }
0x11: {  	[sflag:s10] =	ssyncset.done $0x0  }
0x12: {  	[sflag:s10] =	ssyncadd.s32 $0xFFFFD8F0  }
0x13: {  	[tilespmem:s11], [sflag:$0x3] =	stream.linear.gather [hbm4b:s7+s3], $0x2710, $0x38;
	[tilespmem:$0x1DE20] =	vst v63  }
0x14: {  	_ =	swait.ge [sflag:s10], $0x2710  }
0x15: {  	[sflag:s10] =	ssyncset.done $0x0  }
0x16: {  	[sflag:s10] =	ssyncadd.s32 $0xFFFFD8F0  }
0x17: {  	[spmem:s13], [sflag:s12] =	dma.local [hbm:s5], $0x2800  }
0x18: {  	_ =	swait.ge [sflag:s10], $0x2800  }
0x19: {  	[sflag:s10] =	ssyncset.done $0x0  }
0x1a: {  	[sflag:s10] =	ssyncadd.s32 $0xFFFFD800  }
0x1b: {  	[bflag:$0x0] =	sbarrier.arrive $0xFFFF  }
0x1c: {  	[tilespmem:s15], [sflag:$0x1] =	stream.indirect.gather [hbm4b:s4+s14], $0x80, s3, s14, $0xb8;
	[tilespmem:$0x1DE20] =	vst v63  }
0x1d: {  	s21 =	simm.s32 $0x50  }
0x1e: {  	[tilespmem:s16], [sflag:$0x2] =	stream.indirect.gather [hbm4b:s4+s14], $0x80, s21, s14, $0xb8;
	[tilespmem:$0x1DE20] =	vst v63  }
0x1f: {  	_ =	swait.ge [sflag:s17], $0x2800  }
0x20: {  	[sflag:s17] =	ssyncset.done $0x0  }
0x21: {  	s29 =	simm.s32 $0x2710;
	[sflag:s17] =	ssyncadd.s32 $0xFFFFD800  }
0x22: {  	[spmem:s2] =	stream.indirect.scatter.add.f32 [tilespmem:s15], [sflag:$0x3], $0x80, s29, s14, $0xb8;
	[tilespmem:$0x1DE20] =	vst v63  }
0x23: {  	_ =	swait.ge [sflag:s10], $0x2800  }
0x24: {  	[sflag:s10] =	ssyncset.done $0x0  }
0x25: {  	s30 =	simm.s32 $0xA0;
	[sflag:s10] =	ssyncadd.s32 $0xFFFFD800  }
0x26: {  	[tilespmem:s15], [sflag:$0x1] =	stream.indirect.gather [hbm4b:s4+s14], $0x80, s30, s14, $0xb8;
	[tilespmem:$0x1DE20] =	vst v63  }
0x27: {  	_ =	swait.ge [sflag:s18], $0x2800  }
0x28: {  	[sflag:s18] =	ssyncset.done $0x0  }
0x29: {  	s31 =	simm.s32 $0x2760;
	[sflag:s18] =	ssyncadd.s32 $0xFFFFD800  }
0x2a: {  	[spmem:s2] =	stream.indirect.scatter.add.f32 [tilespmem:s16], [sflag:$0x3], $0x80, s31, s14, $0xb8;
	[tilespmem:$0x1DE20] =	vst v63  }
0x2b: {  	_ =	swait.ge [sflag:s10], $0x2800  }
0x2c: {  	s22 =	simm.s32 $0x500;
	s21 =	simm.s32 $0xA0;
	[sflag:s10] =	ssyncset.done $0x0  }
.LBB2_2:
0x2d: {  	s23 =	sadd.s32 $0x50, s21  }
0x2e: {  	[sflag:s10] =	ssyncadd.s32 $0xFFFFD800;
	s24 =	smov.u32 s22;
	s25 =	sadd.s32 $0x280, s22  }
0x2f: {  	[tilespmem:s16], [sflag:$0x2] =	stream.indirect.gather [hbm4b:s4+s14], $0x80, s23, s14, $0xb8;
	[tilespmem:$0x1DE20] =	vst v63  }
0x30: {  	p0 =	sne.s32 s22, $0x9880;
	_ =	swait.ge [sflag:s17], $0x2800  }
0x31: {  	[sflag:s17] =	ssyncset.done $0x0  }
0x32: {  	s22 =	sadd.s32 $0x2710, s21;
	[sflag:s17] =	ssyncadd.s32 $0xFFFFD800  }
0x33: {  	[spmem:s2] =	stream.indirect.scatter.add.f32 [tilespmem:s15], [sflag:$0x3], $0x80, s22, s14, $0xb8;
	[tilespmem:$0x1DE20] =	vst v63  }
0x34: {  	_ =	swait.ge [sflag:s10], $0x2800  }
0x35: {  	[sflag:s10] =	ssyncset.done $0x0  }
0x36: {  	s22 =	sadd.s32 $0xA0, s21;
	[sflag:s10] =	ssyncadd.s32 $0xFFFFD800  }
0x37: {  	[tilespmem:s15], [sflag:$0x1] =	stream.indirect.gather [hbm4b:s4+s14], $0x80, s22, s14, $0xb8;
	[tilespmem:$0x1DE20] =	vst v63  }
0x38: {  	_ =	swait.ge [sflag:s18], $0x2800  }
.Ltmp0:
0x39: {  	[sflag:s18] =	ssyncset.done $0x0;
	(pc) =	sbr.rel @p0 .LBB2_2-.Ltmp0, $4  }
0x3a: {  	s21 =	sadd.s32 $0x2760, s21;
	[sflag:s18] =	ssyncadd.s32 $0xFFFFD800  }
0x3b: {  	[spmem:s2] =	stream.indirect.scatter.add.f32 [tilespmem:s16], [sflag:$0x3], $0x80, s21, s14, $0xb8;
	[tilespmem:$0x1DE20] =	vst v63  }
0x3c: {  	_ =	swait.ge [sflag:s10], $0x2800  }
0x3d: {  	s22 =	smov.u32 s25;
	s21 =	sshra.s32 s24, $0x2;
	[sflag:s10] =	ssyncset.done $0x0  }
0x3e: {  	s22 =	sadd.s32 $0x50, s21;
	[sflag:s10] =	ssyncadd.s32 $0xFFFFD800  }
0x3f: {  	[tilespmem:s16], [sflag:$0x2] =	stream.indirect.gather [hbm4b:s4+s14], $0x80, s22, s14, $0xb8;
	[tilespmem:$0x1DE20] =	vst v63  }
0x40: {  	_ =	swait.ge [sflag:s17], $0x2800  }
0x41: {  	[sflag:s17] =	ssyncset.done $0x0  }
0x42: {  	s29 =	sadd.s32 $0x2710, s21;
	[sflag:s17] =	ssyncadd.s32 $0xFFFFD800  }
0x43: {  	[spmem:s2] =	stream.indirect.scatter.add.f32 [tilespmem:s15], [sflag:$0x3], $0x80, s29, s14, $0xb8;
	[tilespmem:$0x1DE20] =	vst v63  }
0x44: {  	_ =	swait.ge [sflag:s10], $0x2800  }
0x45: {  	[sflag:s10] =	ssyncset.done $0x0  }
0x46: {  	s30 =	sadd.s32 $0xA0, s21;
	[sflag:s10] =	ssyncadd.s32 $0xFFFFD800  }
0x47: {  	[tilespmem:s15], [sflag:$0x1] =	stream.indirect.gather [hbm4b:s4+s14], $0x80, s30, s14, $0xb8;
	[tilespmem:$0x1DE20] =	vst v63  }
0x48: {  	_ =	swait.ge [sflag:s18], $0x2800  }
0x49: {  	[sflag:s18] =	ssyncset.done $0x0  }
0x4a: {  	s31 =	sadd.s32 $0x2760, s21;
	[sflag:s18] =	ssyncadd.s32 $0xFFFFD800  }
0x4b: {  	[spmem:s2] =	stream.indirect.scatter.add.f32 [tilespmem:s16], [sflag:$0x3], $0x80, s31, s14, $0xb8;
	[tilespmem:$0x1DE20] =	vst v63  }
0x4c: {  	_ =	swait.ge [sflag:s10], $0x2800  }
0x4d: {  	[sflag:s10] =	ssyncset.done $0x0  }
0x4e: {  	[sflag:s10] =	ssyncadd.s32 $0xFFFFD800  }
0x4f: {  	_ =	swait.ge [sflag:s17], $0x2800  }
0x50: {  	[sflag:s17] =	ssyncset.done $0x0  }
0x51: {  	[sflag:s17] =	ssyncadd.s32 $0xFFFFD800  }
0x52: {  	[spmem:s2] =	stream.indirect.scatter.add.f32 [tilespmem:s15], [sflag:$0x3], $0x80, s19, s14, $0xb8;
	[tilespmem:$0x1DE20] =	vst v63  }
0x53: {  	_ =	swait.ge [sflag:s10], $0x2800  }
0x54: {  	s20 =	sadd.s32 $0x1, s20;
	[sflag:s10] =	ssyncset.done $0x0  }
0x55: {  	p0 =	sne.s32 s20, s9;
	[sflag:s10] =	ssyncadd.s32 $0xFFFFD800  }
.Ltmp1:
0x56: {  	[bflag:$0x0] =	sbarrier.arrive $0xFFFF;
	(pc) =	sbr.rel @p0 .LBB2_1-.Ltmp1, $4  }
0x57: {  	[hbm:s8], [sflag:s12] =	dma.local [spmem:s13], $0x2800  }
0x58: {  	_ =	swait.ge [sflag:s10], $0x2800  }
0x59: {  	[sflag:s10] =	ssyncset.done $0x0  }
0x5a: {  	[sflag:s10] =	ssyncadd.s32 $0xFFFFD800  }
0x5b: {  	_ =	sfence.sel $0x180000  }
0x5c: {  	[bflag:$0x0] =	sbarrier.arrive $0xFFFF  }
0x5d: {  	p0 =	sne.s32 s1, $0x0;
	_ =	strace $0x9000004A  }
0x5e: {  	s0 =	sadd.s32 @!p0 $0x100000, s0;
	[bflag:$0x2] =	sbarrier.arrive $0xFFFF  }
0x5f: {  	[sflag:s0] =	ssyncadd.tile.s32 @!p0 $0x1;
	_ =	shalt  }
.Lfunc_end2:
_tile_overlayer_lowered:
.L_overlay_start_2:
0x60: {  	(tag) =	ssettag $0x2  }
0x61: {  	s0 =	rddreg [dreg:$0x0];
	s2 =	stileid.u32  }
0x62: {  	s1 =	rddreg [dreg:$0x1];
	p0 =	sne.s32 s2, $0x0  }
0x63: {  	s3 =	rddreg [dreg:$0x2];
	[bflag:$0x3] =	sbarrier.arrive $0xFFFF;
	s2 =	simm.s32 @!p0 $0x1C03  }
0x64: {  	[timem:s3], [sflag:s2] =	dma.local @!p0 [hbm:s0], s1  }
0x65: {  	s0 =	simm.s32 @!p0 $0x3  }
0x66: {  	_ =	swait.ge @!p0 [sflag:s0], s1  }
0x67: {  	s1 =	ssub.s32 @!p0 $0x0, s1;
	[sflag:s0] =	ssyncset.done @!p0 $0x0  }
0x68: {  	[sflag:s0] =	ssyncadd.s32 @!p0 s1  }
0x69: {  	[bflag:$0x3] =	sbarrier.arrive $0xFFFF  }
0x6a: {  	_ =	shalt  }

// kernel: kernel.32.cloned.1.call-start
scs
__scs_entry_jumppad:
0x0: {  	(pc) =	sbr.rel $0x88, $3  }
0x1: {  	(tag) =	ssettag $0x0;
	lr =	simm.s32 $0x1  }
0x2: {  	[smem:$0x3F93] =	sst lr;
	_ =	strace $0xD0000000  }
0x3: {  	_ = 	snop  }
0x4: {  	_ = 	snop  }
0x5: {  	_ = 	snop  }
0x6: {  	_ = 	snop  }
0x7: {  	_ = 	snop  }
__scs_overlays_trampoline_lowered:
0x8: {  	[smem:$0x3FA2] =	sst s0  }
0x9: {  	[smem:$0x3FA3] =	sst s1  }
0xa: {  	[smem:$0x3FA4] =	sst s2  }
0xb: {  	[smem:$0x3FA5] =	sst s3  }
0xc: {  	[smem:$0x3FA6] =	sst s4  }
0xd: {  	[smem:$0x3FA7] =	sst s5  }
0xe: {  	[smem:$0x3FA8] =	sst s6  }
0xf: {  	[smem:$0x3FA9] =	sst s7  }
0x10: {  	[smem:$0x3FAA] =	sst s8  }
0x11: {  	[smem:$0x3FAB] =	sst s9;
	s0 =	simm.s32 @!p0 $0x0  }
0x12: {  	s1 =	sld [smem:$0x3F91];
	s0 =	simm.s32 @p0 $0x1  }
0x13: {  	[smem:$0x3FAC] =	sst s0;
	s0 =	simm.s32 @!p1 $0x0  }
0x14: {  	s2 =	sld [smem:$0x3F90];
	s0 =	simm.s32 @p1 $0x1  }
0x15: {  	[smem:$0x3FAD] =	sst s0;
	s0 =	simm.s32 @!p2 $0x0  }
0x16: {  	s3 =	sld [smem:$0x3FDB];
	s0 =	simm.s32 @p2 $0x1  }
0x17: {  	s4 =	simm.s32 $0x1BF5;
	[smem:$0x3FAF] =	sst s0  }
0x18: {  	s0 =	sld [smem:$0x3F92];
	_ =	swait.ge [sflag:s4], $0x0  }
0x19: {  	s7 =	sld [smem:$0x3F93]  }
0x1a: {  	s8 =	sadd.s32 $0xFFFFE003, lr  }
0x1b: {  	s9 =	sadd.s32 $0xFFFFFEF7, lr;
	s5 =	simm.s32 $0xFFFFFFFF;
	p2 =	slt.u32 s8, $0xFFFFF086  }
0x1c: {  	p1 =	slt.u32 s9, $0xF7A;
	s5 =	simm.s32 @!p2 $0x0  }
0x1d: {  	s5 =	simm.s32 @p1 $0x1;
	p0 =	seq.s32 s7, s2  }
0x1e: {  	s7 =	smul.u32 @!p0 $0xF7A, s2;
	p2 =	seq.s32 @!p0 s5, $0x0  }
0x1f: {  	s9 =	smul.u32 $0xF7A, s1;
	s8 =	simm.s32 @!p0 $0x1BF5;
	p2 =	por !p2, p0  }
0x20: {  	[sflag:s8] =	ssyncset.s32 @!p0 $0xFFFFF086;
	s6 =	sadd.s32 @!p0 s3, s7;
	s7 =	simm.s32 @!p0 $0x108  }
0x21: {  	s3 =	sadd.s32 s3, s9;
	s6 =	sadd.s32 @!p0 $0x88, s6;
	s7 =	simm.s32 @p2 $0x1082  }
0x22: {  	[simem:s7], [sflag:s8] =	dma.local @!p0 [hbm:s6], $0xF7A  }
0x23: {  	s9 =	sor.u32 $0xD0000000, s2;
	s6 =	simm.s32 $0x108;
	_ =	swait.ge @!p0 [sflag:s8], $0x0  }
0x24: {  	s3 =	sadd.s32 $0x88, s3;
	s6 =	simm.s32 @!p1 $0x1082;
	[sflag:s4] =	ssyncset.s32 $0xFFFFF086  }
0x25: {  	[simem:s6], [sflag:s4] =	dma.local [hbm:s3], $0xF7A  }
0x26: {  	[smem:$0x3F93] =	sst s1;
	(tag) =	ssettag s2;
	_ =	strace s9  }
0x27: {  	s1 =	sld [smem:$0x3FA3]  }
0x28: {  	s2 =	sld [smem:$0x3FA4]  }
0x29: {  	s4 =	sld [smem:$0x3FA6]  }
0x2a: {  	p0 =	seq.s32 s5, $0x0;
	s5 =	sld [smem:$0x3FA7]  }
0x2b: {  	s6 =	sld [smem:$0x3FA8]  }
0x2c: {  	s7 =	sld [smem:$0x3FA9]  }
0x2d: {  	s3 =	simm.s32 $0x108;
	s8 =	sld [smem:$0x3FAA]  }
0x2e: {  	s3 =	simm.s32 @!p0 $0x1082;
	s9 =	sld [smem:$0x3FAB]  }
0x2f: {  	lr =	sadd.s32 s0, s3;
	s0 =	sld [smem:$0x3FA2]  }
0x30: {  	s3 =	sld [smem:$0x3FA5]  }
0x31: {  	[smem:$0x3FAE] =	sst s10  }
0x32: {  	s10 =	sld [smem:$0x3FAC];
	_ =	sdelay $0x3  }
0x33: {  	p0 =	seq.s32 s10, $0x1;
	s10 =	sld [smem:$0x3FAE];
	_ =	sdelay $0x3  }
0x34: {  	[smem:$0x3FAE] =	sst s10  }
0x35: {  	s10 =	sld [smem:$0x3FAD];
	_ =	sdelay $0x3  }
0x36: {  	p1 =	seq.s32 s10, $0x1;
	s10 =	sld [smem:$0x3FAE];
	_ =	sdelay $0x3  }
0x37: {  	[smem:$0x3FAE] =	sst s10  }
0x38: {  	s10 =	sld [smem:$0x3FAF]  }
0x39: {  	_ = 	snop;
	(pc) =	sbr.ind lr, $3  }
0x3a: {  	_ = 	snop  }
0x3b: {  	_ = 	snop  }
0x3c: {  	p2 =	seq.s32 s10, $0x1;
	s10 =	sld [smem:$0x3FAE]  }
0x3d: {  	_ =	shalt  }
0x3e: {  	_ =	shalt  }
0x3f: {  	_ =	shalt  }
0x40: {  	_ =	shalt  }
0x41: {  	_ =	shalt  }
0x42: {  	_ =	shalt  }
0x43: {  	_ =	shalt  }
0x44: {  	_ =	shalt  }
0x45: {  	_ =	shalt  }
0x46: {  	_ =	shalt  }
0x47: {  	_ =	shalt  }
0x48: {  	_ =	shalt  }
0x49: {  	_ =	shalt  }
0x4a: {  	_ =	shalt  }
0x4b: {  	_ =	shalt  }
0x4c: {  	_ =	shalt  }
0x4d: {  	_ =	shalt  }
0x4e: {  	_ =	shalt  }
0x4f: {  	_ =	shalt  }
0x50: {  	_ =	shalt  }
0x51: {  	_ =	shalt  }
0x52: {  	_ =	shalt  }
0x53: {  	_ =	shalt  }
0x54: {  	_ =	shalt  }
0x55: {  	_ =	shalt  }
0x56: {  	_ =	shalt  }
0x57: {  	_ =	shalt  }
0x58: {  	_ =	shalt  }
0x59: {  	_ =	shalt  }
0x5a: {  	_ =	shalt  }
0x5b: {  	_ =	shalt  }
0x5c: {  	_ =	shalt  }
0x5d: {  	_ =	shalt  }
0x5e: {  	_ =	shalt  }
0x5f: {  	_ =	shalt  }
0x60: {  	_ =	shalt  }
0x61: {  	_ =	shalt  }
0x62: {  	_ =	shalt  }
0x63: {  	_ =	shalt  }
0x64: {  	_ =	shalt  }
0x65: {  	_ =	shalt  }
0x66: {  	_ =	shalt  }
0x67: {  	_ =	shalt  }
0x68: {  	_ =	shalt  }
0x69: {  	_ =	shalt  }
0x6a: {  	_ =	shalt  }
0x6b: {  	_ =	shalt  }
0x6c: {  	_ =	shalt  }
0x6d: {  	_ =	shalt  }
0x6e: {  	_ =	shalt  }
0x6f: {  	_ =	shalt  }
0x70: {  	_ =	shalt  }
0x71: {  	_ =	shalt  }
0x72: {  	_ =	shalt  }
0x73: {  	_ =	shalt  }
0x74: {  	_ =	shalt  }
0x75: {  	_ =	shalt  }
0x76: {  	_ =	shalt  }
0x77: {  	_ =	shalt  }
0x78: {  	_ =	shalt  }
0x79: {  	_ =	shalt  }
0x7a: {  	_ =	shalt  }
0x7b: {  	_ =	shalt  }
0x7c: {  	_ =	shalt  }
0x7d: {  	_ =	shalt  }
0x7e: {  	_ =	shalt  }
0x7f: {  	_ =	shalt  }
0x80: {  	_ =	shalt  }
0x81: {  	_ =	shalt  }
0x82: {  	_ =	shalt  }
0x83: {  	_ =	shalt  }
0x84: {  	_ =	shalt  }
0x85: {  	_ =	shalt  }
0x86: {  	_ =	shalt  }
0x87: {  	_ =	shalt  }
.Lfunc_end0:
.L_simem_size_0:
called_computation.2_lowered:
.L_overlay_start_0:
0x88: {  	s2 =	sld [smem:$0x3FD9]  }
0x89: {  	s3 =	sld [smem:$0x3FFE];
	_ =	sdelay $0x1  }
0x8a: {  	s1 =	srdreg.scid  }
0x8b: {  	s0 =	sand.u32 $0x1, s1  }
0x8c: {  	s16 =	sshll.u32 s0, $0xA;
	s2 =	sadd.s32 s3, s2  }
0x8d: {  	s2 =	sadd.s32 s2, s16  }
0x8e: {  	[smem:$0x3FBA] =	sst s2  }
0x8f: {  	_ = 	snop  }
0x90: {  	(tm) =	ssettm $0x1  }
0x91: {  	s17 =	sld [smem:$0x3FFB];
	_ =	sdelay $0x3  }
0x92: {  	_ =	strace s17  }
0x93: {  	s2 =	sld [smem:$0x3FFC];
	_ =	sdelay $0x3  }
0x94: {  	_ =	strace s2  }
0x95: {  	s2 =	sld [smem:$0x3FFD];
	_ =	sdelay $0x3  }
0x96: {  	_ =	strace s2  }
0x97: {  	_ =	strace $0x8FFFFFFF  }
0x98: {  	s18 =	sld [smem:$0x3FDB];
	_ =	sdelay $0x1  }
0x99: {  	s19 =	simm.s32 $_scs_section_size  }
0x9a: {  	s4 =	simm.s32 $_size__tile_overlayer_lowered;
	s5 =	simm.s32 $_tile_overlayer_lowered  }
0x9b: {  	s22 =	simm.s32 $0x1BFF;
	s21 =	sshll.u32 s5, $0x1;
	s2 =	sadd.s32 s19, s18  }
0x9c: {  	s6 =	simm.s32 $0x0;
	s20 =	sshll.u32 s4, $0x1;
	s4 =	sadd.s32 s21, s2  }
0x9d: {  	[timem:s6], [sflag:s22] =	dma.local [hbm:s4], s20  }
0x9e: {  	_ =	swait.ge [sflag:s22], s20  }
0x9f: {  	s3 =	ssub.s32 $0x0, s20;
	[sflag:s22] =	ssyncset.done $0x0  }
0xa0: {  	[sflag:s22] =	ssyncadd.s32 s3;
	_ =	sdelay $0x1  }
0xa1: {  	s23 =	simm.s32 $0x1B8B  }
0xa2: {  	_ =	swait.ge [sflag:s23], $0x1  }
0xa3: {  	[sflag:s23] =	ssyncset.done $0x0  }
0xa4: {  	s25 =	simm.s32 $0x1B8E;
	s24 =	sld [smem:$0x3FFE];
	[sflag:s23] =	ssyncadd.s32 $0xFFFFFFFF  }
0xa5: {  	s26 =	simm.s32 $execute0_lowered;
	[smem:$0x3FD2] =	sst s25  }
0xa6: {  	s4 =	sshll.u32 s26, $0x1;
	_ =	strace $0x8000004C;
	[dreg:$0x1] =	wrdreg $0xFFFFFFFF  }
0xa7: {  	s28 =	simm.s32 $_size_execute0_lowered;
	s2 =	sadd.s32 s2, s4;
	[dreg:$0x0] =	wrdreg $0x0  }
0xa8: {  	s4 =	sshll.u32 s28, $0x1;
	[dreg:$0x2] =	wrdreg s2  }
0xa9: {  	[dreg:$0x3] =	wrdreg s4  }
0xaa: {  	[dreg:$0x4] =	wrdreg $0xC0  }
0xab: {  	_ =	task [dreg:s6], $0x5FFFF  }
0xac: {  	[dreg:$0x1] =	wrdreg $0xFFFFFFFF  }
0xad: {  	[dreg:$0x0] =	wrdreg $0x60  }
0xae: {  	[dreg:$0x2] =	wrdreg s24  }
0xaf: {  	[dreg:$0x3] =	wrdreg $0x5FA00  }
0xb0: {  	[dreg:$0x4] =	wrdreg $0x9  }
0xb1: {  	_ =	task.clear_ibuf [dreg:s6], $0x5FFFF;
	_ =	strace $0x9000004C  }
0xb2: {  	s29 =	simm.s32 $0x9;
	_ =	strace $0x8000004E  }
0xb3: {  	_ =	swait.ge [sflag:s29], $0x1  }
0xb4: {  	[sflag:s29] =	ssyncadd.s32 $0xFFFFFFFF  }
0xb5: {  	_ =	strace $0x9000004E  }
0xb6: {  	_ =	sfence  }
0xb7: {  	s30 =	sld [smem:$0x0];
	_ =	sdelay $0x2  }
0xb8: {  	s31 =	sshll.u32 s1, $0xD;
	s1 =	sshrl.u32 s1, $0x2  }
0xb9: {  	s3 =	sand.u32 $0x4000, s31;
	s1 =	sadd.s32 s1, s30  }
0xba: {  	s0 =	sor.u32 s3, s0;
	s1 =	sshll.u32 s1, $0x11  }
0xbb: {  	s0 =	sor.u32 s1, s0  }
0xbc: {  	s0 =	sadd.s32 $0x8F2B, s0  }
0xbd: {  	[sflag:s0] =	ssyncadd.remote.s32 $0x1  }
0xbe: {  	_ =	sfence.sel $0xFFFF  }
0xbf: {  	[dreg:$0x0] =	wrdreg $0xFFFFFFFF;
	(pc) =	sbr.abs _section_cstart, $3  }
0xc0: {  	[dreg:$0x1] =	wrdreg $0xFFFFFFFF  }
0xc1: {  	_ =	task.clear_ibuf [dreg:s6], $0x2FFFF;
	_ =	strace $0x9FFFFFFF  }
0xc2: {  	(tm) =	ssettm $0x7FFFFFFF  }
0xc3: {  	_ =	shalt  }
tec
execute0_lowered:
.L_overlay_start_1:
0x0: {  	(tag) =	ssettag $0x1  }
0x1: {  	s6 =	rddreg [dreg:$0x0]  }
0x2: {  	s0 =	srdreg.scid;
	s2 =	rddreg [dreg:$0x1]  }
0x3: {  	s3 =	simm.s32 $0x0;
	s14 =	simm.s32 $0x7D;
	s15 =	simm.s32 $0x5000  }
0x4: {  	s16 =	simm.s32 $0x57D0;
	s17 =	simm.s32 $0x1;
	s18 =	simm.s32 $0x2  }
0x5: {  	s19 =	simm.s32 $0x2780;
	s20 =	simm.s32 $0x4F00;
	s21 =	simm.s32 $0x4F80  }
0x6: {  	s22 =	simm.s32 $0x0;
	s5 =	sand.u32 $0x1, s0;
	s0 =	stileid.u32  }
0x7: {  	[smem:$0x7FF] =	sst s3;
	s4 =	sadd.s32 $0x30200, s6;
	s8 =	smul.u32 $0x2800, s0  }
0x8: {  	s1 =	sshll.u32 s5, $0x4;
	s9 =	smul.u32 $0x28000, s5;
	s10 =	ssub.s32 $0x2, s5  }
0x9: {  	s5 =	sadd.s32 $0x2FC00, s6;
	s12 =	sshll.u32 s0, $0x6;
	s1 =	sor.u32 s0, s1  }
0xa: {  	s11 =	sshrl.u32 s10, $0x1;
	s12 =	sor.u32 $0x1C03, s12;
	s7 =	smul.u32 $0x500, s1  }
0xb: {  	s1 =	rddreg [dreg:$0x2];
	_ =	strace $0x8000004D;
	s9 =	sadd.s32 s8, s9  }
0xc: {  	s10 =	ssub.s32 s10, s11;
	s13 =	sadd.s32 s8, s2;
	s11 =	simm.s32 $0x2800  }
0xd: {  	s9 =	sshrl.u32 s9, $0x3;
	s13 =	sshrl.u32 s13, $0x3;
	s7 =	sadd.s32 s7, s6  }
0xe: {  	s9 =	sadd.s32 s9, s6;
	s6 =	sadd.s32 $0x20C00, s7;
	s7 =	sadd.s32 $0x16C00, s7  }
0xf: {  	s8 =	sadd.s32 $0x35200, s9;
	s9 =	smax.u32 s10, $0x1;
	s10 =	simm.s32 $0x3  }
.LBB2_1:
0x10: {  	[tilespmem:s3], [sflag:$0x3] =	stream.linear.gather [hbm4b:s6+s3], $0x2800, $0x38;
	[tilespmem:$0x87A0] =	vst v63  }
0x11: {  	_ =	swait.ge [sflag:s10], $0x2800  }
0x12: {  	[sflag:s10] =	ssyncset.done $0x0  }
0x13: {  	[sflag:s10] =	ssyncadd.s32 $0xFFFFD800  }
0x14: {  	[tilespmem:s11], [sflag:$0x3] =	stream.linear.gather [hbm4b:s7+s3], $0x2800, $0x38;
	[tilespmem:$0x87A0] =	vst v63  }
0x15: {  	_ =	swait.ge [sflag:s10], $0x2800  }
0x16: {  	[sflag:s10] =	ssyncset.done $0x0  }
0x17: {  	[sflag:s10] =	ssyncadd.s32 $0xFFFFD800  }
0x18: {  	[spmem:s13], [sflag:s12] =	dma.local [hbm:s5], $0x500  }
0x19: {  	_ =	swait.ge [sflag:s10], $0x500  }
0x1a: {  	[sflag:s10] =	ssyncset.done $0x0  }
0x1b: {  	[sflag:s10] =	ssyncadd.s32 $0xFFFFFB00  }
0x1c: {  	[bflag:$0x0] =	sbarrier.arrive $0xFFFF  }
0x1d: {  	[tilespmem:s15], [sflag:$0x1] =	stream.indirect.gather [hbm4b:s4+s14], $0x10, s3, s14, $0xb8;
	[tilespmem:$0x87A0] =	vst v63  }
0x1e: {  	s23 =	simm.s32 $0x80  }
0x1f: {  	[tilespmem:s16], [sflag:$0x2] =	stream.indirect.gather [hbm4b:s4+s14], $0x10, s23, s14, $0xb8;
	[tilespmem:$0x87A0] =	vst v63  }
0x20: {  	_ =	swait.ge [sflag:s17], $0x7D0  }
0x21: {  	[sflag:s17] =	ssyncset.done $0x0  }
0x22: {  	s29 =	simm.s32 $0x2800;
	[sflag:s17] =	ssyncadd.s32 $0xFFFFF830  }
0x23: {  	[spmem:s2] =	stream.indirect.scatter.add.f32 [tilespmem:s15], [sflag:$0x3], $0x10, s29, s14, $0xb8;
	[tilespmem:$0x87A0] =	vst v63  }
0x24: {  	_ =	swait.ge [sflag:s10], $0x7D0  }
0x25: {  	[sflag:s10] =	ssyncset.done $0x0  }
0x26: {  	s30 =	simm.s32 $0x100;
	[sflag:s10] =	ssyncadd.s32 $0xFFFFF830  }
0x27: {  	[tilespmem:s15], [sflag:$0x1] =	stream.indirect.gather [hbm4b:s4+s14], $0x10, s30, s14, $0xb8;
	[tilespmem:$0x87A0] =	vst v63  }
0x28: {  	_ =	swait.ge [sflag:s18], $0x7D0  }
0x29: {  	[sflag:s18] =	ssyncset.done $0x0  }
0x2a: {  	s31 =	simm.s32 $0x2880;
	[sflag:s18] =	ssyncadd.s32 $0xFFFFF830  }
0x2b: {  	[spmem:s2] =	stream.indirect.scatter.add.f32 [tilespmem:s16], [sflag:$0x3], $0x10, s31, s14, $0xb8;
	[tilespmem:$0x87A0] =	vst v63  }
0x2c: {  	_ =	swait.ge [sflag:s10], $0x7D0  }
0x2d: {  	s24 =	simm.s32 $0x800;
	s23 =	simm.s32 $0x100;
	[sflag:s10] =	ssyncset.done $0x0  }
.LBB2_2:
0x2e: {  	s25 =	sadd.s32 $0x80, s23  }
0x2f: {  	[sflag:s10] =	ssyncadd.s32 $0xFFFFF830;
	s26 =	smov.u32 s24;
	s28 =	sadd.s32 $0x400, s24  }
0x30: {  	[tilespmem:s16], [sflag:$0x2] =	stream.indirect.gather [hbm4b:s4+s14], $0x10, s25, s14, $0xb8;
	[tilespmem:$0x87A0] =	vst v63  }
0x31: {  	p0 =	sne.s32 s24, $0x9800;
	_ =	swait.ge [sflag:s17], $0x7D0  }
0x32: {  	[sflag:s17] =	ssyncset.done $0x0  }
0x33: {  	s24 =	sadd.s32 $0x2800, s23;
	[sflag:s17] =	ssyncadd.s32 $0xFFFFF830  }
0x34: {  	[spmem:s2] =	stream.indirect.scatter.add.f32 [tilespmem:s15], [sflag:$0x3], $0x10, s24, s14, $0xb8;
	[tilespmem:$0x87A0] =	vst v63  }
0x35: {  	_ =	swait.ge [sflag:s10], $0x7D0  }
0x36: {  	[sflag:s10] =	ssyncset.done $0x0  }
0x37: {  	s24 =	sadd.s32 $0x100, s23;
	[sflag:s10] =	ssyncadd.s32 $0xFFFFF830  }
0x38: {  	[tilespmem:s15], [sflag:$0x1] =	stream.indirect.gather [hbm4b:s4+s14], $0x10, s24, s14, $0xb8;
	[tilespmem:$0x87A0] =	vst v63  }
0x39: {  	_ =	swait.ge [sflag:s18], $0x7D0  }
.Ltmp0:
0x3a: {  	[sflag:s18] =	ssyncset.done $0x0;
	(pc) =	sbr.rel @p0 .LBB2_2-.Ltmp0, $4  }
0x3b: {  	s23 =	sadd.s32 $0x2880, s23;
	[sflag:s18] =	ssyncadd.s32 $0xFFFFF830  }
0x3c: {  	[spmem:s2] =	stream.indirect.scatter.add.f32 [tilespmem:s16], [sflag:$0x3], $0x10, s23, s14, $0xb8;
	[tilespmem:$0x87A0] =	vst v63  }
0x3d: {  	_ =	swait.ge [sflag:s10], $0x7D0  }
0x3e: {  	s24 =	smov.u32 s28;
	s23 =	sshra.s32 s26, $0x2;
	[sflag:s10] =	ssyncset.done $0x0  }
0x3f: {  	s24 =	sadd.s32 $0x80, s23;
	[sflag:s10] =	ssyncadd.s32 $0xFFFFF830  }
0x40: {  	[tilespmem:s16], [sflag:$0x2] =	stream.indirect.gather [hbm4b:s4+s14], $0x10, s24, s14, $0xb8;
	[tilespmem:$0x87A0] =	vst v63  }
0x41: {  	_ =	swait.ge [sflag:s17], $0x7D0  }
0x42: {  	[sflag:s17] =	ssyncset.done $0x0  }
0x43: {  	s29 =	sadd.s32 $0x2800, s23;
	[sflag:s17] =	ssyncadd.s32 $0xFFFFF830  }
0x44: {  	[spmem:s2] =	stream.indirect.scatter.add.f32 [tilespmem:s15], [sflag:$0x3], $0x10, s29, s14, $0xb8;
	[tilespmem:$0x87A0] =	vst v63  }
0x45: {  	_ =	swait.ge [sflag:s10], $0x7D0  }
0x46: {  	[sflag:s10] =	ssyncset.done $0x0  }
0x47: {  	s30 =	sadd.s32 $0x100, s23;
	[sflag:s10] =	ssyncadd.s32 $0xFFFFF830  }
0x48: {  	[tilespmem:s15], [sflag:$0x1] =	stream.indirect.gather [hbm4b:s4+s14], $0x10, s30, s14, $0xb8;
	[tilespmem:$0x87A0] =	vst v63  }
0x49: {  	_ =	swait.ge [sflag:s18], $0x7D0  }
0x4a: {  	[sflag:s18] =	ssyncset.done $0x0  }
0x4b: {  	s31 =	sadd.s32 $0x2880, s23;
	[sflag:s18] =	ssyncadd.s32 $0xFFFFF830  }
0x4c: {  	[spmem:s2] =	stream.indirect.scatter.add.f32 [tilespmem:s16], [sflag:$0x3], $0x10, s31, s14, $0xb8;
	[tilespmem:$0x87A0] =	vst v63  }
0x4d: {  	_ =	swait.ge [sflag:s10], $0x7D0  }
0x4e: {  	[sflag:s10] =	ssyncset.done $0x0  }
0x4f: {  	[sflag:s10] =	ssyncadd.s32 $0xFFFFF830  }
0x50: {  	[tilespmem:s16], [sflag:$0x2] =	stream.indirect.gather [hbm4b:s4+s14], $0x10, s19, s14, $0xb8;
	[tilespmem:$0x87A0] =	vst v63  }
0x51: {  	_ =	swait.ge [sflag:s17], $0x7D0  }
0x52: {  	[sflag:s17] =	ssyncset.done $0x0  }
0x53: {  	[sflag:s17] =	ssyncadd.s32 $0xFFFFF830  }
0x54: {  	[spmem:s2] =	stream.indirect.scatter.add.f32 [tilespmem:s15], [sflag:$0x3], $0x10, s20, s14, $0xb8;
	[tilespmem:$0x87A0] =	vst v63  }
0x55: {  	_ =	swait.ge [sflag:s10], $0x7D0  }
0x56: {  	[sflag:s10] =	ssyncset.done $0x0  }
0x57: {  	[sflag:s10] =	ssyncadd.s32 $0xFFFFF830  }
0x58: {  	_ =	swait.ge [sflag:s18], $0x7D0  }
0x59: {  	[sflag:s18] =	ssyncset.done $0x0  }
0x5a: {  	[sflag:s18] =	ssyncadd.s32 $0xFFFFF830  }
0x5b: {  	[spmem:s2] =	stream.indirect.scatter.add.f32 [tilespmem:s16], [sflag:$0x3], $0x10, s21, s14, $0xb8;
	[tilespmem:$0x87A0] =	vst v63  }
0x5c: {  	_ =	swait.ge [sflag:s10], $0x7D0  }
0x5d: {  	s22 =	sadd.s32 $0x1, s22;
	[sflag:s10] =	ssyncset.done $0x0  }
0x5e: {  	p0 =	sne.s32 s22, s9;
	[sflag:s10] =	ssyncadd.s32 $0xFFFFF830  }
.Ltmp1:
0x5f: {  	[bflag:$0x0] =	sbarrier.arrive $0xFFFF;
	(pc) =	sbr.rel @p0 .LBB2_1-.Ltmp1, $4  }
0x60: {  	[hbm:s8], [sflag:s12] =	dma.local [spmem:s13], $0x500  }
0x61: {  	_ =	swait.ge [sflag:s10], $0x500  }
0x62: {  	[sflag:s10] =	ssyncset.done $0x0  }
0x63: {  	[sflag:s10] =	ssyncadd.s32 $0xFFFFFB00  }
0x64: {  	_ =	sfence.sel $0x180000  }
0x65: {  	[bflag:$0x0] =	sbarrier.arrive $0xFFFF  }
0x66: {  	p0 =	sne.s32 s0, $0x0;
	_ =	strace $0x9000004D  }
0x67: {  	s0 =	sadd.s32 @!p0 $0x100000, s1;
	[bflag:$0x2] =	sbarrier.arrive $0xFFFF  }
0x68: {  	[sflag:s0] =	ssyncadd.tile.s32 @!p0 $0x1;
	_ =	shalt  }
.Lfunc_end2:
_tile_overlayer_lowered:
.L_overlay_start_2:
0x69: {  	(tag) =	ssettag $0x2  }
0x6a: {  	s0 =	rddreg [dreg:$0x0];
	s2 =	stileid.u32  }
0x6b: {  	s1 =	rddreg [dreg:$0x1];
	p0 =	sne.s32 s2, $0x0  }
0x6c: {  	s3 =	rddreg [dreg:$0x2];
	[bflag:$0x3] =	sbarrier.arrive $0xFFFF;
	s2 =	simm.s32 @!p0 $0x1C03  }
0x6d: {  	[timem:s3], [sflag:s2] =	dma.local @!p0 [hbm:s0], s1  }
0x6e: {  	s0 =	simm.s32 @!p0 $0x3  }
0x6f: {  	_ =	swait.ge @!p0 [sflag:s0], s1  }
0x70: {  	s1 =	ssub.s32 @!p0 $0x0, s1;
	[sflag:s0] =	ssyncset.done @!p0 $0x0  }
0x71: {  	[sflag:s0] =	ssyncadd.s32 @!p0 s1  }
0x72: {  	[bflag:$0x3] =	sbarrier.arrive $0xFFFF  }
0x73: {  	_ =	shalt  }

// kernel: kernel.35.cloned.1.call-start
scs
__scs_entry_jumppad:
0x0: {  	(pc) =	sbr.rel $0x88, $3  }
0x1: {  	(tag) =	ssettag $0x0;
	lr =	simm.s32 $0x1  }
0x2: {  	[smem:$0x3F93] =	sst lr;
	_ =	strace $0xD0000000  }
0x3: {  	_ = 	snop  }
0x4: {  	_ = 	snop  }
0x5: {  	_ = 	snop  }
0x6: {  	_ = 	snop  }
0x7: {  	_ = 	snop  }
__scs_overlays_trampoline_lowered:
0x8: {  	[smem:$0x3FA2] =	sst s0  }
0x9: {  	[smem:$0x3FA3] =	sst s1  }
0xa: {  	[smem:$0x3FA4] =	sst s2  }
0xb: {  	[smem:$0x3FA5] =	sst s3  }
0xc: {  	[smem:$0x3FA6] =	sst s4  }
0xd: {  	[smem:$0x3FA7] =	sst s5  }
0xe: {  	[smem:$0x3FA8] =	sst s6  }
0xf: {  	[smem:$0x3FA9] =	sst s7  }
0x10: {  	[smem:$0x3FAA] =	sst s8  }
0x11: {  	[smem:$0x3FAB] =	sst s9;
	s0 =	simm.s32 @!p0 $0x0  }
0x12: {  	s1 =	sld [smem:$0x3F91];
	s0 =	simm.s32 @p0 $0x1  }
0x13: {  	[smem:$0x3FAC] =	sst s0;
	s0 =	simm.s32 @!p1 $0x0  }
0x14: {  	s2 =	sld [smem:$0x3F90];
	s0 =	simm.s32 @p1 $0x1  }
0x15: {  	[smem:$0x3FAD] =	sst s0;
	s0 =	simm.s32 @!p2 $0x0  }
0x16: {  	s3 =	sld [smem:$0x3FDB];
	s0 =	simm.s32 @p2 $0x1  }
0x17: {  	s4 =	simm.s32 $0x1BF5;
	[smem:$0x3FAF] =	sst s0  }
0x18: {  	s0 =	sld [smem:$0x3F92];
	_ =	swait.ge [sflag:s4], $0x0  }
0x19: {  	s7 =	sld [smem:$0x3F93]  }
0x1a: {  	s8 =	sadd.s32 $0xFFFFE003, lr  }
0x1b: {  	s9 =	sadd.s32 $0xFFFFFEF7, lr;
	s5 =	simm.s32 $0xFFFFFFFF;
	p2 =	slt.u32 s8, $0xFFFFF086  }
0x1c: {  	p1 =	slt.u32 s9, $0xF7A;
	s5 =	simm.s32 @!p2 $0x0  }
0x1d: {  	s5 =	simm.s32 @p1 $0x1;
	p0 =	seq.s32 s7, s2  }
0x1e: {  	s7 =	smul.u32 @!p0 $0xF7A, s2;
	p2 =	seq.s32 @!p0 s5, $0x0  }
0x1f: {  	s9 =	smul.u32 $0xF7A, s1;
	s8 =	simm.s32 @!p0 $0x1BF5;
	p2 =	por !p2, p0  }
0x20: {  	[sflag:s8] =	ssyncset.s32 @!p0 $0xFFFFF086;
	s6 =	sadd.s32 @!p0 s3, s7;
	s7 =	simm.s32 @!p0 $0x108  }
0x21: {  	s3 =	sadd.s32 s3, s9;
	s6 =	sadd.s32 @!p0 $0x88, s6;
	s7 =	simm.s32 @p2 $0x1082  }
0x22: {  	[simem:s7], [sflag:s8] =	dma.local @!p0 [hbm:s6], $0xF7A  }
0x23: {  	s9 =	sor.u32 $0xD0000000, s2;
	s6 =	simm.s32 $0x108;
	_ =	swait.ge @!p0 [sflag:s8], $0x0  }
0x24: {  	s3 =	sadd.s32 $0x88, s3;
	s6 =	simm.s32 @!p1 $0x1082;
	[sflag:s4] =	ssyncset.s32 $0xFFFFF086  }
0x25: {  	[simem:s6], [sflag:s4] =	dma.local [hbm:s3], $0xF7A  }
0x26: {  	[smem:$0x3F93] =	sst s1;
	(tag) =	ssettag s2;
	_ =	strace s9  }
0x27: {  	s1 =	sld [smem:$0x3FA3]  }
0x28: {  	s2 =	sld [smem:$0x3FA4]  }
0x29: {  	s4 =	sld [smem:$0x3FA6]  }
0x2a: {  	p0 =	seq.s32 s5, $0x0;
	s5 =	sld [smem:$0x3FA7]  }
0x2b: {  	s6 =	sld [smem:$0x3FA8]  }
0x2c: {  	s7 =	sld [smem:$0x3FA9]  }
0x2d: {  	s3 =	simm.s32 $0x108;
	s8 =	sld [smem:$0x3FAA]  }
0x2e: {  	s3 =	simm.s32 @!p0 $0x1082;
	s9 =	sld [smem:$0x3FAB]  }
0x2f: {  	lr =	sadd.s32 s0, s3;
	s0 =	sld [smem:$0x3FA2]  }
0x30: {  	s3 =	sld [smem:$0x3FA5]  }
0x31: {  	[smem:$0x3FAE] =	sst s10  }
0x32: {  	s10 =	sld [smem:$0x3FAC];
	_ =	sdelay $0x3  }
0x33: {  	p0 =	seq.s32 s10, $0x1;
	s10 =	sld [smem:$0x3FAE];
	_ =	sdelay $0x3  }
0x34: {  	[smem:$0x3FAE] =	sst s10  }
0x35: {  	s10 =	sld [smem:$0x3FAD];
	_ =	sdelay $0x3  }
0x36: {  	p1 =	seq.s32 s10, $0x1;
	s10 =	sld [smem:$0x3FAE];
	_ =	sdelay $0x3  }
0x37: {  	[smem:$0x3FAE] =	sst s10  }
0x38: {  	s10 =	sld [smem:$0x3FAF]  }
0x39: {  	_ = 	snop;
	(pc) =	sbr.ind lr, $3  }
0x3a: {  	_ = 	snop  }
0x3b: {  	_ = 	snop  }
0x3c: {  	p2 =	seq.s32 s10, $0x1;
	s10 =	sld [smem:$0x3FAE]  }
0x3d: {  	_ =	shalt  }
0x3e: {  	_ =	shalt  }
0x3f: {  	_ =	shalt  }
0x40: {  	_ =	shalt  }
0x41: {  	_ =	shalt  }
0x42: {  	_ =	shalt  }
0x43: {  	_ =	shalt  }
0x44: {  	_ =	shalt  }
0x45: {  	_ =	shalt  }
0x46: {  	_ =	shalt  }
0x47: {  	_ =	shalt  }
0x48: {  	_ =	shalt  }
0x49: {  	_ =	shalt  }
0x4a: {  	_ =	shalt  }
0x4b: {  	_ =	shalt  }
0x4c: {  	_ =	shalt  }
0x4d: {  	_ =	shalt  }
0x4e: {  	_ =	shalt  }
0x4f: {  	_ =	shalt  }
0x50: {  	_ =	shalt  }
0x51: {  	_ =	shalt  }
0x52: {  	_ =	shalt  }
0x53: {  	_ =	shalt  }
0x54: {  	_ =	shalt  }
0x55: {  	_ =	shalt  }
0x56: {  	_ =	shalt  }
0x57: {  	_ =	shalt  }
0x58: {  	_ =	shalt  }
0x59: {  	_ =	shalt  }
0x5a: {  	_ =	shalt  }
0x5b: {  	_ =	shalt  }
0x5c: {  	_ =	shalt  }
0x5d: {  	_ =	shalt  }
0x5e: {  	_ =	shalt  }
0x5f: {  	_ =	shalt  }
0x60: {  	_ =	shalt  }
0x61: {  	_ =	shalt  }
0x62: {  	_ =	shalt  }
0x63: {  	_ =	shalt  }
0x64: {  	_ =	shalt  }
0x65: {  	_ =	shalt  }
0x66: {  	_ =	shalt  }
0x67: {  	_ =	shalt  }
0x68: {  	_ =	shalt  }
0x69: {  	_ =	shalt  }
0x6a: {  	_ =	shalt  }
0x6b: {  	_ =	shalt  }
0x6c: {  	_ =	shalt  }
0x6d: {  	_ =	shalt  }
0x6e: {  	_ =	shalt  }
0x6f: {  	_ =	shalt  }
0x70: {  	_ =	shalt  }
0x71: {  	_ =	shalt  }
0x72: {  	_ =	shalt  }
0x73: {  	_ =	shalt  }
0x74: {  	_ =	shalt  }
0x75: {  	_ =	shalt  }
0x76: {  	_ =	shalt  }
0x77: {  	_ =	shalt  }
0x78: {  	_ =	shalt  }
0x79: {  	_ =	shalt  }
0x7a: {  	_ =	shalt  }
0x7b: {  	_ =	shalt  }
0x7c: {  	_ =	shalt  }
0x7d: {  	_ =	shalt  }
0x7e: {  	_ =	shalt  }
0x7f: {  	_ =	shalt  }
0x80: {  	_ =	shalt  }
0x81: {  	_ =	shalt  }
0x82: {  	_ =	shalt  }
0x83: {  	_ =	shalt  }
0x84: {  	_ =	shalt  }
0x85: {  	_ =	shalt  }
0x86: {  	_ =	shalt  }
0x87: {  	_ =	shalt  }
.Lfunc_end0:
.L_simem_size_0:
called_computation.3_lowered:
.L_overlay_start_0:
0x88: {  	s2 =	sld [smem:$0x3FD9]  }
0x89: {  	s3 =	sld [smem:$0x3FFE];
	_ =	sdelay $0x1  }
0x8a: {  	s1 =	srdreg.scid  }
0x8b: {  	s0 =	sand.u32 $0x1, s1  }
0x8c: {  	s16 =	sshll.u32 s0, $0xA;
	s2 =	sadd.s32 s3, s2  }
0x8d: {  	s2 =	sadd.s32 s2, s16  }
0x8e: {  	[smem:$0x3FBA] =	sst s2  }
0x8f: {  	_ = 	snop  }
0x90: {  	(tm) =	ssettm $0x1  }
0x91: {  	s17 =	sld [smem:$0x3FFB];
	_ =	sdelay $0x3  }
0x92: {  	_ =	strace s17  }
0x93: {  	s2 =	sld [smem:$0x3FFC];
	_ =	sdelay $0x3  }
0x94: {  	_ =	strace s2  }
0x95: {  	s2 =	sld [smem:$0x3FFD];
	_ =	sdelay $0x3  }
0x96: {  	_ =	strace s2  }
0x97: {  	_ =	strace $0x8FFFFFFF  }
0x98: {  	s18 =	sld [smem:$0x3FDB];
	_ =	sdelay $0x1  }
0x99: {  	s19 =	simm.s32 $_scs_section_size  }
0x9a: {  	s4 =	simm.s32 $_size__tile_overlayer_lowered;
	s5 =	simm.s32 $_tile_overlayer_lowered  }
0x9b: {  	s22 =	simm.s32 $0x1BFF;
	s21 =	sshll.u32 s5, $0x1;
	s2 =	sadd.s32 s19, s18  }
0x9c: {  	s6 =	simm.s32 $0x0;
	s20 =	sshll.u32 s4, $0x1;
	s4 =	sadd.s32 s21, s2  }
0x9d: {  	[timem:s6], [sflag:s22] =	dma.local [hbm:s4], s20  }
0x9e: {  	_ =	swait.ge [sflag:s22], s20  }
0x9f: {  	s3 =	ssub.s32 $0x0, s20;
	[sflag:s22] =	ssyncset.done $0x0  }
0xa0: {  	[sflag:s22] =	ssyncadd.s32 s3;
	_ =	sdelay $0x1  }
0xa1: {  	s23 =	simm.s32 $0x1B8B  }
0xa2: {  	_ =	swait.ge [sflag:s23], $0x1  }
0xa3: {  	[sflag:s23] =	ssyncset.done $0x0  }
0xa4: {  	s25 =	simm.s32 $0x1B8E;
	s24 =	sld [smem:$0x3FFE];
	[sflag:s23] =	ssyncadd.s32 $0xFFFFFFFF  }
0xa5: {  	s26 =	simm.s32 $execute0_lowered;
	[smem:$0x3FD2] =	sst s25  }
0xa6: {  	s4 =	sshll.u32 s26, $0x1;
	_ =	strace $0x8000004F;
	[dreg:$0x1] =	wrdreg $0xFFFFFFFF  }
0xa7: {  	s28 =	simm.s32 $_size_execute0_lowered;
	s2 =	sadd.s32 s2, s4;
	[dreg:$0x0] =	wrdreg $0x0  }
0xa8: {  	s4 =	sshll.u32 s28, $0x1;
	[dreg:$0x2] =	wrdreg s2  }
0xa9: {  	[dreg:$0x3] =	wrdreg s4  }
0xaa: {  	[dreg:$0x4] =	wrdreg $0xC0  }
0xab: {  	_ =	task [dreg:s6], $0x5FFFF  }
0xac: {  	[dreg:$0x1] =	wrdreg $0xFFFFFFFF  }
0xad: {  	[dreg:$0x0] =	wrdreg $0x60  }
0xae: {  	[dreg:$0x2] =	wrdreg s24  }
0xaf: {  	[dreg:$0x3] =	wrdreg $0x5FA00  }
0xb0: {  	[dreg:$0x4] =	wrdreg $0x9  }
0xb1: {  	_ =	task.clear_ibuf [dreg:s6], $0x5FFFF;
	_ =	strace $0x9000004F  }
0xb2: {  	s29 =	simm.s32 $0x9;
	_ =	strace $0x80000051  }
0xb3: {  	_ =	swait.ge [sflag:s29], $0x1  }
0xb4: {  	[sflag:s29] =	ssyncadd.s32 $0xFFFFFFFF  }
0xb5: {  	_ =	strace $0x90000051  }
0xb6: {  	_ =	sfence  }
0xb7: {  	s30 =	sld [smem:$0x0];
	_ =	sdelay $0x2  }
0xb8: {  	s31 =	sshll.u32 s1, $0xD;
	s1 =	sshrl.u32 s1, $0x2  }
0xb9: {  	s3 =	sand.u32 $0x4000, s31;
	s1 =	sadd.s32 s1, s30  }
0xba: {  	s0 =	sor.u32 s3, s0;
	s1 =	sshll.u32 s1, $0x11  }
0xbb: {  	s0 =	sor.u32 s1, s0  }
0xbc: {  	s0 =	sadd.s32 $0x8F2B, s0  }
0xbd: {  	[sflag:s0] =	ssyncadd.remote.s32 $0x1  }
0xbe: {  	_ =	sfence.sel $0xFFFF  }
0xbf: {  	[dreg:$0x0] =	wrdreg $0xFFFFFFFF;
	(pc) =	sbr.abs _section_cstart, $3  }
0xc0: {  	[dreg:$0x1] =	wrdreg $0xFFFFFFFF  }
0xc1: {  	_ =	task.clear_ibuf [dreg:s6], $0x2FFFF;
	_ =	strace $0x9FFFFFFF  }
0xc2: {  	(tm) =	ssettm $0x7FFFFFFF  }
0xc3: {  	_ =	shalt  }
tec
execute0_lowered:
.L_overlay_start_1:
0x0: {  	(tag) =	ssettag $0x1  }
0x1: {  	s6 =	rddreg [dreg:$0x0]  }
0x2: {  	s0 =	srdreg.scid;
	s2 =	rddreg [dreg:$0x1]  }
0x3: {  	s3 =	simm.s32 $0x0;
	s14 =	simm.s32 $0x7D;
	s15 =	simm.s32 $0x5000  }
0x4: {  	s16 =	simm.s32 $0x57D0;
	s17 =	simm.s32 $0x1;
	s18 =	simm.s32 $0x2  }
0x5: {  	s19 =	simm.s32 $0x2780;
	s20 =	simm.s32 $0x4F00;
	s21 =	simm.s32 $0x4F80  }
0x6: {  	s22 =	simm.s32 $0x0;
	s5 =	sand.u32 $0x1, s0;
	s0 =	stileid.u32  }
0x7: {  	[smem:$0x7FF] =	sst s3;
	s4 =	sadd.s32 $0x30200, s6;
	s8 =	smul.u32 $0x2800, s0  }
0x8: {  	s1 =	sshll.u32 s5, $0x4;
	s9 =	smul.u32 $0x28000, s5;
	s10 =	ssub.s32 $0x2, s5  }
0x9: {  	s5 =	sadd.s32 $0x2FC00, s6;
	s12 =	sshll.u32 s0, $0x6;
	s1 =	sor.u32 s0, s1  }
0xa: {  	s11 =	sshrl.u32 s10, $0x1;
	s12 =	sor.u32 $0x1C03, s12;
	s7 =	smul.u32 $0x500, s1  }
0xb: {  	s1 =	rddreg [dreg:$0x2];
	_ =	strace $0x80000050;
	s9 =	sadd.s32 s8, s9  }
0xc: {  	s10 =	ssub.s32 s10, s11;
	s13 =	sadd.s32 s8, s2;
	s11 =	simm.s32 $0x2800  }
0xd: {  	s9 =	sshrl.u32 s9, $0x3;
	s13 =	sshrl.u32 s13, $0x3;
	s7 =	sadd.s32 s7, s6  }
0xe: {  	s9 =	sadd.s32 s9, s6;
	s6 =	sadd.s32 $0x20C00, s7;
	s7 =	sadd.s32 $0x16C00, s7  }
0xf: {  	s8 =	sadd.s32 $0x35200, s9;
	s9 =	smax.u32 s10, $0x1;
	s10 =	simm.s32 $0x3  }
.LBB2_1:
0x10: {  	[tilespmem:s3], [sflag:$0x3] =	stream.linear.gather [hbm4b:s6+s3], $0x2800, $0x38;
	[tilespmem:$0x87A0] =	vst v63  }
0x11: {  	_ =	swait.ge [sflag:s10], $0x2800  }
0x12: {  	[sflag:s10] =	ssyncset.done $0x0  }
0x13: {  	[sflag:s10] =	ssyncadd.s32 $0xFFFFD800  }
0x14: {  	[tilespmem:s11], [sflag:$0x3] =	stream.linear.gather [hbm4b:s7+s3], $0x2800, $0x38;
	[tilespmem:$0x87A0] =	vst v63  }
0x15: {  	_ =	swait.ge [sflag:s10], $0x2800  }
0x16: {  	[sflag:s10] =	ssyncset.done $0x0  }
0x17: {  	[sflag:s10] =	ssyncadd.s32 $0xFFFFD800  }
0x18: {  	[spmem:s13], [sflag:s12] =	dma.local [hbm:s5], $0x500  }
0x19: {  	_ =	swait.ge [sflag:s10], $0x500  }
0x1a: {  	[sflag:s10] =	ssyncset.done $0x0  }
0x1b: {  	[sflag:s10] =	ssyncadd.s32 $0xFFFFFB00  }
0x1c: {  	[bflag:$0x0] =	sbarrier.arrive $0xFFFF  }
0x1d: {  	[tilespmem:s15], [sflag:$0x1] =	stream.indirect.gather [hbm4b:s4+s14], $0x10, s3, s14, $0xb8;
	[tilespmem:$0x87A0] =	vst v63  }
0x1e: {  	s23 =	simm.s32 $0x80  }
0x1f: {  	[tilespmem:s16], [sflag:$0x2] =	stream.indirect.gather [hbm4b:s4+s14], $0x10, s23, s14, $0xb8;
	[tilespmem:$0x87A0] =	vst v63  }
0x20: {  	_ =	swait.ge [sflag:s17], $0x7D0  }
0x21: {  	[sflag:s17] =	ssyncset.done $0x0  }
0x22: {  	s29 =	simm.s32 $0x2800;
	[sflag:s17] =	ssyncadd.s32 $0xFFFFF830  }
0x23: {  	[spmem:s2] =	stream.indirect.scatter.add.f32 [tilespmem:s15], [sflag:$0x3], $0x10, s29, s14, $0xb8;
	[tilespmem:$0x87A0] =	vst v63  }
0x24: {  	_ =	swait.ge [sflag:s10], $0x7D0  }
0x25: {  	[sflag:s10] =	ssyncset.done $0x0  }
0x26: {  	s30 =	simm.s32 $0x100;
	[sflag:s10] =	ssyncadd.s32 $0xFFFFF830  }
0x27: {  	[tilespmem:s15], [sflag:$0x1] =	stream.indirect.gather [hbm4b:s4+s14], $0x10, s30, s14, $0xb8;
	[tilespmem:$0x87A0] =	vst v63  }
0x28: {  	_ =	swait.ge [sflag:s18], $0x7D0  }
0x29: {  	[sflag:s18] =	ssyncset.done $0x0  }
0x2a: {  	s31 =	simm.s32 $0x2880;
	[sflag:s18] =	ssyncadd.s32 $0xFFFFF830  }
0x2b: {  	[spmem:s2] =	stream.indirect.scatter.add.f32 [tilespmem:s16], [sflag:$0x3], $0x10, s31, s14, $0xb8;
	[tilespmem:$0x87A0] =	vst v63  }
0x2c: {  	_ =	swait.ge [sflag:s10], $0x7D0  }
0x2d: {  	s24 =	simm.s32 $0x800;
	s23 =	simm.s32 $0x100;
	[sflag:s10] =	ssyncset.done $0x0  }
.LBB2_2:
0x2e: {  	s25 =	sadd.s32 $0x80, s23  }
0x2f: {  	[sflag:s10] =	ssyncadd.s32 $0xFFFFF830;
	s26 =	smov.u32 s24;
	s28 =	sadd.s32 $0x400, s24  }
0x30: {  	[tilespmem:s16], [sflag:$0x2] =	stream.indirect.gather [hbm4b:s4+s14], $0x10, s25, s14, $0xb8;
	[tilespmem:$0x87A0] =	vst v63  }
0x31: {  	p0 =	sne.s32 s24, $0x9800;
	_ =	swait.ge [sflag:s17], $0x7D0  }
0x32: {  	[sflag:s17] =	ssyncset.done $0x0  }
0x33: {  	s24 =	sadd.s32 $0x2800, s23;
	[sflag:s17] =	ssyncadd.s32 $0xFFFFF830  }
0x34: {  	[spmem:s2] =	stream.indirect.scatter.add.f32 [tilespmem:s15], [sflag:$0x3], $0x10, s24, s14, $0xb8;
	[tilespmem:$0x87A0] =	vst v63  }
0x35: {  	_ =	swait.ge [sflag:s10], $0x7D0  }
0x36: {  	[sflag:s10] =	ssyncset.done $0x0  }
0x37: {  	s24 =	sadd.s32 $0x100, s23;
	[sflag:s10] =	ssyncadd.s32 $0xFFFFF830  }
0x38: {  	[tilespmem:s15], [sflag:$0x1] =	stream.indirect.gather [hbm4b:s4+s14], $0x10, s24, s14, $0xb8;
	[tilespmem:$0x87A0] =	vst v63  }
0x39: {  	_ =	swait.ge [sflag:s18], $0x7D0  }
.Ltmp0:
0x3a: {  	[sflag:s18] =	ssyncset.done $0x0;
	(pc) =	sbr.rel @p0 .LBB2_2-.Ltmp0, $4  }
0x3b: {  	s23 =	sadd.s32 $0x2880, s23;
	[sflag:s18] =	ssyncadd.s32 $0xFFFFF830  }
0x3c: {  	[spmem:s2] =	stream.indirect.scatter.add.f32 [tilespmem:s16], [sflag:$0x3], $0x10, s23, s14, $0xb8;
	[tilespmem:$0x87A0] =	vst v63  }
0x3d: {  	_ =	swait.ge [sflag:s10], $0x7D0  }
0x3e: {  	s24 =	smov.u32 s28;
	s23 =	sshra.s32 s26, $0x2;
	[sflag:s10] =	ssyncset.done $0x0  }
0x3f: {  	s24 =	sadd.s32 $0x80, s23;
	[sflag:s10] =	ssyncadd.s32 $0xFFFFF830  }
0x40: {  	[tilespmem:s16], [sflag:$0x2] =	stream.indirect.gather [hbm4b:s4+s14], $0x10, s24, s14, $0xb8;
	[tilespmem:$0x87A0] =	vst v63  }
0x41: {  	_ =	swait.ge [sflag:s17], $0x7D0  }
0x42: {  	[sflag:s17] =	ssyncset.done $0x0  }
0x43: {  	s29 =	sadd.s32 $0x2800, s23;
	[sflag:s17] =	ssyncadd.s32 $0xFFFFF830  }
0x44: {  	[spmem:s2] =	stream.indirect.scatter.add.f32 [tilespmem:s15], [sflag:$0x3], $0x10, s29, s14, $0xb8;
	[tilespmem:$0x87A0] =	vst v63  }
0x45: {  	_ =	swait.ge [sflag:s10], $0x7D0  }
0x46: {  	[sflag:s10] =	ssyncset.done $0x0  }
0x47: {  	s30 =	sadd.s32 $0x100, s23;
	[sflag:s10] =	ssyncadd.s32 $0xFFFFF830  }
0x48: {  	[tilespmem:s15], [sflag:$0x1] =	stream.indirect.gather [hbm4b:s4+s14], $0x10, s30, s14, $0xb8;
	[tilespmem:$0x87A0] =	vst v63  }
0x49: {  	_ =	swait.ge [sflag:s18], $0x7D0  }
0x4a: {  	[sflag:s18] =	ssyncset.done $0x0  }
0x4b: {  	s31 =	sadd.s32 $0x2880, s23;
	[sflag:s18] =	ssyncadd.s32 $0xFFFFF830  }
0x4c: {  	[spmem:s2] =	stream.indirect.scatter.add.f32 [tilespmem:s16], [sflag:$0x3], $0x10, s31, s14, $0xb8;
	[tilespmem:$0x87A0] =	vst v63  }
0x4d: {  	_ =	swait.ge [sflag:s10], $0x7D0  }
0x4e: {  	[sflag:s10] =	ssyncset.done $0x0  }
0x4f: {  	[sflag:s10] =	ssyncadd.s32 $0xFFFFF830  }
0x50: {  	[tilespmem:s16], [sflag:$0x2] =	stream.indirect.gather [hbm4b:s4+s14], $0x10, s19, s14, $0xb8;
	[tilespmem:$0x87A0] =	vst v63  }
0x51: {  	_ =	swait.ge [sflag:s17], $0x7D0  }
0x52: {  	[sflag:s17] =	ssyncset.done $0x0  }
0x53: {  	[sflag:s17] =	ssyncadd.s32 $0xFFFFF830  }
0x54: {  	[spmem:s2] =	stream.indirect.scatter.add.f32 [tilespmem:s15], [sflag:$0x3], $0x10, s20, s14, $0xb8;
	[tilespmem:$0x87A0] =	vst v63  }
0x55: {  	_ =	swait.ge [sflag:s10], $0x7D0  }
0x56: {  	[sflag:s10] =	ssyncset.done $0x0  }
0x57: {  	[sflag:s10] =	ssyncadd.s32 $0xFFFFF830  }
0x58: {  	_ =	swait.ge [sflag:s18], $0x7D0  }
0x59: {  	[sflag:s18] =	ssyncset.done $0x0  }
0x5a: {  	[sflag:s18] =	ssyncadd.s32 $0xFFFFF830  }
0x5b: {  	[spmem:s2] =	stream.indirect.scatter.add.f32 [tilespmem:s16], [sflag:$0x3], $0x10, s21, s14, $0xb8;
	[tilespmem:$0x87A0] =	vst v63  }
0x5c: {  	_ =	swait.ge [sflag:s10], $0x7D0  }
0x5d: {  	s22 =	sadd.s32 $0x1, s22;
	[sflag:s10] =	ssyncset.done $0x0  }
0x5e: {  	p0 =	sne.s32 s22, s9;
	[sflag:s10] =	ssyncadd.s32 $0xFFFFF830  }
.Ltmp1:
0x5f: {  	[bflag:$0x0] =	sbarrier.arrive $0xFFFF;
	(pc) =	sbr.rel @p0 .LBB2_1-.Ltmp1, $4  }
0x60: {  	[hbm:s8], [sflag:s12] =	dma.local [spmem:s13], $0x500  }
0x61: {  	_ =	swait.ge [sflag:s10], $0x500  }
0x62: {  	[sflag:s10] =	ssyncset.done $0x0  }
0x63: {  	[sflag:s10] =	ssyncadd.s32 $0xFFFFFB00  }
0x64: {  	_ =	sfence.sel $0x180000  }
0x65: {  	[bflag:$0x0] =	sbarrier.arrive $0xFFFF  }
0x66: {  	p0 =	sne.s32 s0, $0x0;
	_ =	strace $0x90000050  }
0x67: {  	s0 =	sadd.s32 @!p0 $0x100000, s1;
	[bflag:$0x2] =	sbarrier.arrive $0xFFFF  }
0x68: {  	[sflag:s0] =	ssyncadd.tile.s32 @!p0 $0x1;
	_ =	shalt  }
.Lfunc_end2:
_tile_overlayer_lowered:
.L_overlay_start_2:
0x69: {  	(tag) =	ssettag $0x2  }
0x6a: {  	s0 =	rddreg [dreg:$0x0];
	s2 =	stileid.u32  }
0x6b: {  	s1 =	rddreg [dreg:$0x1];
	p0 =	sne.s32 s2, $0x0  }
0x6c: {  	s3 =	rddreg [dreg:$0x2];
	[bflag:$0x3] =	sbarrier.arrive $0xFFFF;
	s2 =	simm.s32 @!p0 $0x1C03  }
0x6d: {  	[timem:s3], [sflag:s2] =	dma.local @!p0 [hbm:s0], s1  }
0x6e: {  	s0 =	simm.s32 @!p0 $0x3  }
0x6f: {  	_ =	swait.ge @!p0 [sflag:s0], s1  }
0x70: {  	s1 =	ssub.s32 @!p0 $0x0, s1;
	[sflag:s0] =	ssyncset.done @!p0 $0x0  }
0x71: {  	[sflag:s0] =	ssyncadd.s32 @!p0 s1  }
0x72: {  	[bflag:$0x3] =	sbarrier.arrive $0xFFFF  }
0x73: {  	_ =	shalt  }

// kernel: kernel.38.cloned.1.call-start
scs
__scs_entry_jumppad:
0x0: {  	(pc) =	sbr.rel $0x88, $3  }
0x1: {  	(tag) =	ssettag $0x0;
	lr =	simm.s32 $0x1  }
0x2: {  	[smem:$0x3F93] =	sst lr;
	_ =	strace $0xD0000000  }
0x3: {  	_ = 	snop  }
0x4: {  	_ = 	snop  }
0x5: {  	_ = 	snop  }
0x6: {  	_ = 	snop  }
0x7: {  	_ = 	snop  }
__scs_overlays_trampoline_lowered:
0x8: {  	[smem:$0x3FA2] =	sst s0  }
0x9: {  	[smem:$0x3FA3] =	sst s1  }
0xa: {  	[smem:$0x3FA4] =	sst s2  }
0xb: {  	[smem:$0x3FA5] =	sst s3  }
0xc: {  	[smem:$0x3FA6] =	sst s4  }
0xd: {  	[smem:$0x3FA7] =	sst s5  }
0xe: {  	[smem:$0x3FA8] =	sst s6  }
0xf: {  	[smem:$0x3FA9] =	sst s7  }
0x10: {  	[smem:$0x3FAA] =	sst s8  }
0x11: {  	[smem:$0x3FAB] =	sst s9;
	s0 =	simm.s32 @!p0 $0x0  }
0x12: {  	s1 =	sld [smem:$0x3F91];
	s0 =	simm.s32 @p0 $0x1  }
0x13: {  	[smem:$0x3FAC] =	sst s0;
	s0 =	simm.s32 @!p1 $0x0  }
0x14: {  	s2 =	sld [smem:$0x3F90];
	s0 =	simm.s32 @p1 $0x1  }
0x15: {  	[smem:$0x3FAD] =	sst s0;
	s0 =	simm.s32 @!p2 $0x0  }
0x16: {  	s3 =	sld [smem:$0x3FDB];
	s0 =	simm.s32 @p2 $0x1  }
0x17: {  	s4 =	simm.s32 $0x1BF5;
	[smem:$0x3FAF] =	sst s0  }
0x18: {  	s0 =	sld [smem:$0x3F92];
	_ =	swait.ge [sflag:s4], $0x0  }
0x19: {  	s7 =	sld [smem:$0x3F93]  }
0x1a: {  	s8 =	sadd.s32 $0xFFFFE003, lr  }
0x1b: {  	s9 =	sadd.s32 $0xFFFFFEF7, lr;
	s5 =	simm.s32 $0xFFFFFFFF;
	p2 =	slt.u32 s8, $0xFFFFF086  }
0x1c: {  	p1 =	slt.u32 s9, $0xF7A;
	s5 =	simm.s32 @!p2 $0x0  }
0x1d: {  	s5 =	simm.s32 @p1 $0x1;
	p0 =	seq.s32 s7, s2  }
0x1e: {  	s7 =	smul.u32 @!p0 $0xF7A, s2;
	p2 =	seq.s32 @!p0 s5, $0x0  }
0x1f: {  	s9 =	smul.u32 $0xF7A, s1;
	s8 =	simm.s32 @!p0 $0x1BF5;
	p2 =	por !p2, p0  }
0x20: {  	[sflag:s8] =	ssyncset.s32 @!p0 $0xFFFFF086;
	s6 =	sadd.s32 @!p0 s3, s7;
	s7 =	simm.s32 @!p0 $0x108  }
0x21: {  	s3 =	sadd.s32 s3, s9;
	s6 =	sadd.s32 @!p0 $0x88, s6;
	s7 =	simm.s32 @p2 $0x1082  }
0x22: {  	[simem:s7], [sflag:s8] =	dma.local @!p0 [hbm:s6], $0xF7A  }
0x23: {  	s9 =	sor.u32 $0xD0000000, s2;
	s6 =	simm.s32 $0x108;
	_ =	swait.ge @!p0 [sflag:s8], $0x0  }
0x24: {  	s3 =	sadd.s32 $0x88, s3;
	s6 =	simm.s32 @!p1 $0x1082;
	[sflag:s4] =	ssyncset.s32 $0xFFFFF086  }
0x25: {  	[simem:s6], [sflag:s4] =	dma.local [hbm:s3], $0xF7A  }
0x26: {  	[smem:$0x3F93] =	sst s1;
	(tag) =	ssettag s2;
	_ =	strace s9  }
0x27: {  	s1 =	sld [smem:$0x3FA3]  }
0x28: {  	s2 =	sld [smem:$0x3FA4]  }
0x29: {  	s4 =	sld [smem:$0x3FA6]  }
0x2a: {  	p0 =	seq.s32 s5, $0x0;
	s5 =	sld [smem:$0x3FA7]  }
0x2b: {  	s6 =	sld [smem:$0x3FA8]  }
0x2c: {  	s7 =	sld [smem:$0x3FA9]  }
0x2d: {  	s3 =	simm.s32 $0x108;
	s8 =	sld [smem:$0x3FAA]  }
0x2e: {  	s3 =	simm.s32 @!p0 $0x1082;
	s9 =	sld [smem:$0x3FAB]  }
0x2f: {  	lr =	sadd.s32 s0, s3;
	s0 =	sld [smem:$0x3FA2]  }
0x30: {  	s3 =	sld [smem:$0x3FA5]  }
0x31: {  	[smem:$0x3FAE] =	sst s10  }
0x32: {  	s10 =	sld [smem:$0x3FAC];
	_ =	sdelay $0x3  }
0x33: {  	p0 =	seq.s32 s10, $0x1;
	s10 =	sld [smem:$0x3FAE];
	_ =	sdelay $0x3  }
0x34: {  	[smem:$0x3FAE] =	sst s10  }
0x35: {  	s10 =	sld [smem:$0x3FAD];
	_ =	sdelay $0x3  }
0x36: {  	p1 =	seq.s32 s10, $0x1;
	s10 =	sld [smem:$0x3FAE];
	_ =	sdelay $0x3  }
0x37: {  	[smem:$0x3FAE] =	sst s10  }
0x38: {  	s10 =	sld [smem:$0x3FAF]  }
0x39: {  	_ = 	snop;
	(pc) =	sbr.ind lr, $3  }
0x3a: {  	_ = 	snop  }
0x3b: {  	_ = 	snop  }
0x3c: {  	p2 =	seq.s32 s10, $0x1;
	s10 =	sld [smem:$0x3FAE]  }
0x3d: {  	_ =	shalt  }
0x3e: {  	_ =	shalt  }
0x3f: {  	_ =	shalt  }
0x40: {  	_ =	shalt  }
0x41: {  	_ =	shalt  }
0x42: {  	_ =	shalt  }
0x43: {  	_ =	shalt  }
0x44: {  	_ =	shalt  }
0x45: {  	_ =	shalt  }
0x46: {  	_ =	shalt  }
0x47: {  	_ =	shalt  }
0x48: {  	_ =	shalt  }
0x49: {  	_ =	shalt  }
0x4a: {  	_ =	shalt  }
0x4b: {  	_ =	shalt  }
0x4c: {  	_ =	shalt  }
0x4d: {  	_ =	shalt  }
0x4e: {  	_ =	shalt  }
0x4f: {  	_ =	shalt  }
0x50: {  	_ =	shalt  }
0x51: {  	_ =	shalt  }
0x52: {  	_ =	shalt  }
0x53: {  	_ =	shalt  }
0x54: {  	_ =	shalt  }
0x55: {  	_ =	shalt  }
0x56: {  	_ =	shalt  }
0x57: {  	_ =	shalt  }
0x58: {  	_ =	shalt  }
0x59: {  	_ =	shalt  }
0x5a: {  	_ =	shalt  }
0x5b: {  	_ =	shalt  }
0x5c: {  	_ =	shalt  }
0x5d: {  	_ =	shalt  }
0x5e: {  	_ =	shalt  }
0x5f: {  	_ =	shalt  }
0x60: {  	_ =	shalt  }
0x61: {  	_ =	shalt  }
0x62: {  	_ =	shalt  }
0x63: {  	_ =	shalt  }
0x64: {  	_ =	shalt  }
0x65: {  	_ =	shalt  }
0x66: {  	_ =	shalt  }
0x67: {  	_ =	shalt  }
0x68: {  	_ =	shalt  }
0x69: {  	_ =	shalt  }
0x6a: {  	_ =	shalt  }
0x6b: {  	_ =	shalt  }
0x6c: {  	_ =	shalt  }
0x6d: {  	_ =	shalt  }
0x6e: {  	_ =	shalt  }
0x6f: {  	_ =	shalt  }
0x70: {  	_ =	shalt  }
0x71: {  	_ =	shalt  }
0x72: {  	_ =	shalt  }
0x73: {  	_ =	shalt  }
0x74: {  	_ =	shalt  }
0x75: {  	_ =	shalt  }
0x76: {  	_ =	shalt  }
0x77: {  	_ =	shalt  }
0x78: {  	_ =	shalt  }
0x79: {  	_ =	shalt  }
0x7a: {  	_ =	shalt  }
0x7b: {  	_ =	shalt  }
0x7c: {  	_ =	shalt  }
0x7d: {  	_ =	shalt  }
0x7e: {  	_ =	shalt  }
0x7f: {  	_ =	shalt  }
0x80: {  	_ =	shalt  }
0x81: {  	_ =	shalt  }
0x82: {  	_ =	shalt  }
0x83: {  	_ =	shalt  }
0x84: {  	_ =	shalt  }
0x85: {  	_ =	shalt  }
0x86: {  	_ =	shalt  }
0x87: {  	_ =	shalt  }
.Lfunc_end0:
.L_simem_size_0:
called_computation.4_lowered:
.L_overlay_start_0:
0x88: {  	s2 =	sld [smem:$0x3FD9]  }
0x89: {  	s3 =	sld [smem:$0x3FFE];
	_ =	sdelay $0x1  }
0x8a: {  	s1 =	srdreg.scid  }
0x8b: {  	s0 =	sand.u32 $0x1, s1  }
0x8c: {  	s16 =	sshll.u32 s0, $0xA;
	s2 =	sadd.s32 s3, s2  }
0x8d: {  	s2 =	sadd.s32 s2, s16  }
0x8e: {  	[smem:$0x3FBA] =	sst s2  }
0x8f: {  	_ = 	snop  }
0x90: {  	(tm) =	ssettm $0x1  }
0x91: {  	s17 =	sld [smem:$0x3FFB];
	_ =	sdelay $0x3  }
0x92: {  	_ =	strace s17  }
0x93: {  	s2 =	sld [smem:$0x3FFC];
	_ =	sdelay $0x3  }
0x94: {  	_ =	strace s2  }
0x95: {  	s2 =	sld [smem:$0x3FFD];
	_ =	sdelay $0x3  }
0x96: {  	_ =	strace s2  }
0x97: {  	_ =	strace $0x8FFFFFFF  }
0x98: {  	s18 =	sld [smem:$0x3FDB];
	_ =	sdelay $0x1  }
0x99: {  	s19 =	simm.s32 $_scs_section_size  }
0x9a: {  	s4 =	simm.s32 $_size__tile_overlayer_lowered;
	s5 =	simm.s32 $_tile_overlayer_lowered  }
0x9b: {  	s22 =	simm.s32 $0x1BFF;
	s21 =	sshll.u32 s5, $0x1;
	s2 =	sadd.s32 s19, s18  }
0x9c: {  	s6 =	simm.s32 $0x0;
	s20 =	sshll.u32 s4, $0x1;
	s4 =	sadd.s32 s21, s2  }
0x9d: {  	[timem:s6], [sflag:s22] =	dma.local [hbm:s4], s20  }
0x9e: {  	_ =	swait.ge [sflag:s22], s20  }
0x9f: {  	s3 =	ssub.s32 $0x0, s20;
	[sflag:s22] =	ssyncset.done $0x0  }
0xa0: {  	[sflag:s22] =	ssyncadd.s32 s3;
	_ =	sdelay $0x1  }
0xa1: {  	s23 =	simm.s32 $0x1B8B  }
0xa2: {  	_ =	swait.ge [sflag:s23], $0x1  }
0xa3: {  	[sflag:s23] =	ssyncset.done $0x0  }
0xa4: {  	s25 =	simm.s32 $0x1B8E;
	s24 =	sld [smem:$0x3FFE];
	[sflag:s23] =	ssyncadd.s32 $0xFFFFFFFF  }
0xa5: {  	s26 =	simm.s32 $execute0_lowered;
	[smem:$0x3FD2] =	sst s25  }
0xa6: {  	s4 =	sshll.u32 s26, $0x1;
	_ =	strace $0x80000052;
	[dreg:$0x1] =	wrdreg $0xFFFFFFFF  }
0xa7: {  	s28 =	simm.s32 $_size_execute0_lowered;
	s2 =	sadd.s32 s2, s4;
	[dreg:$0x0] =	wrdreg $0x0  }
0xa8: {  	s4 =	sshll.u32 s28, $0x1;
	[dreg:$0x2] =	wrdreg s2  }
0xa9: {  	[dreg:$0x3] =	wrdreg s4  }
0xaa: {  	[dreg:$0x4] =	wrdreg $0xC0  }
0xab: {  	_ =	task [dreg:s6], $0x5FFFF  }
0xac: {  	[dreg:$0x1] =	wrdreg $0xFFFFFFFF  }
0xad: {  	[dreg:$0x0] =	wrdreg $0x60  }
0xae: {  	[dreg:$0x2] =	wrdreg s24  }
0xaf: {  	[dreg:$0x3] =	wrdreg $0x9E200  }
0xb0: {  	[dreg:$0x4] =	wrdreg $0x9  }
0xb1: {  	_ =	task.clear_ibuf [dreg:s6], $0x5FFFF;
	_ =	strace $0x90000052  }
0xb2: {  	s29 =	simm.s32 $0x9;
	_ =	strace $0x80000054  }
0xb3: {  	_ =	swait.ge [sflag:s29], $0x1  }
0xb4: {  	[sflag:s29] =	ssyncadd.s32 $0xFFFFFFFF  }
0xb5: {  	_ =	strace $0x90000054  }
0xb6: {  	_ =	sfence  }
0xb7: {  	s30 =	sld [smem:$0x0];
	_ =	sdelay $0x2  }
0xb8: {  	s31 =	sshll.u32 s1, $0xD;
	s1 =	sshrl.u32 s1, $0x2  }
0xb9: {  	s3 =	sand.u32 $0x4000, s31;
	s1 =	sadd.s32 s1, s30  }
0xba: {  	s0 =	sor.u32 s3, s0;
	s1 =	sshll.u32 s1, $0x11  }
0xbb: {  	s0 =	sor.u32 s1, s0  }
0xbc: {  	s0 =	sadd.s32 $0x8F2B, s0  }
0xbd: {  	[sflag:s0] =	ssyncadd.remote.s32 $0x1  }
0xbe: {  	_ =	sfence.sel $0xFFFF  }
0xbf: {  	[dreg:$0x0] =	wrdreg $0xFFFFFFFF;
	(pc) =	sbr.abs _section_cstart, $3  }
0xc0: {  	[dreg:$0x1] =	wrdreg $0xFFFFFFFF  }
0xc1: {  	_ =	task.clear_ibuf [dreg:s6], $0x2FFFF;
	_ =	strace $0x9FFFFFFF  }
0xc2: {  	(tm) =	ssettm $0x7FFFFFFF  }
0xc3: {  	_ =	shalt  }
tec
execute0_lowered:
.L_overlay_start_1:
0x0: {  	(tag) =	ssettag $0x1  }
0x1: {  	s6 =	rddreg [dreg:$0x0];
	s0 =	srdreg.scid  }
0x2: {  	s2 =	rddreg [dreg:$0x1];
	s1 =	stileid.u32  }
0x3: {  	s3 =	simm.s32 $0x0;
	s14 =	simm.s32 $0x50;
	s15 =	simm.s32 $0x4E20  }
0x4: {  	s16 =	simm.s32 $0x7620;
	s17 =	simm.s32 $0x1;
	s18 =	simm.s32 $0x2  }
0x5: {  	s19 =	simm.s32 $0x4DD0;
	s5 =	sand.u32 $0x1, s0;
	s0 =	rddreg [dreg:$0x2]  }
0x6: {  	s20 =	simm.s32 $0x0;
	s8 =	smul.u32 $0x14000, s1;
	[smem:$0x7FF] =	sst s3  }
0x7: {  	s12 =	sshll.u32 s1, $0x6;
	s4 =	sshll.u32 s5, $0x4;
	s7 =	smul.u32 $0x140000, s5  }
0x8: {  	_ =	strace $0x80000053;
	s10 =	ssub.s32 $0x2, s5;
	s5 =	sadd.s32 $0x2AC00, s6  }
0x9: {  	s12 =	sor.u32 $0x1C03, s12;
	s4 =	sor.u32 s1, s4;
	s31 =	sshrl.u32 s10, $0x1  }
0xa: {  	s13 =	sadd.s32 s8, s2;
	s9 =	smul.u32 $0x4E2, s4;
	s7 =	sadd.s32 s8, s7  }
0xb: {  	s4 =	sadd.s32 $0x8F200, s6;
	s10 =	ssub.s32 s10, s31;
	s7 =	sshrl.u32 s7, $0x3  }
0xc: {  	s13 =	sshrl.u32 s13, $0x3;
	s9 =	sadd.s32 s9, s6;
	s11 =	sadd.s32 s7, s6  }
0xd: {  	s6 =	sadd.s32 $0xCE00, s9;
	s7 =	sadd.s32 $0x3000, s9;
	s8 =	sadd.s32 $0xB7200, s11  }
0xe: {  	s9 =	smax.u32 s10, $0x1;
	s10 =	simm.s32 $0x3;
	s11 =	simm.s32 $0x2710  }
.LBB2_1:
0xf: {  	[tilespmem:s3], [sflag:$0x3] =	stream.linear.gather [hbm4b:s6+s3], $0x2710, $0x38;
	[tilespmem:$0x1DE20] =	vst v63  }
0x10: {  	_ =	swait.ge [sflag:s10], $0x2710  }
0x11: {  	[sflag:s10] =	ssyncset.done $0x0  }
0x12: {  	[sflag:s10] =	ssyncadd.s32 $0xFFFFD8F0  }
0x13: {  	[tilespmem:s11], [sflag:$0x3] =	stream.linear.gather [hbm4b:s7+s3], $0x2710, $0x38;
	[tilespmem:$0x1DE20] =	vst v63  }
0x14: {  	_ =	swait.ge [sflag:s10], $0x2710  }
0x15: {  	[sflag:s10] =	ssyncset.done $0x0  }
0x16: {  	[sflag:s10] =	ssyncadd.s32 $0xFFFFD8F0  }
0x17: {  	[spmem:s13], [sflag:s12] =	dma.local [hbm:s5], $0x2800  }
0x18: {  	_ =	swait.ge [sflag:s10], $0x2800  }
0x19: {  	[sflag:s10] =	ssyncset.done $0x0  }
0x1a: {  	[sflag:s10] =	ssyncadd.s32 $0xFFFFD800  }
0x1b: {  	[bflag:$0x0] =	sbarrier.arrive $0xFFFF  }
0x1c: {  	[tilespmem:s15], [sflag:$0x1] =	stream.indirect.gather [hbm4b:s4+s14], $0x80, s3, s14, $0xb8;
	[tilespmem:$0x1DE20] =	vst v63  }
0x1d: {  	s21 =	simm.s32 $0x50  }
0x1e: {  	[tilespmem:s16], [sflag:$0x2] =	stream.indirect.gather [hbm4b:s4+s14], $0x80, s21, s14, $0xb8;
	[tilespmem:$0x1DE20] =	vst v63  }
0x1f: {  	_ =	swait.ge [sflag:s17], $0x2800  }
0x20: {  	[sflag:s17] =	ssyncset.done $0x0  }
0x21: {  	s29 =	simm.s32 $0x2710;
	[sflag:s17] =	ssyncadd.s32 $0xFFFFD800  }
0x22: {  	[spmem:s2] =	stream.indirect.scatter.add.f32 [tilespmem:s15], [sflag:$0x3], $0x80, s29, s14, $0xb8;
	[tilespmem:$0x1DE20] =	vst v63  }
0x23: {  	_ =	swait.ge [sflag:s10], $0x2800  }
0x24: {  	[sflag:s10] =	ssyncset.done $0x0  }
0x25: {  	s30 =	simm.s32 $0xA0;
	[sflag:s10] =	ssyncadd.s32 $0xFFFFD800  }
0x26: {  	[tilespmem:s15], [sflag:$0x1] =	stream.indirect.gather [hbm4b:s4+s14], $0x80, s30, s14, $0xb8;
	[tilespmem:$0x1DE20] =	vst v63  }
0x27: {  	_ =	swait.ge [sflag:s18], $0x2800  }
0x28: {  	[sflag:s18] =	ssyncset.done $0x0  }
0x29: {  	s31 =	simm.s32 $0x2760;
	[sflag:s18] =	ssyncadd.s32 $0xFFFFD800  }
0x2a: {  	[spmem:s2] =	stream.indirect.scatter.add.f32 [tilespmem:s16], [sflag:$0x3], $0x80, s31, s14, $0xb8;
	[tilespmem:$0x1DE20] =	vst v63  }
0x2b: {  	_ =	swait.ge [sflag:s10], $0x2800  }
0x2c: {  	s22 =	simm.s32 $0x500;
	s21 =	simm.s32 $0xA0;
	[sflag:s10] =	ssyncset.done $0x0  }
.LBB2_2:
0x2d: {  	s23 =	sadd.s32 $0x50, s21  }
0x2e: {  	[sflag:s10] =	ssyncadd.s32 $0xFFFFD800;
	s24 =	smov.u32 s22;
	s25 =	sadd.s32 $0x280, s22  }
0x2f: {  	[tilespmem:s16], [sflag:$0x2] =	stream.indirect.gather [hbm4b:s4+s14], $0x80, s23, s14, $0xb8;
	[tilespmem:$0x1DE20] =	vst v63  }
0x30: {  	p0 =	sne.s32 s22, $0x9880;
	_ =	swait.ge [sflag:s17], $0x2800  }
0x31: {  	[sflag:s17] =	ssyncset.done $0x0  }
0x32: {  	s22 =	sadd.s32 $0x2710, s21;
	[sflag:s17] =	ssyncadd.s32 $0xFFFFD800  }
0x33: {  	[spmem:s2] =	stream.indirect.scatter.add.f32 [tilespmem:s15], [sflag:$0x3], $0x80, s22, s14, $0xb8;
	[tilespmem:$0x1DE20] =	vst v63  }
0x34: {  	_ =	swait.ge [sflag:s10], $0x2800  }
0x35: {  	[sflag:s10] =	ssyncset.done $0x0  }
0x36: {  	s22 =	sadd.s32 $0xA0, s21;
	[sflag:s10] =	ssyncadd.s32 $0xFFFFD800  }
0x37: {  	[tilespmem:s15], [sflag:$0x1] =	stream.indirect.gather [hbm4b:s4+s14], $0x80, s22, s14, $0xb8;
	[tilespmem:$0x1DE20] =	vst v63  }
0x38: {  	_ =	swait.ge [sflag:s18], $0x2800  }
.Ltmp0:
0x39: {  	[sflag:s18] =	ssyncset.done $0x0;
	(pc) =	sbr.rel @p0 .LBB2_2-.Ltmp0, $4  }
0x3a: {  	s21 =	sadd.s32 $0x2760, s21;
	[sflag:s18] =	ssyncadd.s32 $0xFFFFD800  }
0x3b: {  	[spmem:s2] =	stream.indirect.scatter.add.f32 [tilespmem:s16], [sflag:$0x3], $0x80, s21, s14, $0xb8;
	[tilespmem:$0x1DE20] =	vst v63  }
0x3c: {  	_ =	swait.ge [sflag:s10], $0x2800  }
0x3d: {  	s22 =	smov.u32 s25;
	s21 =	sshra.s32 s24, $0x2;
	[sflag:s10] =	ssyncset.done $0x0  }
0x3e: {  	s22 =	sadd.s32 $0x50, s21;
	[sflag:s10] =	ssyncadd.s32 $0xFFFFD800  }
0x3f: {  	[tilespmem:s16], [sflag:$0x2] =	stream.indirect.gather [hbm4b:s4+s14], $0x80, s22, s14, $0xb8;
	[tilespmem:$0x1DE20] =	vst v63  }
0x40: {  	_ =	swait.ge [sflag:s17], $0x2800  }
0x41: {  	[sflag:s17] =	ssyncset.done $0x0  }
0x42: {  	s29 =	sadd.s32 $0x2710, s21;
	[sflag:s17] =	ssyncadd.s32 $0xFFFFD800  }
0x43: {  	[spmem:s2] =	stream.indirect.scatter.add.f32 [tilespmem:s15], [sflag:$0x3], $0x80, s29, s14, $0xb8;
	[tilespmem:$0x1DE20] =	vst v63  }
0x44: {  	_ =	swait.ge [sflag:s10], $0x2800  }
0x45: {  	[sflag:s10] =	ssyncset.done $0x0  }
0x46: {  	s30 =	sadd.s32 $0xA0, s21;
	[sflag:s10] =	ssyncadd.s32 $0xFFFFD800  }
0x47: {  	[tilespmem:s15], [sflag:$0x1] =	stream.indirect.gather [hbm4b:s4+s14], $0x80, s30, s14, $0xb8;
	[tilespmem:$0x1DE20] =	vst v63  }
0x48: {  	_ =	swait.ge [sflag:s18], $0x2800  }
0x49: {  	[sflag:s18] =	ssyncset.done $0x0  }
0x4a: {  	s31 =	sadd.s32 $0x2760, s21;
	[sflag:s18] =	ssyncadd.s32 $0xFFFFD800  }
0x4b: {  	[spmem:s2] =	stream.indirect.scatter.add.f32 [tilespmem:s16], [sflag:$0x3], $0x80, s31, s14, $0xb8;
	[tilespmem:$0x1DE20] =	vst v63  }
0x4c: {  	_ =	swait.ge [sflag:s10], $0x2800  }
0x4d: {  	[sflag:s10] =	ssyncset.done $0x0  }
0x4e: {  	[sflag:s10] =	ssyncadd.s32 $0xFFFFD800  }
0x4f: {  	_ =	swait.ge [sflag:s17], $0x2800  }
0x50: {  	[sflag:s17] =	ssyncset.done $0x0  }
0x51: {  	[sflag:s17] =	ssyncadd.s32 $0xFFFFD800  }
0x52: {  	[spmem:s2] =	stream.indirect.scatter.add.f32 [tilespmem:s15], [sflag:$0x3], $0x80, s19, s14, $0xb8;
	[tilespmem:$0x1DE20] =	vst v63  }
0x53: {  	_ =	swait.ge [sflag:s10], $0x2800  }
0x54: {  	s20 =	sadd.s32 $0x1, s20;
	[sflag:s10] =	ssyncset.done $0x0  }
0x55: {  	p0 =	sne.s32 s20, s9;
	[sflag:s10] =	ssyncadd.s32 $0xFFFFD800  }
.Ltmp1:
0x56: {  	[bflag:$0x0] =	sbarrier.arrive $0xFFFF;
	(pc) =	sbr.rel @p0 .LBB2_1-.Ltmp1, $4  }
0x57: {  	[hbm:s8], [sflag:s12] =	dma.local [spmem:s13], $0x2800  }
0x58: {  	_ =	swait.ge [sflag:s10], $0x2800  }
0x59: {  	[sflag:s10] =	ssyncset.done $0x0  }
0x5a: {  	[sflag:s10] =	ssyncadd.s32 $0xFFFFD800  }
0x5b: {  	_ =	sfence.sel $0x180000  }
0x5c: {  	[bflag:$0x0] =	sbarrier.arrive $0xFFFF  }
0x5d: {  	p0 =	sne.s32 s1, $0x0;
	_ =	strace $0x90000053  }
0x5e: {  	s0 =	sadd.s32 @!p0 $0x100000, s0;
	[bflag:$0x2] =	sbarrier.arrive $0xFFFF  }
0x5f: {  	[sflag:s0] =	ssyncadd.tile.s32 @!p0 $0x1;
	_ =	shalt  }
.Lfunc_end2:
_tile_overlayer_lowered:
.L_overlay_start_2:
0x60: {  	(tag) =	ssettag $0x2  }
0x61: {  	s0 =	rddreg [dreg:$0x0];
	s2 =	stileid.u32  }
0x62: {  	s1 =	rddreg [dreg:$0x1];
	p0 =	sne.s32 s2, $0x0  }
0x63: {  	s3 =	rddreg [dreg:$0x2];
	[bflag:$0x3] =	sbarrier.arrive $0xFFFF;
	s2 =	simm.s32 @!p0 $0x1C03  }
0x64: {  	[timem:s3], [sflag:s2] =	dma.local @!p0 [hbm:s0], s1  }
0x65: {  	s0 =	simm.s32 @!p0 $0x3  }
0x66: {  	_ =	swait.ge @!p0 [sflag:s0], s1  }
0x67: {  	s1 =	ssub.s32 @!p0 $0x0, s1;
	[sflag:s0] =	ssyncset.done @!p0 $0x0  }
0x68: {  	[sflag:s0] =	ssyncadd.s32 @!p0 s1  }
0x69: {  	[bflag:$0x3] =	sbarrier.arrive $0xFFFF  }
0x6a: {  	_ =	shalt  }

// kernel: kernel.41.cloned.1.call-start
scs
__scs_entry_jumppad:
0x0: {  	(pc) =	sbr.rel $0x88, $3  }
0x1: {  	(tag) =	ssettag $0x0;
	lr =	simm.s32 $0x1  }
0x2: {  	[smem:$0x3F93] =	sst lr;
	_ =	strace $0xD0000000  }
0x3: {  	_ = 	snop  }
0x4: {  	_ = 	snop  }
0x5: {  	_ = 	snop  }
0x6: {  	_ = 	snop  }
0x7: {  	_ = 	snop  }
__scs_overlays_trampoline_lowered:
0x8: {  	[smem:$0x3FA2] =	sst s0  }
0x9: {  	[smem:$0x3FA3] =	sst s1  }
0xa: {  	[smem:$0x3FA4] =	sst s2  }
0xb: {  	[smem:$0x3FA5] =	sst s3  }
0xc: {  	[smem:$0x3FA6] =	sst s4  }
0xd: {  	[smem:$0x3FA7] =	sst s5  }
0xe: {  	[smem:$0x3FA8] =	sst s6  }
0xf: {  	[smem:$0x3FA9] =	sst s7  }
0x10: {  	[smem:$0x3FAA] =	sst s8  }
0x11: {  	[smem:$0x3FAB] =	sst s9;
	s0 =	simm.s32 @!p0 $0x0  }
0x12: {  	s1 =	sld [smem:$0x3F91];
	s0 =	simm.s32 @p0 $0x1  }
0x13: {  	[smem:$0x3FAC] =	sst s0;
	s0 =	simm.s32 @!p1 $0x0  }
0x14: {  	s2 =	sld [smem:$0x3F90];
	s0 =	simm.s32 @p1 $0x1  }
0x15: {  	[smem:$0x3FAD] =	sst s0;
	s0 =	simm.s32 @!p2 $0x0  }
0x16: {  	s3 =	sld [smem:$0x3FDB];
	s0 =	simm.s32 @p2 $0x1  }
0x17: {  	s4 =	simm.s32 $0x1BF5;
	[smem:$0x3FAF] =	sst s0  }
0x18: {  	s0 =	sld [smem:$0x3F92];
	_ =	swait.ge [sflag:s4], $0x0  }
0x19: {  	s7 =	sld [smem:$0x3F93]  }
0x1a: {  	s8 =	sadd.s32 $0xFFFFE003, lr  }
0x1b: {  	s9 =	sadd.s32 $0xFFFFFEF7, lr;
	s5 =	simm.s32 $0xFFFFFFFF;
	p2 =	slt.u32 s8, $0xFFFFF086  }
0x1c: {  	p1 =	slt.u32 s9, $0xF7A;
	s5 =	simm.s32 @!p2 $0x0  }
0x1d: {  	s5 =	simm.s32 @p1 $0x1;
	p0 =	seq.s32 s7, s2  }
0x1e: {  	s7 =	smul.u32 @!p0 $0xF7A, s2;
	p2 =	seq.s32 @!p0 s5, $0x0  }
0x1f: {  	s9 =	smul.u32 $0xF7A, s1;
	s8 =	simm.s32 @!p0 $0x1BF5;
	p2 =	por !p2, p0  }
0x20: {  	[sflag:s8] =	ssyncset.s32 @!p0 $0xFFFFF086;
	s6 =	sadd.s32 @!p0 s3, s7;
	s7 =	simm.s32 @!p0 $0x108  }
0x21: {  	s3 =	sadd.s32 s3, s9;
	s6 =	sadd.s32 @!p0 $0x88, s6;
	s7 =	simm.s32 @p2 $0x1082  }
0x22: {  	[simem:s7], [sflag:s8] =	dma.local @!p0 [hbm:s6], $0xF7A  }
0x23: {  	s9 =	sor.u32 $0xD0000000, s2;
	s6 =	simm.s32 $0x108;
	_ =	swait.ge @!p0 [sflag:s8], $0x0  }
0x24: {  	s3 =	sadd.s32 $0x88, s3;
	s6 =	simm.s32 @!p1 $0x1082;
	[sflag:s4] =	ssyncset.s32 $0xFFFFF086  }
0x25: {  	[simem:s6], [sflag:s4] =	dma.local [hbm:s3], $0xF7A  }
0x26: {  	[smem:$0x3F93] =	sst s1;
	(tag) =	ssettag s2;
	_ =	strace s9  }
0x27: {  	s1 =	sld [smem:$0x3FA3]  }
0x28: {  	s2 =	sld [smem:$0x3FA4]  }
0x29: {  	s4 =	sld [smem:$0x3FA6]  }
0x2a: {  	p0 =	seq.s32 s5, $0x0;
	s5 =	sld [smem:$0x3FA7]  }
0x2b: {  	s6 =	sld [smem:$0x3FA8]  }
0x2c: {  	s7 =	sld [smem:$0x3FA9]  }
0x2d: {  	s3 =	simm.s32 $0x108;
	s8 =	sld [smem:$0x3FAA]  }
0x2e: {  	s3 =	simm.s32 @!p0 $0x1082;
	s9 =	sld [smem:$0x3FAB]  }
0x2f: {  	lr =	sadd.s32 s0, s3;
	s0 =	sld [smem:$0x3FA2]  }
0x30: {  	s3 =	sld [smem:$0x3FA5]  }
0x31: {  	[smem:$0x3FAE] =	sst s10  }
0x32: {  	s10 =	sld [smem:$0x3FAC];
	_ =	sdelay $0x3  }
0x33: {  	p0 =	seq.s32 s10, $0x1;
	s10 =	sld [smem:$0x3FAE];
	_ =	sdelay $0x3  }
0x34: {  	[smem:$0x3FAE] =	sst s10  }
0x35: {  	s10 =	sld [smem:$0x3FAD];
	_ =	sdelay $0x3  }
0x36: {  	p1 =	seq.s32 s10, $0x1;
	s10 =	sld [smem:$0x3FAE];
	_ =	sdelay $0x3  }
0x37: {  	[smem:$0x3FAE] =	sst s10  }
0x38: {  	s10 =	sld [smem:$0x3FAF]  }
0x39: {  	_ = 	snop;
	(pc) =	sbr.ind lr, $3  }
0x3a: {  	_ = 	snop  }
0x3b: {  	_ = 	snop  }
0x3c: {  	p2 =	seq.s32 s10, $0x1;
	s10 =	sld [smem:$0x3FAE]  }
0x3d: {  	_ =	shalt  }
0x3e: {  	_ =	shalt  }
0x3f: {  	_ =	shalt  }
0x40: {  	_ =	shalt  }
0x41: {  	_ =	shalt  }
0x42: {  	_ =	shalt  }
0x43: {  	_ =	shalt  }
0x44: {  	_ =	shalt  }
0x45: {  	_ =	shalt  }
0x46: {  	_ =	shalt  }
0x47: {  	_ =	shalt  }
0x48: {  	_ =	shalt  }
0x49: {  	_ =	shalt  }
0x4a: {  	_ =	shalt  }
0x4b: {  	_ =	shalt  }
0x4c: {  	_ =	shalt  }
0x4d: {  	_ =	shalt  }
0x4e: {  	_ =	shalt  }
0x4f: {  	_ =	shalt  }
0x50: {  	_ =	shalt  }
0x51: {  	_ =	shalt  }
0x52: {  	_ =	shalt  }
0x53: {  	_ =	shalt  }
0x54: {  	_ =	shalt  }
0x55: {  	_ =	shalt  }
0x56: {  	_ =	shalt  }
0x57: {  	_ =	shalt  }
0x58: {  	_ =	shalt  }
0x59: {  	_ =	shalt  }
0x5a: {  	_ =	shalt  }
0x5b: {  	_ =	shalt  }
0x5c: {  	_ =	shalt  }
0x5d: {  	_ =	shalt  }
0x5e: {  	_ =	shalt  }
0x5f: {  	_ =	shalt  }
0x60: {  	_ =	shalt  }
0x61: {  	_ =	shalt  }
0x62: {  	_ =	shalt  }
0x63: {  	_ =	shalt  }
0x64: {  	_ =	shalt  }
0x65: {  	_ =	shalt  }
0x66: {  	_ =	shalt  }
0x67: {  	_ =	shalt  }
0x68: {  	_ =	shalt  }
0x69: {  	_ =	shalt  }
0x6a: {  	_ =	shalt  }
0x6b: {  	_ =	shalt  }
0x6c: {  	_ =	shalt  }
0x6d: {  	_ =	shalt  }
0x6e: {  	_ =	shalt  }
0x6f: {  	_ =	shalt  }
0x70: {  	_ =	shalt  }
0x71: {  	_ =	shalt  }
0x72: {  	_ =	shalt  }
0x73: {  	_ =	shalt  }
0x74: {  	_ =	shalt  }
0x75: {  	_ =	shalt  }
0x76: {  	_ =	shalt  }
0x77: {  	_ =	shalt  }
0x78: {  	_ =	shalt  }
0x79: {  	_ =	shalt  }
0x7a: {  	_ =	shalt  }
0x7b: {  	_ =	shalt  }
0x7c: {  	_ =	shalt  }
0x7d: {  	_ =	shalt  }
0x7e: {  	_ =	shalt  }
0x7f: {  	_ =	shalt  }
0x80: {  	_ =	shalt  }
0x81: {  	_ =	shalt  }
0x82: {  	_ =	shalt  }
0x83: {  	_ =	shalt  }
0x84: {  	_ =	shalt  }
0x85: {  	_ =	shalt  }
0x86: {  	_ =	shalt  }
0x87: {  	_ =	shalt  }
.Lfunc_end0:
.L_simem_size_0:
called_computation.5_lowered:
.L_overlay_start_0:
0x88: {  	s2 =	sld [smem:$0x3FD9]  }
0x89: {  	s3 =	sld [smem:$0x3FFE];
	_ =	sdelay $0x1  }
0x8a: {  	s1 =	srdreg.scid  }
0x8b: {  	s0 =	sand.u32 $0x1, s1  }
0x8c: {  	s16 =	sshll.u32 s0, $0xA;
	s2 =	sadd.s32 s3, s2  }
0x8d: {  	s2 =	sadd.s32 s2, s16  }
0x8e: {  	[smem:$0x3FBA] =	sst s2  }
0x8f: {  	_ = 	snop  }
0x90: {  	(tm) =	ssettm $0x1  }
0x91: {  	s17 =	sld [smem:$0x3FFB];
	_ =	sdelay $0x3  }
0x92: {  	_ =	strace s17  }
0x93: {  	s2 =	sld [smem:$0x3FFC];
	_ =	sdelay $0x3  }
0x94: {  	_ =	strace s2  }
0x95: {  	s2 =	sld [smem:$0x3FFD];
	_ =	sdelay $0x3  }
0x96: {  	_ =	strace s2  }
0x97: {  	_ =	strace $0x8FFFFFFF  }
0x98: {  	s18 =	sld [smem:$0x3FDB];
	_ =	sdelay $0x1  }
0x99: {  	s19 =	simm.s32 $_scs_section_size  }
0x9a: {  	s4 =	simm.s32 $_size__tile_overlayer_lowered;
	s5 =	simm.s32 $_tile_overlayer_lowered  }
0x9b: {  	s22 =	simm.s32 $0x1BFF;
	s21 =	sshll.u32 s5, $0x1;
	s2 =	sadd.s32 s19, s18  }
0x9c: {  	s6 =	simm.s32 $0x0;
	s20 =	sshll.u32 s4, $0x1;
	s4 =	sadd.s32 s21, s2  }
0x9d: {  	[timem:s6], [sflag:s22] =	dma.local [hbm:s4], s20  }
0x9e: {  	_ =	swait.ge [sflag:s22], s20  }
0x9f: {  	s3 =	ssub.s32 $0x0, s20;
	[sflag:s22] =	ssyncset.done $0x0  }
0xa0: {  	[sflag:s22] =	ssyncadd.s32 s3;
	_ =	sdelay $0x1  }
0xa1: {  	s23 =	simm.s32 $0x1B8B  }
0xa2: {  	_ =	swait.ge [sflag:s23], $0x1  }
0xa3: {  	[sflag:s23] =	ssyncset.done $0x0  }
0xa4: {  	s25 =	simm.s32 $0x1B8E;
	s24 =	sld [smem:$0x3FFE];
	[sflag:s23] =	ssyncadd.s32 $0xFFFFFFFF  }
0xa5: {  	s26 =	simm.s32 $execute0_lowered;
	[smem:$0x3FD2] =	sst s25  }
0xa6: {  	s4 =	sshll.u32 s26, $0x1;
	_ =	strace $0x80000055;
	[dreg:$0x1] =	wrdreg $0xFFFFFFFF  }
0xa7: {  	s28 =	simm.s32 $_size_execute0_lowered;
	s2 =	sadd.s32 s2, s4;
	[dreg:$0x0] =	wrdreg $0x0  }
0xa8: {  	s4 =	sshll.u32 s28, $0x1;
	[dreg:$0x2] =	wrdreg s2  }
0xa9: {  	[dreg:$0x3] =	wrdreg s4  }
0xaa: {  	[dreg:$0x4] =	wrdreg $0xC0  }
0xab: {  	_ =	task [dreg:s6], $0x5FFFF  }
0xac: {  	[dreg:$0x1] =	wrdreg $0xFFFFFFFF  }
0xad: {  	[dreg:$0x0] =	wrdreg $0x60  }
0xae: {  	[dreg:$0x2] =	wrdreg s24  }
0xaf: {  	[dreg:$0x3] =	wrdreg $0x5FA00  }
0xb0: {  	[dreg:$0x4] =	wrdreg $0x9  }
0xb1: {  	_ =	task.clear_ibuf [dreg:s6], $0x5FFFF;
	_ =	strace $0x90000055  }
0xb2: {  	s29 =	simm.s32 $0x9;
	_ =	strace $0x80000057  }
0xb3: {  	_ =	swait.ge [sflag:s29], $0x1  }
0xb4: {  	[sflag:s29] =	ssyncadd.s32 $0xFFFFFFFF  }
0xb5: {  	_ =	strace $0x90000057  }
0xb6: {  	_ =	sfence  }
0xb7: {  	s30 =	sld [smem:$0x0];
	_ =	sdelay $0x2  }
0xb8: {  	s31 =	sshll.u32 s1, $0xD;
	s1 =	sshrl.u32 s1, $0x2  }
0xb9: {  	s3 =	sand.u32 $0x4000, s31;
	s1 =	sadd.s32 s1, s30  }
0xba: {  	s0 =	sor.u32 s3, s0;
	s1 =	sshll.u32 s1, $0x11  }
0xbb: {  	s0 =	sor.u32 s1, s0  }
0xbc: {  	s0 =	sadd.s32 $0x8F2B, s0  }
0xbd: {  	[sflag:s0] =	ssyncadd.remote.s32 $0x1  }
0xbe: {  	_ =	sfence.sel $0xFFFF  }
0xbf: {  	[dreg:$0x0] =	wrdreg $0xFFFFFFFF;
	(pc) =	sbr.abs _section_cstart, $3  }
0xc0: {  	[dreg:$0x1] =	wrdreg $0xFFFFFFFF  }
0xc1: {  	_ =	task.clear_ibuf [dreg:s6], $0x2FFFF;
	_ =	strace $0x9FFFFFFF  }
0xc2: {  	(tm) =	ssettm $0x7FFFFFFF  }
0xc3: {  	_ =	shalt  }
tec
execute0_lowered:
.L_overlay_start_1:
0x0: {  	(tag) =	ssettag $0x1  }
0x1: {  	s6 =	rddreg [dreg:$0x0]  }
0x2: {  	s0 =	srdreg.scid;
	s2 =	rddreg [dreg:$0x1]  }
0x3: {  	s3 =	simm.s32 $0x0;
	s14 =	simm.s32 $0x7D;
	s15 =	simm.s32 $0x5000  }
0x4: {  	s16 =	simm.s32 $0x57D0;
	s17 =	simm.s32 $0x1;
	s18 =	simm.s32 $0x2  }
0x5: {  	s19 =	simm.s32 $0x2780;
	s20 =	simm.s32 $0x4F00;
	s21 =	simm.s32 $0x4F80  }
0x6: {  	s22 =	simm.s32 $0x0;
	s5 =	sand.u32 $0x1, s0;
	s0 =	stileid.u32  }
0x7: {  	[smem:$0x7FF] =	sst s3;
	s4 =	sadd.s32 $0x58200, s6;
	s8 =	smul.u32 $0x2800, s0  }
0x8: {  	s1 =	sshll.u32 s5, $0x4;
	s9 =	smul.u32 $0x28000, s5;
	s10 =	ssub.s32 $0x2, s5  }
0x9: {  	s5 =	sadd.s32 $0x2FC00, s6;
	s12 =	sshll.u32 s0, $0x6;
	s1 =	sor.u32 s0, s1  }
0xa: {  	s11 =	sshrl.u32 s10, $0x1;
	s12 =	sor.u32 $0x1C03, s12;
	s7 =	smul.u32 $0x500, s1  }
0xb: {  	s1 =	rddreg [dreg:$0x2];
	_ =	strace $0x80000056;
	s9 =	sadd.s32 s8, s9  }
0xc: {  	s10 =	ssub.s32 s10, s11;
	s13 =	sadd.s32 s8, s2;
	s11 =	simm.s32 $0x2800  }
0xd: {  	s9 =	sshrl.u32 s9, $0x3;
	s13 =	sshrl.u32 s13, $0x3;
	s7 =	sadd.s32 s7, s6  }
0xe: {  	s9 =	sadd.s32 s9, s6;
	s6 =	sadd.s32 $0x20C00, s7;
	s7 =	sadd.s32 $0x16C00, s7  }
0xf: {  	s8 =	sadd.s32 $0x5D200, s9;
	s9 =	smax.u32 s10, $0x1;
	s10 =	simm.s32 $0x3  }
.LBB2_1:
0x10: {  	[tilespmem:s3], [sflag:$0x3] =	stream.linear.gather [hbm4b:s6+s3], $0x2800, $0x38;
	[tilespmem:$0x87A0] =	vst v63  }
0x11: {  	_ =	swait.ge [sflag:s10], $0x2800  }
0x12: {  	[sflag:s10] =	ssyncset.done $0x0  }
0x13: {  	[sflag:s10] =	ssyncadd.s32 $0xFFFFD800  }
0x14: {  	[tilespmem:s11], [sflag:$0x3] =	stream.linear.gather [hbm4b:s7+s3], $0x2800, $0x38;
	[tilespmem:$0x87A0] =	vst v63  }
0x15: {  	_ =	swait.ge [sflag:s10], $0x2800  }
0x16: {  	[sflag:s10] =	ssyncset.done $0x0  }
0x17: {  	[sflag:s10] =	ssyncadd.s32 $0xFFFFD800  }
0x18: {  	[spmem:s13], [sflag:s12] =	dma.local [hbm:s5], $0x500  }
0x19: {  	_ =	swait.ge [sflag:s10], $0x500  }
0x1a: {  	[sflag:s10] =	ssyncset.done $0x0  }
0x1b: {  	[sflag:s10] =	ssyncadd.s32 $0xFFFFFB00  }
0x1c: {  	[bflag:$0x0] =	sbarrier.arrive $0xFFFF  }
0x1d: {  	[tilespmem:s15], [sflag:$0x1] =	stream.indirect.gather [hbm4b:s4+s14], $0x10, s3, s14, $0xb8;
	[tilespmem:$0x87A0] =	vst v63  }
0x1e: {  	s23 =	simm.s32 $0x80  }
0x1f: {  	[tilespmem:s16], [sflag:$0x2] =	stream.indirect.gather [hbm4b:s4+s14], $0x10, s23, s14, $0xb8;
	[tilespmem:$0x87A0] =	vst v63  }
0x20: {  	_ =	swait.ge [sflag:s17], $0x7D0  }
0x21: {  	[sflag:s17] =	ssyncset.done $0x0  }
0x22: {  	s29 =	simm.s32 $0x2800;
	[sflag:s17] =	ssyncadd.s32 $0xFFFFF830  }
0x23: {  	[spmem:s2] =	stream.indirect.scatter.add.f32 [tilespmem:s15], [sflag:$0x3], $0x10, s29, s14, $0xb8;
	[tilespmem:$0x87A0] =	vst v63  }
0x24: {  	_ =	swait.ge [sflag:s10], $0x7D0  }
0x25: {  	[sflag:s10] =	ssyncset.done $0x0  }
0x26: {  	s30 =	simm.s32 $0x100;
	[sflag:s10] =	ssyncadd.s32 $0xFFFFF830  }
0x27: {  	[tilespmem:s15], [sflag:$0x1] =	stream.indirect.gather [hbm4b:s4+s14], $0x10, s30, s14, $0xb8;
	[tilespmem:$0x87A0] =	vst v63  }
0x28: {  	_ =	swait.ge [sflag:s18], $0x7D0  }
0x29: {  	[sflag:s18] =	ssyncset.done $0x0  }
0x2a: {  	s31 =	simm.s32 $0x2880;
	[sflag:s18] =	ssyncadd.s32 $0xFFFFF830  }
0x2b: {  	[spmem:s2] =	stream.indirect.scatter.add.f32 [tilespmem:s16], [sflag:$0x3], $0x10, s31, s14, $0xb8;
	[tilespmem:$0x87A0] =	vst v63  }
0x2c: {  	_ =	swait.ge [sflag:s10], $0x7D0  }
0x2d: {  	s24 =	simm.s32 $0x800;
	s23 =	simm.s32 $0x100;
	[sflag:s10] =	ssyncset.done $0x0  }
.LBB2_2:
0x2e: {  	s25 =	sadd.s32 $0x80, s23  }
0x2f: {  	[sflag:s10] =	ssyncadd.s32 $0xFFFFF830;
	s26 =	smov.u32 s24;
	s28 =	sadd.s32 $0x400, s24  }
0x30: {  	[tilespmem:s16], [sflag:$0x2] =	stream.indirect.gather [hbm4b:s4+s14], $0x10, s25, s14, $0xb8;
	[tilespmem:$0x87A0] =	vst v63  }
0x31: {  	p0 =	sne.s32 s24, $0x9800;
	_ =	swait.ge [sflag:s17], $0x7D0  }
0x32: {  	[sflag:s17] =	ssyncset.done $0x0  }
0x33: {  	s24 =	sadd.s32 $0x2800, s23;
	[sflag:s17] =	ssyncadd.s32 $0xFFFFF830  }
0x34: {  	[spmem:s2] =	stream.indirect.scatter.add.f32 [tilespmem:s15], [sflag:$0x3], $0x10, s24, s14, $0xb8;
	[tilespmem:$0x87A0] =	vst v63  }
0x35: {  	_ =	swait.ge [sflag:s10], $0x7D0  }
0x36: {  	[sflag:s10] =	ssyncset.done $0x0  }
0x37: {  	s24 =	sadd.s32 $0x100, s23;
	[sflag:s10] =	ssyncadd.s32 $0xFFFFF830  }
0x38: {  	[tilespmem:s15], [sflag:$0x1] =	stream.indirect.gather [hbm4b:s4+s14], $0x10, s24, s14, $0xb8;
	[tilespmem:$0x87A0] =	vst v63  }
0x39: {  	_ =	swait.ge [sflag:s18], $0x7D0  }
.Ltmp0:
0x3a: {  	[sflag:s18] =	ssyncset.done $0x0;
	(pc) =	sbr.rel @p0 .LBB2_2-.Ltmp0, $4  }
0x3b: {  	s23 =	sadd.s32 $0x2880, s23;
	[sflag:s18] =	ssyncadd.s32 $0xFFFFF830  }
0x3c: {  	[spmem:s2] =	stream.indirect.scatter.add.f32 [tilespmem:s16], [sflag:$0x3], $0x10, s23, s14, $0xb8;
	[tilespmem:$0x87A0] =	vst v63  }
0x3d: {  	_ =	swait.ge [sflag:s10], $0x7D0  }
0x3e: {  	s24 =	smov.u32 s28;
	s23 =	sshra.s32 s26, $0x2;
	[sflag:s10] =	ssyncset.done $0x0  }
0x3f: {  	s24 =	sadd.s32 $0x80, s23;
	[sflag:s10] =	ssyncadd.s32 $0xFFFFF830  }
0x40: {  	[tilespmem:s16], [sflag:$0x2] =	stream.indirect.gather [hbm4b:s4+s14], $0x10, s24, s14, $0xb8;
	[tilespmem:$0x87A0] =	vst v63  }
0x41: {  	_ =	swait.ge [sflag:s17], $0x7D0  }
0x42: {  	[sflag:s17] =	ssyncset.done $0x0  }
0x43: {  	s29 =	sadd.s32 $0x2800, s23;
	[sflag:s17] =	ssyncadd.s32 $0xFFFFF830  }
0x44: {  	[spmem:s2] =	stream.indirect.scatter.add.f32 [tilespmem:s15], [sflag:$0x3], $0x10, s29, s14, $0xb8;
	[tilespmem:$0x87A0] =	vst v63  }
0x45: {  	_ =	swait.ge [sflag:s10], $0x7D0  }
0x46: {  	[sflag:s10] =	ssyncset.done $0x0  }
0x47: {  	s30 =	sadd.s32 $0x100, s23;
	[sflag:s10] =	ssyncadd.s32 $0xFFFFF830  }
0x48: {  	[tilespmem:s15], [sflag:$0x1] =	stream.indirect.gather [hbm4b:s4+s14], $0x10, s30, s14, $0xb8;
	[tilespmem:$0x87A0] =	vst v63  }
0x49: {  	_ =	swait.ge [sflag:s18], $0x7D0  }
0x4a: {  	[sflag:s18] =	ssyncset.done $0x0  }
0x4b: {  	s31 =	sadd.s32 $0x2880, s23;
	[sflag:s18] =	ssyncadd.s32 $0xFFFFF830  }
0x4c: {  	[spmem:s2] =	stream.indirect.scatter.add.f32 [tilespmem:s16], [sflag:$0x3], $0x10, s31, s14, $0xb8;
	[tilespmem:$0x87A0] =	vst v63  }
0x4d: {  	_ =	swait.ge [sflag:s10], $0x7D0  }
0x4e: {  	[sflag:s10] =	ssyncset.done $0x0  }
0x4f: {  	[sflag:s10] =	ssyncadd.s32 $0xFFFFF830  }
0x50: {  	[tilespmem:s16], [sflag:$0x2] =	stream.indirect.gather [hbm4b:s4+s14], $0x10, s19, s14, $0xb8;
	[tilespmem:$0x87A0] =	vst v63  }
0x51: {  	_ =	swait.ge [sflag:s17], $0x7D0  }
0x52: {  	[sflag:s17] =	ssyncset.done $0x0  }
0x53: {  	[sflag:s17] =	ssyncadd.s32 $0xFFFFF830  }
0x54: {  	[spmem:s2] =	stream.indirect.scatter.add.f32 [tilespmem:s15], [sflag:$0x3], $0x10, s20, s14, $0xb8;
	[tilespmem:$0x87A0] =	vst v63  }
0x55: {  	_ =	swait.ge [sflag:s10], $0x7D0  }
0x56: {  	[sflag:s10] =	ssyncset.done $0x0  }
0x57: {  	[sflag:s10] =	ssyncadd.s32 $0xFFFFF830  }
0x58: {  	_ =	swait.ge [sflag:s18], $0x7D0  }
0x59: {  	[sflag:s18] =	ssyncset.done $0x0  }
0x5a: {  	[sflag:s18] =	ssyncadd.s32 $0xFFFFF830  }
0x5b: {  	[spmem:s2] =	stream.indirect.scatter.add.f32 [tilespmem:s16], [sflag:$0x3], $0x10, s21, s14, $0xb8;
	[tilespmem:$0x87A0] =	vst v63  }
0x5c: {  	_ =	swait.ge [sflag:s10], $0x7D0  }
0x5d: {  	s22 =	sadd.s32 $0x1, s22;
	[sflag:s10] =	ssyncset.done $0x0  }
0x5e: {  	p0 =	sne.s32 s22, s9;
	[sflag:s10] =	ssyncadd.s32 $0xFFFFF830  }
.Ltmp1:
0x5f: {  	[bflag:$0x0] =	sbarrier.arrive $0xFFFF;
	(pc) =	sbr.rel @p0 .LBB2_1-.Ltmp1, $4  }
0x60: {  	[hbm:s8], [sflag:s12] =	dma.local [spmem:s13], $0x500  }
0x61: {  	_ =	swait.ge [sflag:s10], $0x500  }
0x62: {  	[sflag:s10] =	ssyncset.done $0x0  }
0x63: {  	[sflag:s10] =	ssyncadd.s32 $0xFFFFFB00  }
0x64: {  	_ =	sfence.sel $0x180000  }
0x65: {  	[bflag:$0x0] =	sbarrier.arrive $0xFFFF  }
0x66: {  	p0 =	sne.s32 s0, $0x0;
	_ =	strace $0x90000056  }
0x67: {  	s0 =	sadd.s32 @!p0 $0x100000, s1;
	[bflag:$0x2] =	sbarrier.arrive $0xFFFF  }
0x68: {  	[sflag:s0] =	ssyncadd.tile.s32 @!p0 $0x1;
	_ =	shalt  }
.Lfunc_end2:
_tile_overlayer_lowered:
.L_overlay_start_2:
0x69: {  	(tag) =	ssettag $0x2  }
0x6a: {  	s0 =	rddreg [dreg:$0x0];
	s2 =	stileid.u32  }
0x6b: {  	s1 =	rddreg [dreg:$0x1];
	p0 =	sne.s32 s2, $0x0  }
0x6c: {  	s3 =	rddreg [dreg:$0x2];
	[bflag:$0x3] =	sbarrier.arrive $0xFFFF;
	s2 =	simm.s32 @!p0 $0x1C03  }
0x6d: {  	[timem:s3], [sflag:s2] =	dma.local @!p0 [hbm:s0], s1  }
0x6e: {  	s0 =	simm.s32 @!p0 $0x3  }
0x6f: {  	_ =	swait.ge @!p0 [sflag:s0], s1  }
0x70: {  	s1 =	ssub.s32 @!p0 $0x0, s1;
	[sflag:s0] =	ssyncset.done @!p0 $0x0  }
0x71: {  	[sflag:s0] =	ssyncadd.s32 @!p0 s1  }
0x72: {  	[bflag:$0x3] =	sbarrier.arrive $0xFFFF  }
0x73: {  	_ =	shalt  }

// kernel: kernel.44.cloned.1.call-start
scs
__scs_entry_jumppad:
0x0: {  	(pc) =	sbr.rel $0x88, $3  }
0x1: {  	(tag) =	ssettag $0x0;
	lr =	simm.s32 $0x1  }
0x2: {  	[smem:$0x3F93] =	sst lr;
	_ =	strace $0xD0000000  }
0x3: {  	_ = 	snop  }
0x4: {  	_ = 	snop  }
0x5: {  	_ = 	snop  }
0x6: {  	_ = 	snop  }
0x7: {  	_ = 	snop  }
__scs_overlays_trampoline_lowered:
0x8: {  	[smem:$0x3FA2] =	sst s0  }
0x9: {  	[smem:$0x3FA3] =	sst s1  }
0xa: {  	[smem:$0x3FA4] =	sst s2  }
0xb: {  	[smem:$0x3FA5] =	sst s3  }
0xc: {  	[smem:$0x3FA6] =	sst s4  }
0xd: {  	[smem:$0x3FA7] =	sst s5  }
0xe: {  	[smem:$0x3FA8] =	sst s6  }
0xf: {  	[smem:$0x3FA9] =	sst s7  }
0x10: {  	[smem:$0x3FAA] =	sst s8  }
0x11: {  	[smem:$0x3FAB] =	sst s9;
	s0 =	simm.s32 @!p0 $0x0  }
0x12: {  	s1 =	sld [smem:$0x3F91];
	s0 =	simm.s32 @p0 $0x1  }
0x13: {  	[smem:$0x3FAC] =	sst s0;
	s0 =	simm.s32 @!p1 $0x0  }
0x14: {  	s2 =	sld [smem:$0x3F90];
	s0 =	simm.s32 @p1 $0x1  }
0x15: {  	[smem:$0x3FAD] =	sst s0;
	s0 =	simm.s32 @!p2 $0x0  }
0x16: {  	s3 =	sld [smem:$0x3FDB];
	s0 =	simm.s32 @p2 $0x1  }
0x17: {  	s4 =	simm.s32 $0x1BF5;
	[smem:$0x3FAF] =	sst s0  }
0x18: {  	s0 =	sld [smem:$0x3F92];
	_ =	swait.ge [sflag:s4], $0x0  }
0x19: {  	s7 =	sld [smem:$0x3F93]  }
0x1a: {  	s8 =	sadd.s32 $0xFFFFE003, lr  }
0x1b: {  	s9 =	sadd.s32 $0xFFFFFEF7, lr;
	s5 =	simm.s32 $0xFFFFFFFF;
	p2 =	slt.u32 s8, $0xFFFFF086  }
0x1c: {  	p1 =	slt.u32 s9, $0xF7A;
	s5 =	simm.s32 @!p2 $0x0  }
0x1d: {  	s5 =	simm.s32 @p1 $0x1;
	p0 =	seq.s32 s7, s2  }
0x1e: {  	s7 =	smul.u32 @!p0 $0xF7A, s2;
	p2 =	seq.s32 @!p0 s5, $0x0  }
0x1f: {  	s9 =	smul.u32 $0xF7A, s1;
	s8 =	simm.s32 @!p0 $0x1BF5;
	p2 =	por !p2, p0  }
0x20: {  	[sflag:s8] =	ssyncset.s32 @!p0 $0xFFFFF086;
	s6 =	sadd.s32 @!p0 s3, s7;
	s7 =	simm.s32 @!p0 $0x108  }
0x21: {  	s3 =	sadd.s32 s3, s9;
	s6 =	sadd.s32 @!p0 $0x88, s6;
	s7 =	simm.s32 @p2 $0x1082  }
0x22: {  	[simem:s7], [sflag:s8] =	dma.local @!p0 [hbm:s6], $0xF7A  }
0x23: {  	s9 =	sor.u32 $0xD0000000, s2;
	s6 =	simm.s32 $0x108;
	_ =	swait.ge @!p0 [sflag:s8], $0x0  }
0x24: {  	s3 =	sadd.s32 $0x88, s3;
	s6 =	simm.s32 @!p1 $0x1082;
	[sflag:s4] =	ssyncset.s32 $0xFFFFF086  }
0x25: {  	[simem:s6], [sflag:s4] =	dma.local [hbm:s3], $0xF7A  }
0x26: {  	[smem:$0x3F93] =	sst s1;
	(tag) =	ssettag s2;
	_ =	strace s9  }
0x27: {  	s1 =	sld [smem:$0x3FA3]  }
0x28: {  	s2 =	sld [smem:$0x3FA4]  }
0x29: {  	s4 =	sld [smem:$0x3FA6]  }
0x2a: {  	p0 =	seq.s32 s5, $0x0;
	s5 =	sld [smem:$0x3FA7]  }
0x2b: {  	s6 =	sld [smem:$0x3FA8]  }
0x2c: {  	s7 =	sld [smem:$0x3FA9]  }
0x2d: {  	s3 =	simm.s32 $0x108;
	s8 =	sld [smem:$0x3FAA]  }
0x2e: {  	s3 =	simm.s32 @!p0 $0x1082;
	s9 =	sld [smem:$0x3FAB]  }
0x2f: {  	lr =	sadd.s32 s0, s3;
	s0 =	sld [smem:$0x3FA2]  }
0x30: {  	s3 =	sld [smem:$0x3FA5]  }
0x31: {  	[smem:$0x3FAE] =	sst s10  }
0x32: {  	s10 =	sld [smem:$0x3FAC];
	_ =	sdelay $0x3  }
0x33: {  	p0 =	seq.s32 s10, $0x1;
	s10 =	sld [smem:$0x3FAE];
	_ =	sdelay $0x3  }
0x34: {  	[smem:$0x3FAE] =	sst s10  }
0x35: {  	s10 =	sld [smem:$0x3FAD];
	_ =	sdelay $0x3  }
0x36: {  	p1 =	seq.s32 s10, $0x1;
	s10 =	sld [smem:$0x3FAE];
	_ =	sdelay $0x3  }
0x37: {  	[smem:$0x3FAE] =	sst s10  }
0x38: {  	s10 =	sld [smem:$0x3FAF]  }
0x39: {  	_ = 	snop;
	(pc) =	sbr.ind lr, $3  }
0x3a: {  	_ = 	snop  }
0x3b: {  	_ = 	snop  }
0x3c: {  	p2 =	seq.s32 s10, $0x1;
	s10 =	sld [smem:$0x3FAE]  }
0x3d: {  	_ =	shalt  }
0x3e: {  	_ =	shalt  }
0x3f: {  	_ =	shalt  }
0x40: {  	_ =	shalt  }
0x41: {  	_ =	shalt  }
0x42: {  	_ =	shalt  }
0x43: {  	_ =	shalt  }
0x44: {  	_ =	shalt  }
0x45: {  	_ =	shalt  }
0x46: {  	_ =	shalt  }
0x47: {  	_ =	shalt  }
0x48: {  	_ =	shalt  }
0x49: {  	_ =	shalt  }
0x4a: {  	_ =	shalt  }
0x4b: {  	_ =	shalt  }
0x4c: {  	_ =	shalt  }
0x4d: {  	_ =	shalt  }
0x4e: {  	_ =	shalt  }
0x4f: {  	_ =	shalt  }
0x50: {  	_ =	shalt  }
0x51: {  	_ =	shalt  }
0x52: {  	_ =	shalt  }
0x53: {  	_ =	shalt  }
0x54: {  	_ =	shalt  }
0x55: {  	_ =	shalt  }
0x56: {  	_ =	shalt  }
0x57: {  	_ =	shalt  }
0x58: {  	_ =	shalt  }
0x59: {  	_ =	shalt  }
0x5a: {  	_ =	shalt  }
0x5b: {  	_ =	shalt  }
0x5c: {  	_ =	shalt  }
0x5d: {  	_ =	shalt  }
0x5e: {  	_ =	shalt  }
0x5f: {  	_ =	shalt  }
0x60: {  	_ =	shalt  }
0x61: {  	_ =	shalt  }
0x62: {  	_ =	shalt  }
0x63: {  	_ =	shalt  }
0x64: {  	_ =	shalt  }
0x65: {  	_ =	shalt  }
0x66: {  	_ =	shalt  }
0x67: {  	_ =	shalt  }
0x68: {  	_ =	shalt  }
0x69: {  	_ =	shalt  }
0x6a: {  	_ =	shalt  }
0x6b: {  	_ =	shalt  }
0x6c: {  	_ =	shalt  }
0x6d: {  	_ =	shalt  }
0x6e: {  	_ =	shalt  }
0x6f: {  	_ =	shalt  }
0x70: {  	_ =	shalt  }
0x71: {  	_ =	shalt  }
0x72: {  	_ =	shalt  }
0x73: {  	_ =	shalt  }
0x74: {  	_ =	shalt  }
0x75: {  	_ =	shalt  }
0x76: {  	_ =	shalt  }
0x77: {  	_ =	shalt  }
0x78: {  	_ =	shalt  }
0x79: {  	_ =	shalt  }
0x7a: {  	_ =	shalt  }
0x7b: {  	_ =	shalt  }
0x7c: {  	_ =	shalt  }
0x7d: {  	_ =	shalt  }
0x7e: {  	_ =	shalt  }
0x7f: {  	_ =	shalt  }
0x80: {  	_ =	shalt  }
0x81: {  	_ =	shalt  }
0x82: {  	_ =	shalt  }
0x83: {  	_ =	shalt  }
0x84: {  	_ =	shalt  }
0x85: {  	_ =	shalt  }
0x86: {  	_ =	shalt  }
0x87: {  	_ =	shalt  }
.Lfunc_end0:
.L_simem_size_0:
called_computation.6_lowered:
.L_overlay_start_0:
0x88: {  	s2 =	sld [smem:$0x3FD9]  }
0x89: {  	s3 =	sld [smem:$0x3FFE];
	_ =	sdelay $0x1  }
0x8a: {  	s1 =	srdreg.scid  }
0x8b: {  	s0 =	sand.u32 $0x1, s1  }
0x8c: {  	s16 =	sshll.u32 s0, $0xA;
	s2 =	sadd.s32 s3, s2  }
0x8d: {  	s2 =	sadd.s32 s2, s16  }
0x8e: {  	[smem:$0x3FBA] =	sst s2  }
0x8f: {  	_ = 	snop  }
0x90: {  	(tm) =	ssettm $0x1  }
0x91: {  	s17 =	sld [smem:$0x3FFB];
	_ =	sdelay $0x3  }
0x92: {  	_ =	strace s17  }
0x93: {  	s2 =	sld [smem:$0x3FFC];
	_ =	sdelay $0x3  }
0x94: {  	_ =	strace s2  }
0x95: {  	s2 =	sld [smem:$0x3FFD];
	_ =	sdelay $0x3  }
0x96: {  	_ =	strace s2  }
0x97: {  	_ =	strace $0x8FFFFFFF  }
0x98: {  	s18 =	sld [smem:$0x3FDB];
	_ =	sdelay $0x1  }
0x99: {  	s19 =	simm.s32 $_scs_section_size  }
0x9a: {  	s4 =	simm.s32 $_size__tile_overlayer_lowered;
	s5 =	simm.s32 $_tile_overlayer_lowered  }
0x9b: {  	s22 =	simm.s32 $0x1BFF;
	s21 =	sshll.u32 s5, $0x1;
	s2 =	sadd.s32 s19, s18  }
0x9c: {  	s6 =	simm.s32 $0x0;
	s20 =	sshll.u32 s4, $0x1;
	s4 =	sadd.s32 s21, s2  }
0x9d: {  	[timem:s6], [sflag:s22] =	dma.local [hbm:s4], s20  }
0x9e: {  	_ =	swait.ge [sflag:s22], s20  }
0x9f: {  	s3 =	ssub.s32 $0x0, s20;
	[sflag:s22] =	ssyncset.done $0x0  }
0xa0: {  	[sflag:s22] =	ssyncadd.s32 s3;
	_ =	sdelay $0x1  }
0xa1: {  	s23 =	simm.s32 $0x1B8B  }
0xa2: {  	_ =	swait.ge [sflag:s23], $0x1  }
0xa3: {  	[sflag:s23] =	ssyncset.done $0x0  }
0xa4: {  	s25 =	simm.s32 $0x1B8E;
	s24 =	sld [smem:$0x3FFE];
	[sflag:s23] =	ssyncadd.s32 $0xFFFFFFFF  }
0xa5: {  	s26 =	simm.s32 $execute0_lowered;
	[smem:$0x3FD2] =	sst s25  }
0xa6: {  	s4 =	sshll.u32 s26, $0x1;
	_ =	strace $0x80000058;
	[dreg:$0x1] =	wrdreg $0xFFFFFFFF  }
0xa7: {  	s28 =	simm.s32 $_size_execute0_lowered;
	s2 =	sadd.s32 s2, s4;
	[dreg:$0x0] =	wrdreg $0x0  }
0xa8: {  	s4 =	sshll.u32 s28, $0x1;
	[dreg:$0x2] =	wrdreg s2  }
0xa9: {  	[dreg:$0x3] =	wrdreg s4  }
0xaa: {  	[dreg:$0x4] =	wrdreg $0xC0  }
0xab: {  	_ =	task [dreg:s6], $0x5FFFF  }
0xac: {  	[dreg:$0x1] =	wrdreg $0xFFFFFFFF  }
0xad: {  	[dreg:$0x0] =	wrdreg $0x60  }
0xae: {  	[dreg:$0x2] =	wrdreg s24  }
0xaf: {  	[dreg:$0x3] =	wrdreg $0x5FA00  }
0xb0: {  	[dreg:$0x4] =	wrdreg $0x9  }
0xb1: {  	_ =	task.clear_ibuf [dreg:s6], $0x5FFFF;
	_ =	strace $0x90000058  }
0xb2: {  	s29 =	simm.s32 $0x9;
	_ =	strace $0x8000005A  }
0xb3: {  	_ =	swait.ge [sflag:s29], $0x1  }
0xb4: {  	[sflag:s29] =	ssyncadd.s32 $0xFFFFFFFF  }
0xb5: {  	_ =	strace $0x9000005A  }
0xb6: {  	_ =	sfence  }
0xb7: {  	s30 =	sld [smem:$0x0];
	_ =	sdelay $0x2  }
0xb8: {  	s31 =	sshll.u32 s1, $0xD;
	s1 =	sshrl.u32 s1, $0x2  }
0xb9: {  	s3 =	sand.u32 $0x4000, s31;
	s1 =	sadd.s32 s1, s30  }
0xba: {  	s0 =	sor.u32 s3, s0;
	s1 =	sshll.u32 s1, $0x11  }
0xbb: {  	s0 =	sor.u32 s1, s0  }
0xbc: {  	s0 =	sadd.s32 $0x8F2B, s0  }
0xbd: {  	[sflag:s0] =	ssyncadd.remote.s32 $0x1  }
0xbe: {  	_ =	sfence.sel $0xFFFF  }
0xbf: {  	[dreg:$0x0] =	wrdreg $0xFFFFFFFF;
	(pc) =	sbr.abs _section_cstart, $3  }
0xc0: {  	[dreg:$0x1] =	wrdreg $0xFFFFFFFF  }
0xc1: {  	_ =	task.clear_ibuf [dreg:s6], $0x2FFFF;
	_ =	strace $0x9FFFFFFF  }
0xc2: {  	(tm) =	ssettm $0x7FFFFFFF  }
0xc3: {  	_ =	shalt  }
tec
execute0_lowered:
.L_overlay_start_1:
0x0: {  	(tag) =	ssettag $0x1  }
0x1: {  	s6 =	rddreg [dreg:$0x0]  }
0x2: {  	s0 =	srdreg.scid;
	s2 =	rddreg [dreg:$0x1]  }
0x3: {  	s3 =	simm.s32 $0x0;
	s14 =	simm.s32 $0x7D;
	s15 =	simm.s32 $0x5000  }
0x4: {  	s16 =	simm.s32 $0x57D0;
	s17 =	simm.s32 $0x1;
	s18 =	simm.s32 $0x2  }
0x5: {  	s19 =	simm.s32 $0x2780;
	s20 =	simm.s32 $0x4F00;
	s21 =	simm.s32 $0x4F80  }
0x6: {  	s22 =	simm.s32 $0x0;
	s5 =	sand.u32 $0x1, s0;
	s0 =	stileid.u32  }
0x7: {  	[smem:$0x7FF] =	sst s3;
	s4 =	sadd.s32 $0x58200, s6;
	s8 =	smul.u32 $0x2800, s0  }
0x8: {  	s1 =	sshll.u32 s5, $0x4;
	s9 =	smul.u32 $0x28000, s5;
	s10 =	ssub.s32 $0x2, s5  }
0x9: {  	s5 =	sadd.s32 $0x2FC00, s6;
	s12 =	sshll.u32 s0, $0x6;
	s1 =	sor.u32 s0, s1  }
0xa: {  	s11 =	sshrl.u32 s10, $0x1;
	s12 =	sor.u32 $0x1C03, s12;
	s7 =	smul.u32 $0x500, s1  }
0xb: {  	s1 =	rddreg [dreg:$0x2];
	_ =	strace $0x80000059;
	s9 =	sadd.s32 s8, s9  }
0xc: {  	s10 =	ssub.s32 s10, s11;
	s13 =	sadd.s32 s8, s2;
	s11 =	simm.s32 $0x2800  }
0xd: {  	s9 =	sshrl.u32 s9, $0x3;
	s13 =	sshrl.u32 s13, $0x3;
	s7 =	sadd.s32 s7, s6  }
0xe: {  	s9 =	sadd.s32 s9, s6;
	s6 =	sadd.s32 $0x20C00, s7;
	s7 =	sadd.s32 $0x16C00, s7  }
0xf: {  	s8 =	sadd.s32 $0x5D200, s9;
	s9 =	smax.u32 s10, $0x1;
	s10 =	simm.s32 $0x3  }
.LBB2_1:
0x10: {  	[tilespmem:s3], [sflag:$0x3] =	stream.linear.gather [hbm4b:s6+s3], $0x2800, $0x38;
	[tilespmem:$0x87A0] =	vst v63  }
0x11: {  	_ =	swait.ge [sflag:s10], $0x2800  }
0x12: {  	[sflag:s10] =	ssyncset.done $0x0  }
0x13: {  	[sflag:s10] =	ssyncadd.s32 $0xFFFFD800  }
0x14: {  	[tilespmem:s11], [sflag:$0x3] =	stream.linear.gather [hbm4b:s7+s3], $0x2800, $0x38;
	[tilespmem:$0x87A0] =	vst v63  }
0x15: {  	_ =	swait.ge [sflag:s10], $0x2800  }
0x16: {  	[sflag:s10] =	ssyncset.done $0x0  }
0x17: {  	[sflag:s10] =	ssyncadd.s32 $0xFFFFD800  }
0x18: {  	[spmem:s13], [sflag:s12] =	dma.local [hbm:s5], $0x500  }
0x19: {  	_ =	swait.ge [sflag:s10], $0x500  }
0x1a: {  	[sflag:s10] =	ssyncset.done $0x0  }
0x1b: {  	[sflag:s10] =	ssyncadd.s32 $0xFFFFFB00  }
0x1c: {  	[bflag:$0x0] =	sbarrier.arrive $0xFFFF  }
0x1d: {  	[tilespmem:s15], [sflag:$0x1] =	stream.indirect.gather [hbm4b:s4+s14], $0x10, s3, s14, $0xb8;
	[tilespmem:$0x87A0] =	vst v63  }
0x1e: {  	s23 =	simm.s32 $0x80  }
0x1f: {  	[tilespmem:s16], [sflag:$0x2] =	stream.indirect.gather [hbm4b:s4+s14], $0x10, s23, s14, $0xb8;
	[tilespmem:$0x87A0] =	vst v63  }
0x20: {  	_ =	swait.ge [sflag:s17], $0x7D0  }
0x21: {  	[sflag:s17] =	ssyncset.done $0x0  }
0x22: {  	s29 =	simm.s32 $0x2800;
	[sflag:s17] =	ssyncadd.s32 $0xFFFFF830  }
0x23: {  	[spmem:s2] =	stream.indirect.scatter.add.f32 [tilespmem:s15], [sflag:$0x3], $0x10, s29, s14, $0xb8;
	[tilespmem:$0x87A0] =	vst v63  }
0x24: {  	_ =	swait.ge [sflag:s10], $0x7D0  }
0x25: {  	[sflag:s10] =	ssyncset.done $0x0  }
0x26: {  	s30 =	simm.s32 $0x100;
	[sflag:s10] =	ssyncadd.s32 $0xFFFFF830  }
0x27: {  	[tilespmem:s15], [sflag:$0x1] =	stream.indirect.gather [hbm4b:s4+s14], $0x10, s30, s14, $0xb8;
	[tilespmem:$0x87A0] =	vst v63  }
0x28: {  	_ =	swait.ge [sflag:s18], $0x7D0  }
0x29: {  	[sflag:s18] =	ssyncset.done $0x0  }
0x2a: {  	s31 =	simm.s32 $0x2880;
	[sflag:s18] =	ssyncadd.s32 $0xFFFFF830  }
0x2b: {  	[spmem:s2] =	stream.indirect.scatter.add.f32 [tilespmem:s16], [sflag:$0x3], $0x10, s31, s14, $0xb8;
	[tilespmem:$0x87A0] =	vst v63  }
0x2c: {  	_ =	swait.ge [sflag:s10], $0x7D0  }
0x2d: {  	s24 =	simm.s32 $0x800;
	s23 =	simm.s32 $0x100;
	[sflag:s10] =	ssyncset.done $0x0  }
.LBB2_2:
0x2e: {  	s25 =	sadd.s32 $0x80, s23  }
0x2f: {  	[sflag:s10] =	ssyncadd.s32 $0xFFFFF830;
	s26 =	smov.u32 s24;
	s28 =	sadd.s32 $0x400, s24  }
0x30: {  	[tilespmem:s16], [sflag:$0x2] =	stream.indirect.gather [hbm4b:s4+s14], $0x10, s25, s14, $0xb8;
	[tilespmem:$0x87A0] =	vst v63  }
0x31: {  	p0 =	sne.s32 s24, $0x9800;
	_ =	swait.ge [sflag:s17], $0x7D0  }
0x32: {  	[sflag:s17] =	ssyncset.done $0x0  }
0x33: {  	s24 =	sadd.s32 $0x2800, s23;
	[sflag:s17] =	ssyncadd.s32 $0xFFFFF830  }
0x34: {  	[spmem:s2] =	stream.indirect.scatter.add.f32 [tilespmem:s15], [sflag:$0x3], $0x10, s24, s14, $0xb8;
	[tilespmem:$0x87A0] =	vst v63  }
0x35: {  	_ =	swait.ge [sflag:s10], $0x7D0  }
0x36: {  	[sflag:s10] =	ssyncset.done $0x0  }
0x37: {  	s24 =	sadd.s32 $0x100, s23;
	[sflag:s10] =	ssyncadd.s32 $0xFFFFF830  }
0x38: {  	[tilespmem:s15], [sflag:$0x1] =	stream.indirect.gather [hbm4b:s4+s14], $0x10, s24, s14, $0xb8;
	[tilespmem:$0x87A0] =	vst v63  }
0x39: {  	_ =	swait.ge [sflag:s18], $0x7D0  }
.Ltmp0:
0x3a: {  	[sflag:s18] =	ssyncset.done $0x0;
	(pc) =	sbr.rel @p0 .LBB2_2-.Ltmp0, $4  }
0x3b: {  	s23 =	sadd.s32 $0x2880, s23;
	[sflag:s18] =	ssyncadd.s32 $0xFFFFF830  }
0x3c: {  	[spmem:s2] =	stream.indirect.scatter.add.f32 [tilespmem:s16], [sflag:$0x3], $0x10, s23, s14, $0xb8;
	[tilespmem:$0x87A0] =	vst v63  }
0x3d: {  	_ =	swait.ge [sflag:s10], $0x7D0  }
0x3e: {  	s24 =	smov.u32 s28;
	s23 =	sshra.s32 s26, $0x2;
	[sflag:s10] =	ssyncset.done $0x0  }
0x3f: {  	s24 =	sadd.s32 $0x80, s23;
	[sflag:s10] =	ssyncadd.s32 $0xFFFFF830  }
0x40: {  	[tilespmem:s16], [sflag:$0x2] =	stream.indirect.gather [hbm4b:s4+s14], $0x10, s24, s14, $0xb8;
	[tilespmem:$0x87A0] =	vst v63  }
0x41: {  	_ =	swait.ge [sflag:s17], $0x7D0  }
0x42: {  	[sflag:s17] =	ssyncset.done $0x0  }
0x43: {  	s29 =	sadd.s32 $0x2800, s23;
	[sflag:s17] =	ssyncadd.s32 $0xFFFFF830  }
0x44: {  	[spmem:s2] =	stream.indirect.scatter.add.f32 [tilespmem:s15], [sflag:$0x3], $0x10, s29, s14, $0xb8;
	[tilespmem:$0x87A0] =	vst v63  }
0x45: {  	_ =	swait.ge [sflag:s10], $0x7D0  }
0x46: {  	[sflag:s10] =	ssyncset.done $0x0  }
0x47: {  	s30 =	sadd.s32 $0x100, s23;
	[sflag:s10] =	ssyncadd.s32 $0xFFFFF830  }
0x48: {  	[tilespmem:s15], [sflag:$0x1] =	stream.indirect.gather [hbm4b:s4+s14], $0x10, s30, s14, $0xb8;
	[tilespmem:$0x87A0] =	vst v63  }
0x49: {  	_ =	swait.ge [sflag:s18], $0x7D0  }
0x4a: {  	[sflag:s18] =	ssyncset.done $0x0  }
0x4b: {  	s31 =	sadd.s32 $0x2880, s23;
	[sflag:s18] =	ssyncadd.s32 $0xFFFFF830  }
0x4c: {  	[spmem:s2] =	stream.indirect.scatter.add.f32 [tilespmem:s16], [sflag:$0x3], $0x10, s31, s14, $0xb8;
	[tilespmem:$0x87A0] =	vst v63  }
0x4d: {  	_ =	swait.ge [sflag:s10], $0x7D0  }
0x4e: {  	[sflag:s10] =	ssyncset.done $0x0  }
0x4f: {  	[sflag:s10] =	ssyncadd.s32 $0xFFFFF830  }
0x50: {  	[tilespmem:s16], [sflag:$0x2] =	stream.indirect.gather [hbm4b:s4+s14], $0x10, s19, s14, $0xb8;
	[tilespmem:$0x87A0] =	vst v63  }
0x51: {  	_ =	swait.ge [sflag:s17], $0x7D0  }
0x52: {  	[sflag:s17] =	ssyncset.done $0x0  }
0x53: {  	[sflag:s17] =	ssyncadd.s32 $0xFFFFF830  }
0x54: {  	[spmem:s2] =	stream.indirect.scatter.add.f32 [tilespmem:s15], [sflag:$0x3], $0x10, s20, s14, $0xb8;
	[tilespmem:$0x87A0] =	vst v63  }
0x55: {  	_ =	swait.ge [sflag:s10], $0x7D0  }
0x56: {  	[sflag:s10] =	ssyncset.done $0x0  }
0x57: {  	[sflag:s10] =	ssyncadd.s32 $0xFFFFF830  }
0x58: {  	_ =	swait.ge [sflag:s18], $0x7D0  }
0x59: {  	[sflag:s18] =	ssyncset.done $0x0  }
0x5a: {  	[sflag:s18] =	ssyncadd.s32 $0xFFFFF830  }
0x5b: {  	[spmem:s2] =	stream.indirect.scatter.add.f32 [tilespmem:s16], [sflag:$0x3], $0x10, s21, s14, $0xb8;
	[tilespmem:$0x87A0] =	vst v63  }
0x5c: {  	_ =	swait.ge [sflag:s10], $0x7D0  }
0x5d: {  	s22 =	sadd.s32 $0x1, s22;
	[sflag:s10] =	ssyncset.done $0x0  }
0x5e: {  	p0 =	sne.s32 s22, s9;
	[sflag:s10] =	ssyncadd.s32 $0xFFFFF830  }
.Ltmp1:
0x5f: {  	[bflag:$0x0] =	sbarrier.arrive $0xFFFF;
	(pc) =	sbr.rel @p0 .LBB2_1-.Ltmp1, $4  }
0x60: {  	[hbm:s8], [sflag:s12] =	dma.local [spmem:s13], $0x500  }
0x61: {  	_ =	swait.ge [sflag:s10], $0x500  }
0x62: {  	[sflag:s10] =	ssyncset.done $0x0  }
0x63: {  	[sflag:s10] =	ssyncadd.s32 $0xFFFFFB00  }
0x64: {  	_ =	sfence.sel $0x180000  }
0x65: {  	[bflag:$0x0] =	sbarrier.arrive $0xFFFF  }
0x66: {  	p0 =	sne.s32 s0, $0x0;
	_ =	strace $0x90000059  }
0x67: {  	s0 =	sadd.s32 @!p0 $0x100000, s1;
	[bflag:$0x2] =	sbarrier.arrive $0xFFFF  }
0x68: {  	[sflag:s0] =	ssyncadd.tile.s32 @!p0 $0x1;
	_ =	shalt  }
.Lfunc_end2:
_tile_overlayer_lowered:
.L_overlay_start_2:
0x69: {  	(tag) =	ssettag $0x2  }
0x6a: {  	s0 =	rddreg [dreg:$0x0];
	s2 =	stileid.u32  }
0x6b: {  	s1 =	rddreg [dreg:$0x1];
	p0 =	sne.s32 s2, $0x0  }
0x6c: {  	s3 =	rddreg [dreg:$0x2];
	[bflag:$0x3] =	sbarrier.arrive $0xFFFF;
	s2 =	simm.s32 @!p0 $0x1C03  }
0x6d: {  	[timem:s3], [sflag:s2] =	dma.local @!p0 [hbm:s0], s1  }
0x6e: {  	s0 =	simm.s32 @!p0 $0x3  }
0x6f: {  	_ =	swait.ge @!p0 [sflag:s0], s1  }
0x70: {  	s1 =	ssub.s32 @!p0 $0x0, s1;
	[sflag:s0] =	ssyncset.done @!p0 $0x0  }
0x71: {  	[sflag:s0] =	ssyncadd.s32 @!p0 s1  }
0x72: {  	[bflag:$0x3] =	sbarrier.arrive $0xFFFF  }
0x73: {  	_ =	shalt  }

// kernel: kernel.47.cloned.1.call-start
scs
__scs_entry_jumppad:
0x0: {  	(pc) =	sbr.rel $0x88, $3  }
0x1: {  	(tag) =	ssettag $0x0;
	lr =	simm.s32 $0x1  }
0x2: {  	[smem:$0x3F93] =	sst lr;
	_ =	strace $0xD0000000  }
0x3: {  	_ = 	snop  }
0x4: {  	_ = 	snop  }
0x5: {  	_ = 	snop  }
0x6: {  	_ = 	snop  }
0x7: {  	_ = 	snop  }
__scs_overlays_trampoline_lowered:
0x8: {  	[smem:$0x3FA2] =	sst s0  }
0x9: {  	[smem:$0x3FA3] =	sst s1  }
0xa: {  	[smem:$0x3FA4] =	sst s2  }
0xb: {  	[smem:$0x3FA5] =	sst s3  }
0xc: {  	[smem:$0x3FA6] =	sst s4  }
0xd: {  	[smem:$0x3FA7] =	sst s5  }
0xe: {  	[smem:$0x3FA8] =	sst s6  }
0xf: {  	[smem:$0x3FA9] =	sst s7  }
0x10: {  	[smem:$0x3FAA] =	sst s8  }
0x11: {  	[smem:$0x3FAB] =	sst s9;
	s0 =	simm.s32 @!p0 $0x0  }
0x12: {  	s1 =	sld [smem:$0x3F91];
	s0 =	simm.s32 @p0 $0x1  }
0x13: {  	[smem:$0x3FAC] =	sst s0;
	s0 =	simm.s32 @!p1 $0x0  }
0x14: {  	s2 =	sld [smem:$0x3F90];
	s0 =	simm.s32 @p1 $0x1  }
0x15: {  	[smem:$0x3FAD] =	sst s0;
	s0 =	simm.s32 @!p2 $0x0  }
0x16: {  	s3 =	sld [smem:$0x3FDB];
	s0 =	simm.s32 @p2 $0x1  }
0x17: {  	s4 =	simm.s32 $0x1BF5;
	[smem:$0x3FAF] =	sst s0  }
0x18: {  	s0 =	sld [smem:$0x3F92];
	_ =	swait.ge [sflag:s4], $0x0  }
0x19: {  	s7 =	sld [smem:$0x3F93]  }
0x1a: {  	s8 =	sadd.s32 $0xFFFFE003, lr  }
0x1b: {  	s9 =	sadd.s32 $0xFFFFFEF7, lr;
	s5 =	simm.s32 $0xFFFFFFFF;
	p2 =	slt.u32 s8, $0xFFFFF086  }
0x1c: {  	p1 =	slt.u32 s9, $0xF7A;
	s5 =	simm.s32 @!p2 $0x0  }
0x1d: {  	s5 =	simm.s32 @p1 $0x1;
	p0 =	seq.s32 s7, s2  }
0x1e: {  	s7 =	smul.u32 @!p0 $0xF7A, s2;
	p2 =	seq.s32 @!p0 s5, $0x0  }
0x1f: {  	s9 =	smul.u32 $0xF7A, s1;
	s8 =	simm.s32 @!p0 $0x1BF5;
	p2 =	por !p2, p0  }
0x20: {  	[sflag:s8] =	ssyncset.s32 @!p0 $0xFFFFF086;
	s6 =	sadd.s32 @!p0 s3, s7;
	s7 =	simm.s32 @!p0 $0x108  }
0x21: {  	s3 =	sadd.s32 s3, s9;
	s6 =	sadd.s32 @!p0 $0x88, s6;
	s7 =	simm.s32 @p2 $0x1082  }
0x22: {  	[simem:s7], [sflag:s8] =	dma.local @!p0 [hbm:s6], $0xF7A  }
0x23: {  	s9 =	sor.u32 $0xD0000000, s2;
	s6 =	simm.s32 $0x108;
	_ =	swait.ge @!p0 [sflag:s8], $0x0  }
0x24: {  	s3 =	sadd.s32 $0x88, s3;
	s6 =	simm.s32 @!p1 $0x1082;
	[sflag:s4] =	ssyncset.s32 $0xFFFFF086  }
0x25: {  	[simem:s6], [sflag:s4] =	dma.local [hbm:s3], $0xF7A  }
0x26: {  	[smem:$0x3F93] =	sst s1;
	(tag) =	ssettag s2;
	_ =	strace s9  }
0x27: {  	s1 =	sld [smem:$0x3FA3]  }
0x28: {  	s2 =	sld [smem:$0x3FA4]  }
0x29: {  	s4 =	sld [smem:$0x3FA6]  }
0x2a: {  	p0 =	seq.s32 s5, $0x0;
	s5 =	sld [smem:$0x3FA7]  }
0x2b: {  	s6 =	sld [smem:$0x3FA8]  }
0x2c: {  	s7 =	sld [smem:$0x3FA9]  }
0x2d: {  	s3 =	simm.s32 $0x108;
	s8 =	sld [smem:$0x3FAA]  }
0x2e: {  	s3 =	simm.s32 @!p0 $0x1082;
	s9 =	sld [smem:$0x3FAB]  }
0x2f: {  	lr =	sadd.s32 s0, s3;
	s0 =	sld [smem:$0x3FA2]  }
0x30: {  	s3 =	sld [smem:$0x3FA5]  }
0x31: {  	[smem:$0x3FAE] =	sst s10  }
0x32: {  	s10 =	sld [smem:$0x3FAC];
	_ =	sdelay $0x3  }
0x33: {  	p0 =	seq.s32 s10, $0x1;
	s10 =	sld [smem:$0x3FAE];
	_ =	sdelay $0x3  }
0x34: {  	[smem:$0x3FAE] =	sst s10  }
0x35: {  	s10 =	sld [smem:$0x3FAD];
	_ =	sdelay $0x3  }
0x36: {  	p1 =	seq.s32 s10, $0x1;
	s10 =	sld [smem:$0x3FAE];
	_ =	sdelay $0x3  }
0x37: {  	[smem:$0x3FAE] =	sst s10  }
0x38: {  	s10 =	sld [smem:$0x3FAF]  }
0x39: {  	_ = 	snop;
	(pc) =	sbr.ind lr, $3  }
0x3a: {  	_ = 	snop  }
0x3b: {  	_ = 	snop  }
0x3c: {  	p2 =	seq.s32 s10, $0x1;
	s10 =	sld [smem:$0x3FAE]  }
0x3d: {  	_ =	shalt  }
0x3e: {  	_ =	shalt  }
0x3f: {  	_ =	shalt  }
0x40: {  	_ =	shalt  }
0x41: {  	_ =	shalt  }
0x42: {  	_ =	shalt  }
0x43: {  	_ =	shalt  }
0x44: {  	_ =	shalt  }
0x45: {  	_ =	shalt  }
0x46: {  	_ =	shalt  }
0x47: {  	_ =	shalt  }
0x48: {  	_ =	shalt  }
0x49: {  	_ =	shalt  }
0x4a: {  	_ =	shalt  }
0x4b: {  	_ =	shalt  }
0x4c: {  	_ =	shalt  }
0x4d: {  	_ =	shalt  }
0x4e: {  	_ =	shalt  }
0x4f: {  	_ =	shalt  }
0x50: {  	_ =	shalt  }
0x51: {  	_ =	shalt  }
0x52: {  	_ =	shalt  }
0x53: {  	_ =	shalt  }
0x54: {  	_ =	shalt  }
0x55: {  	_ =	shalt  }
0x56: {  	_ =	shalt  }
0x57: {  	_ =	shalt  }
0x58: {  	_ =	shalt  }
0x59: {  	_ =	shalt  }
0x5a: {  	_ =	shalt  }
0x5b: {  	_ =	shalt  }
0x5c: {  	_ =	shalt  }
0x5d: {  	_ =	shalt  }
0x5e: {  	_ =	shalt  }
0x5f: {  	_ =	shalt  }
0x60: {  	_ =	shalt  }
0x61: {  	_ =	shalt  }
0x62: {  	_ =	shalt  }
0x63: {  	_ =	shalt  }
0x64: {  	_ =	shalt  }
0x65: {  	_ =	shalt  }
0x66: {  	_ =	shalt  }
0x67: {  	_ =	shalt  }
0x68: {  	_ =	shalt  }
0x69: {  	_ =	shalt  }
0x6a: {  	_ =	shalt  }
0x6b: {  	_ =	shalt  }
0x6c: {  	_ =	shalt  }
0x6d: {  	_ =	shalt  }
0x6e: {  	_ =	shalt  }
0x6f: {  	_ =	shalt  }
0x70: {  	_ =	shalt  }
0x71: {  	_ =	shalt  }
0x72: {  	_ =	shalt  }
0x73: {  	_ =	shalt  }
0x74: {  	_ =	shalt  }
0x75: {  	_ =	shalt  }
0x76: {  	_ =	shalt  }
0x77: {  	_ =	shalt  }
0x78: {  	_ =	shalt  }
0x79: {  	_ =	shalt  }
0x7a: {  	_ =	shalt  }
0x7b: {  	_ =	shalt  }
0x7c: {  	_ =	shalt  }
0x7d: {  	_ =	shalt  }
0x7e: {  	_ =	shalt  }
0x7f: {  	_ =	shalt  }
0x80: {  	_ =	shalt  }
0x81: {  	_ =	shalt  }
0x82: {  	_ =	shalt  }
0x83: {  	_ =	shalt  }
0x84: {  	_ =	shalt  }
0x85: {  	_ =	shalt  }
0x86: {  	_ =	shalt  }
0x87: {  	_ =	shalt  }
.Lfunc_end0:
.L_simem_size_0:
called_computation.7_lowered:
.L_overlay_start_0:
0x88: {  	s2 =	sld [smem:$0x3FD9]  }
0x89: {  	s3 =	sld [smem:$0x3FFE];
	_ =	sdelay $0x1  }
0x8a: {  	s1 =	srdreg.scid  }
0x8b: {  	s0 =	sand.u32 $0x1, s1  }
0x8c: {  	s16 =	sshll.u32 s0, $0xA;
	s2 =	sadd.s32 s3, s2  }
0x8d: {  	s2 =	sadd.s32 s2, s16  }
0x8e: {  	[smem:$0x3FBA] =	sst s2  }
0x8f: {  	_ = 	snop  }
0x90: {  	(tm) =	ssettm $0x1  }
0x91: {  	s17 =	sld [smem:$0x3FFB];
	_ =	sdelay $0x3  }
0x92: {  	_ =	strace s17  }
0x93: {  	s2 =	sld [smem:$0x3FFC];
	_ =	sdelay $0x3  }
0x94: {  	_ =	strace s2  }
0x95: {  	s2 =	sld [smem:$0x3FFD];
	_ =	sdelay $0x3  }
0x96: {  	_ =	strace s2  }
0x97: {  	_ =	strace $0x8FFFFFFF  }
0x98: {  	s18 =	sld [smem:$0x3FDB];
	_ =	sdelay $0x1  }
0x99: {  	s19 =	simm.s32 $_scs_section_size  }
0x9a: {  	s4 =	simm.s32 $_size__tile_overlayer_lowered;
	s5 =	simm.s32 $_tile_overlayer_lowered  }
0x9b: {  	s22 =	simm.s32 $0x1BFF;
	s21 =	sshll.u32 s5, $0x1;
	s2 =	sadd.s32 s19, s18  }
0x9c: {  	s6 =	simm.s32 $0x0;
	s20 =	sshll.u32 s4, $0x1;
	s4 =	sadd.s32 s21, s2  }
0x9d: {  	[timem:s6], [sflag:s22] =	dma.local [hbm:s4], s20  }
0x9e: {  	_ =	swait.ge [sflag:s22], s20  }
0x9f: {  	s3 =	ssub.s32 $0x0, s20;
	[sflag:s22] =	ssyncset.done $0x0  }
0xa0: {  	[sflag:s22] =	ssyncadd.s32 s3;
	_ =	sdelay $0x1  }
0xa1: {  	s23 =	simm.s32 $0x1B8B  }
0xa2: {  	_ =	swait.ge [sflag:s23], $0x1  }
0xa3: {  	[sflag:s23] =	ssyncset.done $0x0  }
0xa4: {  	s25 =	simm.s32 $0x1B8E;
	s24 =	sld [smem:$0x3FFE];
	[sflag:s23] =	ssyncadd.s32 $0xFFFFFFFF  }
0xa5: {  	s26 =	simm.s32 $execute0_lowered;
	[smem:$0x3FD2] =	sst s25  }
0xa6: {  	s4 =	sshll.u32 s26, $0x1;
	_ =	strace $0x8000005B;
	[dreg:$0x1] =	wrdreg $0xFFFFFFFF  }
0xa7: {  	s28 =	simm.s32 $_size_execute0_lowered;
	s2 =	sadd.s32 s2, s4;
	[dreg:$0x0] =	wrdreg $0x0  }
0xa8: {  	s4 =	sshll.u32 s28, $0x1;
	[dreg:$0x2] =	wrdreg s2  }
0xa9: {  	[dreg:$0x3] =	wrdreg s4  }
0xaa: {  	[dreg:$0x4] =	wrdreg $0xC0  }
0xab: {  	_ =	task [dreg:s6], $0x5FFFF  }
0xac: {  	[dreg:$0x1] =	wrdreg $0xFFFFFFFF  }
0xad: {  	[dreg:$0x0] =	wrdreg $0x60  }
0xae: {  	[dreg:$0x2] =	wrdreg s24  }
0xaf: {  	[dreg:$0x3] =	wrdreg $0x9E200  }
0xb0: {  	[dreg:$0x4] =	wrdreg $0x9  }
0xb1: {  	_ =	task.clear_ibuf [dreg:s6], $0x5FFFF;
	_ =	strace $0x9000005B  }
0xb2: {  	s29 =	simm.s32 $0x9;
	_ =	strace $0x8000005D  }
0xb3: {  	_ =	swait.ge [sflag:s29], $0x1  }
0xb4: {  	[sflag:s29] =	ssyncadd.s32 $0xFFFFFFFF  }
0xb5: {  	_ =	strace $0x9000005D  }
0xb6: {  	_ =	sfence  }
0xb7: {  	s30 =	sld [smem:$0x0];
	_ =	sdelay $0x2  }
0xb8: {  	s31 =	sshll.u32 s1, $0xD;
	s1 =	sshrl.u32 s1, $0x2  }
0xb9: {  	s3 =	sand.u32 $0x4000, s31;
	s1 =	sadd.s32 s1, s30  }
0xba: {  	s0 =	sor.u32 s3, s0;
	s1 =	sshll.u32 s1, $0x11  }
0xbb: {  	s0 =	sor.u32 s1, s0  }
0xbc: {  	s0 =	sadd.s32 $0x8F2B, s0  }
0xbd: {  	[sflag:s0] =	ssyncadd.remote.s32 $0x1  }
0xbe: {  	_ =	sfence.sel $0xFFFF  }
0xbf: {  	[dreg:$0x0] =	wrdreg $0xFFFFFFFF;
	(pc) =	sbr.abs _section_cstart, $3  }
0xc0: {  	[dreg:$0x1] =	wrdreg $0xFFFFFFFF  }
0xc1: {  	_ =	task.clear_ibuf [dreg:s6], $0x2FFFF;
	_ =	strace $0x9FFFFFFF  }
0xc2: {  	(tm) =	ssettm $0x7FFFFFFF  }
0xc3: {  	_ =	shalt  }
tec
execute0_lowered:
.L_overlay_start_1:
0x0: {  	(tag) =	ssettag $0x1  }
0x1: {  	s6 =	rddreg [dreg:$0x0];
	s0 =	srdreg.scid  }
0x2: {  	s2 =	rddreg [dreg:$0x1];
	s1 =	stileid.u32  }
0x3: {  	s3 =	simm.s32 $0x0;
	s14 =	simm.s32 $0x50;
	s15 =	simm.s32 $0x4E20  }
0x4: {  	s16 =	simm.s32 $0x7620;
	s17 =	simm.s32 $0x1;
	s18 =	simm.s32 $0x2  }
0x5: {  	s19 =	simm.s32 $0x4DD0;
	s5 =	sand.u32 $0x1, s0;
	s0 =	rddreg [dreg:$0x2]  }
0x6: {  	s20 =	simm.s32 $0x0;
	s8 =	smul.u32 $0x14000, s1;
	[smem:$0x7FF] =	sst s3  }
0x7: {  	s12 =	sshll.u32 s1, $0x6;
	s4 =	sshll.u32 s5, $0x4;
	s7 =	smul.u32 $0x140000, s5  }
0x8: {  	_ =	strace $0x8000005C;
	s10 =	ssub.s32 $0x2, s5;
	s5 =	sadd.s32 $0x2AC00, s6  }
0x9: {  	s12 =	sor.u32 $0x1C03, s12;
	s4 =	sor.u32 s1, s4;
	s31 =	sshrl.u32 s10, $0x1  }
0xa: {  	s13 =	sadd.s32 s8, s2;
	s9 =	smul.u32 $0x4E2, s4;
	s7 =	sadd.s32 s8, s7  }
0xb: {  	s4 =	sadd.s32 $0x8F200, s6;
	s10 =	ssub.s32 s10, s31;
	s7 =	sshrl.u32 s7, $0x3  }
0xc: {  	s13 =	sshrl.u32 s13, $0x3;
	s9 =	sadd.s32 s9, s6;
	s11 =	sadd.s32 s7, s6  }
0xd: {  	s6 =	sadd.s32 $0xCE00, s9;
	s7 =	sadd.s32 $0x3000, s9;
	s8 =	sadd.s32 $0xB7200, s11  }
0xe: {  	s9 =	smax.u32 s10, $0x1;
	s10 =	simm.s32 $0x3;
	s11 =	simm.s32 $0x2710  }
.LBB2_1:
0xf: {  	[tilespmem:s3], [sflag:$0x3] =	stream.linear.gather [hbm4b:s6+s3], $0x2710, $0x38;
	[tilespmem:$0x1DE20] =	vst v63  }
0x10: {  	_ =	swait.ge [sflag:s10], $0x2710  }
0x11: {  	[sflag:s10] =	ssyncset.done $0x0  }
0x12: {  	[sflag:s10] =	ssyncadd.s32 $0xFFFFD8F0  }
0x13: {  	[tilespmem:s11], [sflag:$0x3] =	stream.linear.gather [hbm4b:s7+s3], $0x2710, $0x38;
	[tilespmem:$0x1DE20] =	vst v63  }
0x14: {  	_ =	swait.ge [sflag:s10], $0x2710  }
0x15: {  	[sflag:s10] =	ssyncset.done $0x0  }
0x16: {  	[sflag:s10] =	ssyncadd.s32 $0xFFFFD8F0  }
0x17: {  	[spmem:s13], [sflag:s12] =	dma.local [hbm:s5], $0x2800  }
0x18: {  	_ =	swait.ge [sflag:s10], $0x2800  }
0x19: {  	[sflag:s10] =	ssyncset.done $0x0  }
0x1a: {  	[sflag:s10] =	ssyncadd.s32 $0xFFFFD800  }
0x1b: {  	[bflag:$0x0] =	sbarrier.arrive $0xFFFF  }
0x1c: {  	[tilespmem:s15], [sflag:$0x1] =	stream.indirect.gather [hbm4b:s4+s14], $0x80, s3, s14, $0xb8;
	[tilespmem:$0x1DE20] =	vst v63  }
0x1d: {  	s21 =	simm.s32 $0x50  }
0x1e: {  	[tilespmem:s16], [sflag:$0x2] =	stream.indirect.gather [hbm4b:s4+s14], $0x80, s21, s14, $0xb8;
	[tilespmem:$0x1DE20] =	vst v63  }
0x1f: {  	_ =	swait.ge [sflag:s17], $0x2800  }
0x20: {  	[sflag:s17] =	ssyncset.done $0x0  }
0x21: {  	s29 =	simm.s32 $0x2710;
	[sflag:s17] =	ssyncadd.s32 $0xFFFFD800  }
0x22: {  	[spmem:s2] =	stream.indirect.scatter.add.f32 [tilespmem:s15], [sflag:$0x3], $0x80, s29, s14, $0xb8;
	[tilespmem:$0x1DE20] =	vst v63  }
0x23: {  	_ =	swait.ge [sflag:s10], $0x2800  }
0x24: {  	[sflag:s10] =	ssyncset.done $0x0  }
0x25: {  	s30 =	simm.s32 $0xA0;
	[sflag:s10] =	ssyncadd.s32 $0xFFFFD800  }
0x26: {  	[tilespmem:s15], [sflag:$0x1] =	stream.indirect.gather [hbm4b:s4+s14], $0x80, s30, s14, $0xb8;
	[tilespmem:$0x1DE20] =	vst v63  }
0x27: {  	_ =	swait.ge [sflag:s18], $0x2800  }
0x28: {  	[sflag:s18] =	ssyncset.done $0x0  }
0x29: {  	s31 =	simm.s32 $0x2760;
	[sflag:s18] =	ssyncadd.s32 $0xFFFFD800  }
0x2a: {  	[spmem:s2] =	stream.indirect.scatter.add.f32 [tilespmem:s16], [sflag:$0x3], $0x80, s31, s14, $0xb8;
	[tilespmem:$0x1DE20] =	vst v63  }
0x2b: {  	_ =	swait.ge [sflag:s10], $0x2800  }
0x2c: {  	s22 =	simm.s32 $0x500;
	s21 =	simm.s32 $0xA0;
	[sflag:s10] =	ssyncset.done $0x0  }
.LBB2_2:
0x2d: {  	s23 =	sadd.s32 $0x50, s21  }
0x2e: {  	[sflag:s10] =	ssyncadd.s32 $0xFFFFD800;
	s24 =	smov.u32 s22;
	s25 =	sadd.s32 $0x280, s22  }
0x2f: {  	[tilespmem:s16], [sflag:$0x2] =	stream.indirect.gather [hbm4b:s4+s14], $0x80, s23, s14, $0xb8;
	[tilespmem:$0x1DE20] =	vst v63  }
0x30: {  	p0 =	sne.s32 s22, $0x9880;
	_ =	swait.ge [sflag:s17], $0x2800  }
0x31: {  	[sflag:s17] =	ssyncset.done $0x0  }
0x32: {  	s22 =	sadd.s32 $0x2710, s21;
	[sflag:s17] =	ssyncadd.s32 $0xFFFFD800  }
0x33: {  	[spmem:s2] =	stream.indirect.scatter.add.f32 [tilespmem:s15], [sflag:$0x3], $0x80, s22, s14, $0xb8;
	[tilespmem:$0x1DE20] =	vst v63  }
0x34: {  	_ =	swait.ge [sflag:s10], $0x2800  }
0x35: {  	[sflag:s10] =	ssyncset.done $0x0  }
0x36: {  	s22 =	sadd.s32 $0xA0, s21;
	[sflag:s10] =	ssyncadd.s32 $0xFFFFD800  }
0x37: {  	[tilespmem:s15], [sflag:$0x1] =	stream.indirect.gather [hbm4b:s4+s14], $0x80, s22, s14, $0xb8;
	[tilespmem:$0x1DE20] =	vst v63  }
0x38: {  	_ =	swait.ge [sflag:s18], $0x2800  }
.Ltmp0:
0x39: {  	[sflag:s18] =	ssyncset.done $0x0;
	(pc) =	sbr.rel @p0 .LBB2_2-.Ltmp0, $4  }
0x3a: {  	s21 =	sadd.s32 $0x2760, s21;
	[sflag:s18] =	ssyncadd.s32 $0xFFFFD800  }
0x3b: {  	[spmem:s2] =	stream.indirect.scatter.add.f32 [tilespmem:s16], [sflag:$0x3], $0x80, s21, s14, $0xb8;
	[tilespmem:$0x1DE20] =	vst v63  }
0x3c: {  	_ =	swait.ge [sflag:s10], $0x2800  }
0x3d: {  	s22 =	smov.u32 s25;
	s21 =	sshra.s32 s24, $0x2;
	[sflag:s10] =	ssyncset.done $0x0  }
0x3e: {  	s22 =	sadd.s32 $0x50, s21;
	[sflag:s10] =	ssyncadd.s32 $0xFFFFD800  }
0x3f: {  	[tilespmem:s16], [sflag:$0x2] =	stream.indirect.gather [hbm4b:s4+s14], $0x80, s22, s14, $0xb8;
	[tilespmem:$0x1DE20] =	vst v63  }
0x40: {  	_ =	swait.ge [sflag:s17], $0x2800  }
0x41: {  	[sflag:s17] =	ssyncset.done $0x0  }
0x42: {  	s29 =	sadd.s32 $0x2710, s21;
	[sflag:s17] =	ssyncadd.s32 $0xFFFFD800  }
0x43: {  	[spmem:s2] =	stream.indirect.scatter.add.f32 [tilespmem:s15], [sflag:$0x3], $0x80, s29, s14, $0xb8;
	[tilespmem:$0x1DE20] =	vst v63  }
0x44: {  	_ =	swait.ge [sflag:s10], $0x2800  }
0x45: {  	[sflag:s10] =	ssyncset.done $0x0  }
0x46: {  	s30 =	sadd.s32 $0xA0, s21;
	[sflag:s10] =	ssyncadd.s32 $0xFFFFD800  }
0x47: {  	[tilespmem:s15], [sflag:$0x1] =	stream.indirect.gather [hbm4b:s4+s14], $0x80, s30, s14, $0xb8;
	[tilespmem:$0x1DE20] =	vst v63  }
0x48: {  	_ =	swait.ge [sflag:s18], $0x2800  }
0x49: {  	[sflag:s18] =	ssyncset.done $0x0  }
0x4a: {  	s31 =	sadd.s32 $0x2760, s21;
	[sflag:s18] =	ssyncadd.s32 $0xFFFFD800  }
0x4b: {  	[spmem:s2] =	stream.indirect.scatter.add.f32 [tilespmem:s16], [sflag:$0x3], $0x80, s31, s14, $0xb8;
	[tilespmem:$0x1DE20] =	vst v63  }
0x4c: {  	_ =	swait.ge [sflag:s10], $0x2800  }
0x4d: {  	[sflag:s10] =	ssyncset.done $0x0  }
0x4e: {  	[sflag:s10] =	ssyncadd.s32 $0xFFFFD800  }
0x4f: {  	_ =	swait.ge [sflag:s17], $0x2800  }
0x50: {  	[sflag:s17] =	ssyncset.done $0x0  }
0x51: {  	[sflag:s17] =	ssyncadd.s32 $0xFFFFD800  }
0x52: {  	[spmem:s2] =	stream.indirect.scatter.add.f32 [tilespmem:s15], [sflag:$0x3], $0x80, s19, s14, $0xb8;
	[tilespmem:$0x1DE20] =	vst v63  }
0x53: {  	_ =	swait.ge [sflag:s10], $0x2800  }
0x54: {  	s20 =	sadd.s32 $0x1, s20;
	[sflag:s10] =	ssyncset.done $0x0  }
0x55: {  	p0 =	sne.s32 s20, s9;
	[sflag:s10] =	ssyncadd.s32 $0xFFFFD800  }
.Ltmp1:
0x56: {  	[bflag:$0x0] =	sbarrier.arrive $0xFFFF;
	(pc) =	sbr.rel @p0 .LBB2_1-.Ltmp1, $4  }
0x57: {  	[hbm:s8], [sflag:s12] =	dma.local [spmem:s13], $0x2800  }
0x58: {  	_ =	swait.ge [sflag:s10], $0x2800  }
0x59: {  	[sflag:s10] =	ssyncset.done $0x0  }
0x5a: {  	[sflag:s10] =	ssyncadd.s32 $0xFFFFD800  }
0x5b: {  	_ =	sfence.sel $0x180000  }
0x5c: {  	[bflag:$0x0] =	sbarrier.arrive $0xFFFF  }
0x5d: {  	p0 =	sne.s32 s1, $0x0;
	_ =	strace $0x9000005C  }
0x5e: {  	s0 =	sadd.s32 @!p0 $0x100000, s0;
	[bflag:$0x2] =	sbarrier.arrive $0xFFFF  }
0x5f: {  	[sflag:s0] =	ssyncadd.tile.s32 @!p0 $0x1;
	_ =	shalt  }
.Lfunc_end2:
_tile_overlayer_lowered:
.L_overlay_start_2:
0x60: {  	(tag) =	ssettag $0x2  }
0x61: {  	s0 =	rddreg [dreg:$0x0];
	s2 =	stileid.u32  }
0x62: {  	s1 =	rddreg [dreg:$0x1];
	p0 =	sne.s32 s2, $0x0  }
0x63: {  	s3 =	rddreg [dreg:$0x2];
	[bflag:$0x3] =	sbarrier.arrive $0xFFFF;
	s2 =	simm.s32 @!p0 $0x1C03  }
0x64: {  	[timem:s3], [sflag:s2] =	dma.local @!p0 [hbm:s0], s1  }
0x65: {  	s0 =	simm.s32 @!p0 $0x3  }
0x66: {  	_ =	swait.ge @!p0 [sflag:s0], s1  }
0x67: {  	s1 =	ssub.s32 @!p0 $0x0, s1;
	[sflag:s0] =	ssyncset.done @!p0 $0x0  }
0x68: {  	[sflag:s0] =	ssyncadd.s32 @!p0 s1  }
0x69: {  	[bflag:$0x3] =	sbarrier.arrive $0xFFFF  }
0x6a: {  	_ =	shalt  }

// kernel: kernel.50.cloned.1.call-start
scs
__scs_entry_jumppad:
0x0: {  	(pc) =	sbr.rel $0x88, $3  }
0x1: {  	(tag) =	ssettag $0x0;
	lr =	simm.s32 $0x1  }
0x2: {  	[smem:$0x3F93] =	sst lr;
	_ =	strace $0xD0000000  }
0x3: {  	_ = 	snop  }
0x4: {  	_ = 	snop  }
0x5: {  	_ = 	snop  }
0x6: {  	_ = 	snop  }
0x7: {  	_ = 	snop  }
__scs_overlays_trampoline_lowered:
0x8: {  	[smem:$0x3FA2] =	sst s0  }
0x9: {  	[smem:$0x3FA3] =	sst s1  }
0xa: {  	[smem:$0x3FA4] =	sst s2  }
0xb: {  	[smem:$0x3FA5] =	sst s3  }
0xc: {  	[smem:$0x3FA6] =	sst s4  }
0xd: {  	[smem:$0x3FA7] =	sst s5  }
0xe: {  	[smem:$0x3FA8] =	sst s6  }
0xf: {  	[smem:$0x3FA9] =	sst s7  }
0x10: {  	[smem:$0x3FAA] =	sst s8  }
0x11: {  	[smem:$0x3FAB] =	sst s9;
	s0 =	simm.s32 @!p0 $0x0  }
0x12: {  	s1 =	sld [smem:$0x3F91];
	s0 =	simm.s32 @p0 $0x1  }
0x13: {  	[smem:$0x3FAC] =	sst s0;
	s0 =	simm.s32 @!p1 $0x0  }
0x14: {  	s2 =	sld [smem:$0x3F90];
	s0 =	simm.s32 @p1 $0x1  }
0x15: {  	[smem:$0x3FAD] =	sst s0;
	s0 =	simm.s32 @!p2 $0x0  }
0x16: {  	s3 =	sld [smem:$0x3FDB];
	s0 =	simm.s32 @p2 $0x1  }
0x17: {  	s4 =	simm.s32 $0x1BF5;
	[smem:$0x3FAF] =	sst s0  }
0x18: {  	s0 =	sld [smem:$0x3F92];
	_ =	swait.ge [sflag:s4], $0x0  }
0x19: {  	s7 =	sld [smem:$0x3F93]  }
0x1a: {  	s8 =	sadd.s32 $0xFFFFE003, lr  }
0x1b: {  	s9 =	sadd.s32 $0xFFFFFEF7, lr;
	s5 =	simm.s32 $0xFFFFFFFF;
	p2 =	slt.u32 s8, $0xFFFFF086  }
0x1c: {  	p1 =	slt.u32 s9, $0xF7A;
	s5 =	simm.s32 @!p2 $0x0  }
0x1d: {  	s5 =	simm.s32 @p1 $0x1;
	p0 =	seq.s32 s7, s2  }
0x1e: {  	s7 =	smul.u32 @!p0 $0xF7A, s2;
	p2 =	seq.s32 @!p0 s5, $0x0  }
0x1f: {  	s9 =	smul.u32 $0xF7A, s1;
	s8 =	simm.s32 @!p0 $0x1BF5;
	p2 =	por !p2, p0  }
0x20: {  	[sflag:s8] =	ssyncset.s32 @!p0 $0xFFFFF086;
	s6 =	sadd.s32 @!p0 s3, s7;
	s7 =	simm.s32 @!p0 $0x108  }
0x21: {  	s3 =	sadd.s32 s3, s9;
	s6 =	sadd.s32 @!p0 $0x88, s6;
	s7 =	simm.s32 @p2 $0x1082  }
0x22: {  	[simem:s7], [sflag:s8] =	dma.local @!p0 [hbm:s6], $0xF7A  }
0x23: {  	s9 =	sor.u32 $0xD0000000, s2;
	s6 =	simm.s32 $0x108;
	_ =	swait.ge @!p0 [sflag:s8], $0x0  }
0x24: {  	s3 =	sadd.s32 $0x88, s3;
	s6 =	simm.s32 @!p1 $0x1082;
	[sflag:s4] =	ssyncset.s32 $0xFFFFF086  }
0x25: {  	[simem:s6], [sflag:s4] =	dma.local [hbm:s3], $0xF7A  }
0x26: {  	[smem:$0x3F93] =	sst s1;
	(tag) =	ssettag s2;
	_ =	strace s9  }
0x27: {  	s1 =	sld [smem:$0x3FA3]  }
0x28: {  	s2 =	sld [smem:$0x3FA4]  }
0x29: {  	s4 =	sld [smem:$0x3FA6]  }
0x2a: {  	p0 =	seq.s32 s5, $0x0;
	s5 =	sld [smem:$0x3FA7]  }
0x2b: {  	s6 =	sld [smem:$0x3FA8]  }
0x2c: {  	s7 =	sld [smem:$0x3FA9]  }
0x2d: {  	s3 =	simm.s32 $0x108;
	s8 =	sld [smem:$0x3FAA]  }
0x2e: {  	s3 =	simm.s32 @!p0 $0x1082;
	s9 =	sld [smem:$0x3FAB]  }
0x2f: {  	lr =	sadd.s32 s0, s3;
	s0 =	sld [smem:$0x3FA2]  }
0x30: {  	s3 =	sld [smem:$0x3FA5]  }
0x31: {  	[smem:$0x3FAE] =	sst s10  }
0x32: {  	s10 =	sld [smem:$0x3FAC];
	_ =	sdelay $0x3  }
0x33: {  	p0 =	seq.s32 s10, $0x1;
	s10 =	sld [smem:$0x3FAE];
	_ =	sdelay $0x3  }
0x34: {  	[smem:$0x3FAE] =	sst s10  }
0x35: {  	s10 =	sld [smem:$0x3FAD];
	_ =	sdelay $0x3  }
0x36: {  	p1 =	seq.s32 s10, $0x1;
	s10 =	sld [smem:$0x3FAE];
	_ =	sdelay $0x3  }
0x37: {  	[smem:$0x3FAE] =	sst s10  }
0x38: {  	s10 =	sld [smem:$0x3FAF]  }
0x39: {  	_ = 	snop;
	(pc) =	sbr.ind lr, $3  }
0x3a: {  	_ = 	snop  }
0x3b: {  	_ = 	snop  }
0x3c: {  	p2 =	seq.s32 s10, $0x1;
	s10 =	sld [smem:$0x3FAE]  }
0x3d: {  	_ =	shalt  }
0x3e: {  	_ =	shalt  }
0x3f: {  	_ =	shalt  }
0x40: {  	_ =	shalt  }
0x41: {  	_ =	shalt  }
0x42: {  	_ =	shalt  }
0x43: {  	_ =	shalt  }
0x44: {  	_ =	shalt  }
0x45: {  	_ =	shalt  }
0x46: {  	_ =	shalt  }
0x47: {  	_ =	shalt  }
0x48: {  	_ =	shalt  }
0x49: {  	_ =	shalt  }
0x4a: {  	_ =	shalt  }
0x4b: {  	_ =	shalt  }
0x4c: {  	_ =	shalt  }
0x4d: {  	_ =	shalt  }
0x4e: {  	_ =	shalt  }
0x4f: {  	_ =	shalt  }
0x50: {  	_ =	shalt  }
0x51: {  	_ =	shalt  }
0x52: {  	_ =	shalt  }
0x53: {  	_ =	shalt  }
0x54: {  	_ =	shalt  }
0x55: {  	_ =	shalt  }
0x56: {  	_ =	shalt  }
0x57: {  	_ =	shalt  }
0x58: {  	_ =	shalt  }
0x59: {  	_ =	shalt  }
0x5a: {  	_ =	shalt  }
0x5b: {  	_ =	shalt  }
0x5c: {  	_ =	shalt  }
0x5d: {  	_ =	shalt  }
0x5e: {  	_ =	shalt  }
0x5f: {  	_ =	shalt  }
0x60: {  	_ =	shalt  }
0x61: {  	_ =	shalt  }
0x62: {  	_ =	shalt  }
0x63: {  	_ =	shalt  }
0x64: {  	_ =	shalt  }
0x65: {  	_ =	shalt  }
0x66: {  	_ =	shalt  }
0x67: {  	_ =	shalt  }
0x68: {  	_ =	shalt  }
0x69: {  	_ =	shalt  }
0x6a: {  	_ =	shalt  }
0x6b: {  	_ =	shalt  }
0x6c: {  	_ =	shalt  }
0x6d: {  	_ =	shalt  }
0x6e: {  	_ =	shalt  }
0x6f: {  	_ =	shalt  }
0x70: {  	_ =	shalt  }
0x71: {  	_ =	shalt  }
0x72: {  	_ =	shalt  }
0x73: {  	_ =	shalt  }
0x74: {  	_ =	shalt  }
0x75: {  	_ =	shalt  }
0x76: {  	_ =	shalt  }
0x77: {  	_ =	shalt  }
0x78: {  	_ =	shalt  }
0x79: {  	_ =	shalt  }
0x7a: {  	_ =	shalt  }
0x7b: {  	_ =	shalt  }
0x7c: {  	_ =	shalt  }
0x7d: {  	_ =	shalt  }
0x7e: {  	_ =	shalt  }
0x7f: {  	_ =	shalt  }
0x80: {  	_ =	shalt  }
0x81: {  	_ =	shalt  }
0x82: {  	_ =	shalt  }
0x83: {  	_ =	shalt  }
0x84: {  	_ =	shalt  }
0x85: {  	_ =	shalt  }
0x86: {  	_ =	shalt  }
0x87: {  	_ =	shalt  }
.Lfunc_end0:
.L_simem_size_0:
called_computation.8_lowered:
.L_overlay_start_0:
0x88: {  	s2 =	sld [smem:$0x3FD9]  }
0x89: {  	s3 =	sld [smem:$0x3FFE];
	_ =	sdelay $0x1  }
0x8a: {  	s1 =	srdreg.scid  }
0x8b: {  	s0 =	sand.u32 $0x1, s1  }
0x8c: {  	s16 =	sshll.u32 s0, $0xA;
	s2 =	sadd.s32 s3, s2  }
0x8d: {  	s2 =	sadd.s32 s2, s16  }
0x8e: {  	[smem:$0x3FBA] =	sst s2  }
0x8f: {  	_ = 	snop  }
0x90: {  	(tm) =	ssettm $0x1  }
0x91: {  	s17 =	sld [smem:$0x3FFB];
	_ =	sdelay $0x3  }
0x92: {  	_ =	strace s17  }
0x93: {  	s2 =	sld [smem:$0x3FFC];
	_ =	sdelay $0x3  }
0x94: {  	_ =	strace s2  }
0x95: {  	s2 =	sld [smem:$0x3FFD];
	_ =	sdelay $0x3  }
0x96: {  	_ =	strace s2  }
0x97: {  	_ =	strace $0x8FFFFFFF  }
0x98: {  	s18 =	sld [smem:$0x3FDB];
	_ =	sdelay $0x1  }
0x99: {  	s19 =	simm.s32 $_scs_section_size  }
0x9a: {  	s4 =	simm.s32 $_size__tile_overlayer_lowered;
	s5 =	simm.s32 $_tile_overlayer_lowered  }
0x9b: {  	s22 =	simm.s32 $0x1BFF;
	s21 =	sshll.u32 s5, $0x1;
	s2 =	sadd.s32 s19, s18  }
0x9c: {  	s6 =	simm.s32 $0x0;
	s20 =	sshll.u32 s4, $0x1;
	s4 =	sadd.s32 s21, s2  }
0x9d: {  	[timem:s6], [sflag:s22] =	dma.local [hbm:s4], s20  }
0x9e: {  	_ =	swait.ge [sflag:s22], s20  }
0x9f: {  	s3 =	ssub.s32 $0x0, s20;
	[sflag:s22] =	ssyncset.done $0x0  }
0xa0: {  	[sflag:s22] =	ssyncadd.s32 s3;
	_ =	sdelay $0x1  }
0xa1: {  	s23 =	simm.s32 $0x1B8B  }
0xa2: {  	_ =	swait.ge [sflag:s23], $0x1  }
0xa3: {  	[sflag:s23] =	ssyncset.done $0x0  }
0xa4: {  	s25 =	simm.s32 $0x1B8E;
	s24 =	sld [smem:$0x3FFE];
	[sflag:s23] =	ssyncadd.s32 $0xFFFFFFFF  }
0xa5: {  	s26 =	simm.s32 $execute0_lowered;
	[smem:$0x3FD2] =	sst s25  }
0xa6: {  	s4 =	sshll.u32 s26, $0x1;
	_ =	strace $0x8000005E;
	[dreg:$0x1] =	wrdreg $0xFFFFFFFF  }
0xa7: {  	s28 =	simm.s32 $_size_execute0_lowered;
	s2 =	sadd.s32 s2, s4;
	[dreg:$0x0] =	wrdreg $0x0  }
0xa8: {  	s4 =	sshll.u32 s28, $0x1;
	[dreg:$0x2] =	wrdreg s2  }
0xa9: {  	[dreg:$0x3] =	wrdreg s4  }
0xaa: {  	[dreg:$0x4] =	wrdreg $0xC0  }
0xab: {  	_ =	task [dreg:s6], $0x5FFFF  }
0xac: {  	[dreg:$0x1] =	wrdreg $0xFFFFFFFF  }
0xad: {  	[dreg:$0x0] =	wrdreg $0x60  }
0xae: {  	[dreg:$0x2] =	wrdreg s24  }
0xaf: {  	[dreg:$0x3] =	wrdreg $0x5FA00  }
0xb0: {  	[dreg:$0x4] =	wrdreg $0x9  }
0xb1: {  	_ =	task.clear_ibuf [dreg:s6], $0x5FFFF;
	_ =	strace $0x9000005E  }
0xb2: {  	s29 =	simm.s32 $0x9;
	_ =	strace $0x80000060  }
0xb3: {  	_ =	swait.ge [sflag:s29], $0x1  }
0xb4: {  	[sflag:s29] =	ssyncadd.s32 $0xFFFFFFFF  }
0xb5: {  	_ =	strace $0x90000060  }
0xb6: {  	_ =	sfence  }
0xb7: {  	s30 =	sld [smem:$0x0];
	_ =	sdelay $0x2  }
0xb8: {  	s31 =	sshll.u32 s1, $0xD;
	s1 =	sshrl.u32 s1, $0x2  }
0xb9: {  	s3 =	sand.u32 $0x4000, s31;
	s1 =	sadd.s32 s1, s30  }
0xba: {  	s0 =	sor.u32 s3, s0;
	s1 =	sshll.u32 s1, $0x11  }
0xbb: {  	s0 =	sor.u32 s1, s0  }
0xbc: {  	s0 =	sadd.s32 $0x8F2B, s0  }
0xbd: {  	[sflag:s0] =	ssyncadd.remote.s32 $0x1  }
0xbe: {  	_ =	sfence.sel $0xFFFF  }
0xbf: {  	[dreg:$0x0] =	wrdreg $0xFFFFFFFF;
	(pc) =	sbr.abs _section_cstart, $3  }
0xc0: {  	[dreg:$0x1] =	wrdreg $0xFFFFFFFF  }
0xc1: {  	_ =	task.clear_ibuf [dreg:s6], $0x2FFFF;
	_ =	strace $0x9FFFFFFF  }
0xc2: {  	(tm) =	ssettm $0x7FFFFFFF  }
0xc3: {  	_ =	shalt  }
tec
execute0_lowered:
.L_overlay_start_1:
0x0: {  	(tag) =	ssettag $0x1  }
0x1: {  	s6 =	rddreg [dreg:$0x0]  }
0x2: {  	s0 =	srdreg.scid;
	s2 =	rddreg [dreg:$0x1]  }
0x3: {  	s3 =	simm.s32 $0x0;
	s14 =	simm.s32 $0x7D;
	s15 =	simm.s32 $0x5000  }
0x4: {  	s16 =	simm.s32 $0x57D0;
	s17 =	simm.s32 $0x1;
	s18 =	simm.s32 $0x2  }
0x5: {  	s19 =	simm.s32 $0x2780;
	s20 =	simm.s32 $0x4F00;
	s21 =	simm.s32 $0x4F80  }
0x6: {  	s22 =	simm.s32 $0x0;
	s5 =	sand.u32 $0x1, s0;
	s0 =	stileid.u32  }
0x7: {  	[smem:$0x7FF] =	sst s3;
	s4 =	sadd.s32 $0x2AC00, s6;
	s8 =	smul.u32 $0x2800, s0  }
0x8: {  	s1 =	sshll.u32 s5, $0x4;
	s9 =	smul.u32 $0x28000, s5;
	s10 =	ssub.s32 $0x2, s5  }
0x9: {  	s5 =	sadd.s32 $0x2FC00, s6;
	s12 =	sshll.u32 s0, $0x6;
	s1 =	sor.u32 s0, s1  }
0xa: {  	s11 =	sshrl.u32 s10, $0x1;
	s12 =	sor.u32 $0x1C03, s12;
	s7 =	smul.u32 $0x500, s1  }
0xb: {  	s1 =	rddreg [dreg:$0x2];
	_ =	strace $0x8000005F;
	s9 =	sadd.s32 s8, s9  }
0xc: {  	s10 =	ssub.s32 s10, s11;
	s13 =	sadd.s32 s8, s2;
	s11 =	simm.s32 $0x2800  }
0xd: {  	s9 =	sshrl.u32 s9, $0x3;
	s13 =	sshrl.u32 s13, $0x3;
	s7 =	sadd.s32 s7, s6  }
0xe: {  	s9 =	sadd.s32 s9, s6;
	s6 =	sadd.s32 $0x20C00, s7;
	s7 =	sadd.s32 $0x16C00, s7  }
0xf: {  	s8 =	sadd.s32 $0x3000, s9;
	s9 =	smax.u32 s10, $0x1;
	s10 =	simm.s32 $0x3  }
.LBB2_1:
0x10: {  	[tilespmem:s3], [sflag:$0x3] =	stream.linear.gather [hbm4b:s6+s3], $0x2800, $0x38;
	[tilespmem:$0x87A0] =	vst v63  }
0x11: {  	_ =	swait.ge [sflag:s10], $0x2800  }
0x12: {  	[sflag:s10] =	ssyncset.done $0x0  }
0x13: {  	[sflag:s10] =	ssyncadd.s32 $0xFFFFD800  }
0x14: {  	[tilespmem:s11], [sflag:$0x3] =	stream.linear.gather [hbm4b:s7+s3], $0x2800, $0x38;
	[tilespmem:$0x87A0] =	vst v63  }
0x15: {  	_ =	swait.ge [sflag:s10], $0x2800  }
0x16: {  	[sflag:s10] =	ssyncset.done $0x0  }
0x17: {  	[sflag:s10] =	ssyncadd.s32 $0xFFFFD800  }
0x18: {  	[spmem:s13], [sflag:s12] =	dma.local [hbm:s5], $0x500  }
0x19: {  	_ =	swait.ge [sflag:s10], $0x500  }
0x1a: {  	[sflag:s10] =	ssyncset.done $0x0  }
0x1b: {  	[sflag:s10] =	ssyncadd.s32 $0xFFFFFB00  }
0x1c: {  	[bflag:$0x0] =	sbarrier.arrive $0xFFFF  }
0x1d: {  	[tilespmem:s15], [sflag:$0x1] =	stream.indirect.gather [hbm4b:s4+s14], $0x10, s3, s14, $0xb8;
	[tilespmem:$0x87A0] =	vst v63  }
0x1e: {  	s23 =	simm.s32 $0x80  }
0x1f: {  	[tilespmem:s16], [sflag:$0x2] =	stream.indirect.gather [hbm4b:s4+s14], $0x10, s23, s14, $0xb8;
	[tilespmem:$0x87A0] =	vst v63  }
0x20: {  	_ =	swait.ge [sflag:s17], $0x7D0  }
0x21: {  	[sflag:s17] =	ssyncset.done $0x0  }
0x22: {  	s29 =	simm.s32 $0x2800;
	[sflag:s17] =	ssyncadd.s32 $0xFFFFF830  }
0x23: {  	[spmem:s2] =	stream.indirect.scatter.add.f32 [tilespmem:s15], [sflag:$0x3], $0x10, s29, s14, $0xb8;
	[tilespmem:$0x87A0] =	vst v63  }
0x24: {  	_ =	swait.ge [sflag:s10], $0x7D0  }
0x25: {  	[sflag:s10] =	ssyncset.done $0x0  }
0x26: {  	s30 =	simm.s32 $0x100;
	[sflag:s10] =	ssyncadd.s32 $0xFFFFF830  }
0x27: {  	[tilespmem:s15], [sflag:$0x1] =	stream.indirect.gather [hbm4b:s4+s14], $0x10, s30, s14, $0xb8;
	[tilespmem:$0x87A0] =	vst v63  }
0x28: {  	_ =	swait.ge [sflag:s18], $0x7D0  }
0x29: {  	[sflag:s18] =	ssyncset.done $0x0  }
0x2a: {  	s31 =	simm.s32 $0x2880;
	[sflag:s18] =	ssyncadd.s32 $0xFFFFF830  }
0x2b: {  	[spmem:s2] =	stream.indirect.scatter.add.f32 [tilespmem:s16], [sflag:$0x3], $0x10, s31, s14, $0xb8;
	[tilespmem:$0x87A0] =	vst v63  }
0x2c: {  	_ =	swait.ge [sflag:s10], $0x7D0  }
0x2d: {  	s24 =	simm.s32 $0x800;
	s23 =	simm.s32 $0x100;
	[sflag:s10] =	ssyncset.done $0x0  }
.LBB2_2:
0x2e: {  	s25 =	sadd.s32 $0x80, s23  }
0x2f: {  	[sflag:s10] =	ssyncadd.s32 $0xFFFFF830;
	s26 =	smov.u32 s24;
	s28 =	sadd.s32 $0x400, s24  }
0x30: {  	[tilespmem:s16], [sflag:$0x2] =	stream.indirect.gather [hbm4b:s4+s14], $0x10, s25, s14, $0xb8;
	[tilespmem:$0x87A0] =	vst v63  }
0x31: {  	p0 =	sne.s32 s24, $0x9800;
	_ =	swait.ge [sflag:s17], $0x7D0  }
0x32: {  	[sflag:s17] =	ssyncset.done $0x0  }
0x33: {  	s24 =	sadd.s32 $0x2800, s23;
	[sflag:s17] =	ssyncadd.s32 $0xFFFFF830  }
0x34: {  	[spmem:s2] =	stream.indirect.scatter.add.f32 [tilespmem:s15], [sflag:$0x3], $0x10, s24, s14, $0xb8;
	[tilespmem:$0x87A0] =	vst v63  }
0x35: {  	_ =	swait.ge [sflag:s10], $0x7D0  }
0x36: {  	[sflag:s10] =	ssyncset.done $0x0  }
0x37: {  	s24 =	sadd.s32 $0x100, s23;
	[sflag:s10] =	ssyncadd.s32 $0xFFFFF830  }
0x38: {  	[tilespmem:s15], [sflag:$0x1] =	stream.indirect.gather [hbm4b:s4+s14], $0x10, s24, s14, $0xb8;
	[tilespmem:$0x87A0] =	vst v63  }
0x39: {  	_ =	swait.ge [sflag:s18], $0x7D0  }
.Ltmp0:
0x3a: {  	[sflag:s18] =	ssyncset.done $0x0;
	(pc) =	sbr.rel @p0 .LBB2_2-.Ltmp0, $4  }
0x3b: {  	s23 =	sadd.s32 $0x2880, s23;
	[sflag:s18] =	ssyncadd.s32 $0xFFFFF830  }
0x3c: {  	[spmem:s2] =	stream.indirect.scatter.add.f32 [tilespmem:s16], [sflag:$0x3], $0x10, s23, s14, $0xb8;
	[tilespmem:$0x87A0] =	vst v63  }
0x3d: {  	_ =	swait.ge [sflag:s10], $0x7D0  }
0x3e: {  	s24 =	smov.u32 s28;
	s23 =	sshra.s32 s26, $0x2;
	[sflag:s10] =	ssyncset.done $0x0  }
0x3f: {  	s24 =	sadd.s32 $0x80, s23;
	[sflag:s10] =	ssyncadd.s32 $0xFFFFF830  }
0x40: {  	[tilespmem:s16], [sflag:$0x2] =	stream.indirect.gather [hbm4b:s4+s14], $0x10, s24, s14, $0xb8;
	[tilespmem:$0x87A0] =	vst v63  }
0x41: {  	_ =	swait.ge [sflag:s17], $0x7D0  }
0x42: {  	[sflag:s17] =	ssyncset.done $0x0  }
0x43: {  	s29 =	sadd.s32 $0x2800, s23;
	[sflag:s17] =	ssyncadd.s32 $0xFFFFF830  }
0x44: {  	[spmem:s2] =	stream.indirect.scatter.add.f32 [tilespmem:s15], [sflag:$0x3], $0x10, s29, s14, $0xb8;
	[tilespmem:$0x87A0] =	vst v63  }
0x45: {  	_ =	swait.ge [sflag:s10], $0x7D0  }
0x46: {  	[sflag:s10] =	ssyncset.done $0x0  }
0x47: {  	s30 =	sadd.s32 $0x100, s23;
	[sflag:s10] =	ssyncadd.s32 $0xFFFFF830  }
0x48: {  	[tilespmem:s15], [sflag:$0x1] =	stream.indirect.gather [hbm4b:s4+s14], $0x10, s30, s14, $0xb8;
	[tilespmem:$0x87A0] =	vst v63  }
0x49: {  	_ =	swait.ge [sflag:s18], $0x7D0  }
0x4a: {  	[sflag:s18] =	ssyncset.done $0x0  }
0x4b: {  	s31 =	sadd.s32 $0x2880, s23;
	[sflag:s18] =	ssyncadd.s32 $0xFFFFF830  }
0x4c: {  	[spmem:s2] =	stream.indirect.scatter.add.f32 [tilespmem:s16], [sflag:$0x3], $0x10, s31, s14, $0xb8;
	[tilespmem:$0x87A0] =	vst v63  }
0x4d: {  	_ =	swait.ge [sflag:s10], $0x7D0  }
0x4e: {  	[sflag:s10] =	ssyncset.done $0x0  }
0x4f: {  	[sflag:s10] =	ssyncadd.s32 $0xFFFFF830  }
0x50: {  	[tilespmem:s16], [sflag:$0x2] =	stream.indirect.gather [hbm4b:s4+s14], $0x10, s19, s14, $0xb8;
	[tilespmem:$0x87A0] =	vst v63  }
0x51: {  	_ =	swait.ge [sflag:s17], $0x7D0  }
0x52: {  	[sflag:s17] =	ssyncset.done $0x0  }
0x53: {  	[sflag:s17] =	ssyncadd.s32 $0xFFFFF830  }
0x54: {  	[spmem:s2] =	stream.indirect.scatter.add.f32 [tilespmem:s15], [sflag:$0x3], $0x10, s20, s14, $0xb8;
	[tilespmem:$0x87A0] =	vst v63  }
0x55: {  	_ =	swait.ge [sflag:s10], $0x7D0  }
0x56: {  	[sflag:s10] =	ssyncset.done $0x0  }
0x57: {  	[sflag:s10] =	ssyncadd.s32 $0xFFFFF830  }
0x58: {  	_ =	swait.ge [sflag:s18], $0x7D0  }
0x59: {  	[sflag:s18] =	ssyncset.done $0x0  }
0x5a: {  	[sflag:s18] =	ssyncadd.s32 $0xFFFFF830  }
0x5b: {  	[spmem:s2] =	stream.indirect.scatter.add.f32 [tilespmem:s16], [sflag:$0x3], $0x10, s21, s14, $0xb8;
	[tilespmem:$0x87A0] =	vst v63  }
0x5c: {  	_ =	swait.ge [sflag:s10], $0x7D0  }
0x5d: {  	s22 =	sadd.s32 $0x1, s22;
	[sflag:s10] =	ssyncset.done $0x0  }
0x5e: {  	p0 =	sne.s32 s22, s9;
	[sflag:s10] =	ssyncadd.s32 $0xFFFFF830  }
.Ltmp1:
0x5f: {  	[bflag:$0x0] =	sbarrier.arrive $0xFFFF;
	(pc) =	sbr.rel @p0 .LBB2_1-.Ltmp1, $4  }
0x60: {  	[hbm:s8], [sflag:s12] =	dma.local [spmem:s13], $0x500  }
0x61: {  	_ =	swait.ge [sflag:s10], $0x500  }
0x62: {  	[sflag:s10] =	ssyncset.done $0x0  }
0x63: {  	[sflag:s10] =	ssyncadd.s32 $0xFFFFFB00  }
0x64: {  	_ =	sfence.sel $0x180000  }
0x65: {  	[bflag:$0x0] =	sbarrier.arrive $0xFFFF  }
0x66: {  	p0 =	sne.s32 s0, $0x0;
	_ =	strace $0x9000005F  }
0x67: {  	s0 =	sadd.s32 @!p0 $0x100000, s1;
	[bflag:$0x2] =	sbarrier.arrive $0xFFFF  }
0x68: {  	[sflag:s0] =	ssyncadd.tile.s32 @!p0 $0x1;
	_ =	shalt  }
.Lfunc_end2:
_tile_overlayer_lowered:
.L_overlay_start_2:
0x69: {  	(tag) =	ssettag $0x2  }
0x6a: {  	s0 =	rddreg [dreg:$0x0];
	s2 =	stileid.u32  }
0x6b: {  	s1 =	rddreg [dreg:$0x1];
	p0 =	sne.s32 s2, $0x0  }
0x6c: {  	s3 =	rddreg [dreg:$0x2];
	[bflag:$0x3] =	sbarrier.arrive $0xFFFF;
	s2 =	simm.s32 @!p0 $0x1C03  }
0x6d: {  	[timem:s3], [sflag:s2] =	dma.local @!p0 [hbm:s0], s1  }
0x6e: {  	s0 =	simm.s32 @!p0 $0x3  }
0x6f: {  	_ =	swait.ge @!p0 [sflag:s0], s1  }
0x70: {  	s1 =	ssub.s32 @!p0 $0x0, s1;
	[sflag:s0] =	ssyncset.done @!p0 $0x0  }
0x71: {  	[sflag:s0] =	ssyncadd.s32 @!p0 s1  }
0x72: {  	[bflag:$0x3] =	sbarrier.arrive $0xFFFF  }
0x73: {  	_ =	shalt  }

</sc_bundles>
